<compile_context>
chip_gen: v7x
topology: tpu7x:2x2x1
jax: 0.10.2.dev20260603
libtpu: 0.0.44.dev20260713+nightly
codegen_flags: <defaults>
</compile_context>

<pallas_src>
import functools

import jax
import jax.numpy as jnp
from jax import lax
from jax.experimental import pallas as pl
from jax.experimental.pallas import tpu as pltpu
from jax.experimental.pallas import tpu_sc as plsc

N = 524288
C = 32
CH = 32768
NCHUNK = 2 * C * N // CH
CPT = NCHUNK // 32
R = 4096
L = 128

_mesh = plsc.VectorSubcoreMesh(core_axis_name="c", subcore_axis_name="s")


@functools.partial(
    pl.kernel,
    out_type=jax.ShapeDtypeStruct((NCHUNK, CH), jnp.int32),
    mesh=_mesh,
    compiler_params=pltpu.CompilerParams(needs_layout_passes=False),
    scratch_types=[
        pltpu.VMEM((CH,), jnp.int32),
        pltpu.VMEM((CH,), jnp.int32),
        pltpu.VMEM((2048,), jnp.int32),
        pltpu.VMEM((CH,), jnp.int32),
    ],
)
def _sc_chunk_sort(in_hbm, out_hbm, a_v, b_v, hist_v, hist32_v):
    cid = lax.axis_index("c")
    sid = lax.axis_index("s")
    wid = sid * 2 + cid
    iota = lax.iota(jnp.int32, 16)
    minint = jnp.int32(-2147483648)

    def digits_of(src, l, shift, mask, descm):
        k = src[pl.ds(l * 16, 16)]
        sgn = lax.shift_right_logical(k, jnp.full((16,), 31, jnp.int32))
        ks = (k ^ ((0 - sgn) | minint)) ^ descm
        dig = lax.shift_right_logical(ks, jnp.full((16,), shift, jnp.int32)) & mask
        return k, dig

    def rankpipe(dig):
        sk, sv = plsc.sort_key_val(dig * 16 + iota, iota)
        sd = lax.shift_right_logical(sk, jnp.full((16,), 4, jnp.int32))
        prev = sd[jnp.maximum(iota - 1, 0)]
        st = jnp.logical_or(iota == 0, sd != prev)
        start = plsc.cummax(jnp.where(st, iota, 0))
        occ = iota - start
        nxt = sd[jnp.minimum(iota + 1, 15)]
        lastm = jnp.logical_or(iota == 15, sd != nxt)
        return sd, sv, occ, lastm

    ones16 = jnp.full((16,), 1, jnp.int32)
    zeros16 = jnp.zeros((16,), jnp.int32)

    def do_pass(src, dst, shift, mask, descm):
        @plsc.parallel_loop(0, CH // 16, unroll=4)
        def hist(l):
            _, dig = digits_of(src, l, shift, mask, descm)
            plsc.addupdate_scatter(hist32_v, [iota * 2048 + dig], ones16)

        def scan(i, carry):
            acc = zeros16
            for l in range(16):
                v = hist32_v[pl.ds(l * 2048 + i * 16, 16)]
                hist32_v[pl.ds(l * 2048 + i * 16, 16)] = zeros16
                acc = acc + v
            s = plsc.cumsum(acc)
            hist_v[pl.ds(i * 16, 16)] = s - acc + carry
            return carry + jnp.sum(acc)

        lax.fori_loop(0, 128, scan, 0)

        def perm(l2, c2):
            for u in range(4):
                l = l2 * 4 + u
                k, dig = digits_of(src, l, shift, mask, descm)
                sd, sv, occ, lastm = rankpipe(dig)
                base = plsc.load_gather(hist_v, [sd])
                dest = base + occ
                plsc.store_scatter(hist_v, [sd], dest + 1, mask=lastm)
                ksort = k[sv]
                plsc.store_scatter(dst, [dest], ksort)
            return c2

        lax.fori_loop(0, CH // 64, perm, 0)

    @plsc.parallel_loop(0, CH // 16, unroll=4)
    def zero32(i):
        hist32_v[pl.ds(i * 16, 16)] = jnp.zeros((16,), jnp.int32)

    def chunk_body(t, carry):
        m = t * 32 + wid
        descm = jnp.full((16,), 0, jnp.int32) - (m & 1)
        pltpu.sync_copy(in_hbm.at[m], a_v)
        do_pass(a_v, b_v, 0, 2047, descm)
        do_pass(b_v, a_v, 11, 2047, descm)
        do_pass(a_v, b_v, 22, 1023, descm)
        pltpu.sync_copy(b_v, out_hbm.at[m])
        return carry

    lax.fori_loop(0, CPT, chunk_body, 0)



BLK = 64
NBLK = R // BLK
NPAIR = R // (2 * BLK)


def merge_body_factory(kmin, kmax, n, c):

    def body(x_ref, g_ref, out_ref, a_ref, b_ref):
        col = pl.program_id(0)

        @pl.when(col == 0)
        def _():
            out_ref[0, 0] = 0.0

        a_ref[...] = x_ref[0]
        b_ref[...] = g_ref[0]

        c_iota = lax.broadcasted_iota(jnp.int32, (BLK, L), 1)
        r_iota = lax.broadcasted_iota(jnp.int32, (BLK, L), 0)

        for k in range(kmin, kmax + 1):
            lm = (1 << k) >> 12
            desc = (c_iota & lm) != 0

            lane_jexps = tuple(range(k - 1, 11, -1))

            for ref in (a_ref, b_ref):
                def lane_blk(t, _, ref=ref):
                    v = ref[pl.ds(t * BLK, BLK)]
                    for jexp in lane_jexps:
                        dl = 1 << (jexp - 12)
                        bit = (c_iota & dl) != 0
                        wm = bit == desc
                        up = pltpu.roll(v, L - dl, 1)
                        dn = pltpu.roll(v, dl, 1)
                        p = jnp.where(bit, dn, up)
                        v = jnp.where(wm, jnp.minimum(v, p), jnp.maximum(v, p))
                    ref[pl.ds(t * BLK, BLK)] = v
                    return 0

                lax.fori_loop(0, NBLK, lane_blk, 0)

                def row_pass(s, _, ref=ref, desc=desc):
                    jexp = 11 - s

                    def pair_blk(t, __):
                        sh = jexp - 6
                        q = lax.shift_right_logical(t, sh)
                        rem = t & (lax.shift_left(1, sh) - 1)
                        lo = lax.shift_left(q, jexp + 1) + lax.shift_left(rem, 6)
                        dr = lax.shift_left(1, jexp)
                        vlo = ref[pl.ds(lo, BLK)]
                        vhi = ref[pl.ds(lo + dr, BLK)]
                        mn = jnp.minimum(vlo, vhi)
                        mx = jnp.maximum(vlo, vhi)
                        ref[pl.ds(lo, BLK)] = jnp.where(desc, mx, mn)
                        ref[pl.ds(lo + dr, BLK)] = jnp.where(desc, mn, mx)
                        return 0

                    lax.fori_loop(0, NPAIR, pair_blk, 0)
                    return 0

                lax.fori_loop(0, 6, row_pass, 0)

                def fused_blk(t, _, ref=ref, desc=desc):
                    v = ref[pl.ds(t * BLK, BLK)]
                    for d in (32, 16, 8, 4, 2, 1):
                        bit = (r_iota & d) != 0
                        p = jnp.where(bit, pltpu.roll(v, d, 0),
                                      pltpu.roll(v, BLK - d, 0))
                        wm = bit == desc
                        v = jnp.where(wm, jnp.minimum(v, p), jnp.maximum(v, p))
                    ref[pl.ds(t * BLK, BLK)] = v
                    return 0

                lax.fori_loop(0, NBLK, fused_blk, 0)

        x = b_ref[...] - a_ref[...]
        loss = jnp.maximum(x, 0.0) - x + jnp.log1p(jnp.exp(-jnp.abs(x)))
        out_ref[0, 0] += jnp.sum(loss)

    return body




def kernel(true_data, fake_data):
    bits = jax.lax.bitcast_convert_type(
        jnp.concatenate(
            [true_data.T.reshape(-1), fake_data.T.reshape(-1)]
        ),
        jnp.int32,
    ).reshape(NCHUNK, CH)
    sorted_chunks = _sc_chunk_sort(bits)
    f = jax.lax.bitcast_convert_type(sorted_chunks, jnp.float32)
    f = f.reshape(2, C, 16, 8, R).transpose(0, 1, 4, 2, 3).reshape(2, C, R, L)
    tx = f[0]
    tg = f[1]

    total = pl.pallas_call(
        merge_body_factory(16, 19, N, C),
        grid=(C,),
        in_specs=[
            pl.BlockSpec((1, R, L), lambda col: (col, 0, 0)),
            pl.BlockSpec((1, R, L), lambda col: (col, 0, 0)),
        ],
        out_specs=pl.BlockSpec(memory_space=pltpu.SMEM),
        out_shape=jax.ShapeDtypeStruct((1, 1), jnp.float32),
        scratch_shapes=[
            pltpu.VMEM((R, L), jnp.float32),
            pltpu.VMEM((R, L), jnp.float32),
        ],
    )(tx, tg)
    return total[0, 0] / (N * C)

# --- scband reference (transcript-rebuilt; emitter-appended) ---
"""Pipeline reference for scband-was-loss-3281355014833 (READ-ONLY COPY).

The authoritative reference and input builder live on the scoring server;
editing this copy changes nothing except your own understanding.
"""

import jax, jax.numpy as jnp
import numpy as np


def setup_inputs(seed: int = 0) -> dict:
    key = jax.random.key(seed)
    k1, k2 = jax.random.split(key)
    true_data = jax.random.normal(k1, (524288, 32), dtype=jnp.float32)
    fake_data = jax.random.normal(k2, (524288, 32), dtype=jnp.float32)
    return {"true_data": true_data, "fake_data": fake_data}


def reference(true_data, fake_data):
    # SLX, _ = torch.sort(true_data, 0); SLG, _ = torch.sort(fake_data, 0)
    SLX = jnp.sort(true_data, axis=0)
    SLG = jnp.sort(fake_data, axis=0)
    x = SLG - SLX
    y = jnp.ones_like(SLX)
    # BCEWithLogitsLoss with mean reduction (numerically stable formulation):
    # loss = max(x, 0) - x*y + log(1 + exp(-|x|))
    loss = jnp.maximum(x, 0.0) - x * y + jnp.log1p(jnp.exp(-jnp.abs(x)))
    return jnp.mean(loss)

if __name__ == "__main__":
    import jax
    _d = setup_inputs()
    print(jax.jit(kernel)(*tuple(_d.values())))

</pallas_src>

<mosaic_0001>
#map = affine_map<(d0, d1) -> (0, 0)>
module attributes {stable_mosaic.version = 14 : i64} {
  func.func @_sc_chunk_sort(%arg0: i32, %arg1: i32, %arg2: memref<1024x32768xi32, #tpu.memory_space<hbm>>, %arg3: memref<1024x32768xi32, #tpu.memory_space<hbm>>, %arg4: memref<32768xi32, #tpu.memory_space<vmem>>, %arg5: memref<32768xi32, #tpu.memory_space<vmem>>, %arg6: memref<2048xi32, #tpu.memory_space<vmem>>, %arg7: memref<32768xi32, #tpu.memory_space<vmem>>) attributes {dimension_semantics = [#tpu.dimension_semantics<core_parallel>, #tpu.dimension_semantics<subcore_parallel>], iteration_bounds = array<i64: 2, 16>, scalar_prefetch = 0 : i64, scratch_operands = 4 : i64, tpu.core_type = #tpu.core_type<sc_vector_subcore>, window_params = [{transform_indices = #map}, {transform_indices = #map}]} {
    %mul3A = arith.constant 2 : i32
    %mul3A_0 = arith.muli %arg1, %mul3A : i32
    %add3A = arith.addi %mul3A_0, %arg0 : i32
    %iota3A = tpu.iota {dimensions = array<i32: 0>} : vector<16xi32>
    %broadcast_in_dim3A = arith.constant 1 : i32
    %broadcast_in_dim3A_1 = vector.broadcast %broadcast_in_dim3A : i32 to vector<16xi32>
    %broadcast_in_dim3A_2 = arith.constant 0 : i32
    %broadcast_in_dim3A_3 = vector.broadcast %broadcast_in_dim3A_2 : i32 to vector<16xi32>
    %parallel_loop3A = arith.constant 0 : i32
    %parallel_loop3A_4 = arith.constant 2048 : i32
    %parallel_loop3A_5 = arith.constant 1 : i32
    scf.for %parallel_loop3A_12 = %parallel_loop3A to %parallel_loop3A_4 step %parallel_loop3A_5  : i32 {
      %parallel_loop3A_13 = arith.constant 0 : i32
      %parallel_loop3A_14 = vector.broadcast %parallel_loop3A_13 : i32 to vector<16xi32>
      %parallel_loop3A_15 = arith.constant 16 : i32
      %parallel_loop3A_16 = arith.muli %parallel_loop3A_12, %parallel_loop3A_15 : i32
      %parallel_loop3A_17 = arith.index_cast %parallel_loop3A_16 : i32 to index
      %parallel_loop3A_18 = tpu.vector_load %arg7[%parallel_loop3A_17] {strides = array<i32>} : memref<32768xi32, #tpu.memory_space<vmem>>, vector<16xi32>,
      tpu.vector_store %arg7[%parallel_loop3A_17], %parallel_loop3A_14 {strides = array<i32>} : memref<32768xi32, #tpu.memory_space<vmem>>, vector<16xi32>,
    } {sc.loop_unroll_factor = 4 : i64, sc.parallel_access}
    %scan3A = arith.constant 0 : i32
    %scan3A_6 = arith.constant -2147483648 : i32
    %scan3A_7 = arith.constant 0 : i32
    %scan3A_8 = arith.constant 32 : i32
    %scan3A_9 = arith.addi %scan3A_7, %scan3A_8 : i32
    %scan3A_10 = arith.constant 1 : i32
    scf.for %scan3A_12 = %scan3A_7 to %scan3A_9 step %scan3A_10  : i32 {
      %mul3A_13 = arith.constant 32 : i32
      %mul3A_14 = arith.muli %scan3A_12, %mul3A_13 : i32
      %add3A_15 = arith.addi %mul3A_14, %add3A : i32
      %broadcast_in_dim3A_16 = arith.constant 0 : i32
      %broadcast_in_dim3A_17 = vector.broadcast %broadcast_in_dim3A_16 : i32 to vector<16xi32>
      %and3A = arith.constant 1 : i32
      %and3A_18 = arith.andi %add3A_15, %and3A : i32
      %sub3A = vector.broadcast %and3A_18 : i32 to vector<16xi32>
      %sub3A_19 = arith.subi %broadcast_in_dim3A_17, %sub3A : vector<16xi32>
      "tpu.region"() ({
        %run_scoped3A = tpu.sem_alloc : memref<!tpu.dma_semaphore, #tpu.memory_space<semaphore_mem>>
        %dma_start3A = arith.constant 0 : i32
        %dma_start3A_68 = tpu.memref_slice %arg2[%add3A_15, %dma_start3A] : memref<1024x32768xi32, #tpu.memory_space<hbm>> -> memref<1x32768xi32, #tpu.memory_space<hbm>>
        %dma_start3A_69 = tpu.memref_squeeze %dma_start3A_68 : memref<1x32768xi32, #tpu.memory_space<hbm>> -> memref<32768xi32, #tpu.memory_space<hbm>>
        %dma_start3A_70 = arith.constant 0 : i32
        %dma_start3A_71 = tpu.memref_slice %arg2[%add3A_15, %dma_start3A_70] : memref<1024x32768xi32, #tpu.memory_space<hbm>> -> memref<1x32768xi32, #tpu.memory_space<hbm>>
        %dma_start3A_72 = tpu.memref_squeeze %dma_start3A_71 : memref<1x32768xi32, #tpu.memory_space<hbm>> -> memref<32768xi32, #tpu.memory_space<hbm>>
        tpu.enqueue_dma source(%dma_start3A_72 : memref<32768xi32, #tpu.memory_space<hbm>>) target(%arg4 : memref<32768xi32, #tpu.memory_space<vmem>>) target_semaphore(%run_scoped3A : memref<!tpu.dma_semaphore, #tpu.memory_space<semaphore_mem>>)
        %dma_wait3A = arith.constant 0 : i32
        %dma_wait3A_73 = tpu.memref_slice %arg2[%add3A_15, %dma_wait3A] : memref<1024x32768xi32, #tpu.memory_space<hbm>> -> memref<1x32768xi32, #tpu.memory_space<hbm>>
        %dma_wait3A_74 = tpu.memref_squeeze %dma_wait3A_73 : memref<1x32768xi32, #tpu.memory_space<hbm>> -> memref<32768xi32, #tpu.memory_space<hbm>>
        %dma_wait3A_75 = arith.constant 0 : i32
        %dma_wait3A_76 = tpu.memref_slice %arg2[%add3A_15, %dma_wait3A_75] : memref<1024x32768xi32, #tpu.memory_space<hbm>> -> memref<1x32768xi32, #tpu.memory_space<hbm>>
        %dma_wait3A_77 = tpu.memref_squeeze %dma_wait3A_76 : memref<1x32768xi32, #tpu.memory_space<hbm>> -> memref<32768xi32, #tpu.memory_space<hbm>>
        tpu.wait_dma2 semaphore(%run_scoped3A : memref<!tpu.dma_semaphore, #tpu.memory_space<semaphore_mem>>) src(%dma_wait3A_77 : memref<32768xi32, #tpu.memory_space<hbm>>) dst(%arg4 : memref<32768xi32, #tpu.memory_space<vmem>>)
        tpu.yield
      }) : () -> ()
      %parallel_loop3A_20 = arith.constant 0 : i32
      %parallel_loop3A_21 = arith.constant 2048 : i32
      %parallel_loop3A_22 = arith.constant 1 : i32
      scf.for %parallel_loop3A_68 = %parallel_loop3A_20 to %parallel_loop3A_21 step %parallel_loop3A_22  : i32 {
        %parallel_loop3A_69 = arith.constant 16 : i32
        %parallel_loop3A_70 = arith.muli %parallel_loop3A_68, %parallel_loop3A_69 : i32
        %parallel_loop3A_71 = arith.index_cast %parallel_loop3A_70 : i32 to index
        %parallel_loop3A_72 = tpu.vector_load %arg4[%parallel_loop3A_71] {strides = array<i32>} : memref<32768xi32, #tpu.memory_space<vmem>>, vector<16xi32>,
        %parallel_loop3A_73 = arith.constant 31 : i32
        %parallel_loop3A_74 = vector.broadcast %parallel_loop3A_73 : i32 to vector<16xi32>
        %parallel_loop3A_75 = arith.shrui %parallel_loop3A_72, %parallel_loop3A_74 : vector<16xi32>
        %parallel_loop3A_76 = arith.constant 0 : i32
        %parallel_loop3A_77 = vector.broadcast %parallel_loop3A_76 : i32 to vector<16xi32>
        %parallel_loop3A_78 = arith.subi %parallel_loop3A_77, %parallel_loop3A_75 : vector<16xi32>
        %parallel_loop3A_79 = vector.broadcast %scan3A_6 : i32 to vector<16xi32>
        %parallel_loop3A_80 = arith.ori %parallel_loop3A_78, %parallel_loop3A_79 : vector<16xi32>
        %parallel_loop3A_81 = arith.xori %parallel_loop3A_72, %parallel_loop3A_80 : vector<16xi32>
        %parallel_loop3A_82 = arith.xori %parallel_loop3A_81, %sub3A_19 : vector<16xi32>
        %parallel_loop3A_83 = arith.constant 0 : i32
        %parallel_loop3A_84 = vector.broadcast %parallel_loop3A_83 : i32 to vector<16xi32>
        %parallel_loop3A_85 = arith.shrui %parallel_loop3A_82, %parallel_loop3A_84 : vector<16xi32>
        %parallel_loop3A_86 = arith.constant 2047 : i32
        %parallel_loop3A_87 = vector.broadcast %parallel_loop3A_86 : i32 to vector<16xi32>
        %parallel_loop3A_88 = arith.andi %parallel_loop3A_85, %parallel_loop3A_87 : vector<16xi32>
        %parallel_loop3A_89 = arith.constant 2048 : i32
        %parallel_loop3A_90 = vector.broadcast %parallel_loop3A_89 : i32 to vector<16xi32>
        %parallel_loop3A_91 = arith.muli %iota3A, %parallel_loop3A_90 : vector<16xi32>
        %parallel_loop3A_92 = arith.addi %parallel_loop3A_91, %parallel_loop3A_88 : vector<16xi32>
        tpu.vector_store_idx %arg7[%parallel_loop3A_92], %broadcast_in_dim3A_1 {add = true} : memref<32768xi32, #tpu.memory_space<vmem>>[vector<16xi32>], vector<16xi32>,
      } {sc.loop_unroll_factor = 4 : i64, sc.parallel_access}
      %scan3A_23 = arith.constant 0 : i32
      %scan3A_24 = arith.constant 0 : i32
      %scan3A_25 = arith.constant 128 : i32
      %scan3A_26 = arith.addi %scan3A_24, %scan3A_25 : i32
      %scan3A_27 = arith.constant 1 : i32
      %scan3A_28 = scf.for %scan3A_68 = %scan3A_24 to %scan3A_26 step %scan3A_27 iter_args(%scan3A_69 = %scan3A_23) -> (i32)  : i32 {
        %mul3A_70 = arith.constant 16 : i32
        %mul3A_71 = arith.muli %scan3A_68, %mul3A_70 : i32
        %add3A_72 = arith.constant 0 : i32
        %add3A_73 = arith.addi %add3A_72, %mul3A_71 : i32
        %get3A = arith.index_cast %add3A_73 : i32 to index
        %get3A_74 = tpu.vector_load %arg7[%get3A] {strides = array<i32>} : memref<32768xi32, #tpu.memory_space<vmem>>, vector<16xi32>,
        %mul3A_75 = arith.constant 16 : i32
        %mul3A_76 = arith.muli %scan3A_68, %mul3A_75 : i32
        %add3A_77 = arith.constant 0 : i32
        %add3A_78 = arith.addi %add3A_77, %mul3A_76 : i32
        %swap3A = arith.index_cast %add3A_78 : i32 to index
        %swap3A_79 = tpu.vector_load %arg7[%swap3A] {strides = array<i32>} : memref<32768xi32, #tpu.memory_space<vmem>>, vector<16xi32>,
        tpu.vector_store %arg7[%swap3A], %broadcast_in_dim3A_3 {strides = array<i32>} : memref<32768xi32, #tpu.memory_space<vmem>>, vector<16xi32>,
        %add3A_80 = arith.addi %broadcast_in_dim3A_3, %get3A_74 : vector<16xi32>
        %mul3A_81 = arith.constant 16 : i32
        %mul3A_82 = arith.muli %scan3A_68, %mul3A_81 : i32
        %add3A_83 = arith.constant 2048 : i32
        %add3A_84 = arith.addi %add3A_83, %mul3A_82 : i32
        %get3A_85 = arith.index_cast %add3A_84 : i32 to index
        %get3A_86 = tpu.vector_load %arg7[%get3A_85] {strides = array<i32>} : memref<32768xi32, #tpu.memory_space<vmem>>, vector<16xi32>,
        %mul3A_87 = arith.constant 16 : i32
        %mul3A_88 = arith.muli %scan3A_68, %mul3A_87 : i32
        %add3A_89 = arith.constant 2048 : i32
        %add3A_90 = arith.addi %add3A_89, %mul3A_88 : i32
        %swap3A_91 = arith.index_cast %add3A_90 : i32 to index
        %swap3A_92 = tpu.vector_load %arg7[%swap3A_91] {strides = array<i32>} : memref<32768xi32, #tpu.memory_space<vmem>>, vector<16xi32>,
        tpu.vector_store %arg7[%swap3A_91], %broadcast_in_dim3A_3 {strides = array<i32>} : memref<32768xi32, #tpu.memory_space<vmem>>, vector<16xi32>,
        %add3A_93 = arith.addi %add3A_80, %get3A_86 : vector<16xi32>
        %mul3A_94 = arith.constant 16 : i32
        %mul3A_95 = arith.muli %scan3A_68, %mul3A_94 : i32
        %add3A_96 = arith.constant 4096 : i32
        %add3A_97 = arith.addi %add3A_96, %mul3A_95 : i32
        %get3A_98 = arith.index_cast %add3A_97 : i32 to index
        %get3A_99 = tpu.vector_load %arg7[%get3A_98] {strides = array<i32>} : memref<32768xi32, #tpu.memory_space<vmem>>, vector<16xi32>,
        %mul3A_100 = arith.constant 16 : i32
        %mul3A_101 = arith.muli %scan3A_68, %mul3A_100 : i32
        %add3A_102 = arith.constant 4096 : i32
        %add3A_103 = arith.addi %add3A_102, %mul3A_101 : i32
        %swap3A_104 = arith.index_cast %add3A_103 : i32 to index
        %swap3A_105 = tpu.vector_load %arg7[%swap3A_104] {strides = array<i32>} : memref<32768xi32, #tpu.memory_space<vmem>>, vector<16xi32>,
        tpu.vector_store %arg7[%swap3A_104], %broadcast_in_dim3A_3 {strides = array<i32>} : memref<32768xi32, #tpu.memory_space<vmem>>, vector<16xi32>,
        %add3A_106 = arith.addi %add3A_93, %get3A_99 : vector<16xi32>
        %mul3A_107 = arith.constant 16 : i32
        %mul3A_108 = arith.muli %scan3A_68, %mul3A_107 : i32
        %add3A_109 = arith.constant 6144 : i32
        %add3A_110 = arith.addi %add3A_109, %mul3A_108 : i32
        %get3A_111 = arith.index_cast %add3A_110 : i32 to index
        %get3A_112 = tpu.vector_load %arg7[%get3A_111] {strides = array<i32>} : memref<32768xi32, #tpu.memory_space<vmem>>, vector<16xi32>,
        %mul3A_113 = arith.constant 16 : i32
        %mul3A_114 = arith.muli %scan3A_68, %mul3A_113 : i32
        %add3A_115 = arith.constant 6144 : i32
        %add3A_116 = arith.addi %add3A_115, %mul3A_114 : i32
        %swap3A_117 = arith.index_cast %add3A_116 : i32 to index
        %swap3A_118 = tpu.vector_load %arg7[%swap3A_117] {strides = array<i32>} : memref<32768xi32, #tpu.memory_space<vmem>>, vector<16xi32>,
        tpu.vector_store %arg7[%swap3A_117], %broadcast_in_dim3A_3 {strides = array<i32>} : memref<32768xi32, #tpu.memory_space<vmem>>, vector<16xi32>,
        %add3A_119 = arith.addi %add3A_106, %get3A_112 : vector<16xi32>
        %mul3A_120 = arith.constant 16 : i32
        %mul3A_121 = arith.muli %scan3A_68, %mul3A_120 : i32
        %add3A_122 = arith.constant 8192 : i32
        %add3A_123 = arith.addi %add3A_122, %mul3A_121 : i32
        %get3A_124 = arith.index_cast %add3A_123 : i32 to index
        %get3A_125 = tpu.vector_load %arg7[%get3A_124] {strides = array<i32>} : memref<32768xi32, #tpu.memory_space<vmem>>, vector<16xi32>,
        %mul3A_126 = arith.constant 16 : i32
        %mul3A_127 = arith.muli %scan3A_68, %mul3A_126 : i32
        %add3A_128 = arith.constant 8192 : i32
        %add3A_129 = arith.addi %add3A_128, %mul3A_127 : i32
        %swap3A_130 = arith.index_cast %add3A_129 : i32 to index
        %swap3A_131 = tpu.vector_load %arg7[%swap3A_130] {strides = array<i32>} : memref<32768xi32, #tpu.memory_space<vmem>>, vector<16xi32>,
        tpu.vector_store %arg7[%swap3A_130], %broadcast_in_dim3A_3 {strides = array<i32>} : memref<32768xi32, #tpu.memory_space<vmem>>, vector<16xi32>,
        %add3A_132 = arith.addi %add3A_119, %get3A_125 : vector<16xi32>
        %mul3A_133 = arith.constant 16 : i32
        %mul3A_134 = arith.muli %scan3A_68, %mul3A_133 : i32
        %add3A_135 = arith.constant 10240 : i32
        %add3A_136 = arith.addi %add3A_135, %mul3A_134 : i32
        %get3A_137 = arith.index_cast %add3A_136 : i32 to index
        %get3A_138 = tpu.vector_load %arg7[%get3A_137] {strides = array<i32>} : memref<32768xi32, #tpu.memory_space<vmem>>, vector<16xi32>,
        %mul3A_139 = arith.constant 16 : i32
        %mul3A_140 = arith.muli %scan3A_68, %mul3A_139 : i32
        %add3A_141 = arith.constant 10240 : i32
        %add3A_142 = arith.addi %add3A_141, %mul3A_140 : i32
        %swap3A_143 = arith.index_cast %add3A_142 : i32 to index
        %swap3A_144 = tpu.vector_load %arg7[%swap3A_143] {strides = array<i32>} : memref<32768xi32, #tpu.memory_space<vmem>>, vector<16xi32>,
        tpu.vector_store %arg7[%swap3A_143], %broadcast_in_dim3A_3 {strides = array<i32>} : memref<32768xi32, #tpu.memory_space<vmem>>, vector<16xi32>,
        %add3A_145 = arith.addi %add3A_132, %get3A_138 : vector<16xi32>
        %mul3A_146 = arith.constant 16 : i32
        %mul3A_147 = arith.muli %scan3A_68, %mul3A_146 : i32
        %add3A_148 = arith.constant 12288 : i32
        %add3A_149 = arith.addi %add3A_148, %mul3A_147 : i32
        %get3A_150 = arith.index_cast %add3A_149 : i32 to index
        %get3A_151 = tpu.vector_load %arg7[%get3A_150] {strides = array<i32>} : memref<32768xi32, #tpu.memory_space<vmem>>, vector<16xi32>,
        %mul3A_152 = arith.constant 16 : i32
        %mul3A_153 = arith.muli %scan3A_68, %mul3A_152 : i32
        %add3A_154 = arith.constant 12288 : i32
        %add3A_155 = arith.addi %add3A_154, %mul3A_153 : i32
        %swap3A_156 = arith.index_cast %add3A_155 : i32 to index
        %swap3A_157 = tpu.vector_load %arg7[%swap3A_156] {strides = array<i32>} : memref<32768xi32, #tpu.memory_space<vmem>>, vector<16xi32>,
        tpu.vector_store %arg7[%swap3A_156], %broadcast_in_dim3A_3 {strides = array<i32>} : memref<32768xi32, #tpu.memory_space<vmem>>, vector<16xi32>,
        %add3A_158 = arith.addi %add3A_145, %get3A_151 : vector<16xi32>
        %mul3A_159 = arith.constant 16 : i32
        %mul3A_160 = arith.muli %scan3A_68, %mul3A_159 : i32
        %add3A_161 = arith.constant 14336 : i32
        %add3A_162 = arith.addi %add3A_161, %mul3A_160 : i32
        %get3A_163 = arith.index_cast %add3A_162 : i32 to index
        %get3A_164 = tpu.vector_load %arg7[%get3A_163] {strides = array<i32>} : memref<32768xi32, #tpu.memory_space<vmem>>, vector<16xi32>,
        %mul3A_165 = arith.constant 16 : i32
        %mul3A_166 = arith.muli %scan3A_68, %mul3A_165 : i32
        %add3A_167 = arith.constant 14336 : i32
        %add3A_168 = arith.addi %add3A_167, %mul3A_166 : i32
        %swap3A_169 = arith.index_cast %add3A_168 : i32 to index
        %swap3A_170 = tpu.vector_load %arg7[%swap3A_169] {strides = array<i32>} : memref<32768xi32, #tpu.memory_space<vmem>>, vector<16xi32>,
        tpu.vector_store %arg7[%swap3A_169], %broadcast_in_dim3A_3 {strides = array<i32>} : memref<32768xi32, #tpu.memory_space<vmem>>, vector<16xi32>,
        %add3A_171 = arith.addi %add3A_158, %get3A_164 : vector<16xi32>
        %mul3A_172 = arith.constant 16 : i32
        %mul3A_173 = arith.muli %scan3A_68, %mul3A_172 : i32
        %add3A_174 = arith.constant 16384 : i32
        %add3A_175 = arith.addi %add3A_174, %mul3A_173 : i32
        %get3A_176 = arith.index_cast %add3A_175 : i32 to index
        %get3A_177 = tpu.vector_load %arg7[%get3A_176] {strides = array<i32>} : memref<32768xi32, #tpu.memory_space<vmem>>, vector<16xi32>,
        %mul3A_178 = arith.constant 16 : i32
        %mul3A_179 = arith.muli %scan3A_68, %mul3A_178 : i32
        %add3A_180 = arith.constant 16384 : i32
        %add3A_181 = arith.addi %add3A_180, %mul3A_179 : i32
        %swap3A_182 = arith.index_cast %add3A_181 : i32 to index
        %swap3A_183 = tpu.vector_load %arg7[%swap3A_182] {strides = array<i32>} : memref<32768xi32, #tpu.memory_space<vmem>>, vector<16xi32>,
        tpu.vector_store %arg7[%swap3A_182], %broadcast_in_dim3A_3 {strides = array<i32>} : memref<32768xi32, #tpu.memory_space<vmem>>, vector<16xi32>,
        %add3A_184 = arith.addi %add3A_171, %get3A_177 : vector<16xi32>
        %mul3A_185 = arith.constant 16 : i32
        %mul3A_186 = arith.muli %scan3A_68, %mul3A_185 : i32
        %add3A_187 = arith.constant 18432 : i32
        %add3A_188 = arith.addi %add3A_187, %mul3A_186 : i32
        %get3A_189 = arith.index_cast %add3A_188 : i32 to index
        %get3A_190 = tpu.vector_load %arg7[%get3A_189] {strides = array<i32>} : memref<32768xi32, #tpu.memory_space<vmem>>, vector<16xi32>,
        %mul3A_191 = arith.constant 16 : i32
        %mul3A_192 = arith.muli %scan3A_68, %mul3A_191 : i32
        %add3A_193 = arith.constant 18432 : i32
        %add3A_194 = arith.addi %add3A_193, %mul3A_192 : i32
        %swap3A_195 = arith.index_cast %add3A_194 : i32 to index
        %swap3A_196 = tpu.vector_load %arg7[%swap3A_195] {strides = array<i32>} : memref<32768xi32, #tpu.memory_space<vmem>>, vector<16xi32>,
        tpu.vector_store %arg7[%swap3A_195], %broadcast_in_dim3A_3 {strides = array<i32>} : memref<32768xi32, #tpu.memory_space<vmem>>, vector<16xi32>,
        %add3A_197 = arith.addi %add3A_184, %get3A_190 : vector<16xi32>
        %mul3A_198 = arith.constant 16 : i32
        %mul3A_199 = arith.muli %scan3A_68, %mul3A_198 : i32
        %add3A_200 = arith.constant 20480 : i32
        %add3A_201 = arith.addi %add3A_200, %mul3A_199 : i32
        %get3A_202 = arith.index_cast %add3A_201 : i32 to index
        %get3A_203 = tpu.vector_load %arg7[%get3A_202] {strides = array<i32>} : memref<32768xi32, #tpu.memory_space<vmem>>, vector<16xi32>,
        %mul3A_204 = arith.constant 16 : i32
        %mul3A_205 = arith.muli %scan3A_68, %mul3A_204 : i32
        %add3A_206 = arith.constant 20480 : i32
        %add3A_207 = arith.addi %add3A_206, %mul3A_205 : i32
        %swap3A_208 = arith.index_cast %add3A_207 : i32 to index
        %swap3A_209 = tpu.vector_load %arg7[%swap3A_208] {strides = array<i32>} : memref<32768xi32, #tpu.memory_space<vmem>>, vector<16xi32>,
        tpu.vector_store %arg7[%swap3A_208], %broadcast_in_dim3A_3 {strides = array<i32>} : memref<32768xi32, #tpu.memory_space<vmem>>, vector<16xi32>,
        %add3A_210 = arith.addi %add3A_197, %get3A_203 : vector<16xi32>
        %mul3A_211 = arith.constant 16 : i32
        %mul3A_212 = arith.muli %scan3A_68, %mul3A_211 : i32
        %add3A_213 = arith.constant 22528 : i32
        %add3A_214 = arith.addi %add3A_213, %mul3A_212 : i32
        %get3A_215 = arith.index_cast %add3A_214 : i32 to index
        %get3A_216 = tpu.vector_load %arg7[%get3A_215] {strides = array<i32>} : memref<32768xi32, #tpu.memory_space<vmem>>, vector<16xi32>,
        %mul3A_217 = arith.constant 16 : i32
        %mul3A_218 = arith.muli %scan3A_68, %mul3A_217 : i32
        %add3A_219 = arith.constant 22528 : i32
        %add3A_220 = arith.addi %add3A_219, %mul3A_218 : i32
        %swap3A_221 = arith.index_cast %add3A_220 : i32 to index
        %swap3A_222 = tpu.vector_load %arg7[%swap3A_221] {strides = array<i32>} : memref<32768xi32, #tpu.memory_space<vmem>>, vector<16xi32>,
        tpu.vector_store %arg7[%swap3A_221], %broadcast_in_dim3A_3 {strides = array<i32>} : memref<32768xi32, #tpu.memory_space<vmem>>, vector<16xi32>,
        %add3A_223 = arith.addi %add3A_210, %get3A_216 : vector<16xi32>
        %mul3A_224 = arith.constant 16 : i32
        %mul3A_225 = arith.muli %scan3A_68, %mul3A_224 : i32
        %add3A_226 = arith.constant 24576 : i32
        %add3A_227 = arith.addi %add3A_226, %mul3A_225 : i32
        %get3A_228 = arith.index_cast %add3A_227 : i32 to index
        %get3A_229 = tpu.vector_load %arg7[%get3A_228] {strides = array<i32>} : memref<32768xi32, #tpu.memory_space<vmem>>, vector<16xi32>,
        %mul3A_230 = arith.constant 16 : i32
        %mul3A_231 = arith.muli %scan3A_68, %mul3A_230 : i32
        %add3A_232 = arith.constant 24576 : i32
        %add3A_233 = arith.addi %add3A_232, %mul3A_231 : i32
        %swap3A_234 = arith.index_cast %add3A_233 : i32 to index
        %swap3A_235 = tpu.vector_load %arg7[%swap3A_234] {strides = array<i32>} : memref<32768xi32, #tpu.memory_space<vmem>>, vector<16xi32>,
        tpu.vector_store %arg7[%swap3A_234], %broadcast_in_dim3A_3 {strides = array<i32>} : memref<32768xi32, #tpu.memory_space<vmem>>, vector<16xi32>,
        %add3A_236 = arith.addi %add3A_223, %get3A_229 : vector<16xi32>
        %mul3A_237 = arith.constant 16 : i32
        %mul3A_238 = arith.muli %scan3A_68, %mul3A_237 : i32
        %add3A_239 = arith.constant 26624 : i32
        %add3A_240 = arith.addi %add3A_239, %mul3A_238 : i32
        %get3A_241 = arith.index_cast %add3A_240 : i32 to index
        %get3A_242 = tpu.vector_load %arg7[%get3A_241] {strides = array<i32>} : memref<32768xi32, #tpu.memory_space<vmem>>, vector<16xi32>,
        %mul3A_243 = arith.constant 16 : i32
        %mul3A_244 = arith.muli %scan3A_68, %mul3A_243 : i32
        %add3A_245 = arith.constant 26624 : i32
        %add3A_246 = arith.addi %add3A_245, %mul3A_244 : i32
        %swap3A_247 = arith.index_cast %add3A_246 : i32 to index
        %swap3A_248 = tpu.vector_load %arg7[%swap3A_247] {strides = array<i32>} : memref<32768xi32, #tpu.memory_space<vmem>>, vector<16xi32>,
        tpu.vector_store %arg7[%swap3A_247], %broadcast_in_dim3A_3 {strides = array<i32>} : memref<32768xi32, #tpu.memory_space<vmem>>, vector<16xi32>,
        %add3A_249 = arith.addi %add3A_236, %get3A_242 : vector<16xi32>
        %mul3A_250 = arith.constant 16 : i32
        %mul3A_251 = arith.muli %scan3A_68, %mul3A_250 : i32
        %add3A_252 = arith.constant 28672 : i32
        %add3A_253 = arith.addi %add3A_252, %mul3A_251 : i32
        %get3A_254 = arith.index_cast %add3A_253 : i32 to index
        %get3A_255 = tpu.vector_load %arg7[%get3A_254] {strides = array<i32>} : memref<32768xi32, #tpu.memory_space<vmem>>, vector<16xi32>,
        %mul3A_256 = arith.constant 16 : i32
        %mul3A_257 = arith.muli %scan3A_68, %mul3A_256 : i32
        %add3A_258 = arith.constant 28672 : i32
        %add3A_259 = arith.addi %add3A_258, %mul3A_257 : i32
        %swap3A_260 = arith.index_cast %add3A_259 : i32 to index
        %swap3A_261 = tpu.vector_load %arg7[%swap3A_260] {strides = array<i32>} : memref<32768xi32, #tpu.memory_space<vmem>>, vector<16xi32>,
        tpu.vector_store %arg7[%swap3A_260], %broadcast_in_dim3A_3 {strides = array<i32>} : memref<32768xi32, #tpu.memory_space<vmem>>, vector<16xi32>,
        %add3A_262 = arith.addi %add3A_249, %get3A_255 : vector<16xi32>
        %mul3A_263 = arith.constant 16 : i32
        %mul3A_264 = arith.muli %scan3A_68, %mul3A_263 : i32
        %add3A_265 = arith.constant 30720 : i32
        %add3A_266 = arith.addi %add3A_265, %mul3A_264 : i32
        %get3A_267 = arith.index_cast %add3A_266 : i32 to index
        %get3A_268 = tpu.vector_load %arg7[%get3A_267] {strides = array<i32>} : memref<32768xi32, #tpu.memory_space<vmem>>, vector<16xi32>,
        %mul3A_269 = arith.constant 16 : i32
        %mul3A_270 = arith.muli %scan3A_68, %mul3A_269 : i32
        %add3A_271 = arith.constant 30720 : i32
        %add3A_272 = arith.addi %add3A_271, %mul3A_270 : i32
        %swap3A_273 = arith.index_cast %add3A_272 : i32 to index
        %swap3A_274 = tpu.vector_load %arg7[%swap3A_273] {strides = array<i32>} : memref<32768xi32, #tpu.memory_space<vmem>>, vector<16xi32>,
        tpu.vector_store %arg7[%swap3A_273], %broadcast_in_dim3A_3 {strides = array<i32>} : memref<32768xi32, #tpu.memory_space<vmem>>, vector<16xi32>,
        %add3A_275 = arith.addi %add3A_262, %get3A_268 : vector<16xi32>
        %broadcast_in_dim3A_276 = arith.constant true
        %broadcast_in_dim3A_277 = vector.broadcast %broadcast_in_dim3A_276 : i1 to vector<16xi1>
        %masked_cumsum3A = tpu.scan <sum>, %add3A_275 masked %broadcast_in_dim3A_277 : vector<16xi32>, vector<16xi1> -> vector<16xi32>
        %sub3A_278 = arith.subi %masked_cumsum3A, %add3A_275 : vector<16xi32>
        %add3A_279 = vector.broadcast %scan3A_69 : i32 to vector<16xi32>
        %add3A_280 = arith.addi %sub3A_278, %add3A_279 : vector<16xi32>
        %mul3A_281 = arith.constant 16 : i32
        %mul3A_282 = arith.muli %scan3A_68, %mul3A_281 : i32
        %swap3A_283 = arith.index_cast %mul3A_282 : i32 to index
        %swap3A_284 = tpu.vector_load %arg6[%swap3A_283] {strides = array<i32>} : memref<2048xi32, #tpu.memory_space<vmem>>, vector<16xi32>,
        tpu.vector_store %arg6[%swap3A_283], %add3A_280 {strides = array<i32>} : memref<2048xi32, #tpu.memory_space<vmem>>, vector<16xi32>,
        %reduce_sum3A = arith.constant true
        %reduce_sum3A_285 = vector.broadcast %reduce_sum3A : i1 to vector<16xi1>
        %reduce_sum3A_286 = tpu.scan <sum>, %add3A_275 masked %reduce_sum3A_285 : vector<16xi32>, vector<16xi1> -> vector<16xi32>
        %reduce_sum3A_287 = vector.extract %reduce_sum3A_286[15] : i32 from vector<16xi32>
        %add3A_288 = arith.addi %scan3A_69, %reduce_sum3A_287 : i32
        scf.yield %add3A_288 : i32
      }
      %scan3A_29 = arith.constant 128 : i32
      %scan3A_30 = arith.constant 0 : i32
      %scan3A_31 = arith.constant 0 : i32
      %scan3A_32 = arith.constant 512 : i32
      %scan3A_33 = arith.addi %scan3A_31, %scan3A_32 : i32
      %scan3A_34 = arith.constant 1 : i32
      scf.for %scan3A_68 = %scan3A_31 to %scan3A_33 step %scan3A_34  : i32 {
        %mul3A_69 = arith.constant 4 : i32
        %mul3A_70 = arith.muli %scan3A_68, %mul3A_69 : i32
        %add3A_71 = arith.constant 0 : i32
        %add3A_72 = arith.addi %mul3A_70, %add3A_71 : i32
        %mul3A_73 = arith.constant 16 : i32
        %mul3A_74 = arith.muli %add3A_72, %mul3A_73 : i32
        %get3A = arith.index_cast %mul3A_74 : i32 to index
        %get3A_75 = tpu.vector_load %arg4[%get3A] {strides = array<i32>} : memref<32768xi32, #tpu.memory_space<vmem>>, vector<16xi32>,
        %broadcast_in_dim3A_76 = arith.constant 31 : i32
        %broadcast_in_dim3A_77 = vector.broadcast %broadcast_in_dim3A_76 : i32 to vector<16xi32>
        %shift_right_logical3A = arith.shrui %get3A_75, %broadcast_in_dim3A_77 : vector<16xi32>
        %sub3A_78 = arith.constant 0 : i32
        %sub3A_79 = vector.broadcast %sub3A_78 : i32 to vector<16xi32>
        %sub3A_80 = arith.subi %sub3A_79, %shift_right_logical3A : vector<16xi32>
        %or3A = vector.broadcast %scan3A_6 : i32 to vector<16xi32>
        %or3A_81 = arith.ori %sub3A_80, %or3A : vector<16xi32>
        %xor3A = arith.xori %get3A_75, %or3A_81 : vector<16xi32>
        %xor3A_82 = arith.xori %xor3A, %sub3A_19 : vector<16xi32>
        %broadcast_in_dim3A_83 = arith.constant 0 : i32
        %broadcast_in_dim3A_84 = vector.broadcast %broadcast_in_dim3A_83 : i32 to vector<16xi32>
        %shift_right_logical3A_85 = arith.shrui %xor3A_82, %broadcast_in_dim3A_84 : vector<16xi32>
        %and3A_86 = arith.constant 2047 : i32
        %and3A_87 = vector.broadcast %and3A_86 : i32 to vector<16xi32>
        %and3A_88 = arith.andi %shift_right_logical3A_85, %and3A_87 : vector<16xi32>
        %mul3A_89 = arith.constant 16 : i32
        %mul3A_90 = vector.broadcast %mul3A_89 : i32 to vector<16xi32>
        %mul3A_91 = arith.muli %and3A_88, %mul3A_90 : vector<16xi32>
        %add3A_92 = arith.addi %mul3A_91, %iota3A : vector<16xi32>
        %masked_sort3A = arith.constant dense<true> : vector<16xi1>
        %masked_sort3A_93 = arith.constant -2147483648 : i32
        %masked_sort3A_94 = vector.broadcast %masked_sort3A_93 : i32 to vector<16xi32>
        %masked_sort3A_95 = arith.xori %add3A_92, %masked_sort3A_94 : vector<16xi32>
        %masked_sort3A_96, %masked_sort3A_97, %masked_sort3A_98 = tpu.sort %masked_sort3A_95, %iota3A masked %masked_sort3A : (vector<16xi32>, vector<16xi32>, vector<16xi1>) -> (vector<16xi1>, vector<16xi32>, vector<16xi32>)
        %masked_sort3A_99 = arith.xori %masked_sort3A_97, %masked_sort3A_94 : vector<16xi32>
        %broadcast_in_dim3A_100 = arith.constant 4 : i32
        %broadcast_in_dim3A_101 = vector.broadcast %broadcast_in_dim3A_100 : i32 to vector<16xi32>
        %shift_right_logical3A_102 = arith.shrui %masked_sort3A_99, %broadcast_in_dim3A_101 : vector<16xi32>
        %sub3A_103 = arith.constant 1 : i32
        %sub3A_104 = vector.broadcast %sub3A_103 : i32 to vector<16xi32>
        %sub3A_105 = arith.subi %iota3A, %sub3A_104 : vector<16xi32>
        %max3A = arith.constant 0 : i32
        %max3A_106 = vector.broadcast %max3A : i32 to vector<16xi32>
        %max3A_107 = arith.maxsi %sub3A_105, %max3A_106 : vector<16xi32>
        %lt3A = arith.constant 0 : i32
        %lt3A_108 = vector.broadcast %lt3A : i32 to vector<16xi32>
        %lt3A_109 = arith.cmpi slt, %max3A_107, %lt3A_108 : vector<16xi32>
        %add3A_110 = arith.constant 16 : i32
        %add3A_111 = vector.broadcast %add3A_110 : i32 to vector<16xi32>
        %add3A_112 = arith.addi %max3A_107, %add3A_111 : vector<16xi32>
        %select_n3A = arith.select %lt3A_109, %add3A_112, %max3A_107 : vector<16xi1>, vector<16xi32>
        %broadcast_in_dim3A_113 = vector.shape_cast %select_n3A : vector<16xi32> to vector<16x1xi32>
        %gather3A = vector.shape_cast %broadcast_in_dim3A_113 : vector<16x1xi32> to vector<16xi32>
        %gather3A_114 = tpu.dynamic_gather %shift_right_logical3A_102[%gather3A] in [0] : vector<16xi32>, vector<16xi32> -> vector<16xi32>
        %eq3A = arith.constant 0 : i32
        %eq3A_115 = vector.broadcast %eq3A : i32 to vector<16xi32>
        %eq3A_116 = arith.cmpi eq, %iota3A, %eq3A_115 : vector<16xi32>
        %ne3A = arith.cmpi ne, %shift_right_logical3A_102, %gather3A_114 : vector<16xi32>
        %or3A_117 = arith.ori %eq3A_116, %ne3A : vector<16xi1>
        %jit3A = arith.constant 0 : i32
        %broadcast_in_dim3A_118 = vector.broadcast %jit3A : i32 to vector<16xi32>
        %select_n3A_119 = arith.select %or3A_117, %iota3A, %broadcast_in_dim3A_118 : vector<16xi1>, vector<16xi32>
        %broadcast_in_dim3A_120 = arith.constant true
        %broadcast_in_dim3A_121 = vector.broadcast %broadcast_in_dim3A_120 : i1 to vector<16xi1>
        %masked_cummax3A = arith.constant -2147483648 : i32
        %masked_cummax3A_122 = vector.broadcast %masked_cummax3A : i32 to vector<16xi32>
        %masked_cummax3A_123 = arith.xori %select_n3A_119, %masked_cummax3A_122 : vector<16xi32>
        %masked_cummax3A_124 = tpu.scan <max>, %masked_cummax3A_123 masked %broadcast_in_dim3A_121 : vector<16xi32>, vector<16xi1> -> vector<16xi32>
        %masked_cummax3A_125 = arith.xori %masked_cummax3A_124, %masked_cummax3A_122 : vector<16xi32>
        %sub3A_126 = arith.subi %iota3A, %masked_cummax3A_125 : vector<16xi32>
        %add3A_127 = arith.constant 1 : i32
        %add3A_128 = vector.broadcast %add3A_127 : i32 to vector<16xi32>
        %add3A_129 = arith.addi %iota3A, %add3A_128 : vector<16xi32>
        %min3A = arith.constant 15 : i32
        %min3A_130 = vector.broadcast %min3A : i32 to vector<16xi32>
        %min3A_131 = arith.minsi %add3A_129, %min3A_130 : vector<16xi32>
        %lt3A_132 = arith.constant 0 : i32
        %lt3A_133 = vector.broadcast %lt3A_132 : i32 to vector<16xi32>
        %lt3A_134 = arith.cmpi slt, %min3A_131, %lt3A_133 : vector<16xi32>
        %add3A_135 = arith.constant 16 : i32
        %add3A_136 = vector.broadcast %add3A_135 : i32 to vector<16xi32>
        %add3A_137 = arith.addi %min3A_131, %add3A_136 : vector<16xi32>
        %select_n3A_138 = arith.select %lt3A_134, %add3A_137, %min3A_131 : vector<16xi1>, vector<16xi32>
        %broadcast_in_dim3A_139 = vector.shape_cast %select_n3A_138 : vector<16xi32> to vector<16x1xi32>
        %gather3A_140 = vector.shape_cast %broadcast_in_dim3A_139 : vector<16x1xi32> to vector<16xi32>
        %gather3A_141 = tpu.dynamic_gather %shift_right_logical3A_102[%gather3A_140] in [0] : vector<16xi32>, vector<16xi32> -> vector<16xi32>
        %eq3A_142 = arith.constant 15 : i32
        %eq3A_143 = vector.broadcast %eq3A_142 : i32 to vector<16xi32>
        %eq3A_144 = arith.cmpi eq, %iota3A, %eq3A_143 : vector<16xi32>
        %ne3A_145 = arith.cmpi ne, %shift_right_logical3A_102, %gather3A_141 : vector<16xi32>
        %or3A_146 = arith.ori %eq3A_144, %ne3A_145 : vector<16xi1>
        %gather3A_147 = tpu.vector_load_idx %arg6[%shift_right_logical3A_102] : memref<2048xi32, #tpu.memory_space<vmem>>[vector<16xi32>], vector<16xi32>,
        %add3A_148 = arith.addi %gather3A_147, %sub3A_126 : vector<16xi32>
        %add3A_149 = arith.constant 1 : i32
        %add3A_150 = vector.broadcast %add3A_149 : i32 to vector<16xi32>
        %add3A_151 = arith.addi %add3A_148, %add3A_150 : vector<16xi32>
        tpu.vector_store_idx %arg6[%shift_right_logical3A_102], %add3A_151 masked %or3A_146 : memref<2048xi32, #tpu.memory_space<vmem>>[vector<16xi32>], vector<16xi32>, vector<16xi1>
        %lt3A_152 = arith.constant 0 : i32
        %lt3A_153 = vector.broadcast %lt3A_152 : i32 to vector<16xi32>
        %lt3A_154 = arith.cmpi slt, %masked_sort3A_98, %lt3A_153 : vector<16xi32>
        %add3A_155 = arith.constant 16 : i32
        %add3A_156 = vector.broadcast %add3A_155 : i32 to vector<16xi32>
        %add3A_157 = arith.addi %masked_sort3A_98, %add3A_156 : vector<16xi32>
        %select_n3A_158 = arith.select %lt3A_154, %add3A_157, %masked_sort3A_98 : vector<16xi1>, vector<16xi32>
        %broadcast_in_dim3A_159 = vector.shape_cast %select_n3A_158 : vector<16xi32> to vector<16x1xi32>
        %gather3A_160 = vector.shape_cast %broadcast_in_dim3A_159 : vector<16x1xi32> to vector<16xi32>
        %gather3A_161 = tpu.dynamic_gather %get3A_75[%gather3A_160] in [0] : vector<16xi32>, vector<16xi32> -> vector<16xi32>
        tpu.vector_store_idx %arg5[%add3A_148], %gather3A_161 : memref<32768xi32, #tpu.memory_space<vmem>>[vector<16xi32>], vector<16xi32>,
        %mul3A_162 = arith.constant 4 : i32
        %mul3A_163 = arith.muli %scan3A_68, %mul3A_162 : i32
        %add3A_164 = arith.constant 1 : i32
        %add3A_165 = arith.addi %mul3A_163, %add3A_164 : i32
        %mul3A_166 = arith.constant 16 : i32
        %mul3A_167 = arith.muli %add3A_165, %mul3A_166 : i32
        %get3A_168 = arith.index_cast %mul3A_167 : i32 to index
        %get3A_169 = tpu.vector_load %arg4[%get3A_168] {strides = array<i32>} : memref<32768xi32, #tpu.memory_space<vmem>>, vector<16xi32>,
        %broadcast_in_dim3A_170 = arith.constant 31 : i32
        %broadcast_in_dim3A_171 = vector.broadcast %broadcast_in_dim3A_170 : i32 to vector<16xi32>
        %shift_right_logical3A_172 = arith.shrui %get3A_169, %broadcast_in_dim3A_171 : vector<16xi32>
        %sub3A_173 = arith.constant 0 : i32
        %sub3A_174 = vector.broadcast %sub3A_173 : i32 to vector<16xi32>
        %sub3A_175 = arith.subi %sub3A_174, %shift_right_logical3A_172 : vector<16xi32>
        %or3A_176 = vector.broadcast %scan3A_6 : i32 to vector<16xi32>
        %or3A_177 = arith.ori %sub3A_175, %or3A_176 : vector<16xi32>
        %xor3A_178 = arith.xori %get3A_169, %or3A_177 : vector<16xi32>
        %xor3A_179 = arith.xori %xor3A_178, %sub3A_19 : vector<16xi32>
        %broadcast_in_dim3A_180 = arith.constant 0 : i32
        %broadcast_in_dim3A_181 = vector.broadcast %broadcast_in_dim3A_180 : i32 to vector<16xi32>
        %shift_right_logical3A_182 = arith.shrui %xor3A_179, %broadcast_in_dim3A_181 : vector<16xi32>
        %and3A_183 = arith.constant 2047 : i32
        %and3A_184 = vector.broadcast %and3A_183 : i32 to vector<16xi32>
        %and3A_185 = arith.andi %shift_right_logical3A_182, %and3A_184 : vector<16xi32>
        %mul3A_186 = arith.constant 16 : i32
        %mul3A_187 = vector.broadcast %mul3A_186 : i32 to vector<16xi32>
        %mul3A_188 = arith.muli %and3A_185, %mul3A_187 : vector<16xi32>
        %add3A_189 = arith.addi %mul3A_188, %iota3A : vector<16xi32>
        %masked_sort3A_190 = arith.constant dense<true> : vector<16xi1>
        %masked_sort3A_191 = arith.constant -2147483648 : i32
        %masked_sort3A_192 = vector.broadcast %masked_sort3A_191 : i32 to vector<16xi32>
        %masked_sort3A_193 = arith.xori %add3A_189, %masked_sort3A_192 : vector<16xi32>
        %masked_sort3A_194, %masked_sort3A_195, %masked_sort3A_196 = tpu.sort %masked_sort3A_193, %iota3A masked %masked_sort3A_190 : (vector<16xi32>, vector<16xi32>, vector<16xi1>) -> (vector<16xi1>, vector<16xi32>, vector<16xi32>)
        %masked_sort3A_197 = arith.xori %masked_sort3A_195, %masked_sort3A_192 : vector<16xi32>
        %broadcast_in_dim3A_198 = arith.constant 4 : i32
        %broadcast_in_dim3A_199 = vector.broadcast %broadcast_in_dim3A_198 : i32 to vector<16xi32>
        %shift_right_logical3A_200 = arith.shrui %masked_sort3A_197, %broadcast_in_dim3A_199 : vector<16xi32>
        %sub3A_201 = arith.constant 1 : i32
        %sub3A_202 = vector.broadcast %sub3A_201 : i32 to vector<16xi32>
        %sub3A_203 = arith.subi %iota3A, %sub3A_202 : vector<16xi32>
        %max3A_204 = arith.constant 0 : i32
        %max3A_205 = vector.broadcast %max3A_204 : i32 to vector<16xi32>
        %max3A_206 = arith.maxsi %sub3A_203, %max3A_205 : vector<16xi32>
        %lt3A_207 = arith.constant 0 : i32
        %lt3A_208 = vector.broadcast %lt3A_207 : i32 to vector<16xi32>
        %lt3A_209 = arith.cmpi slt, %max3A_206, %lt3A_208 : vector<16xi32>
        %add3A_210 = arith.constant 16 : i32
        %add3A_211 = vector.broadcast %add3A_210 : i32 to vector<16xi32>
        %add3A_212 = arith.addi %max3A_206, %add3A_211 : vector<16xi32>
        %select_n3A_213 = arith.select %lt3A_209, %add3A_212, %max3A_206 : vector<16xi1>, vector<16xi32>
        %broadcast_in_dim3A_214 = vector.shape_cast %select_n3A_213 : vector<16xi32> to vector<16x1xi32>
        %gather3A_215 = vector.shape_cast %broadcast_in_dim3A_214 : vector<16x1xi32> to vector<16xi32>
        %gather3A_216 = tpu.dynamic_gather %shift_right_logical3A_200[%gather3A_215] in [0] : vector<16xi32>, vector<16xi32> -> vector<16xi32>
        %eq3A_217 = arith.constant 0 : i32
        %eq3A_218 = vector.broadcast %eq3A_217 : i32 to vector<16xi32>
        %eq3A_219 = arith.cmpi eq, %iota3A, %eq3A_218 : vector<16xi32>
        %ne3A_220 = arith.cmpi ne, %shift_right_logical3A_200, %gather3A_216 : vector<16xi32>
        %or3A_221 = arith.ori %eq3A_219, %ne3A_220 : vector<16xi1>
        %jit3A_222 = arith.constant 0 : i32
        %broadcast_in_dim3A_223 = vector.broadcast %jit3A_222 : i32 to vector<16xi32>
        %select_n3A_224 = arith.select %or3A_221, %iota3A, %broadcast_in_dim3A_223 : vector<16xi1>, vector<16xi32>
        %broadcast_in_dim3A_225 = arith.constant true
        %broadcast_in_dim3A_226 = vector.broadcast %broadcast_in_dim3A_225 : i1 to vector<16xi1>
        %masked_cummax3A_227 = arith.constant -2147483648 : i32
        %masked_cummax3A_228 = vector.broadcast %masked_cummax3A_227 : i32 to vector<16xi32>
        %masked_cummax3A_229 = arith.xori %select_n3A_224, %masked_cummax3A_228 : vector<16xi32>
        %masked_cummax3A_230 = tpu.scan <max>, %masked_cummax3A_229 masked %broadcast_in_dim3A_226 : vector<16xi32>, vector<16xi1> -> vector<16xi32>
        %masked_cummax3A_231 = arith.xori %masked_cummax3A_230, %masked_cummax3A_228 : vector<16xi32>
        %sub3A_232 = arith.subi %iota3A, %masked_cummax3A_231 : vector<16xi32>
        %add3A_233 = arith.constant 1 : i32
        %add3A_234 = vector.broadcast %add3A_233 : i32 to vector<16xi32>
        %add3A_235 = arith.addi %iota3A, %add3A_234 : vector<16xi32>
        %min3A_236 = arith.constant 15 : i32
        %min3A_237 = vector.broadcast %min3A_236 : i32 to vector<16xi32>
        %min3A_238 = arith.minsi %add3A_235, %min3A_237 : vector<16xi32>
        %lt3A_239 = arith.constant 0 : i32
        %lt3A_240 = vector.broadcast %lt3A_239 : i32 to vector<16xi32>
        %lt3A_241 = arith.cmpi slt, %min3A_238, %lt3A_240 : vector<16xi32>
        %add3A_242 = arith.constant 16 : i32
        %add3A_243 = vector.broadcast %add3A_242 : i32 to vector<16xi32>
        %add3A_244 = arith.addi %min3A_238, %add3A_243 : vector<16xi32>
        %select_n3A_245 = arith.select %lt3A_241, %add3A_244, %min3A_238 : vector<16xi1>, vector<16xi32>
        %broadcast_in_dim3A_246 = vector.shape_cast %select_n3A_245 : vector<16xi32> to vector<16x1xi32>
        %gather3A_247 = vector.shape_cast %broadcast_in_dim3A_246 : vector<16x1xi32> to vector<16xi32>
        %gather3A_248 = tpu.dynamic_gather %shift_right_logical3A_200[%gather3A_247] in [0] : vector<16xi32>, vector<16xi32> -> vector<16xi32>
        %eq3A_249 = arith.constant 15 : i32
        %eq3A_250 = vector.broadcast %eq3A_249 : i32 to vector<16xi32>
        %eq3A_251 = arith.cmpi eq, %iota3A, %eq3A_250 : vector<16xi32>
        %ne3A_252 = arith.cmpi ne, %shift_right_logical3A_200, %gather3A_248 : vector<16xi32>
        %or3A_253 = arith.ori %eq3A_251, %ne3A_252 : vector<16xi1>
        %gather3A_254 = tpu.vector_load_idx %arg6[%shift_right_logical3A_200] : memref<2048xi32, #tpu.memory_space<vmem>>[vector<16xi32>], vector<16xi32>,
        %add3A_255 = arith.addi %gather3A_254, %sub3A_232 : vector<16xi32>
        %add3A_256 = arith.constant 1 : i32
        %add3A_257 = vector.broadcast %add3A_256 : i32 to vector<16xi32>
        %add3A_258 = arith.addi %add3A_255, %add3A_257 : vector<16xi32>
        tpu.vector_store_idx %arg6[%shift_right_logical3A_200], %add3A_258 masked %or3A_253 : memref<2048xi32, #tpu.memory_space<vmem>>[vector<16xi32>], vector<16xi32>, vector<16xi1>
        %lt3A_259 = arith.constant 0 : i32
        %lt3A_260 = vector.broadcast %lt3A_259 : i32 to vector<16xi32>
        %lt3A_261 = arith.cmpi slt, %masked_sort3A_196, %lt3A_260 : vector<16xi32>
        %add3A_262 = arith.constant 16 : i32
        %add3A_263 = vector.broadcast %add3A_262 : i32 to vector<16xi32>
        %add3A_264 = arith.addi %masked_sort3A_196, %add3A_263 : vector<16xi32>
        %select_n3A_265 = arith.select %lt3A_261, %add3A_264, %masked_sort3A_196 : vector<16xi1>, vector<16xi32>
        %broadcast_in_dim3A_266 = vector.shape_cast %select_n3A_265 : vector<16xi32> to vector<16x1xi32>
        %gather3A_267 = vector.shape_cast %broadcast_in_dim3A_266 : vector<16x1xi32> to vector<16xi32>
        %gather3A_268 = tpu.dynamic_gather %get3A_169[%gather3A_267] in [0] : vector<16xi32>, vector<16xi32> -> vector<16xi32>
        tpu.vector_store_idx %arg5[%add3A_255], %gather3A_268 : memref<32768xi32, #tpu.memory_space<vmem>>[vector<16xi32>], vector<16xi32>,
        %mul3A_269 = arith.constant 4 : i32
        %mul3A_270 = arith.muli %scan3A_68, %mul3A_269 : i32
        %add3A_271 = arith.constant 2 : i32
        %add3A_272 = arith.addi %mul3A_270, %add3A_271 : i32
        %mul3A_273 = arith.constant 16 : i32
        %mul3A_274 = arith.muli %add3A_272, %mul3A_273 : i32
        %get3A_275 = arith.index_cast %mul3A_274 : i32 to index
        %get3A_276 = tpu.vector_load %arg4[%get3A_275] {strides = array<i32>} : memref<32768xi32, #tpu.memory_space<vmem>>, vector<16xi32>,
        %broadcast_in_dim3A_277 = arith.constant 31 : i32
        %broadcast_in_dim3A_278 = vector.broadcast %broadcast_in_dim3A_277 : i32 to vector<16xi32>
        %shift_right_logical3A_279 = arith.shrui %get3A_276, %broadcast_in_dim3A_278 : vector<16xi32>
        %sub3A_280 = arith.constant 0 : i32
        %sub3A_281 = vector.broadcast %sub3A_280 : i32 to vector<16xi32>
        %sub3A_282 = arith.subi %sub3A_281, %shift_right_logical3A_279 : vector<16xi32>
        %or3A_283 = vector.broadcast %scan3A_6 : i32 to vector<16xi32>
        %or3A_284 = arith.ori %sub3A_282, %or3A_283 : vector<16xi32>
        %xor3A_285 = arith.xori %get3A_276, %or3A_284 : vector<16xi32>
        %xor3A_286 = arith.xori %xor3A_285, %sub3A_19 : vector<16xi32>
        %broadcast_in_dim3A_287 = arith.constant 0 : i32
        %broadcast_in_dim3A_288 = vector.broadcast %broadcast_in_dim3A_287 : i32 to vector<16xi32>
        %shift_right_logical3A_289 = arith.shrui %xor3A_286, %broadcast_in_dim3A_288 : vector<16xi32>
        %and3A_290 = arith.constant 2047 : i32
        %and3A_291 = vector.broadcast %and3A_290 : i32 to vector<16xi32>
        %and3A_292 = arith.andi %shift_right_logical3A_289, %and3A_291 : vector<16xi32>
        %mul3A_293 = arith.constant 16 : i32
        %mul3A_294 = vector.broadcast %mul3A_293 : i32 to vector<16xi32>
        %mul3A_295 = arith.muli %and3A_292, %mul3A_294 : vector<16xi32>
        %add3A_296 = arith.addi %mul3A_295, %iota3A : vector<16xi32>
        %masked_sort3A_297 = arith.constant dense<true> : vector<16xi1>
        %masked_sort3A_298 = arith.constant -2147483648 : i32
        %masked_sort3A_299 = vector.broadcast %masked_sort3A_298 : i32 to vector<16xi32>
        %masked_sort3A_300 = arith.xori %add3A_296, %masked_sort3A_299 : vector<16xi32>
        %masked_sort3A_301, %masked_sort3A_302, %masked_sort3A_303 = tpu.sort %masked_sort3A_300, %iota3A masked %masked_sort3A_297 : (vector<16xi32>, vector<16xi32>, vector<16xi1>) -> (vector<16xi1>, vector<16xi32>, vector<16xi32>)
        %masked_sort3A_304 = arith.xori %masked_sort3A_302, %masked_sort3A_299 : vector<16xi32>
        %broadcast_in_dim3A_305 = arith.constant 4 : i32
        %broadcast_in_dim3A_306 = vector.broadcast %broadcast_in_dim3A_305 : i32 to vector<16xi32>
        %shift_right_logical3A_307 = arith.shrui %masked_sort3A_304, %broadcast_in_dim3A_306 : vector<16xi32>
        %sub3A_308 = arith.constant 1 : i32
        %sub3A_309 = vector.broadcast %sub3A_308 : i32 to vector<16xi32>
        %sub3A_310 = arith.subi %iota3A, %sub3A_309 : vector<16xi32>
        %max3A_311 = arith.constant 0 : i32
        %max3A_312 = vector.broadcast %max3A_311 : i32 to vector<16xi32>
        %max3A_313 = arith.maxsi %sub3A_310, %max3A_312 : vector<16xi32>
        %lt3A_314 = arith.constant 0 : i32
        %lt3A_315 = vector.broadcast %lt3A_314 : i32 to vector<16xi32>
        %lt3A_316 = arith.cmpi slt, %max3A_313, %lt3A_315 : vector<16xi32>
        %add3A_317 = arith.constant 16 : i32
        %add3A_318 = vector.broadcast %add3A_317 : i32 to vector<16xi32>
        %add3A_319 = arith.addi %max3A_313, %add3A_318 : vector<16xi32>
        %select_n3A_320 = arith.select %lt3A_316, %add3A_319, %max3A_313 : vector<16xi1>, vector<16xi32>
        %broadcast_in_dim3A_321 = vector.shape_cast %select_n3A_320 : vector<16xi32> to vector<16x1xi32>
        %gather3A_322 = vector.shape_cast %broadcast_in_dim3A_321 : vector<16x1xi32> to vector<16xi32>
        %gather3A_323 = tpu.dynamic_gather %shift_right_logical3A_307[%gather3A_322] in [0] : vector<16xi32>, vector<16xi32> -> vector<16xi32>
        %eq3A_324 = arith.constant 0 : i32
        %eq3A_325 = vector.broadcast %eq3A_324 : i32 to vector<16xi32>
        %eq3A_326 = arith.cmpi eq, %iota3A, %eq3A_325 : vector<16xi32>
        %ne3A_327 = arith.cmpi ne, %shift_right_logical3A_307, %gather3A_323 : vector<16xi32>
        %or3A_328 = arith.ori %eq3A_326, %ne3A_327 : vector<16xi1>
        %jit3A_329 = arith.constant 0 : i32
        %broadcast_in_dim3A_330 = vector.broadcast %jit3A_329 : i32 to vector<16xi32>
        %select_n3A_331 = arith.select %or3A_328, %iota3A, %broadcast_in_dim3A_330 : vector<16xi1>, vector<16xi32>
        %broadcast_in_dim3A_332 = arith.constant true
        %broadcast_in_dim3A_333 = vector.broadcast %broadcast_in_dim3A_332 : i1 to vector<16xi1>
        %masked_cummax3A_334 = arith.constant -2147483648 : i32
        %masked_cummax3A_335 = vector.broadcast %masked_cummax3A_334 : i32 to vector<16xi32>
        %masked_cummax3A_336 = arith.xori %select_n3A_331, %masked_cummax3A_335 : vector<16xi32>
        %masked_cummax3A_337 = tpu.scan <max>, %masked_cummax3A_336 masked %broadcast_in_dim3A_333 : vector<16xi32>, vector<16xi1> -> vector<16xi32>
        %masked_cummax3A_338 = arith.xori %masked_cummax3A_337, %masked_cummax3A_335 : vector<16xi32>
        %sub3A_339 = arith.subi %iota3A, %masked_cummax3A_338 : vector<16xi32>
        %add3A_340 = arith.constant 1 : i32
        %add3A_341 = vector.broadcast %add3A_340 : i32 to vector<16xi32>
        %add3A_342 = arith.addi %iota3A, %add3A_341 : vector<16xi32>
        %min3A_343 = arith.constant 15 : i32
        %min3A_344 = vector.broadcast %min3A_343 : i32 to vector<16xi32>
        %min3A_345 = arith.minsi %add3A_342, %min3A_344 : vector<16xi32>
        %lt3A_346 = arith.constant 0 : i32
        %lt3A_347 = vector.broadcast %lt3A_346 : i32 to vector<16xi32>
        %lt3A_348 = arith.cmpi slt, %min3A_345, %lt3A_347 : vector<16xi32>
        %add3A_349 = arith.constant 16 : i32
        %add3A_350 = vector.broadcast %add3A_349 : i32 to vector<16xi32>
        %add3A_351 = arith.addi %min3A_345, %add3A_350 : vector<16xi32>
        %select_n3A_352 = arith.select %lt3A_348, %add3A_351, %min3A_345 : vector<16xi1>, vector<16xi32>
        %broadcast_in_dim3A_353 = vector.shape_cast %select_n3A_352 : vector<16xi32> to vector<16x1xi32>
        %gather3A_354 = vector.shape_cast %broadcast_in_dim3A_353 : vector<16x1xi32> to vector<16xi32>
        %gather3A_355 = tpu.dynamic_gather %shift_right_logical3A_307[%gather3A_354] in [0] : vector<16xi32>, vector<16xi32> -> vector<16xi32>
        %eq3A_356 = arith.constant 15 : i32
        %eq3A_357 = vector.broadcast %eq3A_356 : i32 to vector<16xi32>
        %eq3A_358 = arith.cmpi eq, %iota3A, %eq3A_357 : vector<16xi32>
        %ne3A_359 = arith.cmpi ne, %shift_right_logical3A_307, %gather3A_355 : vector<16xi32>
        %or3A_360 = arith.ori %eq3A_358, %ne3A_359 : vector<16xi1>
        %gather3A_361 = tpu.vector_load_idx %arg6[%shift_right_logical3A_307] : memref<2048xi32, #tpu.memory_space<vmem>>[vector<16xi32>], vector<16xi32>,
        %add3A_362 = arith.addi %gather3A_361, %sub3A_339 : vector<16xi32>
        %add3A_363 = arith.constant 1 : i32
        %add3A_364 = vector.broadcast %add3A_363 : i32 to vector<16xi32>
        %add3A_365 = arith.addi %add3A_362, %add3A_364 : vector<16xi32>
        tpu.vector_store_idx %arg6[%shift_right_logical3A_307], %add3A_365 masked %or3A_360 : memref<2048xi32, #tpu.memory_space<vmem>>[vector<16xi32>], vector<16xi32>, vector<16xi1>
        %lt3A_366 = arith.constant 0 : i32
        %lt3A_367 = vector.broadcast %lt3A_366 : i32 to vector<16xi32>
        %lt3A_368 = arith.cmpi slt, %masked_sort3A_303, %lt3A_367 : vector<16xi32>
        %add3A_369 = arith.constant 16 : i32
        %add3A_370 = vector.broadcast %add3A_369 : i32 to vector<16xi32>
        %add3A_371 = arith.addi %masked_sort3A_303, %add3A_370 : vector<16xi32>
        %select_n3A_372 = arith.select %lt3A_368, %add3A_371, %masked_sort3A_303 : vector<16xi1>, vector<16xi32>
        %broadcast_in_dim3A_373 = vector.shape_cast %select_n3A_372 : vector<16xi32> to vector<16x1xi32>
        %gather3A_374 = vector.shape_cast %broadcast_in_dim3A_373 : vector<16x1xi32> to vector<16xi32>
        %gather3A_375 = tpu.dynamic_gather %get3A_276[%gather3A_374] in [0] : vector<16xi32>, vector<16xi32> -> vector<16xi32>
        tpu.vector_store_idx %arg5[%add3A_362], %gather3A_375 : memref<32768xi32, #tpu.memory_space<vmem>>[vector<16xi32>], vector<16xi32>,
        %mul3A_376 = arith.constant 4 : i32
        %mul3A_377 = arith.muli %scan3A_68, %mul3A_376 : i32
        %add3A_378 = arith.constant 3 : i32
        %add3A_379 = arith.addi %mul3A_377, %add3A_378 : i32
        %mul3A_380 = arith.constant 16 : i32
        %mul3A_381 = arith.muli %add3A_379, %mul3A_380 : i32
        %get3A_382 = arith.index_cast %mul3A_381 : i32 to index
        %get3A_383 = tpu.vector_load %arg4[%get3A_382] {strides = array<i32>} : memref<32768xi32, #tpu.memory_space<vmem>>, vector<16xi32>,
        %broadcast_in_dim3A_384 = arith.constant 31 : i32
        %broadcast_in_dim3A_385 = vector.broadcast %broadcast_in_dim3A_384 : i32 to vector<16xi32>
        %shift_right_logical3A_386 = arith.shrui %get3A_383, %broadcast_in_dim3A_385 : vector<16xi32>
        %sub3A_387 = arith.constant 0 : i32
        %sub3A_388 = vector.broadcast %sub3A_387 : i32 to vector<16xi32>
        %sub3A_389 = arith.subi %sub3A_388, %shift_right_logical3A_386 : vector<16xi32>
        %or3A_390 = vector.broadcast %scan3A_6 : i32 to vector<16xi32>
        %or3A_391 = arith.ori %sub3A_389, %or3A_390 : vector<16xi32>
        %xor3A_392 = arith.xori %get3A_383, %or3A_391 : vector<16xi32>
        %xor3A_393 = arith.xori %xor3A_392, %sub3A_19 : vector<16xi32>
        %broadcast_in_dim3A_394 = arith.constant 0 : i32
        %broadcast_in_dim3A_395 = vector.broadcast %broadcast_in_dim3A_394 : i32 to vector<16xi32>
        %shift_right_logical3A_396 = arith.shrui %xor3A_393, %broadcast_in_dim3A_395 : vector<16xi32>
        %and3A_397 = arith.constant 2047 : i32
        %and3A_398 = vector.broadcast %and3A_397 : i32 to vector<16xi32>
        %and3A_399 = arith.andi %shift_right_logical3A_396, %and3A_398 : vector<16xi32>
        %mul3A_400 = arith.constant 16 : i32
        %mul3A_401 = vector.broadcast %mul3A_400 : i32 to vector<16xi32>
        %mul3A_402 = arith.muli %and3A_399, %mul3A_401 : vector<16xi32>
        %add3A_403 = arith.addi %mul3A_402, %iota3A : vector<16xi32>
        %masked_sort3A_404 = arith.constant dense<true> : vector<16xi1>
        %masked_sort3A_405 = arith.constant -2147483648 : i32
        %masked_sort3A_406 = vector.broadcast %masked_sort3A_405 : i32 to vector<16xi32>
        %masked_sort3A_407 = arith.xori %add3A_403, %masked_sort3A_406 : vector<16xi32>
        %masked_sort3A_408, %masked_sort3A_409, %masked_sort3A_410 = tpu.sort %masked_sort3A_407, %iota3A masked %masked_sort3A_404 : (vector<16xi32>, vector<16xi32>, vector<16xi1>) -> (vector<16xi1>, vector<16xi32>, vector<16xi32>)
        %masked_sort3A_411 = arith.xori %masked_sort3A_409, %masked_sort3A_406 : vector<16xi32>
        %broadcast_in_dim3A_412 = arith.constant 4 : i32
        %broadcast_in_dim3A_413 = vector.broadcast %broadcast_in_dim3A_412 : i32 to vector<16xi32>
        %shift_right_logical3A_414 = arith.shrui %masked_sort3A_411, %broadcast_in_dim3A_413 : vector<16xi32>
        %sub3A_415 = arith.constant 1 : i32
        %sub3A_416 = vector.broadcast %sub3A_415 : i32 to vector<16xi32>
        %sub3A_417 = arith.subi %iota3A, %sub3A_416 : vector<16xi32>
        %max3A_418 = arith.constant 0 : i32
        %max3A_419 = vector.broadcast %max3A_418 : i32 to vector<16xi32>
        %max3A_420 = arith.maxsi %sub3A_417, %max3A_419 : vector<16xi32>
        %lt3A_421 = arith.constant 0 : i32
        %lt3A_422 = vector.broadcast %lt3A_421 : i32 to vector<16xi32>
        %lt3A_423 = arith.cmpi slt, %max3A_420, %lt3A_422 : vector<16xi32>
        %add3A_424 = arith.constant 16 : i32
        %add3A_425 = vector.broadcast %add3A_424 : i32 to vector<16xi32>
        %add3A_426 = arith.addi %max3A_420, %add3A_425 : vector<16xi32>
        %select_n3A_427 = arith.select %lt3A_423, %add3A_426, %max3A_420 : vector<16xi1>, vector<16xi32>
        %broadcast_in_dim3A_428 = vector.shape_cast %select_n3A_427 : vector<16xi32> to vector<16x1xi32>
        %gather3A_429 = vector.shape_cast %broadcast_in_dim3A_428 : vector<16x1xi32> to vector<16xi32>
        %gather3A_430 = tpu.dynamic_gather %shift_right_logical3A_414[%gather3A_429] in [0] : vector<16xi32>, vector<16xi32> -> vector<16xi32>
        %eq3A_431 = arith.constant 0 : i32
        %eq3A_432 = vector.broadcast %eq3A_431 : i32 to vector<16xi32>
        %eq3A_433 = arith.cmpi eq, %iota3A, %eq3A_432 : vector<16xi32>
        %ne3A_434 = arith.cmpi ne, %shift_right_logical3A_414, %gather3A_430 : vector<16xi32>
        %or3A_435 = arith.ori %eq3A_433, %ne3A_434 : vector<16xi1>
        %jit3A_436 = arith.constant 0 : i32
        %broadcast_in_dim3A_437 = vector.broadcast %jit3A_436 : i32 to vector<16xi32>
        %select_n3A_438 = arith.select %or3A_435, %iota3A, %broadcast_in_dim3A_437 : vector<16xi1>, vector<16xi32>
        %broadcast_in_dim3A_439 = arith.constant true
        %broadcast_in_dim3A_440 = vector.broadcast %broadcast_in_dim3A_439 : i1 to vector<16xi1>
        %masked_cummax3A_441 = arith.constant -2147483648 : i32
        %masked_cummax3A_442 = vector.broadcast %masked_cummax3A_441 : i32 to vector<16xi32>
        %masked_cummax3A_443 = arith.xori %select_n3A_438, %masked_cummax3A_442 : vector<16xi32>
        %masked_cummax3A_444 = tpu.scan <max>, %masked_cummax3A_443 masked %broadcast_in_dim3A_440 : vector<16xi32>, vector<16xi1> -> vector<16xi32>
        %masked_cummax3A_445 = arith.xori %masked_cummax3A_444, %masked_cummax3A_442 : vector<16xi32>
        %sub3A_446 = arith.subi %iota3A, %masked_cummax3A_445 : vector<16xi32>
        %add3A_447 = arith.constant 1 : i32
        %add3A_448 = vector.broadcast %add3A_447 : i32 to vector<16xi32>
        %add3A_449 = arith.addi %iota3A, %add3A_448 : vector<16xi32>
        %min3A_450 = arith.constant 15 : i32
        %min3A_451 = vector.broadcast %min3A_450 : i32 to vector<16xi32>
        %min3A_452 = arith.minsi %add3A_449, %min3A_451 : vector<16xi32>
        %lt3A_453 = arith.constant 0 : i32
        %lt3A_454 = vector.broadcast %lt3A_453 : i32 to vector<16xi32>
        %lt3A_455 = arith.cmpi slt, %min3A_452, %lt3A_454 : vector<16xi32>
        %add3A_456 = arith.constant 16 : i32
        %add3A_457 = vector.broadcast %add3A_456 : i32 to vector<16xi32>
        %add3A_458 = arith.addi %min3A_452, %add3A_457 : vector<16xi32>
        %select_n3A_459 = arith.select %lt3A_455, %add3A_458, %min3A_452 : vector<16xi1>, vector<16xi32>
        %broadcast_in_dim3A_460 = vector.shape_cast %select_n3A_459 : vector<16xi32> to vector<16x1xi32>
        %gather3A_461 = vector.shape_cast %broadcast_in_dim3A_460 : vector<16x1xi32> to vector<16xi32>
        %gather3A_462 = tpu.dynamic_gather %shift_right_logical3A_414[%gather3A_461] in [0] : vector<16xi32>, vector<16xi32> -> vector<16xi32>
        %eq3A_463 = arith.constant 15 : i32
        %eq3A_464 = vector.broadcast %eq3A_463 : i32 to vector<16xi32>
        %eq3A_465 = arith.cmpi eq, %iota3A, %eq3A_464 : vector<16xi32>
        %ne3A_466 = arith.cmpi ne, %shift_right_logical3A_414, %gather3A_462 : vector<16xi32>
        %or3A_467 = arith.ori %eq3A_465, %ne3A_466 : vector<16xi1>
        %gather3A_468 = tpu.vector_load_idx %arg6[%shift_right_logical3A_414] : memref<2048xi32, #tpu.memory_space<vmem>>[vector<16xi32>], vector<16xi32>,
        %add3A_469 = arith.addi %gather3A_468, %sub3A_446 : vector<16xi32>
        %add3A_470 = arith.constant 1 : i32
        %add3A_471 = vector.broadcast %add3A_470 : i32 to vector<16xi32>
        %add3A_472 = arith.addi %add3A_469, %add3A_471 : vector<16xi32>
        tpu.vector_store_idx %arg6[%shift_right_logical3A_414], %add3A_472 masked %or3A_467 : memref<2048xi32, #tpu.memory_space<vmem>>[vector<16xi32>], vector<16xi32>, vector<16xi1>
        %lt3A_473 = arith.constant 0 : i32
        %lt3A_474 = vector.broadcast %lt3A_473 : i32 to vector<16xi32>
        %lt3A_475 = arith.cmpi slt, %masked_sort3A_410, %lt3A_474 : vector<16xi32>
        %add3A_476 = arith.constant 16 : i32
        %add3A_477 = vector.broadcast %add3A_476 : i32 to vector<16xi32>
        %add3A_478 = arith.addi %masked_sort3A_410, %add3A_477 : vector<16xi32>
        %select_n3A_479 = arith.select %lt3A_475, %add3A_478, %masked_sort3A_410 : vector<16xi1>, vector<16xi32>
        %broadcast_in_dim3A_480 = vector.shape_cast %select_n3A_479 : vector<16xi32> to vector<16x1xi32>
        %gather3A_481 = vector.shape_cast %broadcast_in_dim3A_480 : vector<16x1xi32> to vector<16xi32>
        %gather3A_482 = tpu.dynamic_gather %get3A_383[%gather3A_481] in [0] : vector<16xi32>, vector<16xi32> -> vector<16xi32>
        tpu.vector_store_idx %arg5[%add3A_469], %gather3A_482 : memref<32768xi32, #tpu.memory_space<vmem>>[vector<16xi32>], vector<16xi32>,
      }
      %scan3A_35 = arith.constant 512 : i32
      %parallel_loop3A_36 = arith.constant 0 : i32
      %parallel_loop3A_37 = arith.constant 2048 : i32
      %parallel_loop3A_38 = arith.constant 1 : i32
      scf.for %parallel_loop3A_68 = %parallel_loop3A_36 to %parallel_loop3A_37 step %parallel_loop3A_38  : i32 {
        %parallel_loop3A_69 = arith.constant 16 : i32
        %parallel_loop3A_70 = arith.muli %parallel_loop3A_68, %parallel_loop3A_69 : i32
        %parallel_loop3A_71 = arith.index_cast %parallel_loop3A_70 : i32 to index
        %parallel_loop3A_72 = tpu.vector_load %arg5[%parallel_loop3A_71] {strides = array<i32>} : memref<32768xi32, #tpu.memory_space<vmem>>, vector<16xi32>,
        %parallel_loop3A_73 = arith.constant 31 : i32
        %parallel_loop3A_74 = vector.broadcast %parallel_loop3A_73 : i32 to vector<16xi32>
        %parallel_loop3A_75 = arith.shrui %parallel_loop3A_72, %parallel_loop3A_74 : vector<16xi32>
        %parallel_loop3A_76 = arith.constant 0 : i32
        %parallel_loop3A_77 = vector.broadcast %parallel_loop3A_76 : i32 to vector<16xi32>
        %parallel_loop3A_78 = arith.subi %parallel_loop3A_77, %parallel_loop3A_75 : vector<16xi32>
        %parallel_loop3A_79 = vector.broadcast %scan3A_6 : i32 to vector<16xi32>
        %parallel_loop3A_80 = arith.ori %parallel_loop3A_78, %parallel_loop3A_79 : vector<16xi32>
        %parallel_loop3A_81 = arith.xori %parallel_loop3A_72, %parallel_loop3A_80 : vector<16xi32>
        %parallel_loop3A_82 = arith.xori %parallel_loop3A_81, %sub3A_19 : vector<16xi32>
        %parallel_loop3A_83 = arith.constant 11 : i32
        %parallel_loop3A_84 = vector.broadcast %parallel_loop3A_83 : i32 to vector<16xi32>
        %parallel_loop3A_85 = arith.shrui %parallel_loop3A_82, %parallel_loop3A_84 : vector<16xi32>
        %parallel_loop3A_86 = arith.constant 2047 : i32
        %parallel_loop3A_87 = vector.broadcast %parallel_loop3A_86 : i32 to vector<16xi32>
        %parallel_loop3A_88 = arith.andi %parallel_loop3A_85, %parallel_loop3A_87 : vector<16xi32>
        %parallel_loop3A_89 = arith.constant 2048 : i32
        %parallel_loop3A_90 = vector.broadcast %parallel_loop3A_89 : i32 to vector<16xi32>
        %parallel_loop3A_91 = arith.muli %iota3A, %parallel_loop3A_90 : vector<16xi32>
        %parallel_loop3A_92 = arith.addi %parallel_loop3A_91, %parallel_loop3A_88 : vector<16xi32>
        tpu.vector_store_idx %arg7[%parallel_loop3A_92], %broadcast_in_dim3A_1 {add = true} : memref<32768xi32, #tpu.memory_space<vmem>>[vector<16xi32>], vector<16xi32>,
      } {sc.loop_unroll_factor = 4 : i64, sc.parallel_access}
      %scan3A_39 = arith.constant 0 : i32
      %scan3A_40 = arith.constant 0 : i32
      %scan3A_41 = arith.constant 128 : i32
      %scan3A_42 = arith.addi %scan3A_40, %scan3A_41 : i32
      %scan3A_43 = arith.constant 1 : i32
      %scan3A_44 = scf.for %scan3A_68 = %scan3A_40 to %scan3A_42 step %scan3A_43 iter_args(%scan3A_69 = %scan3A_39) -> (i32)  : i32 {
        %mul3A_70 = arith.constant 16 : i32
        %mul3A_71 = arith.muli %scan3A_68, %mul3A_70 : i32
        %add3A_72 = arith.constant 0 : i32
        %add3A_73 = arith.addi %add3A_72, %mul3A_71 : i32
        %get3A = arith.index_cast %add3A_73 : i32 to index
        %get3A_74 = tpu.vector_load %arg7[%get3A] {strides = array<i32>} : memref<32768xi32, #tpu.memory_space<vmem>>, vector<16xi32>,
        %mul3A_75 = arith.constant 16 : i32
        %mul3A_76 = arith.muli %scan3A_68, %mul3A_75 : i32
        %add3A_77 = arith.constant 0 : i32
        %add3A_78 = arith.addi %add3A_77, %mul3A_76 : i32
        %swap3A = arith.index_cast %add3A_78 : i32 to index
        %swap3A_79 = tpu.vector_load %arg7[%swap3A] {strides = array<i32>} : memref<32768xi32, #tpu.memory_space<vmem>>, vector<16xi32>,
        tpu.vector_store %arg7[%swap3A], %broadcast_in_dim3A_3 {strides = array<i32>} : memref<32768xi32, #tpu.memory_space<vmem>>, vector<16xi32>,
        %add3A_80 = arith.addi %broadcast_in_dim3A_3, %get3A_74 : vector<16xi32>
        %mul3A_81 = arith.constant 16 : i32
        %mul3A_82 = arith.muli %scan3A_68, %mul3A_81 : i32
        %add3A_83 = arith.constant 2048 : i32
        %add3A_84 = arith.addi %add3A_83, %mul3A_82 : i32
        %get3A_85 = arith.index_cast %add3A_84 : i32 to index
        %get3A_86 = tpu.vector_load %arg7[%get3A_85] {strides = array<i32>} : memref<32768xi32, #tpu.memory_space<vmem>>, vector<16xi32>,
        %mul3A_87 = arith.constant 16 : i32
        %mul3A_88 = arith.muli %scan3A_68, %mul3A_87 : i32
        %add3A_89 = arith.constant 2048 : i32
        %add3A_90 = arith.addi %add3A_89, %mul3A_88 : i32
        %swap3A_91 = arith.index_cast %add3A_90 : i32 to index
        %swap3A_92 = tpu.vector_load %arg7[%swap3A_91] {strides = array<i32>} : memref<32768xi32, #tpu.memory_space<vmem>>, vector<16xi32>,
        tpu.vector_store %arg7[%swap3A_91], %broadcast_in_dim3A_3 {strides = array<i32>} : memref<32768xi32, #tpu.memory_space<vmem>>, vector<16xi32>,
        %add3A_93 = arith.addi %add3A_80, %get3A_86 : vector<16xi32>
        %mul3A_94 = arith.constant 16 : i32
        %mul3A_95 = arith.muli %scan3A_68, %mul3A_94 : i32
        %add3A_96 = arith.constant 4096 : i32
        %add3A_97 = arith.addi %add3A_96, %mul3A_95 : i32
        %get3A_98 = arith.index_cast %add3A_97 : i32 to index
        %get3A_99 = tpu.vector_load %arg7[%get3A_98] {strides = array<i32>} : memref<32768xi32, #tpu.memory_space<vmem>>, vector<16xi32>,
        %mul3A_100 = arith.constant 16 : i32
        %mul3A_101 = arith.muli %scan3A_68, %mul3A_100 : i32
        %add3A_102 = arith.constant 4096 : i32
        %add3A_103 = arith.addi %add3A_102, %mul3A_101 : i32
        %swap3A_104 = arith.index_cast %add3A_103 : i32 to index
        %swap3A_105 = tpu.vector_load %arg7[%swap3A_104] {strides = array<i32>} : memref<32768xi32, #tpu.memory_space<vmem>>, vector<16xi32>,
        tpu.vector_store %arg7[%swap3A_104], %broadcast_in_dim3A_3 {strides = array<i32>} : memref<32768xi32, #tpu.memory_space<vmem>>, vector<16xi32>,
        %add3A_106 = arith.addi %add3A_93, %get3A_99 : vector<16xi32>
        %mul3A_107 = arith.constant 16 : i32
        %mul3A_108 = arith.muli %scan3A_68, %mul3A_107 : i32
        %add3A_109 = arith.constant 6144 : i32
        %add3A_110 = arith.addi %add3A_109, %mul3A_108 : i32
        %get3A_111 = arith.index_cast %add3A_110 : i32 to index
        %get3A_112 = tpu.vector_load %arg7[%get3A_111] {strides = array<i32>} : memref<32768xi32, #tpu.memory_space<vmem>>, vector<16xi32>,
        %mul3A_113 = arith.constant 16 : i32
        %mul3A_114 = arith.muli %scan3A_68, %mul3A_113 : i32
        %add3A_115 = arith.constant 6144 : i32
        %add3A_116 = arith.addi %add3A_115, %mul3A_114 : i32
        %swap3A_117 = arith.index_cast %add3A_116 : i32 to index
        %swap3A_118 = tpu.vector_load %arg7[%swap3A_117] {strides = array<i32>} : memref<32768xi32, #tpu.memory_space<vmem>>, vector<16xi32>,
        tpu.vector_store %arg7[%swap3A_117], %broadcast_in_dim3A_3 {strides = array<i32>} : memref<32768xi32, #tpu.memory_space<vmem>>, vector<16xi32>,
        %add3A_119 = arith.addi %add3A_106, %get3A_112 : vector<16xi32>
        %mul3A_120 = arith.constant 16 : i32
        %mul3A_121 = arith.muli %scan3A_68, %mul3A_120 : i32
        %add3A_122 = arith.constant 8192 : i32
        %add3A_123 = arith.addi %add3A_122, %mul3A_121 : i32
        %get3A_124 = arith.index_cast %add3A_123 : i32 to index
        %get3A_125 = tpu.vector_load %arg7[%get3A_124] {strides = array<i32>} : memref<32768xi32, #tpu.memory_space<vmem>>, vector<16xi32>,
        %mul3A_126 = arith.constant 16 : i32
        %mul3A_127 = arith.muli %scan3A_68, %mul3A_126 : i32
        %add3A_128 = arith.constant 8192 : i32
        %add3A_129 = arith.addi %add3A_128, %mul3A_127 : i32
        %swap3A_130 = arith.index_cast %add3A_129 : i32 to index
        %swap3A_131 = tpu.vector_load %arg7[%swap3A_130] {strides = array<i32>} : memref<32768xi32, #tpu.memory_space<vmem>>, vector<16xi32>,
        tpu.vector_store %arg7[%swap3A_130], %broadcast_in_dim3A_3 {strides = array<i32>} : memref<32768xi32, #tpu.memory_space<vmem>>, vector<16xi32>,
        %add3A_132 = arith.addi %add3A_119, %get3A_125 : vector<16xi32>
        %mul3A_133 = arith.constant 16 : i32
        %mul3A_134 = arith.muli %scan3A_68, %mul3A_133 : i32
        %add3A_135 = arith.constant 10240 : i32
        %add3A_136 = arith.addi %add3A_135, %mul3A_134 : i32
        %get3A_137 = arith.index_cast %add3A_136 : i32 to index
        %get3A_138 = tpu.vector_load %arg7[%get3A_137] {strides = array<i32>} : memref<32768xi32, #tpu.memory_space<vmem>>, vector<16xi32>,
        %mul3A_139 = arith.constant 16 : i32
        %mul3A_140 = arith.muli %scan3A_68, %mul3A_139 : i32
        %add3A_141 = arith.constant 10240 : i32
        %add3A_142 = arith.addi %add3A_141, %mul3A_140 : i32
        %swap3A_143 = arith.index_cast %add3A_142 : i32 to index
        %swap3A_144 = tpu.vector_load %arg7[%swap3A_143] {strides = array<i32>} : memref<32768xi32, #tpu.memory_space<vmem>>, vector<16xi32>,
        tpu.vector_store %arg7[%swap3A_143], %broadcast_in_dim3A_3 {strides = array<i32>} : memref<32768xi32, #tpu.memory_space<vmem>>, vector<16xi32>,
        %add3A_145 = arith.addi %add3A_132, %get3A_138 : vector<16xi32>
        %mul3A_146 = arith.constant 16 : i32
        %mul3A_147 = arith.muli %scan3A_68, %mul3A_146 : i32
        %add3A_148 = arith.constant 12288 : i32
        %add3A_149 = arith.addi %add3A_148, %mul3A_147 : i32
        %get3A_150 = arith.index_cast %add3A_149 : i32 to index
        %get3A_151 = tpu.vector_load %arg7[%get3A_150] {strides = array<i32>} : memref<32768xi32, #tpu.memory_space<vmem>>, vector<16xi32>,
        %mul3A_152 = arith.constant 16 : i32
        %mul3A_153 = arith.muli %scan3A_68, %mul3A_152 : i32
        %add3A_154 = arith.constant 12288 : i32
        %add3A_155 = arith.addi %add3A_154, %mul3A_153 : i32
        %swap3A_156 = arith.index_cast %add3A_155 : i32 to index
        %swap3A_157 = tpu.vector_load %arg7[%swap3A_156] {strides = array<i32>} : memref<32768xi32, #tpu.memory_space<vmem>>, vector<16xi32>,
        tpu.vector_store %arg7[%swap3A_156], %broadcast_in_dim3A_3 {strides = array<i32>} : memref<32768xi32, #tpu.memory_space<vmem>>, vector<16xi32>,
        %add3A_158 = arith.addi %add3A_145, %get3A_151 : vector<16xi32>
        %mul3A_159 = arith.constant 16 : i32
        %mul3A_160 = arith.muli %scan3A_68, %mul3A_159 : i32
        %add3A_161 = arith.constant 14336 : i32
        %add3A_162 = arith.addi %add3A_161, %mul3A_160 : i32
        %get3A_163 = arith.index_cast %add3A_162 : i32 to index
        %get3A_164 = tpu.vector_load %arg7[%get3A_163] {strides = array<i32>} : memref<32768xi32, #tpu.memory_space<vmem>>, vector<16xi32>,
        %mul3A_165 = arith.constant 16 : i32
        %mul3A_166 = arith.muli %scan3A_68, %mul3A_165 : i32
        %add3A_167 = arith.constant 14336 : i32
        %add3A_168 = arith.addi %add3A_167, %mul3A_166 : i32
        %swap3A_169 = arith.index_cast %add3A_168 : i32 to index
        %swap3A_170 = tpu.vector_load %arg7[%swap3A_169] {strides = array<i32>} : memref<32768xi32, #tpu.memory_space<vmem>>, vector<16xi32>,
        tpu.vector_store %arg7[%swap3A_169], %broadcast_in_dim3A_3 {strides = array<i32>} : memref<32768xi32, #tpu.memory_space<vmem>>, vector<16xi32>,
        %add3A_171 = arith.addi %add3A_158, %get3A_164 : vector<16xi32>
        %mul3A_172 = arith.constant 16 : i32
        %mul3A_173 = arith.muli %scan3A_68, %mul3A_172 : i32
        %add3A_174 = arith.constant 16384 : i32
        %add3A_175 = arith.addi %add3A_174, %mul3A_173 : i32
        %get3A_176 = arith.index_cast %add3A_175 : i32 to index
        %get3A_177 = tpu.vector_load %arg7[%get3A_176] {strides = array<i32>} : memref<32768xi32, #tpu.memory_space<vmem>>, vector<16xi32>,
        %mul3A_178 = arith.constant 16 : i32
        %mul3A_179 = arith.muli %scan3A_68, %mul3A_178 : i32
        %add3A_180 = arith.constant 16384 : i32
        %add3A_181 = arith.addi %add3A_180, %mul3A_179 : i32
        %swap3A_182 = arith.index_cast %add3A_181 : i32 to index
        %swap3A_183 = tpu.vector_load %arg7[%swap3A_182] {strides = array<i32>} : memref<32768xi32, #tpu.memory_space<vmem>>, vector<16xi32>,
        tpu.vector_store %arg7[%swap3A_182], %broadcast_in_dim3A_3 {strides = array<i32>} : memref<32768xi32, #tpu.memory_space<vmem>>, vector<16xi32>,
        %add3A_184 = arith.addi %add3A_171, %get3A_177 : vector<16xi32>
        %mul3A_185 = arith.constant 16 : i32
        %mul3A_186 = arith.muli %scan3A_68, %mul3A_185 : i32
        %add3A_187 = arith.constant 18432 : i32
        %add3A_188 = arith.addi %add3A_187, %mul3A_186 : i32
        %get3A_189 = arith.index_cast %add3A_188 : i32 to index
        %get3A_190 = tpu.vector_load %arg7[%get3A_189] {strides = array<i32>} : memref<32768xi32, #tpu.memory_space<vmem>>, vector<16xi32>,
        %mul3A_191 = arith.constant 16 : i32
        %mul3A_192 = arith.muli %scan3A_68, %mul3A_191 : i32
        %add3A_193 = arith.constant 18432 : i32
        %add3A_194 = arith.addi %add3A_193, %mul3A_192 : i32
        %swap3A_195 = arith.index_cast %add3A_194 : i32 to index
        %swap3A_196 = tpu.vector_load %arg7[%swap3A_195] {strides = array<i32>} : memref<32768xi32, #tpu.memory_space<vmem>>, vector<16xi32>,
        tpu.vector_store %arg7[%swap3A_195], %broadcast_in_dim3A_3 {strides = array<i32>} : memref<32768xi32, #tpu.memory_space<vmem>>, vector<16xi32>,
        %add3A_197 = arith.addi %add3A_184, %get3A_190 : vector<16xi32>
        %mul3A_198 = arith.constant 16 : i32
        %mul3A_199 = arith.muli %scan3A_68, %mul3A_198 : i32
        %add3A_200 = arith.constant 20480 : i32
        %add3A_201 = arith.addi %add3A_200, %mul3A_199 : i32
        %get3A_202 = arith.index_cast %add3A_201 : i32 to index
        %get3A_203 = tpu.vector_load %arg7[%get3A_202] {strides = array<i32>} : memref<32768xi32, #tpu.memory_space<vmem>>, vector<16xi32>,
        %mul3A_204 = arith.constant 16 : i32
        %mul3A_205 = arith.muli %scan3A_68, %mul3A_204 : i32
        %add3A_206 = arith.constant 20480 : i32
        %add3A_207 = arith.addi %add3A_206, %mul3A_205 : i32
        %swap3A_208 = arith.index_cast %add3A_207 : i32 to index
        %swap3A_209 = tpu.vector_load %arg7[%swap3A_208] {strides = array<i32>} : memref<32768xi32, #tpu.memory_space<vmem>>, vector<16xi32>,
        tpu.vector_store %arg7[%swap3A_208], %broadcast_in_dim3A_3 {strides = array<i32>} : memref<32768xi32, #tpu.memory_space<vmem>>, vector<16xi32>,
        %add3A_210 = arith.addi %add3A_197, %get3A_203 : vector<16xi32>
        %mul3A_211 = arith.constant 16 : i32
        %mul3A_212 = arith.muli %scan3A_68, %mul3A_211 : i32
        %add3A_213 = arith.constant 22528 : i32
        %add3A_214 = arith.addi %add3A_213, %mul3A_212 : i32
        %get3A_215 = arith.index_cast %add3A_214 : i32 to index
        %get3A_216 = tpu.vector_load %arg7[%get3A_215] {strides = array<i32>} : memref<32768xi32, #tpu.memory_space<vmem>>, vector<16xi32>,
        %mul3A_217 = arith.constant 16 : i32
        %mul3A_218 = arith.muli %scan3A_68, %mul3A_217 : i32
        %add3A_219 = arith.constant 22528 : i32
        %add3A_220 = arith.addi %add3A_219, %mul3A_218 : i32
        %swap3A_221 = arith.index_cast %add3A_220 : i32 to index
        %swap3A_222 = tpu.vector_load %arg7[%swap3A_221] {strides = array<i32>} : memref<32768xi32, #tpu.memory_space<vmem>>, vector<16xi32>,
        tpu.vector_store %arg7[%swap3A_221], %broadcast_in_dim3A_3 {strides = array<i32>} : memref<32768xi32, #tpu.memory_space<vmem>>, vector<16xi32>,
        %add3A_223 = arith.addi %add3A_210, %get3A_216 : vector<16xi32>
        %mul3A_224 = arith.constant 16 : i32
        %mul3A_225 = arith.muli %scan3A_68, %mul3A_224 : i32
        %add3A_226 = arith.constant 24576 : i32
        %add3A_227 = arith.addi %add3A_226, %mul3A_225 : i32
        %get3A_228 = arith.index_cast %add3A_227 : i32 to index
        %get3A_229 = tpu.vector_load %arg7[%get3A_228] {strides = array<i32>} : memref<32768xi32, #tpu.memory_space<vmem>>, vector<16xi32>,
        %mul3A_230 = arith.constant 16 : i32
        %mul3A_231 = arith.muli %scan3A_68, %mul3A_230 : i32
        %add3A_232 = arith.constant 24576 : i32
        %add3A_233 = arith.addi %add3A_232, %mul3A_231 : i32
        %swap3A_234 = arith.index_cast %add3A_233 : i32 to index
        %swap3A_235 = tpu.vector_load %arg7[%swap3A_234] {strides = array<i32>} : memref<32768xi32, #tpu.memory_space<vmem>>, vector<16xi32>,
        tpu.vector_store %arg7[%swap3A_234], %broadcast_in_dim3A_3 {strides = array<i32>} : memref<32768xi32, #tpu.memory_space<vmem>>, vector<16xi32>,
        %add3A_236 = arith.addi %add3A_223, %get3A_229 : vector<16xi32>
        %mul3A_237 = arith.constant 16 : i32
        %mul3A_238 = arith.muli %scan3A_68, %mul3A_237 : i32
        %add3A_239 = arith.constant 26624 : i32
        %add3A_240 = arith.addi %add3A_239, %mul3A_238 : i32
        %get3A_241 = arith.index_cast %add3A_240 : i32 to index
        %get3A_242 = tpu.vector_load %arg7[%get3A_241] {strides = array<i32>} : memref<32768xi32, #tpu.memory_space<vmem>>, vector<16xi32>,
        %mul3A_243 = arith.constant 16 : i32
        %mul3A_244 = arith.muli %scan3A_68, %mul3A_243 : i32
        %add3A_245 = arith.constant 26624 : i32
        %add3A_246 = arith.addi %add3A_245, %mul3A_244 : i32
        %swap3A_247 = arith.index_cast %add3A_246 : i32 to index
        %swap3A_248 = tpu.vector_load %arg7[%swap3A_247] {strides = array<i32>} : memref<32768xi32, #tpu.memory_space<vmem>>, vector<16xi32>,
        tpu.vector_store %arg7[%swap3A_247], %broadcast_in_dim3A_3 {strides = array<i32>} : memref<32768xi32, #tpu.memory_space<vmem>>, vector<16xi32>,
        %add3A_249 = arith.addi %add3A_236, %get3A_242 : vector<16xi32>
        %mul3A_250 = arith.constant 16 : i32
        %mul3A_251 = arith.muli %scan3A_68, %mul3A_250 : i32
        %add3A_252 = arith.constant 28672 : i32
        %add3A_253 = arith.addi %add3A_252, %mul3A_251 : i32
        %get3A_254 = arith.index_cast %add3A_253 : i32 to index
        %get3A_255 = tpu.vector_load %arg7[%get3A_254] {strides = array<i32>} : memref<32768xi32, #tpu.memory_space<vmem>>, vector<16xi32>,
        %mul3A_256 = arith.constant 16 : i32
        %mul3A_257 = arith.muli %scan3A_68, %mul3A_256 : i32
        %add3A_258 = arith.constant 28672 : i32
        %add3A_259 = arith.addi %add3A_258, %mul3A_257 : i32
        %swap3A_260 = arith.index_cast %add3A_259 : i32 to index
        %swap3A_261 = tpu.vector_load %arg7[%swap3A_260] {strides = array<i32>} : memref<32768xi32, #tpu.memory_space<vmem>>, vector<16xi32>,
        tpu.vector_store %arg7[%swap3A_260], %broadcast_in_dim3A_3 {strides = array<i32>} : memref<32768xi32, #tpu.memory_space<vmem>>, vector<16xi32>,
        %add3A_262 = arith.addi %add3A_249, %get3A_255 : vector<16xi32>
        %mul3A_263 = arith.constant 16 : i32
        %mul3A_264 = arith.muli %scan3A_68, %mul3A_263 : i32
        %add3A_265 = arith.constant 30720 : i32
        %add3A_266 = arith.addi %add3A_265, %mul3A_264 : i32
        %get3A_267 = arith.index_cast %add3A_266 : i32 to index
        %get3A_268 = tpu.vector_load %arg7[%get3A_267] {strides = array<i32>} : memref<32768xi32, #tpu.memory_space<vmem>>, vector<16xi32>,
        %mul3A_269 = arith.constant 16 : i32
        %mul3A_270 = arith.muli %scan3A_68, %mul3A_269 : i32
        %add3A_271 = arith.constant 30720 : i32
        %add3A_272 = arith.addi %add3A_271, %mul3A_270 : i32
        %swap3A_273 = arith.index_cast %add3A_272 : i32 to index
        %swap3A_274 = tpu.vector_load %arg7[%swap3A_273] {strides = array<i32>} : memref<32768xi32, #tpu.memory_space<vmem>>, vector<16xi32>,
        tpu.vector_store %arg7[%swap3A_273], %broadcast_in_dim3A_3 {strides = array<i32>} : memref<32768xi32, #tpu.memory_space<vmem>>, vector<16xi32>,
        %add3A_275 = arith.addi %add3A_262, %get3A_268 : vector<16xi32>
        %broadcast_in_dim3A_276 = arith.constant true
        %broadcast_in_dim3A_277 = vector.broadcast %broadcast_in_dim3A_276 : i1 to vector<16xi1>
        %masked_cumsum3A = tpu.scan <sum>, %add3A_275 masked %broadcast_in_dim3A_277 : vector<16xi32>, vector<16xi1> -> vector<16xi32>
        %sub3A_278 = arith.subi %masked_cumsum3A, %add3A_275 : vector<16xi32>
        %add3A_279 = vector.broadcast %scan3A_69 : i32 to vector<16xi32>
        %add3A_280 = arith.addi %sub3A_278, %add3A_279 : vector<16xi32>
        %mul3A_281 = arith.constant 16 : i32
        %mul3A_282 = arith.muli %scan3A_68, %mul3A_281 : i32
        %swap3A_283 = arith.index_cast %mul3A_282 : i32 to index
        %swap3A_284 = tpu.vector_load %arg6[%swap3A_283] {strides = array<i32>} : memref<2048xi32, #tpu.memory_space<vmem>>, vector<16xi32>,
        tpu.vector_store %arg6[%swap3A_283], %add3A_280 {strides = array<i32>} : memref<2048xi32, #tpu.memory_space<vmem>>, vector<16xi32>,
        %reduce_sum3A = arith.constant true
        %reduce_sum3A_285 = vector.broadcast %reduce_sum3A : i1 to vector<16xi1>
        %reduce_sum3A_286 = tpu.scan <sum>, %add3A_275 masked %reduce_sum3A_285 : vector<16xi32>, vector<16xi1> -> vector<16xi32>
        %reduce_sum3A_287 = vector.extract %reduce_sum3A_286[15] : i32 from vector<16xi32>
        %add3A_288 = arith.addi %scan3A_69, %reduce_sum3A_287 : i32
        scf.yield %add3A_288 : i32
      }
      %scan3A_45 = arith.constant 128 : i32
      %scan3A_46 = arith.constant 0 : i32
      %scan3A_47 = arith.constant 0 : i32
      %scan3A_48 = arith.constant 512 : i32
      %scan3A_49 = arith.addi %scan3A_47, %scan3A_48 : i32
      %scan3A_50 = arith.constant 1 : i32
      scf.for %scan3A_68 = %scan3A_47 to %scan3A_49 step %scan3A_50  : i32 {
        %mul3A_69 = arith.constant 4 : i32
        %mul3A_70 = arith.muli %scan3A_68, %mul3A_69 : i32
        %add3A_71 = arith.constant 0 : i32
        %add3A_72 = arith.addi %mul3A_70, %add3A_71 : i32
        %mul3A_73 = arith.constant 16 : i32
        %mul3A_74 = arith.muli %add3A_72, %mul3A_73 : i32
        %get3A = arith.index_cast %mul3A_74 : i32 to index
        %get3A_75 = tpu.vector_load %arg5[%get3A] {strides = array<i32>} : memref<32768xi32, #tpu.memory_space<vmem>>, vector<16xi32>,
        %broadcast_in_dim3A_76 = arith.constant 31 : i32
        %broadcast_in_dim3A_77 = vector.broadcast %broadcast_in_dim3A_76 : i32 to vector<16xi32>
        %shift_right_logical3A = arith.shrui %get3A_75, %broadcast_in_dim3A_77 : vector<16xi32>
        %sub3A_78 = arith.constant 0 : i32
        %sub3A_79 = vector.broadcast %sub3A_78 : i32 to vector<16xi32>
        %sub3A_80 = arith.subi %sub3A_79, %shift_right_logical3A : vector<16xi32>
        %or3A = vector.broadcast %scan3A_6 : i32 to vector<16xi32>
        %or3A_81 = arith.ori %sub3A_80, %or3A : vector<16xi32>
        %xor3A = arith.xori %get3A_75, %or3A_81 : vector<16xi32>
        %xor3A_82 = arith.xori %xor3A, %sub3A_19 : vector<16xi32>
        %broadcast_in_dim3A_83 = arith.constant 11 : i32
        %broadcast_in_dim3A_84 = vector.broadcast %broadcast_in_dim3A_83 : i32 to vector<16xi32>
        %shift_right_logical3A_85 = arith.shrui %xor3A_82, %broadcast_in_dim3A_84 : vector<16xi32>
        %and3A_86 = arith.constant 2047 : i32
        %and3A_87 = vector.broadcast %and3A_86 : i32 to vector<16xi32>
        %and3A_88 = arith.andi %shift_right_logical3A_85, %and3A_87 : vector<16xi32>
        %mul3A_89 = arith.constant 16 : i32
        %mul3A_90 = vector.broadcast %mul3A_89 : i32 to vector<16xi32>
        %mul3A_91 = arith.muli %and3A_88, %mul3A_90 : vector<16xi32>
        %add3A_92 = arith.addi %mul3A_91, %iota3A : vector<16xi32>
        %masked_sort3A = arith.constant dense<true> : vector<16xi1>
        %masked_sort3A_93 = arith.constant -2147483648 : i32
        %masked_sort3A_94 = vector.broadcast %masked_sort3A_93 : i32 to vector<16xi32>
        %masked_sort3A_95 = arith.xori %add3A_92, %masked_sort3A_94 : vector<16xi32>
        %masked_sort3A_96, %masked_sort3A_97, %masked_sort3A_98 = tpu.sort %masked_sort3A_95, %iota3A masked %masked_sort3A : (vector<16xi32>, vector<16xi32>, vector<16xi1>) -> (vector<16xi1>, vector<16xi32>, vector<16xi32>)
        %masked_sort3A_99 = arith.xori %masked_sort3A_97, %masked_sort3A_94 : vector<16xi32>
        %broadcast_in_dim3A_100 = arith.constant 4 : i32
        %broadcast_in_dim3A_101 = vector.broadcast %broadcast_in_dim3A_100 : i32 to vector<16xi32>
        %shift_right_logical3A_102 = arith.shrui %masked_sort3A_99, %broadcast_in_dim3A_101 : vector<16xi32>
        %sub3A_103 = arith.constant 1 : i32
        %sub3A_104 = vector.broadcast %sub3A_103 : i32 to vector<16xi32>
        %sub3A_105 = arith.subi %iota3A, %sub3A_104 : vector<16xi32>
        %max3A = arith.constant 0 : i32
        %max3A_106 = vector.broadcast %max3A : i32 to vector<16xi32>
        %max3A_107 = arith.maxsi %sub3A_105, %max3A_106 : vector<16xi32>
        %lt3A = arith.constant 0 : i32
        %lt3A_108 = vector.broadcast %lt3A : i32 to vector<16xi32>
        %lt3A_109 = arith.cmpi slt, %max3A_107, %lt3A_108 : vector<16xi32>
        %add3A_110 = arith.constant 16 : i32
        %add3A_111 = vector.broadcast %add3A_110 : i32 to vector<16xi32>
        %add3A_112 = arith.addi %max3A_107, %add3A_111 : vector<16xi32>
        %select_n3A = arith.select %lt3A_109, %add3A_112, %max3A_107 : vector<16xi1>, vector<16xi32>
        %broadcast_in_dim3A_113 = vector.shape_cast %select_n3A : vector<16xi32> to vector<16x1xi32>
        %gather3A = vector.shape_cast %broadcast_in_dim3A_113 : vector<16x1xi32> to vector<16xi32>
        %gather3A_114 = tpu.dynamic_gather %shift_right_logical3A_102[%gather3A] in [0] : vector<16xi32>, vector<16xi32> -> vector<16xi32>
        %eq3A = arith.constant 0 : i32
        %eq3A_115 = vector.broadcast %eq3A : i32 to vector<16xi32>
        %eq3A_116 = arith.cmpi eq, %iota3A, %eq3A_115 : vector<16xi32>
        %ne3A = arith.cmpi ne, %shift_right_logical3A_102, %gather3A_114 : vector<16xi32>
        %or3A_117 = arith.ori %eq3A_116, %ne3A : vector<16xi1>
        %jit3A = arith.constant 0 : i32
        %broadcast_in_dim3A_118 = vector.broadcast %jit3A : i32 to vector<16xi32>
        %select_n3A_119 = arith.select %or3A_117, %iota3A, %broadcast_in_dim3A_118 : vector<16xi1>, vector<16xi32>
        %broadcast_in_dim3A_120 = arith.constant true
        %broadcast_in_dim3A_121 = vector.broadcast %broadcast_in_dim3A_120 : i1 to vector<16xi1>
        %masked_cummax3A = arith.constant -2147483648 : i32
        %masked_cummax3A_122 = vector.broadcast %masked_cummax3A : i32 to vector<16xi32>
        %masked_cummax3A_123 = arith.xori %select_n3A_119, %masked_cummax3A_122 : vector<16xi32>
        %masked_cummax3A_124 = tpu.scan <max>, %masked_cummax3A_123 masked %broadcast_in_dim3A_121 : vector<16xi32>, vector<16xi1> -> vector<16xi32>
        %masked_cummax3A_125 = arith.xori %masked_cummax3A_124, %masked_cummax3A_122 : vector<16xi32>
        %sub3A_126 = arith.subi %iota3A, %masked_cummax3A_125 : vector<16xi32>
        %add3A_127 = arith.constant 1 : i32
        %add3A_128 = vector.broadcast %add3A_127 : i32 to vector<16xi32>
        %add3A_129 = arith.addi %iota3A, %add3A_128 : vector<16xi32>
        %min3A = arith.constant 15 : i32
        %min3A_130 = vector.broadcast %min3A : i32 to vector<16xi32>
        %min3A_131 = arith.minsi %add3A_129, %min3A_130 : vector<16xi32>
        %lt3A_132 = arith.constant 0 : i32
        %lt3A_133 = vector.broadcast %lt3A_132 : i32 to vector<16xi32>
        %lt3A_134 = arith.cmpi slt, %min3A_131, %lt3A_133 : vector<16xi32>
        %add3A_135 = arith.constant 16 : i32
        %add3A_136 = vector.broadcast %add3A_135 : i32 to vector<16xi32>
        %add3A_137 = arith.addi %min3A_131, %add3A_136 : vector<16xi32>
        %select_n3A_138 = arith.select %lt3A_134, %add3A_137, %min3A_131 : vector<16xi1>, vector<16xi32>
        %broadcast_in_dim3A_139 = vector.shape_cast %select_n3A_138 : vector<16xi32> to vector<16x1xi32>
        %gather3A_140 = vector.shape_cast %broadcast_in_dim3A_139 : vector<16x1xi32> to vector<16xi32>
        %gather3A_141 = tpu.dynamic_gather %shift_right_logical3A_102[%gather3A_140] in [0] : vector<16xi32>, vector<16xi32> -> vector<16xi32>
        %eq3A_142 = arith.constant 15 : i32
        %eq3A_143 = vector.broadcast %eq3A_142 : i32 to vector<16xi32>
        %eq3A_144 = arith.cmpi eq, %iota3A, %eq3A_143 : vector<16xi32>
        %ne3A_145 = arith.cmpi ne, %shift_right_logical3A_102, %gather3A_141 : vector<16xi32>
        %or3A_146 = arith.ori %eq3A_144, %ne3A_145 : vector<16xi1>
        %gather3A_147 = tpu.vector_load_idx %arg6[%shift_right_logical3A_102] : memref<2048xi32, #tpu.memory_space<vmem>>[vector<16xi32>], vector<16xi32>,
        %add3A_148 = arith.addi %gather3A_147, %sub3A_126 : vector<16xi32>
        %add3A_149 = arith.constant 1 : i32
        %add3A_150 = vector.broadcast %add3A_149 : i32 to vector<16xi32>
        %add3A_151 = arith.addi %add3A_148, %add3A_150 : vector<16xi32>
        tpu.vector_store_idx %arg6[%shift_right_logical3A_102], %add3A_151 masked %or3A_146 : memref<2048xi32, #tpu.memory_space<vmem>>[vector<16xi32>], vector<16xi32>, vector<16xi1>
        %lt3A_152 = arith.constant 0 : i32
        %lt3A_153 = vector.broadcast %lt3A_152 : i32 to vector<16xi32>
        %lt3A_154 = arith.cmpi slt, %masked_sort3A_98, %lt3A_153 : vector<16xi32>
        %add3A_155 = arith.constant 16 : i32
        %add3A_156 = vector.broadcast %add3A_155 : i32 to vector<16xi32>
        %add3A_157 = arith.addi %masked_sort3A_98, %add3A_156 : vector<16xi32>
        %select_n3A_158 = arith.select %lt3A_154, %add3A_157, %masked_sort3A_98 : vector<16xi1>, vector<16xi32>
        %broadcast_in_dim3A_159 = vector.shape_cast %select_n3A_158 : vector<16xi32> to vector<16x1xi32>
        %gather3A_160 = vector.shape_cast %broadcast_in_dim3A_159 : vector<16x1xi32> to vector<16xi32>
        %gather3A_161 = tpu.dynamic_gather %get3A_75[%gather3A_160] in [0] : vector<16xi32>, vector<16xi32> -> vector<16xi32>
        tpu.vector_store_idx %arg4[%add3A_148], %gather3A_161 : memref<32768xi32, #tpu.memory_space<vmem>>[vector<16xi32>], vector<16xi32>,
        %mul3A_162 = arith.constant 4 : i32
        %mul3A_163 = arith.muli %scan3A_68, %mul3A_162 : i32
        %add3A_164 = arith.constant 1 : i32
        %add3A_165 = arith.addi %mul3A_163, %add3A_164 : i32
        %mul3A_166 = arith.constant 16 : i32
        %mul3A_167 = arith.muli %add3A_165, %mul3A_166 : i32
        %get3A_168 = arith.index_cast %mul3A_167 : i32 to index
        %get3A_169 = tpu.vector_load %arg5[%get3A_168] {strides = array<i32>} : memref<32768xi32, #tpu.memory_space<vmem>>, vector<16xi32>,
        %broadcast_in_dim3A_170 = arith.constant 31 : i32
        %broadcast_in_dim3A_171 = vector.broadcast %broadcast_in_dim3A_170 : i32 to vector<16xi32>
        %shift_right_logical3A_172 = arith.shrui %get3A_169, %broadcast_in_dim3A_171 : vector<16xi32>
        %sub3A_173 = arith.constant 0 : i32
        %sub3A_174 = vector.broadcast %sub3A_173 : i32 to vector<16xi32>
        %sub3A_175 = arith.subi %sub3A_174, %shift_right_logical3A_172 : vector<16xi32>
        %or3A_176 = vector.broadcast %scan3A_6 : i32 to vector<16xi32>
        %or3A_177 = arith.ori %sub3A_175, %or3A_176 : vector<16xi32>
        %xor3A_178 = arith.xori %get3A_169, %or3A_177 : vector<16xi32>
        %xor3A_179 = arith.xori %xor3A_178, %sub3A_19 : vector<16xi32>
        %broadcast_in_dim3A_180 = arith.constant 11 : i32
        %broadcast_in_dim3A_181 = vector.broadcast %broadcast_in_dim3A_180 : i32 to vector<16xi32>
        %shift_right_logical3A_182 = arith.shrui %xor3A_179, %broadcast_in_dim3A_181 : vector<16xi32>
        %and3A_183 = arith.constant 2047 : i32
        %and3A_184 = vector.broadcast %and3A_183 : i32 to vector<16xi32>
        %and3A_185 = arith.andi %shift_right_logical3A_182, %and3A_184 : vector<16xi32>
        %mul3A_186 = arith.constant 16 : i32
        %mul3A_187 = vector.broadcast %mul3A_186 : i32 to vector<16xi32>
        %mul3A_188 = arith.muli %and3A_185, %mul3A_187 : vector<16xi32>
        %add3A_189 = arith.addi %mul3A_188, %iota3A : vector<16xi32>
        %masked_sort3A_190 = arith.constant dense<true> : vector<16xi1>
        %masked_sort3A_191 = arith.constant -2147483648 : i32
        %masked_sort3A_192 = vector.broadcast %masked_sort3A_191 : i32 to vector<16xi32>
        %masked_sort3A_193 = arith.xori %add3A_189, %masked_sort3A_192 : vector<16xi32>
        %masked_sort3A_194, %masked_sort3A_195, %masked_sort3A_196 = tpu.sort %masked_sort3A_193, %iota3A masked %masked_sort3A_190 : (vector<16xi32>, vector<16xi32>, vector<16xi1>) -> (vector<16xi1>, vector<16xi32>, vector<16xi32>)
        %masked_sort3A_197 = arith.xori %masked_sort3A_195, %masked_sort3A_192 : vector<16xi32>
        %broadcast_in_dim3A_198 = arith.constant 4 : i32
        %broadcast_in_dim3A_199 = vector.broadcast %broadcast_in_dim3A_198 : i32 to vector<16xi32>
        %shift_right_logical3A_200 = arith.shrui %masked_sort3A_197, %broadcast_in_dim3A_199 : vector<16xi32>
        %sub3A_201 = arith.constant 1 : i32
        %sub3A_202 = vector.broadcast %sub3A_201 : i32 to vector<16xi32>
        %sub3A_203 = arith.subi %iota3A, %sub3A_202 : vector<16xi32>
        %max3A_204 = arith.constant 0 : i32
        %max3A_205 = vector.broadcast %max3A_204 : i32 to vector<16xi32>
        %max3A_206 = arith.maxsi %sub3A_203, %max3A_205 : vector<16xi32>
        %lt3A_207 = arith.constant 0 : i32
        %lt3A_208 = vector.broadcast %lt3A_207 : i32 to vector<16xi32>
        %lt3A_209 = arith.cmpi slt, %max3A_206, %lt3A_208 : vector<16xi32>
        %add3A_210 = arith.constant 16 : i32
        %add3A_211 = vector.broadcast %add3A_210 : i32 to vector<16xi32>
        %add3A_212 = arith.addi %max3A_206, %add3A_211 : vector<16xi32>
        %select_n3A_213 = arith.select %lt3A_209, %add3A_212, %max3A_206 : vector<16xi1>, vector<16xi32>
        %broadcast_in_dim3A_214 = vector.shape_cast %select_n3A_213 : vector<16xi32> to vector<16x1xi32>
        %gather3A_215 = vector.shape_cast %broadcast_in_dim3A_214 : vector<16x1xi32> to vector<16xi32>
        %gather3A_216 = tpu.dynamic_gather %shift_right_logical3A_200[%gather3A_215] in [0] : vector<16xi32>, vector<16xi32> -> vector<16xi32>
        %eq3A_217 = arith.constant 0 : i32
        %eq3A_218 = vector.broadcast %eq3A_217 : i32 to vector<16xi32>
        %eq3A_219 = arith.cmpi eq, %iota3A, %eq3A_218 : vector<16xi32>
        %ne3A_220 = arith.cmpi ne, %shift_right_logical3A_200, %gather3A_216 : vector<16xi32>
        %or3A_221 = arith.ori %eq3A_219, %ne3A_220 : vector<16xi1>
        %jit3A_222 = arith.constant 0 : i32
        %broadcast_in_dim3A_223 = vector.broadcast %jit3A_222 : i32 to vector<16xi32>
        %select_n3A_224 = arith.select %or3A_221, %iota3A, %broadcast_in_dim3A_223 : vector<16xi1>, vector<16xi32>
        %broadcast_in_dim3A_225 = arith.constant true
        %broadcast_in_dim3A_226 = vector.broadcast %broadcast_in_dim3A_225 : i1 to vector<16xi1>
        %masked_cummax3A_227 = arith.constant -2147483648 : i32
        %masked_cummax3A_228 = vector.broadcast %masked_cummax3A_227 : i32 to vector<16xi32>
        %masked_cummax3A_229 = arith.xori %select_n3A_224, %masked_cummax3A_228 : vector<16xi32>
        %masked_cummax3A_230 = tpu.scan <max>, %masked_cummax3A_229 masked %broadcast_in_dim3A_226 : vector<16xi32>, vector<16xi1> -> vector<16xi32>
        %masked_cummax3A_231 = arith.xori %masked_cummax3A_230, %masked_cummax3A_228 : vector<16xi32>
        %sub3A_232 = arith.subi %iota3A, %masked_cummax3A_231 : vector<16xi32>
        %add3A_233 = arith.constant 1 : i32
        %add3A_234 = vector.broadcast %add3A_233 : i32 to vector<16xi32>
        %add3A_235 = arith.addi %iota3A, %add3A_234 : vector<16xi32>
        %min3A_236 = arith.constant 15 : i32
        %min3A_237 = vector.broadcast %min3A_236 : i32 to vector<16xi32>
        %min3A_238 = arith.minsi %add3A_235, %min3A_237 : vector<16xi32>
        %lt3A_239 = arith.constant 0 : i32
        %lt3A_240 = vector.broadcast %lt3A_239 : i32 to vector<16xi32>
        %lt3A_241 = arith.cmpi slt, %min3A_238, %lt3A_240 : vector<16xi32>
        %add3A_242 = arith.constant 16 : i32
        %add3A_243 = vector.broadcast %add3A_242 : i32 to vector<16xi32>
        %add3A_244 = arith.addi %min3A_238, %add3A_243 : vector<16xi32>
        %select_n3A_245 = arith.select %lt3A_241, %add3A_244, %min3A_238 : vector<16xi1>, vector<16xi32>
        %broadcast_in_dim3A_246 = vector.shape_cast %select_n3A_245 : vector<16xi32> to vector<16x1xi32>
        %gather3A_247 = vector.shape_cast %broadcast_in_dim3A_246 : vector<16x1xi32> to vector<16xi32>
        %gather3A_248 = tpu.dynamic_gather %shift_right_logical3A_200[%gather3A_247] in [0] : vector<16xi32>, vector<16xi32> -> vector<16xi32>
        %eq3A_249 = arith.constant 15 : i32
        %eq3A_250 = vector.broadcast %eq3A_249 : i32 to vector<16xi32>
        %eq3A_251 = arith.cmpi eq, %iota3A, %eq3A_250 : vector<16xi32>
        %ne3A_252 = arith.cmpi ne, %shift_right_logical3A_200, %gather3A_248 : vector<16xi32>
        %or3A_253 = arith.ori %eq3A_251, %ne3A_252 : vector<16xi1>
        %gather3A_254 = tpu.vector_load_idx %arg6[%shift_right_logical3A_200] : memref<2048xi32, #tpu.memory_space<vmem>>[vector<16xi32>], vector<16xi32>,
        %add3A_255 = arith.addi %gather3A_254, %sub3A_232 : vector<16xi32>
        %add3A_256 = arith.constant 1 : i32
        %add3A_257 = vector.broadcast %add3A_256 : i32 to vector<16xi32>
        %add3A_258 = arith.addi %add3A_255, %add3A_257 : vector<16xi32>
        tpu.vector_store_idx %arg6[%shift_right_logical3A_200], %add3A_258 masked %or3A_253 : memref<2048xi32, #tpu.memory_space<vmem>>[vector<16xi32>], vector<16xi32>, vector<16xi1>
        %lt3A_259 = arith.constant 0 : i32
        %lt3A_260 = vector.broadcast %lt3A_259 : i32 to vector<16xi32>
        %lt3A_261 = arith.cmpi slt, %masked_sort3A_196, %lt3A_260 : vector<16xi32>
        %add3A_262 = arith.constant 16 : i32
        %add3A_263 = vector.broadcast %add3A_262 : i32 to vector<16xi32>
        %add3A_264 = arith.addi %masked_sort3A_196, %add3A_263 : vector<16xi32>
        %select_n3A_265 = arith.select %lt3A_261, %add3A_264, %masked_sort3A_196 : vector<16xi1>, vector<16xi32>
        %broadcast_in_dim3A_266 = vector.shape_cast %select_n3A_265 : vector<16xi32> to vector<16x1xi32>
        %gather3A_267 = vector.shape_cast %broadcast_in_dim3A_266 : vector<16x1xi32> to vector<16xi32>
        %gather3A_268 = tpu.dynamic_gather %get3A_169[%gather3A_267] in [0] : vector<16xi32>, vector<16xi32> -> vector<16xi32>
        tpu.vector_store_idx %arg4[%add3A_255], %gather3A_268 : memref<32768xi32, #tpu.memory_space<vmem>>[vector<16xi32>], vector<16xi32>,
        %mul3A_269 = arith.constant 4 : i32
        %mul3A_270 = arith.muli %scan3A_68, %mul3A_269 : i32
        %add3A_271 = arith.constant 2 : i32
        %add3A_272 = arith.addi %mul3A_270, %add3A_271 : i32
        %mul3A_273 = arith.constant 16 : i32
        %mul3A_274 = arith.muli %add3A_272, %mul3A_273 : i32
        %get3A_275 = arith.index_cast %mul3A_274 : i32 to index
        %get3A_276 = tpu.vector_load %arg5[%get3A_275] {strides = array<i32>} : memref<32768xi32, #tpu.memory_space<vmem>>, vector<16xi32>,
        %broadcast_in_dim3A_277 = arith.constant 31 : i32
        %broadcast_in_dim3A_278 = vector.broadcast %broadcast_in_dim3A_277 : i32 to vector<16xi32>
        %shift_right_logical3A_279 = arith.shrui %get3A_276, %broadcast_in_dim3A_278 : vector<16xi32>
        %sub3A_280 = arith.constant 0 : i32
        %sub3A_281 = vector.broadcast %sub3A_280 : i32 to vector<16xi32>
        %sub3A_282 = arith.subi %sub3A_281, %shift_right_logical3A_279 : vector<16xi32>
        %or3A_283 = vector.broadcast %scan3A_6 : i32 to vector<16xi32>
        %or3A_284 = arith.ori %sub3A_282, %or3A_283 : vector<16xi32>
        %xor3A_285 = arith.xori %get3A_276, %or3A_284 : vector<16xi32>
        %xor3A_286 = arith.xori %xor3A_285, %sub3A_19 : vector<16xi32>
        %broadcast_in_dim3A_287 = arith.constant 11 : i32
        %broadcast_in_dim3A_288 = vector.broadcast %broadcast_in_dim3A_287 : i32 to vector<16xi32>
        %shift_right_logical3A_289 = arith.shrui %xor3A_286, %broadcast_in_dim3A_288 : vector<16xi32>
        %and3A_290 = arith.constant 2047 : i32
        %and3A_291 = vector.broadcast %and3A_290 : i32 to vector<16xi32>
        %and3A_292 = arith.andi %shift_right_logical3A_289, %and3A_291 : vector<16xi32>
        %mul3A_293 = arith.constant 16 : i32
        %mul3A_294 = vector.broadcast %mul3A_293 : i32 to vector<16xi32>
        %mul3A_295 = arith.muli %and3A_292, %mul3A_294 : vector<16xi32>
        %add3A_296 = arith.addi %mul3A_295, %iota3A : vector<16xi32>
        %masked_sort3A_297 = arith.constant dense<true> : vector<16xi1>
        %masked_sort3A_298 = arith.constant -2147483648 : i32
        %masked_sort3A_299 = vector.broadcast %masked_sort3A_298 : i32 to vector<16xi32>
        %masked_sort3A_300 = arith.xori %add3A_296, %masked_sort3A_299 : vector<16xi32>
        %masked_sort3A_301, %masked_sort3A_302, %masked_sort3A_303 = tpu.sort %masked_sort3A_300, %iota3A masked %masked_sort3A_297 : (vector<16xi32>, vector<16xi32>, vector<16xi1>) -> (vector<16xi1>, vector<16xi32>, vector<16xi32>)
        %masked_sort3A_304 = arith.xori %masked_sort3A_302, %masked_sort3A_299 : vector<16xi32>
        %broadcast_in_dim3A_305 = arith.constant 4 : i32
        %broadcast_in_dim3A_306 = vector.broadcast %broadcast_in_dim3A_305 : i32 to vector<16xi32>
        %shift_right_logical3A_307 = arith.shrui %masked_sort3A_304, %broadcast_in_dim3A_306 : vector<16xi32>
        %sub3A_308 = arith.constant 1 : i32
        %sub3A_309 = vector.broadcast %sub3A_308 : i32 to vector<16xi32>
        %sub3A_310 = arith.subi %iota3A, %sub3A_309 : vector<16xi32>
        %max3A_311 = arith.constant 0 : i32
        %max3A_312 = vector.broadcast %max3A_311 : i32 to vector<16xi32>
        %max3A_313 = arith.maxsi %sub3A_310, %max3A_312 : vector<16xi32>
        %lt3A_314 = arith.constant 0 : i32
        %lt3A_315 = vector.broadcast %lt3A_314 : i32 to vector<16xi32>
        %lt3A_316 = arith.cmpi slt, %max3A_313, %lt3A_315 : vector<16xi32>
        %add3A_317 = arith.constant 16 : i32
        %add3A_318 = vector.broadcast %add3A_317 : i32 to vector<16xi32>
        %add3A_319 = arith.addi %max3A_313, %add3A_318 : vector<16xi32>
        %select_n3A_320 = arith.select %lt3A_316, %add3A_319, %max3A_313 : vector<16xi1>, vector<16xi32>
        %broadcast_in_dim3A_321 = vector.shape_cast %select_n3A_320 : vector<16xi32> to vector<16x1xi32>
        %gather3A_322 = vector.shape_cast %broadcast_in_dim3A_321 : vector<16x1xi32> to vector<16xi32>
        %gather3A_323 = tpu.dynamic_gather %shift_right_logical3A_307[%gather3A_322] in [0] : vector<16xi32>, vector<16xi32> -> vector<16xi32>
        %eq3A_324 = arith.constant 0 : i32
        %eq3A_325 = vector.broadcast %eq3A_324 : i32 to vector<16xi32>
        %eq3A_326 = arith.cmpi eq, %iota3A, %eq3A_325 : vector<16xi32>
        %ne3A_327 = arith.cmpi ne, %shift_right_logical3A_307, %gather3A_323 : vector<16xi32>
        %or3A_328 = arith.ori %eq3A_326, %ne3A_327 : vector<16xi1>
        %jit3A_329 = arith.constant 0 : i32
        %broadcast_in_dim3A_330 = vector.broadcast %jit3A_329 : i32 to vector<16xi32>
        %select_n3A_331 = arith.select %or3A_328, %iota3A, %broadcast_in_dim3A_330 : vector<16xi1>, vector<16xi32>
        %broadcast_in_dim3A_332 = arith.constant true
        %broadcast_in_dim3A_333 = vector.broadcast %broadcast_in_dim3A_332 : i1 to vector<16xi1>
        %masked_cummax3A_334 = arith.constant -2147483648 : i32
        %masked_cummax3A_335 = vector.broadcast %masked_cummax3A_334 : i32 to vector<16xi32>
        %masked_cummax3A_336 = arith.xori %select_n3A_331, %masked_cummax3A_335 : vector<16xi32>
        %masked_cummax3A_337 = tpu.scan <max>, %masked_cummax3A_336 masked %broadcast_in_dim3A_333 : vector<16xi32>, vector<16xi1> -> vector<16xi32>
        %masked_cummax3A_338 = arith.xori %masked_cummax3A_337, %masked_cummax3A_335 : vector<16xi32>
        %sub3A_339 = arith.subi %iota3A, %masked_cummax3A_338 : vector<16xi32>
        %add3A_340 = arith.constant 1 : i32
        %add3A_341 = vector.broadcast %add3A_340 : i32 to vector<16xi32>
        %add3A_342 = arith.addi %iota3A, %add3A_341 : vector<16xi32>
        %min3A_343 = arith.constant 15 : i32
        %min3A_344 = vector.broadcast %min3A_343 : i32 to vector<16xi32>
        %min3A_345 = arith.minsi %add3A_342, %min3A_344 : vector<16xi32>
        %lt3A_346 = arith.constant 0 : i32
        %lt3A_347 = vector.broadcast %lt3A_346 : i32 to vector<16xi32>
        %lt3A_348 = arith.cmpi slt, %min3A_345, %lt3A_347 : vector<16xi32>
        %add3A_349 = arith.constant 16 : i32
        %add3A_350 = vector.broadcast %add3A_349 : i32 to vector<16xi32>
        %add3A_351 = arith.addi %min3A_345, %add3A_350 : vector<16xi32>
        %select_n3A_352 = arith.select %lt3A_348, %add3A_351, %min3A_345 : vector<16xi1>, vector<16xi32>
        %broadcast_in_dim3A_353 = vector.shape_cast %select_n3A_352 : vector<16xi32> to vector<16x1xi32>
        %gather3A_354 = vector.shape_cast %broadcast_in_dim3A_353 : vector<16x1xi32> to vector<16xi32>
        %gather3A_355 = tpu.dynamic_gather %shift_right_logical3A_307[%gather3A_354] in [0] : vector<16xi32>, vector<16xi32> -> vector<16xi32>
        %eq3A_356 = arith.constant 15 : i32
        %eq3A_357 = vector.broadcast %eq3A_356 : i32 to vector<16xi32>
        %eq3A_358 = arith.cmpi eq, %iota3A, %eq3A_357 : vector<16xi32>
        %ne3A_359 = arith.cmpi ne, %shift_right_logical3A_307, %gather3A_355 : vector<16xi32>
        %or3A_360 = arith.ori %eq3A_358, %ne3A_359 : vector<16xi1>
        %gather3A_361 = tpu.vector_load_idx %arg6[%shift_right_logical3A_307] : memref<2048xi32, #tpu.memory_space<vmem>>[vector<16xi32>], vector<16xi32>,
        %add3A_362 = arith.addi %gather3A_361, %sub3A_339 : vector<16xi32>
        %add3A_363 = arith.constant 1 : i32
        %add3A_364 = vector.broadcast %add3A_363 : i32 to vector<16xi32>
        %add3A_365 = arith.addi %add3A_362, %add3A_364 : vector<16xi32>
        tpu.vector_store_idx %arg6[%shift_right_logical3A_307], %add3A_365 masked %or3A_360 : memref<2048xi32, #tpu.memory_space<vmem>>[vector<16xi32>], vector<16xi32>, vector<16xi1>
        %lt3A_366 = arith.constant 0 : i32
        %lt3A_367 = vector.broadcast %lt3A_366 : i32 to vector<16xi32>
        %lt3A_368 = arith.cmpi slt, %masked_sort3A_303, %lt3A_367 : vector<16xi32>
        %add3A_369 = arith.constant 16 : i32
        %add3A_370 = vector.broadcast %add3A_369 : i32 to vector<16xi32>
        %add3A_371 = arith.addi %masked_sort3A_303, %add3A_370 : vector<16xi32>
        %select_n3A_372 = arith.select %lt3A_368, %add3A_371, %masked_sort3A_303 : vector<16xi1>, vector<16xi32>
        %broadcast_in_dim3A_373 = vector.shape_cast %select_n3A_372 : vector<16xi32> to vector<16x1xi32>
        %gather3A_374 = vector.shape_cast %broadcast_in_dim3A_373 : vector<16x1xi32> to vector<16xi32>
        %gather3A_375 = tpu.dynamic_gather %get3A_276[%gather3A_374] in [0] : vector<16xi32>, vector<16xi32> -> vector<16xi32>
        tpu.vector_store_idx %arg4[%add3A_362], %gather3A_375 : memref<32768xi32, #tpu.memory_space<vmem>>[vector<16xi32>], vector<16xi32>,
        %mul3A_376 = arith.constant 4 : i32
        %mul3A_377 = arith.muli %scan3A_68, %mul3A_376 : i32
        %add3A_378 = arith.constant 3 : i32
        %add3A_379 = arith.addi %mul3A_377, %add3A_378 : i32
        %mul3A_380 = arith.constant 16 : i32
        %mul3A_381 = arith.muli %add3A_379, %mul3A_380 : i32
        %get3A_382 = arith.index_cast %mul3A_381 : i32 to index
        %get3A_383 = tpu.vector_load %arg5[%get3A_382] {strides = array<i32>} : memref<32768xi32, #tpu.memory_space<vmem>>, vector<16xi32>,
        %broadcast_in_dim3A_384 = arith.constant 31 : i32
        %broadcast_in_dim3A_385 = vector.broadcast %broadcast_in_dim3A_384 : i32 to vector<16xi32>
        %shift_right_logical3A_386 = arith.shrui %get3A_383, %broadcast_in_dim3A_385 : vector<16xi32>
        %sub3A_387 = arith.constant 0 : i32
        %sub3A_388 = vector.broadcast %sub3A_387 : i32 to vector<16xi32>
        %sub3A_389 = arith.subi %sub3A_388, %shift_right_logical3A_386 : vector<16xi32>
        %or3A_390 = vector.broadcast %scan3A_6 : i32 to vector<16xi32>
        %or3A_391 = arith.ori %sub3A_389, %or3A_390 : vector<16xi32>
        %xor3A_392 = arith.xori %get3A_383, %or3A_391 : vector<16xi32>
        %xor3A_393 = arith.xori %xor3A_392, %sub3A_19 : vector<16xi32>
        %broadcast_in_dim3A_394 = arith.constant 11 : i32
        %broadcast_in_dim3A_395 = vector.broadcast %broadcast_in_dim3A_394 : i32 to vector<16xi32>
        %shift_right_logical3A_396 = arith.shrui %xor3A_393, %broadcast_in_dim3A_395 : vector<16xi32>
        %and3A_397 = arith.constant 2047 : i32
        %and3A_398 = vector.broadcast %and3A_397 : i32 to vector<16xi32>
        %and3A_399 = arith.andi %shift_right_logical3A_396, %and3A_398 : vector<16xi32>
        %mul3A_400 = arith.constant 16 : i32
        %mul3A_401 = vector.broadcast %mul3A_400 : i32 to vector<16xi32>
        %mul3A_402 = arith.muli %and3A_399, %mul3A_401 : vector<16xi32>
        %add3A_403 = arith.addi %mul3A_402, %iota3A : vector<16xi32>
        %masked_sort3A_404 = arith.constant dense<true> : vector<16xi1>
        %masked_sort3A_405 = arith.constant -2147483648 : i32
        %masked_sort3A_406 = vector.broadcast %masked_sort3A_405 : i32 to vector<16xi32>
        %masked_sort3A_407 = arith.xori %add3A_403, %masked_sort3A_406 : vector<16xi32>
        %masked_sort3A_408, %masked_sort3A_409, %masked_sort3A_410 = tpu.sort %masked_sort3A_407, %iota3A masked %masked_sort3A_404 : (vector<16xi32>, vector<16xi32>, vector<16xi1>) -> (vector<16xi1>, vector<16xi32>, vector<16xi32>)
        %masked_sort3A_411 = arith.xori %masked_sort3A_409, %masked_sort3A_406 : vector<16xi32>
        %broadcast_in_dim3A_412 = arith.constant 4 : i32
        %broadcast_in_dim3A_413 = vector.broadcast %broadcast_in_dim3A_412 : i32 to vector<16xi32>
        %shift_right_logical3A_414 = arith.shrui %masked_sort3A_411, %broadcast_in_dim3A_413 : vector<16xi32>
        %sub3A_415 = arith.constant 1 : i32
        %sub3A_416 = vector.broadcast %sub3A_415 : i32 to vector<16xi32>
        %sub3A_417 = arith.subi %iota3A, %sub3A_416 : vector<16xi32>
        %max3A_418 = arith.constant 0 : i32
        %max3A_419 = vector.broadcast %max3A_418 : i32 to vector<16xi32>
        %max3A_420 = arith.maxsi %sub3A_417, %max3A_419 : vector<16xi32>
        %lt3A_421 = arith.constant 0 : i32
        %lt3A_422 = vector.broadcast %lt3A_421 : i32 to vector<16xi32>
        %lt3A_423 = arith.cmpi slt, %max3A_420, %lt3A_422 : vector<16xi32>
        %add3A_424 = arith.constant 16 : i32
        %add3A_425 = vector.broadcast %add3A_424 : i32 to vector<16xi32>
        %add3A_426 = arith.addi %max3A_420, %add3A_425 : vector<16xi32>
        %select_n3A_427 = arith.select %lt3A_423, %add3A_426, %max3A_420 : vector<16xi1>, vector<16xi32>
        %broadcast_in_dim3A_428 = vector.shape_cast %select_n3A_427 : vector<16xi32> to vector<16x1xi32>
        %gather3A_429 = vector.shape_cast %broadcast_in_dim3A_428 : vector<16x1xi32> to vector<16xi32>
        %gather3A_430 = tpu.dynamic_gather %shift_right_logical3A_414[%gather3A_429] in [0] : vector<16xi32>, vector<16xi32> -> vector<16xi32>
        %eq3A_431 = arith.constant 0 : i32
        %eq3A_432 = vector.broadcast %eq3A_431 : i32 to vector<16xi32>
        %eq3A_433 = arith.cmpi eq, %iota3A, %eq3A_432 : vector<16xi32>
        %ne3A_434 = arith.cmpi ne, %shift_right_logical3A_414, %gather3A_430 : vector<16xi32>
        %or3A_435 = arith.ori %eq3A_433, %ne3A_434 : vector<16xi1>
        %jit3A_436 = arith.constant 0 : i32
        %broadcast_in_dim3A_437 = vector.broadcast %jit3A_436 : i32 to vector<16xi32>
        %select_n3A_438 = arith.select %or3A_435, %iota3A, %broadcast_in_dim3A_437 : vector<16xi1>, vector<16xi32>
        %broadcast_in_dim3A_439 = arith.constant true
        %broadcast_in_dim3A_440 = vector.broadcast %broadcast_in_dim3A_439 : i1 to vector<16xi1>
        %masked_cummax3A_441 = arith.constant -2147483648 : i32
        %masked_cummax3A_442 = vector.broadcast %masked_cummax3A_441 : i32 to vector<16xi32>
        %masked_cummax3A_443 = arith.xori %select_n3A_438, %masked_cummax3A_442 : vector<16xi32>
        %masked_cummax3A_444 = tpu.scan <max>, %masked_cummax3A_443 masked %broadcast_in_dim3A_440 : vector<16xi32>, vector<16xi1> -> vector<16xi32>
        %masked_cummax3A_445 = arith.xori %masked_cummax3A_444, %masked_cummax3A_442 : vector<16xi32>
        %sub3A_446 = arith.subi %iota3A, %masked_cummax3A_445 : vector<16xi32>
        %add3A_447 = arith.constant 1 : i32
        %add3A_448 = vector.broadcast %add3A_447 : i32 to vector<16xi32>
        %add3A_449 = arith.addi %iota3A, %add3A_448 : vector<16xi32>
        %min3A_450 = arith.constant 15 : i32
        %min3A_451 = vector.broadcast %min3A_450 : i32 to vector<16xi32>
        %min3A_452 = arith.minsi %add3A_449, %min3A_451 : vector<16xi32>
        %lt3A_453 = arith.constant 0 : i32
        %lt3A_454 = vector.broadcast %lt3A_453 : i32 to vector<16xi32>
        %lt3A_455 = arith.cmpi slt, %min3A_452, %lt3A_454 : vector<16xi32>
        %add3A_456 = arith.constant 16 : i32
        %add3A_457 = vector.broadcast %add3A_456 : i32 to vector<16xi32>
        %add3A_458 = arith.addi %min3A_452, %add3A_457 : vector<16xi32>
        %select_n3A_459 = arith.select %lt3A_455, %add3A_458, %min3A_452 : vector<16xi1>, vector<16xi32>
        %broadcast_in_dim3A_460 = vector.shape_cast %select_n3A_459 : vector<16xi32> to vector<16x1xi32>
        %gather3A_461 = vector.shape_cast %broadcast_in_dim3A_460 : vector<16x1xi32> to vector<16xi32>
        %gather3A_462 = tpu.dynamic_gather %shift_right_logical3A_414[%gather3A_461] in [0] : vector<16xi32>, vector<16xi32> -> vector<16xi32>
        %eq3A_463 = arith.constant 15 : i32
        %eq3A_464 = vector.broadcast %eq3A_463 : i32 to vector<16xi32>
        %eq3A_465 = arith.cmpi eq, %iota3A, %eq3A_464 : vector<16xi32>
        %ne3A_466 = arith.cmpi ne, %shift_right_logical3A_414, %gather3A_462 : vector<16xi32>
        %or3A_467 = arith.ori %eq3A_465, %ne3A_466 : vector<16xi1>
        %gather3A_468 = tpu.vector_load_idx %arg6[%shift_right_logical3A_414] : memref<2048xi32, #tpu.memory_space<vmem>>[vector<16xi32>], vector<16xi32>,
        %add3A_469 = arith.addi %gather3A_468, %sub3A_446 : vector<16xi32>
        %add3A_470 = arith.constant 1 : i32
        %add3A_471 = vector.broadcast %add3A_470 : i32 to vector<16xi32>
        %add3A_472 = arith.addi %add3A_469, %add3A_471 : vector<16xi32>
        tpu.vector_store_idx %arg6[%shift_right_logical3A_414], %add3A_472 masked %or3A_467 : memref<2048xi32, #tpu.memory_space<vmem>>[vector<16xi32>], vector<16xi32>, vector<16xi1>
        %lt3A_473 = arith.constant 0 : i32
        %lt3A_474 = vector.broadcast %lt3A_473 : i32 to vector<16xi32>
        %lt3A_475 = arith.cmpi slt, %masked_sort3A_410, %lt3A_474 : vector<16xi32>
        %add3A_476 = arith.constant 16 : i32
        %add3A_477 = vector.broadcast %add3A_476 : i32 to vector<16xi32>
        %add3A_478 = arith.addi %masked_sort3A_410, %add3A_477 : vector<16xi32>
        %select_n3A_479 = arith.select %lt3A_475, %add3A_478, %masked_sort3A_410 : vector<16xi1>, vector<16xi32>
        %broadcast_in_dim3A_480 = vector.shape_cast %select_n3A_479 : vector<16xi32> to vector<16x1xi32>
        %gather3A_481 = vector.shape_cast %broadcast_in_dim3A_480 : vector<16x1xi32> to vector<16xi32>
        %gather3A_482 = tpu.dynamic_gather %get3A_383[%gather3A_481] in [0] : vector<16xi32>, vector<16xi32> -> vector<16xi32>
        tpu.vector_store_idx %arg4[%add3A_469], %gather3A_482 : memref<32768xi32, #tpu.memory_space<vmem>>[vector<16xi32>], vector<16xi32>,
      }
      %scan3A_51 = arith.constant 512 : i32
      %parallel_loop3A_52 = arith.constant 0 : i32
      %parallel_loop3A_53 = arith.constant 2048 : i32
      %parallel_loop3A_54 = arith.constant 1 : i32
      scf.for %parallel_loop3A_68 = %parallel_loop3A_52 to %parallel_loop3A_53 step %parallel_loop3A_54  : i32 {
        %parallel_loop3A_69 = arith.constant 16 : i32
        %parallel_loop3A_70 = arith.muli %parallel_loop3A_68, %parallel_loop3A_69 : i32
        %parallel_loop3A_71 = arith.index_cast %parallel_loop3A_70 : i32 to index
        %parallel_loop3A_72 = tpu.vector_load %arg4[%parallel_loop3A_71] {strides = array<i32>} : memref<32768xi32, #tpu.memory_space<vmem>>, vector<16xi32>,
        %parallel_loop3A_73 = arith.constant 31 : i32
        %parallel_loop3A_74 = vector.broadcast %parallel_loop3A_73 : i32 to vector<16xi32>
        %parallel_loop3A_75 = arith.shrui %parallel_loop3A_72, %parallel_loop3A_74 : vector<16xi32>
        %parallel_loop3A_76 = arith.constant 0 : i32
        %parallel_loop3A_77 = vector.broadcast %parallel_loop3A_76 : i32 to vector<16xi32>
        %parallel_loop3A_78 = arith.subi %parallel_loop3A_77, %parallel_loop3A_75 : vector<16xi32>
        %parallel_loop3A_79 = vector.broadcast %scan3A_6 : i32 to vector<16xi32>
        %parallel_loop3A_80 = arith.ori %parallel_loop3A_78, %parallel_loop3A_79 : vector<16xi32>
        %parallel_loop3A_81 = arith.xori %parallel_loop3A_72, %parallel_loop3A_80 : vector<16xi32>
        %parallel_loop3A_82 = arith.xori %parallel_loop3A_81, %sub3A_19 : vector<16xi32>
        %parallel_loop3A_83 = arith.constant 22 : i32
        %parallel_loop3A_84 = vector.broadcast %parallel_loop3A_83 : i32 to vector<16xi32>
        %parallel_loop3A_85 = arith.shrui %parallel_loop3A_82, %parallel_loop3A_84 : vector<16xi32>
        %parallel_loop3A_86 = arith.constant 1023 : i32
        %parallel_loop3A_87 = vector.broadcast %parallel_loop3A_86 : i32 to vector<16xi32>
        %parallel_loop3A_88 = arith.andi %parallel_loop3A_85, %parallel_loop3A_87 : vector<16xi32>
        %parallel_loop3A_89 = arith.constant 2048 : i32
        %parallel_loop3A_90 = vector.broadcast %parallel_loop3A_89 : i32 to vector<16xi32>
        %parallel_loop3A_91 = arith.muli %iota3A, %parallel_loop3A_90 : vector<16xi32>
        %parallel_loop3A_92 = arith.addi %parallel_loop3A_91, %parallel_loop3A_88 : vector<16xi32>
        tpu.vector_store_idx %arg7[%parallel_loop3A_92], %broadcast_in_dim3A_1 {add = true} : memref<32768xi32, #tpu.memory_space<vmem>>[vector<16xi32>], vector<16xi32>,
      } {sc.loop_unroll_factor = 4 : i64, sc.parallel_access}
      %scan3A_55 = arith.constant 0 : i32
      %scan3A_56 = arith.constant 0 : i32
      %scan3A_57 = arith.constant 128 : i32
      %scan3A_58 = arith.addi %scan3A_56, %scan3A_57 : i32
      %scan3A_59 = arith.constant 1 : i32
      %scan3A_60 = scf.for %scan3A_68 = %scan3A_56 to %scan3A_58 step %scan3A_59 iter_args(%scan3A_69 = %scan3A_55) -> (i32)  : i32 {
        %mul3A_70 = arith.constant 16 : i32
        %mul3A_71 = arith.muli %scan3A_68, %mul3A_70 : i32
        %add3A_72 = arith.constant 0 : i32
        %add3A_73 = arith.addi %add3A_72, %mul3A_71 : i32
        %get3A = arith.index_cast %add3A_73 : i32 to index
        %get3A_74 = tpu.vector_load %arg7[%get3A] {strides = array<i32>} : memref<32768xi32, #tpu.memory_space<vmem>>, vector<16xi32>,
        %mul3A_75 = arith.constant 16 : i32
        %mul3A_76 = arith.muli %scan3A_68, %mul3A_75 : i32
        %add3A_77 = arith.constant 0 : i32
        %add3A_78 = arith.addi %add3A_77, %mul3A_76 : i32
        %swap3A = arith.index_cast %add3A_78 : i32 to index
        %swap3A_79 = tpu.vector_load %arg7[%swap3A] {strides = array<i32>} : memref<32768xi32, #tpu.memory_space<vmem>>, vector<16xi32>,
        tpu.vector_store %arg7[%swap3A], %broadcast_in_dim3A_3 {strides = array<i32>} : memref<32768xi32, #tpu.memory_space<vmem>>, vector<16xi32>,
        %add3A_80 = arith.addi %broadcast_in_dim3A_3, %get3A_74 : vector<16xi32>
        %mul3A_81 = arith.constant 16 : i32
        %mul3A_82 = arith.muli %scan3A_68, %mul3A_81 : i32
        %add3A_83 = arith.constant 2048 : i32
        %add3A_84 = arith.addi %add3A_83, %mul3A_82 : i32
        %get3A_85 = arith.index_cast %add3A_84 : i32 to index
        %get3A_86 = tpu.vector_load %arg7[%get3A_85] {strides = array<i32>} : memref<32768xi32, #tpu.memory_space<vmem>>, vector<16xi32>,
        %mul3A_87 = arith.constant 16 : i32
        %mul3A_88 = arith.muli %scan3A_68, %mul3A_87 : i32
        %add3A_89 = arith.constant 2048 : i32
        %add3A_90 = arith.addi %add3A_89, %mul3A_88 : i32
        %swap3A_91 = arith.index_cast %add3A_90 : i32 to index
        %swap3A_92 = tpu.vector_load %arg7[%swap3A_91] {strides = array<i32>} : memref<32768xi32, #tpu.memory_space<vmem>>, vector<16xi32>,
        tpu.vector_store %arg7[%swap3A_91], %broadcast_in_dim3A_3 {strides = array<i32>} : memref<32768xi32, #tpu.memory_space<vmem>>, vector<16xi32>,
        %add3A_93 = arith.addi %add3A_80, %get3A_86 : vector<16xi32>
        %mul3A_94 = arith.constant 16 : i32
        %mul3A_95 = arith.muli %scan3A_68, %mul3A_94 : i32
        %add3A_96 = arith.constant 4096 : i32
        %add3A_97 = arith.addi %add3A_96, %mul3A_95 : i32
        %get3A_98 = arith.index_cast %add3A_97 : i32 to index
        %get3A_99 = tpu.vector_load %arg7[%get3A_98] {strides = array<i32>} : memref<32768xi32, #tpu.memory_space<vmem>>, vector<16xi32>,
        %mul3A_100 = arith.constant 16 : i32
        %mul3A_101 = arith.muli %scan3A_68, %mul3A_100 : i32
        %add3A_102 = arith.constant 4096 : i32
        %add3A_103 = arith.addi %add3A_102, %mul3A_101 : i32
        %swap3A_104 = arith.index_cast %add3A_103 : i32 to index
        %swap3A_105 = tpu.vector_load %arg7[%swap3A_104] {strides = array<i32>} : memref<32768xi32, #tpu.memory_space<vmem>>, vector<16xi32>,
        tpu.vector_store %arg7[%swap3A_104], %broadcast_in_dim3A_3 {strides = array<i32>} : memref<32768xi32, #tpu.memory_space<vmem>>, vector<16xi32>,
        %add3A_106 = arith.addi %add3A_93, %get3A_99 : vector<16xi32>
        %mul3A_107 = arith.constant 16 : i32
        %mul3A_108 = arith.muli %scan3A_68, %mul3A_107 : i32
        %add3A_109 = arith.constant 6144 : i32
        %add3A_110 = arith.addi %add3A_109, %mul3A_108 : i32
        %get3A_111 = arith.index_cast %add3A_110 : i32 to index
        %get3A_112 = tpu.vector_load %arg7[%get3A_111] {strides = array<i32>} : memref<32768xi32, #tpu.memory_space<vmem>>, vector<16xi32>,
        %mul3A_113 = arith.constant 16 : i32
        %mul3A_114 = arith.muli %scan3A_68, %mul3A_113 : i32
        %add3A_115 = arith.constant 6144 : i32
        %add3A_116 = arith.addi %add3A_115, %mul3A_114 : i32
        %swap3A_117 = arith.index_cast %add3A_116 : i32 to index
        %swap3A_118 = tpu.vector_load %arg7[%swap3A_117] {strides = array<i32>} : memref<32768xi32, #tpu.memory_space<vmem>>, vector<16xi32>,
        tpu.vector_store %arg7[%swap3A_117], %broadcast_in_dim3A_3 {strides = array<i32>} : memref<32768xi32, #tpu.memory_space<vmem>>, vector<16xi32>,
        %add3A_119 = arith.addi %add3A_106, %get3A_112 : vector<16xi32>
        %mul3A_120 = arith.constant 16 : i32
        %mul3A_121 = arith.muli %scan3A_68, %mul3A_120 : i32
        %add3A_122 = arith.constant 8192 : i32
        %add3A_123 = arith.addi %add3A_122, %mul3A_121 : i32
        %get3A_124 = arith.index_cast %add3A_123 : i32 to index
        %get3A_125 = tpu.vector_load %arg7[%get3A_124] {strides = array<i32>} : memref<32768xi32, #tpu.memory_space<vmem>>, vector<16xi32>,
        %mul3A_126 = arith.constant 16 : i32
        %mul3A_127 = arith.muli %scan3A_68, %mul3A_126 : i32
        %add3A_128 = arith.constant 8192 : i32
        %add3A_129 = arith.addi %add3A_128, %mul3A_127 : i32
        %swap3A_130 = arith.index_cast %add3A_129 : i32 to index
        %swap3A_131 = tpu.vector_load %arg7[%swap3A_130] {strides = array<i32>} : memref<32768xi32, #tpu.memory_space<vmem>>, vector<16xi32>,
        tpu.vector_store %arg7[%swap3A_130], %broadcast_in_dim3A_3 {strides = array<i32>} : memref<32768xi32, #tpu.memory_space<vmem>>, vector<16xi32>,
        %add3A_132 = arith.addi %add3A_119, %get3A_125 : vector<16xi32>
        %mul3A_133 = arith.constant 16 : i32
        %mul3A_134 = arith.muli %scan3A_68, %mul3A_133 : i32
        %add3A_135 = arith.constant 10240 : i32
        %add3A_136 = arith.addi %add3A_135, %mul3A_134 : i32
        %get3A_137 = arith.index_cast %add3A_136 : i32 to index
        %get3A_138 = tpu.vector_load %arg7[%get3A_137] {strides = array<i32>} : memref<32768xi32, #tpu.memory_space<vmem>>, vector<16xi32>,
        %mul3A_139 = arith.constant 16 : i32
        %mul3A_140 = arith.muli %scan3A_68, %mul3A_139 : i32
        %add3A_141 = arith.constant 10240 : i32
        %add3A_142 = arith.addi %add3A_141, %mul3A_140 : i32
        %swap3A_143 = arith.index_cast %add3A_142 : i32 to index
        %swap3A_144 = tpu.vector_load %arg7[%swap3A_143] {strides = array<i32>} : memref<32768xi32, #tpu.memory_space<vmem>>, vector<16xi32>,
        tpu.vector_store %arg7[%swap3A_143], %broadcast_in_dim3A_3 {strides = array<i32>} : memref<32768xi32, #tpu.memory_space<vmem>>, vector<16xi32>,
        %add3A_145 = arith.addi %add3A_132, %get3A_138 : vector<16xi32>
        %mul3A_146 = arith.constant 16 : i32
        %mul3A_147 = arith.muli %scan3A_68, %mul3A_146 : i32
        %add3A_148 = arith.constant 12288 : i32
        %add3A_149 = arith.addi %add3A_148, %mul3A_147 : i32
        %get3A_150 = arith.index_cast %add3A_149 : i32 to index
        %get3A_151 = tpu.vector_load %arg7[%get3A_150] {strides = array<i32>} : memref<32768xi32, #tpu.memory_space<vmem>>, vector<16xi32>,
        %mul3A_152 = arith.constant 16 : i32
        %mul3A_153 = arith.muli %scan3A_68, %mul3A_152 : i32
        %add3A_154 = arith.constant 12288 : i32
        %add3A_155 = arith.addi %add3A_154, %mul3A_153 : i32
        %swap3A_156 = arith.index_cast %add3A_155 : i32 to index
        %swap3A_157 = tpu.vector_load %arg7[%swap3A_156] {strides = array<i32>} : memref<32768xi32, #tpu.memory_space<vmem>>, vector<16xi32>,
        tpu.vector_store %arg7[%swap3A_156], %broadcast_in_dim3A_3 {strides = array<i32>} : memref<32768xi32, #tpu.memory_space<vmem>>, vector<16xi32>,
        %add3A_158 = arith.addi %add3A_145, %get3A_151 : vector<16xi32>
        %mul3A_159 = arith.constant 16 : i32
        %mul3A_160 = arith.muli %scan3A_68, %mul3A_159 : i32
        %add3A_161 = arith.constant 14336 : i32
        %add3A_162 = arith.addi %add3A_161, %mul3A_160 : i32
        %get3A_163 = arith.index_cast %add3A_162 : i32 to index
        %get3A_164 = tpu.vector_load %arg7[%get3A_163] {strides = array<i32>} : memref<32768xi32, #tpu.memory_space<vmem>>, vector<16xi32>,
        %mul3A_165 = arith.constant 16 : i32
        %mul3A_166 = arith.muli %scan3A_68, %mul3A_165 : i32
        %add3A_167 = arith.constant 14336 : i32
        %add3A_168 = arith.addi %add3A_167, %mul3A_166 : i32
        %swap3A_169 = arith.index_cast %add3A_168 : i32 to index
        %swap3A_170 = tpu.vector_load %arg7[%swap3A_169] {strides = array<i32>} : memref<32768xi32, #tpu.memory_space<vmem>>, vector<16xi32>,
        tpu.vector_store %arg7[%swap3A_169], %broadcast_in_dim3A_3 {strides = array<i32>} : memref<32768xi32, #tpu.memory_space<vmem>>, vector<16xi32>,
        %add3A_171 = arith.addi %add3A_158, %get3A_164 : vector<16xi32>
        %mul3A_172 = arith.constant 16 : i32
        %mul3A_173 = arith.muli %scan3A_68, %mul3A_172 : i32
        %add3A_174 = arith.constant 16384 : i32
        %add3A_175 = arith.addi %add3A_174, %mul3A_173 : i32
        %get3A_176 = arith.index_cast %add3A_175 : i32 to index
        %get3A_177 = tpu.vector_load %arg7[%get3A_176] {strides = array<i32>} : memref<32768xi32, #tpu.memory_space<vmem>>, vector<16xi32>,
        %mul3A_178 = arith.constant 16 : i32
        %mul3A_179 = arith.muli %scan3A_68, %mul3A_178 : i32
        %add3A_180 = arith.constant 16384 : i32
        %add3A_181 = arith.addi %add3A_180, %mul3A_179 : i32
        %swap3A_182 = arith.index_cast %add3A_181 : i32 to index
        %swap3A_183 = tpu.vector_load %arg7[%swap3A_182] {strides = array<i32>} : memref<32768xi32, #tpu.memory_space<vmem>>, vector<16xi32>,
        tpu.vector_store %arg7[%swap3A_182], %broadcast_in_dim3A_3 {strides = array<i32>} : memref<32768xi32, #tpu.memory_space<vmem>>, vector<16xi32>,
        %add3A_184 = arith.addi %add3A_171, %get3A_177 : vector<16xi32>
        %mul3A_185 = arith.constant 16 : i32
        %mul3A_186 = arith.muli %scan3A_68, %mul3A_185 : i32
        %add3A_187 = arith.constant 18432 : i32
        %add3A_188 = arith.addi %add3A_187, %mul3A_186 : i32
        %get3A_189 = arith.index_cast %add3A_188 : i32 to index
        %get3A_190 = tpu.vector_load %arg7[%get3A_189] {strides = array<i32>} : memref<32768xi32, #tpu.memory_space<vmem>>, vector<16xi32>,
        %mul3A_191 = arith.constant 16 : i32
        %mul3A_192 = arith.muli %scan3A_68, %mul3A_191 : i32
        %add3A_193 = arith.constant 18432 : i32
        %add3A_194 = arith.addi %add3A_193, %mul3A_192 : i32
        %swap3A_195 = arith.index_cast %add3A_194 : i32 to index
        %swap3A_196 = tpu.vector_load %arg7[%swap3A_195] {strides = array<i32>} : memref<32768xi32, #tpu.memory_space<vmem>>, vector<16xi32>,
        tpu.vector_store %arg7[%swap3A_195], %broadcast_in_dim3A_3 {strides = array<i32>} : memref<32768xi32, #tpu.memory_space<vmem>>, vector<16xi32>,
        %add3A_197 = arith.addi %add3A_184, %get3A_190 : vector<16xi32>
        %mul3A_198 = arith.constant 16 : i32
        %mul3A_199 = arith.muli %scan3A_68, %mul3A_198 : i32
        %add3A_200 = arith.constant 20480 : i32
        %add3A_201 = arith.addi %add3A_200, %mul3A_199 : i32
        %get3A_202 = arith.index_cast %add3A_201 : i32 to index
        %get3A_203 = tpu.vector_load %arg7[%get3A_202] {strides = array<i32>} : memref<32768xi32, #tpu.memory_space<vmem>>, vector<16xi32>,
        %mul3A_204 = arith.constant 16 : i32
        %mul3A_205 = arith.muli %scan3A_68, %mul3A_204 : i32
        %add3A_206 = arith.constant 20480 : i32
        %add3A_207 = arith.addi %add3A_206, %mul3A_205 : i32
        %swap3A_208 = arith.index_cast %add3A_207 : i32 to index
        %swap3A_209 = tpu.vector_load %arg7[%swap3A_208] {strides = array<i32>} : memref<32768xi32, #tpu.memory_space<vmem>>, vector<16xi32>,
        tpu.vector_store %arg7[%swap3A_208], %broadcast_in_dim3A_3 {strides = array<i32>} : memref<32768xi32, #tpu.memory_space<vmem>>, vector<16xi32>,
        %add3A_210 = arith.addi %add3A_197, %get3A_203 : vector<16xi32>
        %mul3A_211 = arith.constant 16 : i32
        %mul3A_212 = arith.muli %scan3A_68, %mul3A_211 : i32
        %add3A_213 = arith.constant 22528 : i32
        %add3A_214 = arith.addi %add3A_213, %mul3A_212 : i32
        %get3A_215 = arith.index_cast %add3A_214 : i32 to index
        %get3A_216 = tpu.vector_load %arg7[%get3A_215] {strides = array<i32>} : memref<32768xi32, #tpu.memory_space<vmem>>, vector<16xi32>,
        %mul3A_217 = arith.constant 16 : i32
        %mul3A_218 = arith.muli %scan3A_68, %mul3A_217 : i32
        %add3A_219 = arith.constant 22528 : i32
        %add3A_220 = arith.addi %add3A_219, %mul3A_218 : i32
        %swap3A_221 = arith.index_cast %add3A_220 : i32 to index
        %swap3A_222 = tpu.vector_load %arg7[%swap3A_221] {strides = array<i32>} : memref<32768xi32, #tpu.memory_space<vmem>>, vector<16xi32>,
        tpu.vector_store %arg7[%swap3A_221], %broadcast_in_dim3A_3 {strides = array<i32>} : memref<32768xi32, #tpu.memory_space<vmem>>, vector<16xi32>,
        %add3A_223 = arith.addi %add3A_210, %get3A_216 : vector<16xi32>
        %mul3A_224 = arith.constant 16 : i32
        %mul3A_225 = arith.muli %scan3A_68, %mul3A_224 : i32
        %add3A_226 = arith.constant 24576 : i32
        %add3A_227 = arith.addi %add3A_226, %mul3A_225 : i32
        %get3A_228 = arith.index_cast %add3A_227 : i32 to index
        %get3A_229 = tpu.vector_load %arg7[%get3A_228] {strides = array<i32>} : memref<32768xi32, #tpu.memory_space<vmem>>, vector<16xi32>,
        %mul3A_230 = arith.constant 16 : i32
        %mul3A_231 = arith.muli %scan3A_68, %mul3A_230 : i32
        %add3A_232 = arith.constant 24576 : i32
        %add3A_233 = arith.addi %add3A_232, %mul3A_231 : i32
        %swap3A_234 = arith.index_cast %add3A_233 : i32 to index
        %swap3A_235 = tpu.vector_load %arg7[%swap3A_234] {strides = array<i32>} : memref<32768xi32, #tpu.memory_space<vmem>>, vector<16xi32>,
        tpu.vector_store %arg7[%swap3A_234], %broadcast_in_dim3A_3 {strides = array<i32>} : memref<32768xi32, #tpu.memory_space<vmem>>, vector<16xi32>,
        %add3A_236 = arith.addi %add3A_223, %get3A_229 : vector<16xi32>
        %mul3A_237 = arith.constant 16 : i32
        %mul3A_238 = arith.muli %scan3A_68, %mul3A_237 : i32
        %add3A_239 = arith.constant 26624 : i32
        %add3A_240 = arith.addi %add3A_239, %mul3A_238 : i32
        %get3A_241 = arith.index_cast %add3A_240 : i32 to index
        %get3A_242 = tpu.vector_load %arg7[%get3A_241] {strides = array<i32>} : memref<32768xi32, #tpu.memory_space<vmem>>, vector<16xi32>,
        %mul3A_243 = arith.constant 16 : i32
        %mul3A_244 = arith.muli %scan3A_68, %mul3A_243 : i32
        %add3A_245 = arith.constant 26624 : i32
        %add3A_246 = arith.addi %add3A_245, %mul3A_244 : i32
        %swap3A_247 = arith.index_cast %add3A_246 : i32 to index
        %swap3A_248 = tpu.vector_load %arg7[%swap3A_247] {strides = array<i32>} : memref<32768xi32, #tpu.memory_space<vmem>>, vector<16xi32>,
        tpu.vector_store %arg7[%swap3A_247], %broadcast_in_dim3A_3 {strides = array<i32>} : memref<32768xi32, #tpu.memory_space<vmem>>, vector<16xi32>,
        %add3A_249 = arith.addi %add3A_236, %get3A_242 : vector<16xi32>
        %mul3A_250 = arith.constant 16 : i32
        %mul3A_251 = arith.muli %scan3A_68, %mul3A_250 : i32
        %add3A_252 = arith.constant 28672 : i32
        %add3A_253 = arith.addi %add3A_252, %mul3A_251 : i32
        %get3A_254 = arith.index_cast %add3A_253 : i32 to index
        %get3A_255 = tpu.vector_load %arg7[%get3A_254] {strides = array<i32>} : memref<32768xi32, #tpu.memory_space<vmem>>, vector<16xi32>,
        %mul3A_256 = arith.constant 16 : i32
        %mul3A_257 = arith.muli %scan3A_68, %mul3A_256 : i32
        %add3A_258 = arith.constant 28672 : i32
        %add3A_259 = arith.addi %add3A_258, %mul3A_257 : i32
        %swap3A_260 = arith.index_cast %add3A_259 : i32 to index
        %swap3A_261 = tpu.vector_load %arg7[%swap3A_260] {strides = array<i32>} : memref<32768xi32, #tpu.memory_space<vmem>>, vector<16xi32>,
        tpu.vector_store %arg7[%swap3A_260], %broadcast_in_dim3A_3 {strides = array<i32>} : memref<32768xi32, #tpu.memory_space<vmem>>, vector<16xi32>,
        %add3A_262 = arith.addi %add3A_249, %get3A_255 : vector<16xi32>
        %mul3A_263 = arith.constant 16 : i32
        %mul3A_264 = arith.muli %scan3A_68, %mul3A_263 : i32
        %add3A_265 = arith.constant 30720 : i32
        %add3A_266 = arith.addi %add3A_265, %mul3A_264 : i32
        %get3A_267 = arith.index_cast %add3A_266 : i32 to index
        %get3A_268 = tpu.vector_load %arg7[%get3A_267] {strides = array<i32>} : memref<32768xi32, #tpu.memory_space<vmem>>, vector<16xi32>,
        %mul3A_269 = arith.constant 16 : i32
        %mul3A_270 = arith.muli %scan3A_68, %mul3A_269 : i32
        %add3A_271 = arith.constant 30720 : i32
        %add3A_272 = arith.addi %add3A_271, %mul3A_270 : i32
        %swap3A_273 = arith.index_cast %add3A_272 : i32 to index
        %swap3A_274 = tpu.vector_load %arg7[%swap3A_273] {strides = array<i32>} : memref<32768xi32, #tpu.memory_space<vmem>>, vector<16xi32>,
        tpu.vector_store %arg7[%swap3A_273], %broadcast_in_dim3A_3 {strides = array<i32>} : memref<32768xi32, #tpu.memory_space<vmem>>, vector<16xi32>,
        %add3A_275 = arith.addi %add3A_262, %get3A_268 : vector<16xi32>
        %broadcast_in_dim3A_276 = arith.constant true
        %broadcast_in_dim3A_277 = vector.broadcast %broadcast_in_dim3A_276 : i1 to vector<16xi1>
        %masked_cumsum3A = tpu.scan <sum>, %add3A_275 masked %broadcast_in_dim3A_277 : vector<16xi32>, vector<16xi1> -> vector<16xi32>
        %sub3A_278 = arith.subi %masked_cumsum3A, %add3A_275 : vector<16xi32>
        %add3A_279 = vector.broadcast %scan3A_69 : i32 to vector<16xi32>
        %add3A_280 = arith.addi %sub3A_278, %add3A_279 : vector<16xi32>
        %mul3A_281 = arith.constant 16 : i32
        %mul3A_282 = arith.muli %scan3A_68, %mul3A_281 : i32
        %swap3A_283 = arith.index_cast %mul3A_282 : i32 to index
        %swap3A_284 = tpu.vector_load %arg6[%swap3A_283] {strides = array<i32>} : memref<2048xi32, #tpu.memory_space<vmem>>, vector<16xi32>,
        tpu.vector_store %arg6[%swap3A_283], %add3A_280 {strides = array<i32>} : memref<2048xi32, #tpu.memory_space<vmem>>, vector<16xi32>,
        %reduce_sum3A = arith.constant true
        %reduce_sum3A_285 = vector.broadcast %reduce_sum3A : i1 to vector<16xi1>
        %reduce_sum3A_286 = tpu.scan <sum>, %add3A_275 masked %reduce_sum3A_285 : vector<16xi32>, vector<16xi1> -> vector<16xi32>
        %reduce_sum3A_287 = vector.extract %reduce_sum3A_286[15] : i32 from vector<16xi32>
        %add3A_288 = arith.addi %scan3A_69, %reduce_sum3A_287 : i32
        scf.yield %add3A_288 : i32
      }
      %scan3A_61 = arith.constant 128 : i32
      %scan3A_62 = arith.constant 0 : i32
      %scan3A_63 = arith.constant 0 : i32
      %scan3A_64 = arith.constant 512 : i32
      %scan3A_65 = arith.addi %scan3A_63, %scan3A_64 : i32
      %scan3A_66 = arith.constant 1 : i32
      scf.for %scan3A_68 = %scan3A_63 to %scan3A_65 step %scan3A_66  : i32 {
        %mul3A_69 = arith.constant 4 : i32
        %mul3A_70 = arith.muli %scan3A_68, %mul3A_69 : i32
        %add3A_71 = arith.constant 0 : i32
        %add3A_72 = arith.addi %mul3A_70, %add3A_71 : i32
        %mul3A_73 = arith.constant 16 : i32
        %mul3A_74 = arith.muli %add3A_72, %mul3A_73 : i32
        %get3A = arith.index_cast %mul3A_74 : i32 to index
        %get3A_75 = tpu.vector_load %arg4[%get3A] {strides = array<i32>} : memref<32768xi32, #tpu.memory_space<vmem>>, vector<16xi32>,
        %broadcast_in_dim3A_76 = arith.constant 31 : i32
        %broadcast_in_dim3A_77 = vector.broadcast %broadcast_in_dim3A_76 : i32 to vector<16xi32>
        %shift_right_logical3A = arith.shrui %get3A_75, %broadcast_in_dim3A_77 : vector<16xi32>
        %sub3A_78 = arith.constant 0 : i32
        %sub3A_79 = vector.broadcast %sub3A_78 : i32 to vector<16xi32>
        %sub3A_80 = arith.subi %sub3A_79, %shift_right_logical3A : vector<16xi32>
        %or3A = vector.broadcast %scan3A_6 : i32 to vector<16xi32>
        %or3A_81 = arith.ori %sub3A_80, %or3A : vector<16xi32>
        %xor3A = arith.xori %get3A_75, %or3A_81 : vector<16xi32>
        %xor3A_82 = arith.xori %xor3A, %sub3A_19 : vector<16xi32>
        %broadcast_in_dim3A_83 = arith.constant 22 : i32
        %broadcast_in_dim3A_84 = vector.broadcast %broadcast_in_dim3A_83 : i32 to vector<16xi32>
        %shift_right_logical3A_85 = arith.shrui %xor3A_82, %broadcast_in_dim3A_84 : vector<16xi32>
        %and3A_86 = arith.constant 1023 : i32
        %and3A_87 = vector.broadcast %and3A_86 : i32 to vector<16xi32>
        %and3A_88 = arith.andi %shift_right_logical3A_85, %and3A_87 : vector<16xi32>
        %mul3A_89 = arith.constant 16 : i32
        %mul3A_90 = vector.broadcast %mul3A_89 : i32 to vector<16xi32>
        %mul3A_91 = arith.muli %and3A_88, %mul3A_90 : vector<16xi32>
        %add3A_92 = arith.addi %mul3A_91, %iota3A : vector<16xi32>
        %masked_sort3A = arith.constant dense<true> : vector<16xi1>
        %masked_sort3A_93 = arith.constant -2147483648 : i32
        %masked_sort3A_94 = vector.broadcast %masked_sort3A_93 : i32 to vector<16xi32>
        %masked_sort3A_95 = arith.xori %add3A_92, %masked_sort3A_94 : vector<16xi32>
        %masked_sort3A_96, %masked_sort3A_97, %masked_sort3A_98 = tpu.sort %masked_sort3A_95, %iota3A masked %masked_sort3A : (vector<16xi32>, vector<16xi32>, vector<16xi1>) -> (vector<16xi1>, vector<16xi32>, vector<16xi32>)
        %masked_sort3A_99 = arith.xori %masked_sort3A_97, %masked_sort3A_94 : vector<16xi32>
        %broadcast_in_dim3A_100 = arith.constant 4 : i32
        %broadcast_in_dim3A_101 = vector.broadcast %broadcast_in_dim3A_100 : i32 to vector<16xi32>
        %shift_right_logical3A_102 = arith.shrui %masked_sort3A_99, %broadcast_in_dim3A_101 : vector<16xi32>
        %sub3A_103 = arith.constant 1 : i32
        %sub3A_104 = vector.broadcast %sub3A_103 : i32 to vector<16xi32>
        %sub3A_105 = arith.subi %iota3A, %sub3A_104 : vector<16xi32>
        %max3A = arith.constant 0 : i32
        %max3A_106 = vector.broadcast %max3A : i32 to vector<16xi32>
        %max3A_107 = arith.maxsi %sub3A_105, %max3A_106 : vector<16xi32>
        %lt3A = arith.constant 0 : i32
        %lt3A_108 = vector.broadcast %lt3A : i32 to vector<16xi32>
        %lt3A_109 = arith.cmpi slt, %max3A_107, %lt3A_108 : vector<16xi32>
        %add3A_110 = arith.constant 16 : i32
        %add3A_111 = vector.broadcast %add3A_110 : i32 to vector<16xi32>
        %add3A_112 = arith.addi %max3A_107, %add3A_111 : vector<16xi32>
        %select_n3A = arith.select %lt3A_109, %add3A_112, %max3A_107 : vector<16xi1>, vector<16xi32>
        %broadcast_in_dim3A_113 = vector.shape_cast %select_n3A : vector<16xi32> to vector<16x1xi32>
        %gather3A = vector.shape_cast %broadcast_in_dim3A_113 : vector<16x1xi32> to vector<16xi32>
        %gather3A_114 = tpu.dynamic_gather %shift_right_logical3A_102[%gather3A] in [0] : vector<16xi32>, vector<16xi32> -> vector<16xi32>
        %eq3A = arith.constant 0 : i32
        %eq3A_115 = vector.broadcast %eq3A : i32 to vector<16xi32>
        %eq3A_116 = arith.cmpi eq, %iota3A, %eq3A_115 : vector<16xi32>
        %ne3A = arith.cmpi ne, %shift_right_logical3A_102, %gather3A_114 : vector<16xi32>
        %or3A_117 = arith.ori %eq3A_116, %ne3A : vector<16xi1>
        %jit3A = arith.constant 0 : i32
        %broadcast_in_dim3A_118 = vector.broadcast %jit3A : i32 to vector<16xi32>
        %select_n3A_119 = arith.select %or3A_117, %iota3A, %broadcast_in_dim3A_118 : vector<16xi1>, vector<16xi32>
        %broadcast_in_dim3A_120 = arith.constant true
        %broadcast_in_dim3A_121 = vector.broadcast %broadcast_in_dim3A_120 : i1 to vector<16xi1>
        %masked_cummax3A = arith.constant -2147483648 : i32
        %masked_cummax3A_122 = vector.broadcast %masked_cummax3A : i32 to vector<16xi32>
        %masked_cummax3A_123 = arith.xori %select_n3A_119, %masked_cummax3A_122 : vector<16xi32>
        %masked_cummax3A_124 = tpu.scan <max>, %masked_cummax3A_123 masked %broadcast_in_dim3A_121 : vector<16xi32>, vector<16xi1> -> vector<16xi32>
        %masked_cummax3A_125 = arith.xori %masked_cummax3A_124, %masked_cummax3A_122 : vector<16xi32>
        %sub3A_126 = arith.subi %iota3A, %masked_cummax3A_125 : vector<16xi32>
        %add3A_127 = arith.constant 1 : i32
        %add3A_128 = vector.broadcast %add3A_127 : i32 to vector<16xi32>
        %add3A_129 = arith.addi %iota3A, %add3A_128 : vector<16xi32>
        %min3A = arith.constant 15 : i32
        %min3A_130 = vector.broadcast %min3A : i32 to vector<16xi32>
        %min3A_131 = arith.minsi %add3A_129, %min3A_130 : vector<16xi32>
        %lt3A_132 = arith.constant 0 : i32
        %lt3A_133 = vector.broadcast %lt3A_132 : i32 to vector<16xi32>
        %lt3A_134 = arith.cmpi slt, %min3A_131, %lt3A_133 : vector<16xi32>
        %add3A_135 = arith.constant 16 : i32
        %add3A_136 = vector.broadcast %add3A_135 : i32 to vector<16xi32>
        %add3A_137 = arith.addi %min3A_131, %add3A_136 : vector<16xi32>
        %select_n3A_138 = arith.select %lt3A_134, %add3A_137, %min3A_131 : vector<16xi1>, vector<16xi32>
        %broadcast_in_dim3A_139 = vector.shape_cast %select_n3A_138 : vector<16xi32> to vector<16x1xi32>
        %gather3A_140 = vector.shape_cast %broadcast_in_dim3A_139 : vector<16x1xi32> to vector<16xi32>
        %gather3A_141 = tpu.dynamic_gather %shift_right_logical3A_102[%gather3A_140] in [0] : vector<16xi32>, vector<16xi32> -> vector<16xi32>
        %eq3A_142 = arith.constant 15 : i32
        %eq3A_143 = vector.broadcast %eq3A_142 : i32 to vector<16xi32>
        %eq3A_144 = arith.cmpi eq, %iota3A, %eq3A_143 : vector<16xi32>
        %ne3A_145 = arith.cmpi ne, %shift_right_logical3A_102, %gather3A_141 : vector<16xi32>
        %or3A_146 = arith.ori %eq3A_144, %ne3A_145 : vector<16xi1>
        %gather3A_147 = tpu.vector_load_idx %arg6[%shift_right_logical3A_102] : memref<2048xi32, #tpu.memory_space<vmem>>[vector<16xi32>], vector<16xi32>,
        %add3A_148 = arith.addi %gather3A_147, %sub3A_126 : vector<16xi32>
        %add3A_149 = arith.constant 1 : i32
        %add3A_150 = vector.broadcast %add3A_149 : i32 to vector<16xi32>
        %add3A_151 = arith.addi %add3A_148, %add3A_150 : vector<16xi32>
        tpu.vector_store_idx %arg6[%shift_right_logical3A_102], %add3A_151 masked %or3A_146 : memref<2048xi32, #tpu.memory_space<vmem>>[vector<16xi32>], vector<16xi32>, vector<16xi1>
        %lt3A_152 = arith.constant 0 : i32
        %lt3A_153 = vector.broadcast %lt3A_152 : i32 to vector<16xi32>
        %lt3A_154 = arith.cmpi slt, %masked_sort3A_98, %lt3A_153 : vector<16xi32>
        %add3A_155 = arith.constant 16 : i32
        %add3A_156 = vector.broadcast %add3A_155 : i32 to vector<16xi32>
        %add3A_157 = arith.addi %masked_sort3A_98, %add3A_156 : vector<16xi32>
        %select_n3A_158 = arith.select %lt3A_154, %add3A_157, %masked_sort3A_98 : vector<16xi1>, vector<16xi32>
        %broadcast_in_dim3A_159 = vector.shape_cast %select_n3A_158 : vector<16xi32> to vector<16x1xi32>
        %gather3A_160 = vector.shape_cast %broadcast_in_dim3A_159 : vector<16x1xi32> to vector<16xi32>
        %gather3A_161 = tpu.dynamic_gather %get3A_75[%gather3A_160] in [0] : vector<16xi32>, vector<16xi32> -> vector<16xi32>
        tpu.vector_store_idx %arg5[%add3A_148], %gather3A_161 : memref<32768xi32, #tpu.memory_space<vmem>>[vector<16xi32>], vector<16xi32>,
        %mul3A_162 = arith.constant 4 : i32
        %mul3A_163 = arith.muli %scan3A_68, %mul3A_162 : i32
        %add3A_164 = arith.constant 1 : i32
        %add3A_165 = arith.addi %mul3A_163, %add3A_164 : i32
        %mul3A_166 = arith.constant 16 : i32
        %mul3A_167 = arith.muli %add3A_165, %mul3A_166 : i32
        %get3A_168 = arith.index_cast %mul3A_167 : i32 to index
        %get3A_169 = tpu.vector_load %arg4[%get3A_168] {strides = array<i32>} : memref<32768xi32, #tpu.memory_space<vmem>>, vector<16xi32>,
        %broadcast_in_dim3A_170 = arith.constant 31 : i32
        %broadcast_in_dim3A_171 = vector.broadcast %broadcast_in_dim3A_170 : i32 to vector<16xi32>
        %shift_right_logical3A_172 = arith.shrui %get3A_169, %broadcast_in_dim3A_171 : vector<16xi32>
        %sub3A_173 = arith.constant 0 : i32
        %sub3A_174 = vector.broadcast %sub3A_173 : i32 to vector<16xi32>
        %sub3A_175 = arith.subi %sub3A_174, %shift_right_logical3A_172 : vector<16xi32>
        %or3A_176 = vector.broadcast %scan3A_6 : i32 to vector<16xi32>
        %or3A_177 = arith.ori %sub3A_175, %or3A_176 : vector<16xi32>
        %xor3A_178 = arith.xori %get3A_169, %or3A_177 : vector<16xi32>
        %xor3A_179 = arith.xori %xor3A_178, %sub3A_19 : vector<16xi32>
        %broadcast_in_dim3A_180 = arith.constant 22 : i32
        %broadcast_in_dim3A_181 = vector.broadcast %broadcast_in_dim3A_180 : i32 to vector<16xi32>
        %shift_right_logical3A_182 = arith.shrui %xor3A_179, %broadcast_in_dim3A_181 : vector<16xi32>
        %and3A_183 = arith.constant 1023 : i32
        %and3A_184 = vector.broadcast %and3A_183 : i32 to vector<16xi32>
        %and3A_185 = arith.andi %shift_right_logical3A_182, %and3A_184 : vector<16xi32>
        %mul3A_186 = arith.constant 16 : i32
        %mul3A_187 = vector.broadcast %mul3A_186 : i32 to vector<16xi32>
        %mul3A_188 = arith.muli %and3A_185, %mul3A_187 : vector<16xi32>
        %add3A_189 = arith.addi %mul3A_188, %iota3A : vector<16xi32>
        %masked_sort3A_190 = arith.constant dense<true> : vector<16xi1>
        %masked_sort3A_191 = arith.constant -2147483648 : i32
        %masked_sort3A_192 = vector.broadcast %masked_sort3A_191 : i32 to vector<16xi32>
        %masked_sort3A_193 = arith.xori %add3A_189, %masked_sort3A_192 : vector<16xi32>
        %masked_sort3A_194, %masked_sort3A_195, %masked_sort3A_196 = tpu.sort %masked_sort3A_193, %iota3A masked %masked_sort3A_190 : (vector<16xi32>, vector<16xi32>, vector<16xi1>) -> (vector<16xi1>, vector<16xi32>, vector<16xi32>)
        %masked_sort3A_197 = arith.xori %masked_sort3A_195, %masked_sort3A_192 : vector<16xi32>
        %broadcast_in_dim3A_198 = arith.constant 4 : i32
        %broadcast_in_dim3A_199 = vector.broadcast %broadcast_in_dim3A_198 : i32 to vector<16xi32>
        %shift_right_logical3A_200 = arith.shrui %masked_sort3A_197, %broadcast_in_dim3A_199 : vector<16xi32>
        %sub3A_201 = arith.constant 1 : i32
        %sub3A_202 = vector.broadcast %sub3A_201 : i32 to vector<16xi32>
        %sub3A_203 = arith.subi %iota3A, %sub3A_202 : vector<16xi32>
        %max3A_204 = arith.constant 0 : i32
        %max3A_205 = vector.broadcast %max3A_204 : i32 to vector<16xi32>
        %max3A_206 = arith.maxsi %sub3A_203, %max3A_205 : vector<16xi32>
        %lt3A_207 = arith.constant 0 : i32
        %lt3A_208 = vector.broadcast %lt3A_207 : i32 to vector<16xi32>
        %lt3A_209 = arith.cmpi slt, %max3A_206, %lt3A_208 : vector<16xi32>
        %add3A_210 = arith.constant 16 : i32
        %add3A_211 = vector.broadcast %add3A_210 : i32 to vector<16xi32>
        %add3A_212 = arith.addi %max3A_206, %add3A_211 : vector<16xi32>
        %select_n3A_213 = arith.select %lt3A_209, %add3A_212, %max3A_206 : vector<16xi1>, vector<16xi32>
        %broadcast_in_dim3A_214 = vector.shape_cast %select_n3A_213 : vector<16xi32> to vector<16x1xi32>
        %gather3A_215 = vector.shape_cast %broadcast_in_dim3A_214 : vector<16x1xi32> to vector<16xi32>
        %gather3A_216 = tpu.dynamic_gather %shift_right_logical3A_200[%gather3A_215] in [0] : vector<16xi32>, vector<16xi32> -> vector<16xi32>
        %eq3A_217 = arith.constant 0 : i32
        %eq3A_218 = vector.broadcast %eq3A_217 : i32 to vector<16xi32>
        %eq3A_219 = arith.cmpi eq, %iota3A, %eq3A_218 : vector<16xi32>
        %ne3A_220 = arith.cmpi ne, %shift_right_logical3A_200, %gather3A_216 : vector<16xi32>
        %or3A_221 = arith.ori %eq3A_219, %ne3A_220 : vector<16xi1>
        %jit3A_222 = arith.constant 0 : i32
        %broadcast_in_dim3A_223 = vector.broadcast %jit3A_222 : i32 to vector<16xi32>
        %select_n3A_224 = arith.select %or3A_221, %iota3A, %broadcast_in_dim3A_223 : vector<16xi1>, vector<16xi32>
        %broadcast_in_dim3A_225 = arith.constant true
        %broadcast_in_dim3A_226 = vector.broadcast %broadcast_in_dim3A_225 : i1 to vector<16xi1>
        %masked_cummax3A_227 = arith.constant -2147483648 : i32
        %masked_cummax3A_228 = vector.broadcast %masked_cummax3A_227 : i32 to vector<16xi32>
        %masked_cummax3A_229 = arith.xori %select_n3A_224, %masked_cummax3A_228 : vector<16xi32>
        %masked_cummax3A_230 = tpu.scan <max>, %masked_cummax3A_229 masked %broadcast_in_dim3A_226 : vector<16xi32>, vector<16xi1> -> vector<16xi32>
        %masked_cummax3A_231 = arith.xori %masked_cummax3A_230, %masked_cummax3A_228 : vector<16xi32>
        %sub3A_232 = arith.subi %iota3A, %masked_cummax3A_231 : vector<16xi32>
        %add3A_233 = arith.constant 1 : i32
        %add3A_234 = vector.broadcast %add3A_233 : i32 to vector<16xi32>
        %add3A_235 = arith.addi %iota3A, %add3A_234 : vector<16xi32>
        %min3A_236 = arith.constant 15 : i32
        %min3A_237 = vector.broadcast %min3A_236 : i32 to vector<16xi32>
        %min3A_238 = arith.minsi %add3A_235, %min3A_237 : vector<16xi32>
        %lt3A_239 = arith.constant 0 : i32
        %lt3A_240 = vector.broadcast %lt3A_239 : i32 to vector<16xi32>
        %lt3A_241 = arith.cmpi slt, %min3A_238, %lt3A_240 : vector<16xi32>
        %add3A_242 = arith.constant 16 : i32
        %add3A_243 = vector.broadcast %add3A_242 : i32 to vector<16xi32>
        %add3A_244 = arith.addi %min3A_238, %add3A_243 : vector<16xi32>
        %select_n3A_245 = arith.select %lt3A_241, %add3A_244, %min3A_238 : vector<16xi1>, vector<16xi32>
        %broadcast_in_dim3A_246 = vector.shape_cast %select_n3A_245 : vector<16xi32> to vector<16x1xi32>
        %gather3A_247 = vector.shape_cast %broadcast_in_dim3A_246 : vector<16x1xi32> to vector<16xi32>
        %gather3A_248 = tpu.dynamic_gather %shift_right_logical3A_200[%gather3A_247] in [0] : vector<16xi32>, vector<16xi32> -> vector<16xi32>
        %eq3A_249 = arith.constant 15 : i32
        %eq3A_250 = vector.broadcast %eq3A_249 : i32 to vector<16xi32>
        %eq3A_251 = arith.cmpi eq, %iota3A, %eq3A_250 : vector<16xi32>
        %ne3A_252 = arith.cmpi ne, %shift_right_logical3A_200, %gather3A_248 : vector<16xi32>
        %or3A_253 = arith.ori %eq3A_251, %ne3A_252 : vector<16xi1>
        %gather3A_254 = tpu.vector_load_idx %arg6[%shift_right_logical3A_200] : memref<2048xi32, #tpu.memory_space<vmem>>[vector<16xi32>], vector<16xi32>,
        %add3A_255 = arith.addi %gather3A_254, %sub3A_232 : vector<16xi32>
        %add3A_256 = arith.constant 1 : i32
        %add3A_257 = vector.broadcast %add3A_256 : i32 to vector<16xi32>
        %add3A_258 = arith.addi %add3A_255, %add3A_257 : vector<16xi32>
        tpu.vector_store_idx %arg6[%shift_right_logical3A_200], %add3A_258 masked %or3A_253 : memref<2048xi32, #tpu.memory_space<vmem>>[vector<16xi32>], vector<16xi32>, vector<16xi1>
        %lt3A_259 = arith.constant 0 : i32
        %lt3A_260 = vector.broadcast %lt3A_259 : i32 to vector<16xi32>
        %lt3A_261 = arith.cmpi slt, %masked_sort3A_196, %lt3A_260 : vector<16xi32>
        %add3A_262 = arith.constant 16 : i32
        %add3A_263 = vector.broadcast %add3A_262 : i32 to vector<16xi32>
        %add3A_264 = arith.addi %masked_sort3A_196, %add3A_263 : vector<16xi32>
        %select_n3A_265 = arith.select %lt3A_261, %add3A_264, %masked_sort3A_196 : vector<16xi1>, vector<16xi32>
        %broadcast_in_dim3A_266 = vector.shape_cast %select_n3A_265 : vector<16xi32> to vector<16x1xi32>
        %gather3A_267 = vector.shape_cast %broadcast_in_dim3A_266 : vector<16x1xi32> to vector<16xi32>
        %gather3A_268 = tpu.dynamic_gather %get3A_169[%gather3A_267] in [0] : vector<16xi32>, vector<16xi32> -> vector<16xi32>
        tpu.vector_store_idx %arg5[%add3A_255], %gather3A_268 : memref<32768xi32, #tpu.memory_space<vmem>>[vector<16xi32>], vector<16xi32>,
        %mul3A_269 = arith.constant 4 : i32
        %mul3A_270 = arith.muli %scan3A_68, %mul3A_269 : i32
        %add3A_271 = arith.constant 2 : i32
        %add3A_272 = arith.addi %mul3A_270, %add3A_271 : i32
        %mul3A_273 = arith.constant 16 : i32
        %mul3A_274 = arith.muli %add3A_272, %mul3A_273 : i32
        %get3A_275 = arith.index_cast %mul3A_274 : i32 to index
        %get3A_276 = tpu.vector_load %arg4[%get3A_275] {strides = array<i32>} : memref<32768xi32, #tpu.memory_space<vmem>>, vector<16xi32>,
        %broadcast_in_dim3A_277 = arith.constant 31 : i32
        %broadcast_in_dim3A_278 = vector.broadcast %broadcast_in_dim3A_277 : i32 to vector<16xi32>
        %shift_right_logical3A_279 = arith.shrui %get3A_276, %broadcast_in_dim3A_278 : vector<16xi32>
        %sub3A_280 = arith.constant 0 : i32
        %sub3A_281 = vector.broadcast %sub3A_280 : i32 to vector<16xi32>
        %sub3A_282 = arith.subi %sub3A_281, %shift_right_logical3A_279 : vector<16xi32>
        %or3A_283 = vector.broadcast %scan3A_6 : i32 to vector<16xi32>
        %or3A_284 = arith.ori %sub3A_282, %or3A_283 : vector<16xi32>
        %xor3A_285 = arith.xori %get3A_276, %or3A_284 : vector<16xi32>
        %xor3A_286 = arith.xori %xor3A_285, %sub3A_19 : vector<16xi32>
        %broadcast_in_dim3A_287 = arith.constant 22 : i32
        %broadcast_in_dim3A_288 = vector.broadcast %broadcast_in_dim3A_287 : i32 to vector<16xi32>
        %shift_right_logical3A_289 = arith.shrui %xor3A_286, %broadcast_in_dim3A_288 : vector<16xi32>
        %and3A_290 = arith.constant 1023 : i32
        %and3A_291 = vector.broadcast %and3A_290 : i32 to vector<16xi32>
        %and3A_292 = arith.andi %shift_right_logical3A_289, %and3A_291 : vector<16xi32>
        %mul3A_293 = arith.constant 16 : i32
        %mul3A_294 = vector.broadcast %mul3A_293 : i32 to vector<16xi32>
        %mul3A_295 = arith.muli %and3A_292, %mul3A_294 : vector<16xi32>
        %add3A_296 = arith.addi %mul3A_295, %iota3A : vector<16xi32>
        %masked_sort3A_297 = arith.constant dense<true> : vector<16xi1>
        %masked_sort3A_298 = arith.constant -2147483648 : i32
        %masked_sort3A_299 = vector.broadcast %masked_sort3A_298 : i32 to vector<16xi32>
        %masked_sort3A_300 = arith.xori %add3A_296, %masked_sort3A_299 : vector<16xi32>
        %masked_sort3A_301, %masked_sort3A_302, %masked_sort3A_303 = tpu.sort %masked_sort3A_300, %iota3A masked %masked_sort3A_297 : (vector<16xi32>, vector<16xi32>, vector<16xi1>) -> (vector<16xi1>, vector<16xi32>, vector<16xi32>)
        %masked_sort3A_304 = arith.xori %masked_sort3A_302, %masked_sort3A_299 : vector<16xi32>
        %broadcast_in_dim3A_305 = arith.constant 4 : i32
        %broadcast_in_dim3A_306 = vector.broadcast %broadcast_in_dim3A_305 : i32 to vector<16xi32>
        %shift_right_logical3A_307 = arith.shrui %masked_sort3A_304, %broadcast_in_dim3A_306 : vector<16xi32>
        %sub3A_308 = arith.constant 1 : i32
        %sub3A_309 = vector.broadcast %sub3A_308 : i32 to vector<16xi32>
        %sub3A_310 = arith.subi %iota3A, %sub3A_309 : vector<16xi32>
        %max3A_311 = arith.constant 0 : i32
        %max3A_312 = vector.broadcast %max3A_311 : i32 to vector<16xi32>
        %max3A_313 = arith.maxsi %sub3A_310, %max3A_312 : vector<16xi32>
        %lt3A_314 = arith.constant 0 : i32
        %lt3A_315 = vector.broadcast %lt3A_314 : i32 to vector<16xi32>
        %lt3A_316 = arith.cmpi slt, %max3A_313, %lt3A_315 : vector<16xi32>
        %add3A_317 = arith.constant 16 : i32
        %add3A_318 = vector.broadcast %add3A_317 : i32 to vector<16xi32>
        %add3A_319 = arith.addi %max3A_313, %add3A_318 : vector<16xi32>
        %select_n3A_320 = arith.select %lt3A_316, %add3A_319, %max3A_313 : vector<16xi1>, vector<16xi32>
        %broadcast_in_dim3A_321 = vector.shape_cast %select_n3A_320 : vector<16xi32> to vector<16x1xi32>
        %gather3A_322 = vector.shape_cast %broadcast_in_dim3A_321 : vector<16x1xi32> to vector<16xi32>
        %gather3A_323 = tpu.dynamic_gather %shift_right_logical3A_307[%gather3A_322] in [0] : vector<16xi32>, vector<16xi32> -> vector<16xi32>
        %eq3A_324 = arith.constant 0 : i32
        %eq3A_325 = vector.broadcast %eq3A_324 : i32 to vector<16xi32>
        %eq3A_326 = arith.cmpi eq, %iota3A, %eq3A_325 : vector<16xi32>
        %ne3A_327 = arith.cmpi ne, %shift_right_logical3A_307, %gather3A_323 : vector<16xi32>
        %or3A_328 = arith.ori %eq3A_326, %ne3A_327 : vector<16xi1>
        %jit3A_329 = arith.constant 0 : i32
        %broadcast_in_dim3A_330 = vector.broadcast %jit3A_329 : i32 to vector<16xi32>
        %select_n3A_331 = arith.select %or3A_328, %iota3A, %broadcast_in_dim3A_330 : vector<16xi1>, vector<16xi32>
        %broadcast_in_dim3A_332 = arith.constant true
        %broadcast_in_dim3A_333 = vector.broadcast %broadcast_in_dim3A_332 : i1 to vector<16xi1>
        %masked_cummax3A_334 = arith.constant -2147483648 : i32
        %masked_cummax3A_335 = vector.broadcast %masked_cummax3A_334 : i32 to vector<16xi32>
        %masked_cummax3A_336 = arith.xori %select_n3A_331, %masked_cummax3A_335 : vector<16xi32>
        %masked_cummax3A_337 = tpu.scan <max>, %masked_cummax3A_336 masked %broadcast_in_dim3A_333 : vector<16xi32>, vector<16xi1> -> vector<16xi32>
        %masked_cummax3A_338 = arith.xori %masked_cummax3A_337, %masked_cummax3A_335 : vector<16xi32>
        %sub3A_339 = arith.subi %iota3A, %masked_cummax3A_338 : vector<16xi32>
        %add3A_340 = arith.constant 1 : i32
        %add3A_341 = vector.broadcast %add3A_340 : i32 to vector<16xi32>
        %add3A_342 = arith.addi %iota3A, %add3A_341 : vector<16xi32>
        %min3A_343 = arith.constant 15 : i32
        %min3A_344 = vector.broadcast %min3A_343 : i32 to vector<16xi32>
        %min3A_345 = arith.minsi %add3A_342, %min3A_344 : vector<16xi32>
        %lt3A_346 = arith.constant 0 : i32
        %lt3A_347 = vector.broadcast %lt3A_346 : i32 to vector<16xi32>
        %lt3A_348 = arith.cmpi slt, %min3A_345, %lt3A_347 : vector<16xi32>
        %add3A_349 = arith.constant 16 : i32
        %add3A_350 = vector.broadcast %add3A_349 : i32 to vector<16xi32>
        %add3A_351 = arith.addi %min3A_345, %add3A_350 : vector<16xi32>
        %select_n3A_352 = arith.select %lt3A_348, %add3A_351, %min3A_345 : vector<16xi1>, vector<16xi32>
        %broadcast_in_dim3A_353 = vector.shape_cast %select_n3A_352 : vector<16xi32> to vector<16x1xi32>
        %gather3A_354 = vector.shape_cast %broadcast_in_dim3A_353 : vector<16x1xi32> to vector<16xi32>
        %gather3A_355 = tpu.dynamic_gather %shift_right_logical3A_307[%gather3A_354] in [0] : vector<16xi32>, vector<16xi32> -> vector<16xi32>
        %eq3A_356 = arith.constant 15 : i32
        %eq3A_357 = vector.broadcast %eq3A_356 : i32 to vector<16xi32>
        %eq3A_358 = arith.cmpi eq, %iota3A, %eq3A_357 : vector<16xi32>
        %ne3A_359 = arith.cmpi ne, %shift_right_logical3A_307, %gather3A_355 : vector<16xi32>
        %or3A_360 = arith.ori %eq3A_358, %ne3A_359 : vector<16xi1>
        %gather3A_361 = tpu.vector_load_idx %arg6[%shift_right_logical3A_307] : memref<2048xi32, #tpu.memory_space<vmem>>[vector<16xi32>], vector<16xi32>,
        %add3A_362 = arith.addi %gather3A_361, %sub3A_339 : vector<16xi32>
        %add3A_363 = arith.constant 1 : i32
        %add3A_364 = vector.broadcast %add3A_363 : i32 to vector<16xi32>
        %add3A_365 = arith.addi %add3A_362, %add3A_364 : vector<16xi32>
        tpu.vector_store_idx %arg6[%shift_right_logical3A_307], %add3A_365 masked %or3A_360 : memref<2048xi32, #tpu.memory_space<vmem>>[vector<16xi32>], vector<16xi32>, vector<16xi1>
        %lt3A_366 = arith.constant 0 : i32
        %lt3A_367 = vector.broadcast %lt3A_366 : i32 to vector<16xi32>
        %lt3A_368 = arith.cmpi slt, %masked_sort3A_303, %lt3A_367 : vector<16xi32>
        %add3A_369 = arith.constant 16 : i32
        %add3A_370 = vector.broadcast %add3A_369 : i32 to vector<16xi32>
        %add3A_371 = arith.addi %masked_sort3A_303, %add3A_370 : vector<16xi32>
        %select_n3A_372 = arith.select %lt3A_368, %add3A_371, %masked_sort3A_303 : vector<16xi1>, vector<16xi32>
        %broadcast_in_dim3A_373 = vector.shape_cast %select_n3A_372 : vector<16xi32> to vector<16x1xi32>
        %gather3A_374 = vector.shape_cast %broadcast_in_dim3A_373 : vector<16x1xi32> to vector<16xi32>
        %gather3A_375 = tpu.dynamic_gather %get3A_276[%gather3A_374] in [0] : vector<16xi32>, vector<16xi32> -> vector<16xi32>
        tpu.vector_store_idx %arg5[%add3A_362], %gather3A_375 : memref<32768xi32, #tpu.memory_space<vmem>>[vector<16xi32>], vector<16xi32>,
        %mul3A_376 = arith.constant 4 : i32
        %mul3A_377 = arith.muli %scan3A_68, %mul3A_376 : i32
        %add3A_378 = arith.constant 3 : i32
        %add3A_379 = arith.addi %mul3A_377, %add3A_378 : i32
        %mul3A_380 = arith.constant 16 : i32
        %mul3A_381 = arith.muli %add3A_379, %mul3A_380 : i32
        %get3A_382 = arith.index_cast %mul3A_381 : i32 to index
        %get3A_383 = tpu.vector_load %arg4[%get3A_382] {strides = array<i32>} : memref<32768xi32, #tpu.memory_space<vmem>>, vector<16xi32>,
        %broadcast_in_dim3A_384 = arith.constant 31 : i32
        %broadcast_in_dim3A_385 = vector.broadcast %broadcast_in_dim3A_384 : i32 to vector<16xi32>
        %shift_right_logical3A_386 = arith.shrui %get3A_383, %broadcast_in_dim3A_385 : vector<16xi32>
        %sub3A_387 = arith.constant 0 : i32
        %sub3A_388 = vector.broadcast %sub3A_387 : i32 to vector<16xi32>
        %sub3A_389 = arith.subi %sub3A_388, %shift_right_logical3A_386 : vector<16xi32>
        %or3A_390 = vector.broadcast %scan3A_6 : i32 to vector<16xi32>
        %or3A_391 = arith.ori %sub3A_389, %or3A_390 : vector<16xi32>
        %xor3A_392 = arith.xori %get3A_383, %or3A_391 : vector<16xi32>
        %xor3A_393 = arith.xori %xor3A_392, %sub3A_19 : vector<16xi32>
        %broadcast_in_dim3A_394 = arith.constant 22 : i32
        %broadcast_in_dim3A_395 = vector.broadcast %broadcast_in_dim3A_394 : i32 to vector<16xi32>
        %shift_right_logical3A_396 = arith.shrui %xor3A_393, %broadcast_in_dim3A_395 : vector<16xi32>
        %and3A_397 = arith.constant 1023 : i32
        %and3A_398 = vector.broadcast %and3A_397 : i32 to vector<16xi32>
        %and3A_399 = arith.andi %shift_right_logical3A_396, %and3A_398 : vector<16xi32>
        %mul3A_400 = arith.constant 16 : i32
        %mul3A_401 = vector.broadcast %mul3A_400 : i32 to vector<16xi32>
        %mul3A_402 = arith.muli %and3A_399, %mul3A_401 : vector<16xi32>
        %add3A_403 = arith.addi %mul3A_402, %iota3A : vector<16xi32>
        %masked_sort3A_404 = arith.constant dense<true> : vector<16xi1>
        %masked_sort3A_405 = arith.constant -2147483648 : i32
        %masked_sort3A_406 = vector.broadcast %masked_sort3A_405 : i32 to vector<16xi32>
        %masked_sort3A_407 = arith.xori %add3A_403, %masked_sort3A_406 : vector<16xi32>
        %masked_sort3A_408, %masked_sort3A_409, %masked_sort3A_410 = tpu.sort %masked_sort3A_407, %iota3A masked %masked_sort3A_404 : (vector<16xi32>, vector<16xi32>, vector<16xi1>) -> (vector<16xi1>, vector<16xi32>, vector<16xi32>)
        %masked_sort3A_411 = arith.xori %masked_sort3A_409, %masked_sort3A_406 : vector<16xi32>
        %broadcast_in_dim3A_412 = arith.constant 4 : i32
        %broadcast_in_dim3A_413 = vector.broadcast %broadcast_in_dim3A_412 : i32 to vector<16xi32>
        %shift_right_logical3A_414 = arith.shrui %masked_sort3A_411, %broadcast_in_dim3A_413 : vector<16xi32>
        %sub3A_415 = arith.constant 1 : i32
        %sub3A_416 = vector.broadcast %sub3A_415 : i32 to vector<16xi32>
        %sub3A_417 = arith.subi %iota3A, %sub3A_416 : vector<16xi32>
        %max3A_418 = arith.constant 0 : i32
        %max3A_419 = vector.broadcast %max3A_418 : i32 to vector<16xi32>
        %max3A_420 = arith.maxsi %sub3A_417, %max3A_419 : vector<16xi32>
        %lt3A_421 = arith.constant 0 : i32
        %lt3A_422 = vector.broadcast %lt3A_421 : i32 to vector<16xi32>
        %lt3A_423 = arith.cmpi slt, %max3A_420, %lt3A_422 : vector<16xi32>
        %add3A_424 = arith.constant 16 : i32
        %add3A_425 = vector.broadcast %add3A_424 : i32 to vector<16xi32>
        %add3A_426 = arith.addi %max3A_420, %add3A_425 : vector<16xi32>
        %select_n3A_427 = arith.select %lt3A_423, %add3A_426, %max3A_420 : vector<16xi1>, vector<16xi32>
        %broadcast_in_dim3A_428 = vector.shape_cast %select_n3A_427 : vector<16xi32> to vector<16x1xi32>
        %gather3A_429 = vector.shape_cast %broadcast_in_dim3A_428 : vector<16x1xi32> to vector<16xi32>
        %gather3A_430 = tpu.dynamic_gather %shift_right_logical3A_414[%gather3A_429] in [0] : vector<16xi32>, vector<16xi32> -> vector<16xi32>
        %eq3A_431 = arith.constant 0 : i32
        %eq3A_432 = vector.broadcast %eq3A_431 : i32 to vector<16xi32>
        %eq3A_433 = arith.cmpi eq, %iota3A, %eq3A_432 : vector<16xi32>
        %ne3A_434 = arith.cmpi ne, %shift_right_logical3A_414, %gather3A_430 : vector<16xi32>
        %or3A_435 = arith.ori %eq3A_433, %ne3A_434 : vector<16xi1>
        %jit3A_436 = arith.constant 0 : i32
        %broadcast_in_dim3A_437 = vector.broadcast %jit3A_436 : i32 to vector<16xi32>
        %select_n3A_438 = arith.select %or3A_435, %iota3A, %broadcast_in_dim3A_437 : vector<16xi1>, vector<16xi32>
        %broadcast_in_dim3A_439 = arith.constant true
        %broadcast_in_dim3A_440 = vector.broadcast %broadcast_in_dim3A_439 : i1 to vector<16xi1>
        %masked_cummax3A_441 = arith.constant -2147483648 : i32
        %masked_cummax3A_442 = vector.broadcast %masked_cummax3A_441 : i32 to vector<16xi32>
        %masked_cummax3A_443 = arith.xori %select_n3A_438, %masked_cummax3A_442 : vector<16xi32>
        %masked_cummax3A_444 = tpu.scan <max>, %masked_cummax3A_443 masked %broadcast_in_dim3A_440 : vector<16xi32>, vector<16xi1> -> vector<16xi32>
        %masked_cummax3A_445 = arith.xori %masked_cummax3A_444, %masked_cummax3A_442 : vector<16xi32>
        %sub3A_446 = arith.subi %iota3A, %masked_cummax3A_445 : vector<16xi32>
        %add3A_447 = arith.constant 1 : i32
        %add3A_448 = vector.broadcast %add3A_447 : i32 to vector<16xi32>
        %add3A_449 = arith.addi %iota3A, %add3A_448 : vector<16xi32>
        %min3A_450 = arith.constant 15 : i32
        %min3A_451 = vector.broadcast %min3A_450 : i32 to vector<16xi32>
        %min3A_452 = arith.minsi %add3A_449, %min3A_451 : vector<16xi32>
        %lt3A_453 = arith.constant 0 : i32
        %lt3A_454 = vector.broadcast %lt3A_453 : i32 to vector<16xi32>
        %lt3A_455 = arith.cmpi slt, %min3A_452, %lt3A_454 : vector<16xi32>
        %add3A_456 = arith.constant 16 : i32
        %add3A_457 = vector.broadcast %add3A_456 : i32 to vector<16xi32>
        %add3A_458 = arith.addi %min3A_452, %add3A_457 : vector<16xi32>
        %select_n3A_459 = arith.select %lt3A_455, %add3A_458, %min3A_452 : vector<16xi1>, vector<16xi32>
        %broadcast_in_dim3A_460 = vector.shape_cast %select_n3A_459 : vector<16xi32> to vector<16x1xi32>
        %gather3A_461 = vector.shape_cast %broadcast_in_dim3A_460 : vector<16x1xi32> to vector<16xi32>
        %gather3A_462 = tpu.dynamic_gather %shift_right_logical3A_414[%gather3A_461] in [0] : vector<16xi32>, vector<16xi32> -> vector<16xi32>
        %eq3A_463 = arith.constant 15 : i32
        %eq3A_464 = vector.broadcast %eq3A_463 : i32 to vector<16xi32>
        %eq3A_465 = arith.cmpi eq, %iota3A, %eq3A_464 : vector<16xi32>
        %ne3A_466 = arith.cmpi ne, %shift_right_logical3A_414, %gather3A_462 : vector<16xi32>
        %or3A_467 = arith.ori %eq3A_465, %ne3A_466 : vector<16xi1>
        %gather3A_468 = tpu.vector_load_idx %arg6[%shift_right_logical3A_414] : memref<2048xi32, #tpu.memory_space<vmem>>[vector<16xi32>], vector<16xi32>,
        %add3A_469 = arith.addi %gather3A_468, %sub3A_446 : vector<16xi32>
        %add3A_470 = arith.constant 1 : i32
        %add3A_471 = vector.broadcast %add3A_470 : i32 to vector<16xi32>
        %add3A_472 = arith.addi %add3A_469, %add3A_471 : vector<16xi32>
        tpu.vector_store_idx %arg6[%shift_right_logical3A_414], %add3A_472 masked %or3A_467 : memref<2048xi32, #tpu.memory_space<vmem>>[vector<16xi32>], vector<16xi32>, vector<16xi1>
        %lt3A_473 = arith.constant 0 : i32
        %lt3A_474 = vector.broadcast %lt3A_473 : i32 to vector<16xi32>
        %lt3A_475 = arith.cmpi slt, %masked_sort3A_410, %lt3A_474 : vector<16xi32>
        %add3A_476 = arith.constant 16 : i32
        %add3A_477 = vector.broadcast %add3A_476 : i32 to vector<16xi32>
        %add3A_478 = arith.addi %masked_sort3A_410, %add3A_477 : vector<16xi32>
        %select_n3A_479 = arith.select %lt3A_475, %add3A_478, %masked_sort3A_410 : vector<16xi1>, vector<16xi32>
        %broadcast_in_dim3A_480 = vector.shape_cast %select_n3A_479 : vector<16xi32> to vector<16x1xi32>
        %gather3A_481 = vector.shape_cast %broadcast_in_dim3A_480 : vector<16x1xi32> to vector<16xi32>
        %gather3A_482 = tpu.dynamic_gather %get3A_383[%gather3A_481] in [0] : vector<16xi32>, vector<16xi32> -> vector<16xi32>
        tpu.vector_store_idx %arg5[%add3A_469], %gather3A_482 : memref<32768xi32, #tpu.memory_space<vmem>>[vector<16xi32>], vector<16xi32>,
      }
      %scan3A_67 = arith.constant 512 : i32
      "tpu.region"() ({
        %run_scoped3A = tpu.sem_alloc : memref<!tpu.dma_semaphore, #tpu.memory_space<semaphore_mem>>
        %dma_start3A = arith.constant 0 : i32
        %dma_start3A_68 = tpu.memref_slice %arg3[%add3A_15, %dma_start3A] : memref<1024x32768xi32, #tpu.memory_space<hbm>> -> memref<1x32768xi32, #tpu.memory_space<hbm>>
        %dma_start3A_69 = tpu.memref_squeeze %dma_start3A_68 : memref<1x32768xi32, #tpu.memory_space<hbm>> -> memref<32768xi32, #tpu.memory_space<hbm>>
        %dma_start3A_70 = arith.constant 0 : i32
        %dma_start3A_71 = tpu.memref_slice %arg3[%add3A_15, %dma_start3A_70] : memref<1024x32768xi32, #tpu.memory_space<hbm>> -> memref<1x32768xi32, #tpu.memory_space<hbm>>
        %dma_start3A_72 = tpu.memref_squeeze %dma_start3A_71 : memref<1x32768xi32, #tpu.memory_space<hbm>> -> memref<32768xi32, #tpu.memory_space<hbm>>
        tpu.enqueue_dma source(%arg5 : memref<32768xi32, #tpu.memory_space<vmem>>) target(%dma_start3A_72 : memref<32768xi32, #tpu.memory_space<hbm>>) target_semaphore(%run_scoped3A : memref<!tpu.dma_semaphore, #tpu.memory_space<semaphore_mem>>)
        %dma_wait3A = arith.constant 0 : i32
        %dma_wait3A_73 = tpu.memref_slice %arg3[%add3A_15, %dma_wait3A] : memref<1024x32768xi32, #tpu.memory_space<hbm>> -> memref<1x32768xi32, #tpu.memory_space<hbm>>
        %dma_wait3A_74 = tpu.memref_squeeze %dma_wait3A_73 : memref<1x32768xi32, #tpu.memory_space<hbm>> -> memref<32768xi32, #tpu.memory_space<hbm>>
        %dma_wait3A_75 = arith.constant 0 : i32
        %dma_wait3A_76 = tpu.memref_slice %arg3[%add3A_15, %dma_wait3A_75] : memref<1024x32768xi32, #tpu.memory_space<hbm>> -> memref<1x32768xi32, #tpu.memory_space<hbm>>
        %dma_wait3A_77 = tpu.memref_squeeze %dma_wait3A_76 : memref<1x32768xi32, #tpu.memory_space<hbm>> -> memref<32768xi32, #tpu.memory_space<hbm>>
        tpu.wait_dma2 semaphore(%run_scoped3A : memref<!tpu.dma_semaphore, #tpu.memory_space<semaphore_mem>>) src(%arg5 : memref<32768xi32, #tpu.memory_space<vmem>>) dst(%dma_wait3A_77 : memref<32768xi32, #tpu.memory_space<hbm>>)
        tpu.yield
      }) : () -> ()
    }
    %scan3A_11 = arith.constant 32 : i32
    return
  }
}

module attributes {stable_mosaic.version = 14 : i64} {
  func.func @body(%arg0: i32, %arg1: memref<1x4096x128xf32, #tpu.memory_space<vmem>>, %arg2: memref<1x4096x128xf32, #tpu.memory_space<vmem>>, %arg3: memref<1x1xf32, #tpu.memory_space<smem>>, %arg4: memref<4096x128xf32, #tpu.memory_space<vmem>>, %arg5: memref<4096x128xf32, #tpu.memory_space<vmem>>) attributes {dimension_semantics = [#tpu.dimension_semantics<arbitrary>], iteration_bounds = array<i64: 32>, scalar_prefetch = 0 : i64, scratch_operands = 2 : i64, tpu.core_type = #tpu.core_type<tc>, window_params = [{transform_indices = @transform_0, window_bounds = array<i64: 1, 4096, 128>}, {transform_indices = @transform_1, window_bounds = array<i64: 1, 4096, 128>}, {transform_indices = @transform_2, window_bounds = array<i64: 1, 1>}]} {
    %eq3A = arith.constant 0 : i32
    %eq3A_0 = arith.cmpi eq, %arg0, %eq3A : i32
    %convert_element_type3A = arith.extui %eq3A_0 : i1 to i32
    %cond3A = arith.constant 0 : i32
    %cond3A_1 = arith.cmpi ne, %convert_element_type3A, %cond3A : i32
    scf.if %cond3A_1 {
      %swap3A_180 = arith.constant 0.000000e+00 : f32
      %swap3A_181 = arith.constant 0 : index
      %swap3A_182 = arith.constant 0 : index
      %swap3A_183 = memref.load %arg3[%swap3A_181, %swap3A_182] : memref<1x1xf32, #tpu.memory_space<smem>>
      memref.store %swap3A_180, %arg3[%swap3A_181, %swap3A_182] : memref<1x1xf32, #tpu.memory_space<smem>>
    } else {
    }
    %get3A = arith.constant 0 : index
    %get3A_2 = arith.constant 0 : index
    %get3A_3 = arith.constant 0 : index
    %get3A_4 = vector.load %arg1[%get3A, %get3A_2, %get3A_3] : memref<1x4096x128xf32, #tpu.memory_space<vmem>>, vector<1x4096x128xf32>
    %get3A_5 = vector.shape_cast %get3A_4 : vector<1x4096x128xf32> to vector<4096x128xf32>
    %swap3A = arith.constant 0 : index
    %swap3A_6 = arith.constant 0 : index
    %swap3A_7 = vector.load %arg4[%swap3A, %swap3A_6] : memref<4096x128xf32, #tpu.memory_space<vmem>>, vector<4096x128xf32>
    tpu.vector_store %arg4[%swap3A, %swap3A_6], %get3A_5 {strides = array<i32>} : memref<4096x128xf32, #tpu.memory_space<vmem>>, vector<4096x128xf32>,
    %get3A_8 = arith.constant 0 : index
    %get3A_9 = arith.constant 0 : index
    %get3A_10 = arith.constant 0 : index
    %get3A_11 = vector.load %arg2[%get3A_8, %get3A_9, %get3A_10] : memref<1x4096x128xf32, #tpu.memory_space<vmem>>, vector<1x4096x128xf32>
    %get3A_12 = vector.shape_cast %get3A_11 : vector<1x4096x128xf32> to vector<4096x128xf32>
    %swap3A_13 = arith.constant 0 : index
    %swap3A_14 = arith.constant 0 : index
    %swap3A_15 = vector.load %arg5[%swap3A_13, %swap3A_14] : memref<4096x128xf32, #tpu.memory_space<vmem>>, vector<4096x128xf32>
    tpu.vector_store %arg5[%swap3A_13, %swap3A_14], %get3A_12 {strides = array<i32>} : memref<4096x128xf32, #tpu.memory_space<vmem>>, vector<4096x128xf32>,
    %iota3A = tpu.iota {dimensions = array<i32: 1>} : vector<64x128xi32>
    %iota3A_16 = tpu.iota {dimensions = array<i32: 0>} : vector<64x128xi32>
    %and3A = arith.constant 16 : i32
    %and3A_17 = vector.broadcast %and3A : i32 to vector<64x128xi32>
    %and3A_18 = arith.andi %iota3A, %and3A_17 : vector<64x128xi32>
    %ne3A = arith.constant 0 : i32
    %ne3A_19 = vector.broadcast %ne3A : i32 to vector<64x128xi32>
    %ne3A_20 = arith.cmpi ne, %and3A_18, %ne3A_19 : vector<64x128xi32>
    %scan3A = arith.constant 0 : i32
    %scan3A_21 = arith.constant 64 : i32
    %scan3A_22 = arith.addi %scan3A, %scan3A_21 : i32
    %scan3A_23 = arith.constant 1 : i32
    scf.for %scan3A_180 = %scan3A to %scan3A_22 step %scan3A_23  : i32 {
      %mul3A = arith.constant 64 : i32
      %mul3A_181 = arith.muli %scan3A_180, %mul3A : i32
      %get3A_182 = arith.index_cast %mul3A_181 : i32 to index
      %get3A_183 = arith.constant 0 : index
      %get3A_184 = vector.load %arg4[%get3A_182, %get3A_183] : memref<4096x128xf32, #tpu.memory_space<vmem>>, vector<64x128xf32>
      %and3A_185 = arith.constant 8 : i32
      %and3A_186 = vector.broadcast %and3A_185 : i32 to vector<64x128xi32>
      %and3A_187 = arith.andi %iota3A, %and3A_186 : vector<64x128xi32>
      %ne3A_188 = arith.constant 0 : i32
      %ne3A_189 = vector.broadcast %ne3A_188 : i32 to vector<64x128xi32>
      %ne3A_190 = arith.cmpi ne, %and3A_187, %ne3A_189 : vector<64x128xi32>
      %eq3A_191 = arith.xori %ne3A_190, %ne3A_20 : vector<64x128xi1>
      %eq3A_192 = arith.constant dense<true> : vector<64x128xi1>
      %eq3A_193 = arith.xori %eq3A_191, %eq3A_192 : vector<64x128xi1>
      %roll3A = arith.constant 120 : i32
      %roll3A_194 = tpu.dynamic_rotate %get3A_184 by %roll3A dim 1 : vector<64x128xf32>, i32 -> vector<64x128xf32>
      %roll3A_195 = arith.constant 8 : i32
      %roll3A_196 = tpu.dynamic_rotate %get3A_184 by %roll3A_195 dim 1 : vector<64x128xf32>, i32 -> vector<64x128xf32>
      %select_n3A = arith.select %ne3A_190, %roll3A_196, %roll3A_194 : vector<64x128xi1>, vector<64x128xf32>
      %min3A = arith.minimumf %get3A_184, %select_n3A : vector<64x128xf32>
      %max3A_197 = arith.maximumf %get3A_184, %select_n3A : vector<64x128xf32>
      %select_n3A_198 = arith.select %eq3A_193, %min3A, %max3A_197 : vector<64x128xi1>, vector<64x128xf32>
      %and3A_199 = arith.constant 4 : i32
      %and3A_200 = vector.broadcast %and3A_199 : i32 to vector<64x128xi32>
      %and3A_201 = arith.andi %iota3A, %and3A_200 : vector<64x128xi32>
      %ne3A_202 = arith.constant 0 : i32
      %ne3A_203 = vector.broadcast %ne3A_202 : i32 to vector<64x128xi32>
      %ne3A_204 = arith.cmpi ne, %and3A_201, %ne3A_203 : vector<64x128xi32>
      %eq3A_205 = arith.xori %ne3A_204, %ne3A_20 : vector<64x128xi1>
      %eq3A_206 = arith.constant dense<true> : vector<64x128xi1>
      %eq3A_207 = arith.xori %eq3A_205, %eq3A_206 : vector<64x128xi1>
      %roll3A_208 = arith.constant 124 : i32
      %roll3A_209 = tpu.dynamic_rotate %select_n3A_198 by %roll3A_208 dim 1 : vector<64x128xf32>, i32 -> vector<64x128xf32>
      %roll3A_210 = arith.constant 4 : i32
      %roll3A_211 = tpu.dynamic_rotate %select_n3A_198 by %roll3A_210 dim 1 : vector<64x128xf32>, i32 -> vector<64x128xf32>
      %select_n3A_212 = arith.select %ne3A_204, %roll3A_211, %roll3A_209 : vector<64x128xi1>, vector<64x128xf32>
      %min3A_213 = arith.minimumf %select_n3A_198, %select_n3A_212 : vector<64x128xf32>
      %max3A_214 = arith.maximumf %select_n3A_198, %select_n3A_212 : vector<64x128xf32>
      %select_n3A_215 = arith.select %eq3A_207, %min3A_213, %max3A_214 : vector<64x128xi1>, vector<64x128xf32>
      %and3A_216 = arith.constant 2 : i32
      %and3A_217 = vector.broadcast %and3A_216 : i32 to vector<64x128xi32>
      %and3A_218 = arith.andi %iota3A, %and3A_217 : vector<64x128xi32>
      %ne3A_219 = arith.constant 0 : i32
      %ne3A_220 = vector.broadcast %ne3A_219 : i32 to vector<64x128xi32>
      %ne3A_221 = arith.cmpi ne, %and3A_218, %ne3A_220 : vector<64x128xi32>
      %eq3A_222 = arith.xori %ne3A_221, %ne3A_20 : vector<64x128xi1>
      %eq3A_223 = arith.constant dense<true> : vector<64x128xi1>
      %eq3A_224 = arith.xori %eq3A_222, %eq3A_223 : vector<64x128xi1>
      %roll3A_225 = arith.constant 126 : i32
      %roll3A_226 = tpu.dynamic_rotate %select_n3A_215 by %roll3A_225 dim 1 : vector<64x128xf32>, i32 -> vector<64x128xf32>
      %roll3A_227 = arith.constant 2 : i32
      %roll3A_228 = tpu.dynamic_rotate %select_n3A_215 by %roll3A_227 dim 1 : vector<64x128xf32>, i32 -> vector<64x128xf32>
      %select_n3A_229 = arith.select %ne3A_221, %roll3A_228, %roll3A_226 : vector<64x128xi1>, vector<64x128xf32>
      %min3A_230 = arith.minimumf %select_n3A_215, %select_n3A_229 : vector<64x128xf32>
      %max3A_231 = arith.maximumf %select_n3A_215, %select_n3A_229 : vector<64x128xf32>
      %select_n3A_232 = arith.select %eq3A_224, %min3A_230, %max3A_231 : vector<64x128xi1>, vector<64x128xf32>
      %and3A_233 = arith.constant 1 : i32
      %and3A_234 = vector.broadcast %and3A_233 : i32 to vector<64x128xi32>
      %and3A_235 = arith.andi %iota3A, %and3A_234 : vector<64x128xi32>
      %ne3A_236 = arith.constant 0 : i32
      %ne3A_237 = vector.broadcast %ne3A_236 : i32 to vector<64x128xi32>
      %ne3A_238 = arith.cmpi ne, %and3A_235, %ne3A_237 : vector<64x128xi32>
      %eq3A_239 = arith.xori %ne3A_238, %ne3A_20 : vector<64x128xi1>
      %eq3A_240 = arith.constant dense<true> : vector<64x128xi1>
      %eq3A_241 = arith.xori %eq3A_239, %eq3A_240 : vector<64x128xi1>
      %roll3A_242 = arith.constant 127 : i32
      %roll3A_243 = tpu.dynamic_rotate %select_n3A_232 by %roll3A_242 dim 1 : vector<64x128xf32>, i32 -> vector<64x128xf32>
      %roll3A_244 = arith.constant 1 : i32
      %roll3A_245 = tpu.dynamic_rotate %select_n3A_232 by %roll3A_244 dim 1 : vector<64x128xf32>, i32 -> vector<64x128xf32>
      %select_n3A_246 = arith.select %ne3A_238, %roll3A_245, %roll3A_243 : vector<64x128xi1>, vector<64x128xf32>
      %min3A_247 = arith.minimumf %select_n3A_232, %select_n3A_246 : vector<64x128xf32>
      %max3A_248 = arith.maximumf %select_n3A_232, %select_n3A_246 : vector<64x128xf32>
      %select_n3A_249 = arith.select %eq3A_241, %min3A_247, %max3A_248 : vector<64x128xi1>, vector<64x128xf32>
      %mul3A_250 = arith.constant 64 : i32
      %mul3A_251 = arith.muli %scan3A_180, %mul3A_250 : i32
      %swap3A_252 = arith.index_cast %mul3A_251 : i32 to index
      %swap3A_253 = arith.constant 0 : index
      %swap3A_254 = vector.load %arg4[%swap3A_252, %swap3A_253] : memref<4096x128xf32, #tpu.memory_space<vmem>>, vector<64x128xf32>
      tpu.vector_store %arg4[%swap3A_252, %swap3A_253], %select_n3A_249 {strides = array<i32>} : memref<4096x128xf32, #tpu.memory_space<vmem>>, vector<64x128xf32>,
    }
    %scan3A_24 = arith.constant 64 : i32
    %scan3A_25 = arith.constant 0 : i32
    %scan3A_26 = arith.constant 6 : i32
    %scan3A_27 = arith.addi %scan3A_25, %scan3A_26 : i32
    %scan3A_28 = arith.constant 1 : i32
    scf.for %scan3A_180 = %scan3A_25 to %scan3A_27 step %scan3A_28  : i32 {
      %sub3A_181 = arith.constant 11 : i32
      %sub3A_182 = arith.subi %sub3A_181, %scan3A_180 : i32
      %scan3A_183 = arith.constant 0 : i32
      %scan3A_184 = arith.constant 32 : i32
      %scan3A_185 = arith.addi %scan3A_183, %scan3A_184 : i32
      %scan3A_186 = arith.constant 1 : i32
      scf.for %scan3A_188 = %scan3A_183 to %scan3A_185 step %scan3A_186  : i32 {
        %sub3A_189 = arith.constant 6 : i32
        %sub3A_190 = arith.subi %sub3A_182, %sub3A_189 : i32
        %shift_right_logical3A = arith.shrui %scan3A_188, %sub3A_190 : i32
        %shift_left3A = arith.constant 1 : i32
        %shift_left3A_191 = arith.shli %shift_left3A, %sub3A_190 : i32
        %sub3A_192 = arith.constant 1 : i32
        %sub3A_193 = arith.subi %shift_left3A_191, %sub3A_192 : i32
        %and3A_194 = arith.andi %scan3A_188, %sub3A_193 : i32
        %add3A_195 = arith.constant 1 : i32
        %add3A_196 = arith.addi %sub3A_182, %add3A_195 : i32
        %shift_left3A_197 = arith.shli %shift_right_logical3A, %add3A_196 : i32
        %shift_left3A_198 = arith.constant 6 : i32
        %shift_left3A_199 = arith.shli %and3A_194, %shift_left3A_198 : i32
        %add3A_200 = arith.addi %shift_left3A_197, %shift_left3A_199 : i32
        %shift_left3A_201 = arith.constant 1 : i32
        %shift_left3A_202 = arith.shli %shift_left3A_201, %sub3A_182 : i32
        %get3A_203 = arith.index_cast %add3A_200 : i32 to index
        %get3A_204 = arith.constant 0 : index
        %get3A_205 = vector.load %arg4[%get3A_203, %get3A_204] : memref<4096x128xf32, #tpu.memory_space<vmem>>, vector<64x128xf32>
        %add3A_206 = arith.addi %add3A_200, %shift_left3A_202 : i32
        %get3A_207 = arith.index_cast %add3A_206 : i32 to index
        %get3A_208 = arith.constant 0 : index
        %get3A_209 = vector.load %arg4[%get3A_207, %get3A_208] : memref<4096x128xf32, #tpu.memory_space<vmem>>, vector<64x128xf32>
        %min3A = arith.minimumf %get3A_205, %get3A_209 : vector<64x128xf32>
        %max3A_210 = arith.maximumf %get3A_205, %get3A_209 : vector<64x128xf32>
        %select_n3A = arith.select %ne3A_20, %max3A_210, %min3A : vector<64x128xi1>, vector<64x128xf32>
        %swap3A_211 = arith.index_cast %add3A_200 : i32 to index
        %swap3A_212 = arith.constant 0 : index
        %swap3A_213 = vector.load %arg4[%swap3A_211, %swap3A_212] : memref<4096x128xf32, #tpu.memory_space<vmem>>, vector<64x128xf32>
        tpu.vector_store %arg4[%swap3A_211, %swap3A_212], %select_n3A {strides = array<i32>} : memref<4096x128xf32, #tpu.memory_space<vmem>>, vector<64x128xf32>,
        %select_n3A_214 = arith.select %ne3A_20, %min3A, %max3A_210 : vector<64x128xi1>, vector<64x128xf32>
        %add3A_215 = arith.addi %add3A_200, %shift_left3A_202 : i32
        %swap3A_216 = arith.index_cast %add3A_215 : i32 to index
        %swap3A_217 = arith.constant 0 : index
        %swap3A_218 = vector.load %arg4[%swap3A_216, %swap3A_217] : memref<4096x128xf32, #tpu.memory_space<vmem>>, vector<64x128xf32>
        tpu.vector_store %arg4[%swap3A_216, %swap3A_217], %select_n3A_214 {strides = array<i32>} : memref<4096x128xf32, #tpu.memory_space<vmem>>, vector<64x128xf32>,
      }
      %scan3A_187 = arith.constant 32 : i32
    }
    %scan3A_29 = arith.constant 6 : i32
    %scan3A_30 = arith.constant 0 : i32
    %scan3A_31 = arith.constant 64 : i32
    %scan3A_32 = arith.addi %scan3A_30, %scan3A_31 : i32
    %scan3A_33 = arith.constant 1 : i32
    scf.for %scan3A_180 = %scan3A_30 to %scan3A_32 step %scan3A_33  : i32 {
      %mul3A = arith.constant 64 : i32
      %mul3A_181 = arith.muli %scan3A_180, %mul3A : i32
      %get3A_182 = arith.index_cast %mul3A_181 : i32 to index
      %get3A_183 = arith.constant 0 : index
      %get3A_184 = vector.load %arg4[%get3A_182, %get3A_183] : memref<4096x128xf32, #tpu.memory_space<vmem>>, vector<64x128xf32>
      %and3A_185 = arith.constant 32 : i32
      %and3A_186 = vector.broadcast %and3A_185 : i32 to vector<64x128xi32>
      %and3A_187 = arith.andi %iota3A_16, %and3A_186 : vector<64x128xi32>
      %ne3A_188 = arith.constant 0 : i32
      %ne3A_189 = vector.broadcast %ne3A_188 : i32 to vector<64x128xi32>
      %ne3A_190 = arith.cmpi ne, %and3A_187, %ne3A_189 : vector<64x128xi32>
      %roll3A = arith.constant 32 : i32
      %roll3A_191 = tpu.dynamic_rotate %get3A_184 by %roll3A dim 0 : vector<64x128xf32>, i32 -> vector<64x128xf32>
      %roll3A_192 = arith.constant 32 : i32
      %roll3A_193 = tpu.dynamic_rotate %get3A_184 by %roll3A_192 dim 0 : vector<64x128xf32>, i32 -> vector<64x128xf32>
      %select_n3A = arith.select %ne3A_190, %roll3A_191, %roll3A_193 : vector<64x128xi1>, vector<64x128xf32>
      %eq3A_194 = arith.xori %ne3A_190, %ne3A_20 : vector<64x128xi1>
      %eq3A_195 = arith.constant dense<true> : vector<64x128xi1>
      %eq3A_196 = arith.xori %eq3A_194, %eq3A_195 : vector<64x128xi1>
      %min3A = arith.minimumf %get3A_184, %select_n3A : vector<64x128xf32>
      %max3A_197 = arith.maximumf %get3A_184, %select_n3A : vector<64x128xf32>
      %select_n3A_198 = arith.select %eq3A_196, %min3A, %max3A_197 : vector<64x128xi1>, vector<64x128xf32>
      %and3A_199 = arith.constant 16 : i32
      %and3A_200 = vector.broadcast %and3A_199 : i32 to vector<64x128xi32>
      %and3A_201 = arith.andi %iota3A_16, %and3A_200 : vector<64x128xi32>
      %ne3A_202 = arith.constant 0 : i32
      %ne3A_203 = vector.broadcast %ne3A_202 : i32 to vector<64x128xi32>
      %ne3A_204 = arith.cmpi ne, %and3A_201, %ne3A_203 : vector<64x128xi32>
      %roll3A_205 = arith.constant 16 : i32
      %roll3A_206 = tpu.dynamic_rotate %select_n3A_198 by %roll3A_205 dim 0 : vector<64x128xf32>, i32 -> vector<64x128xf32>
      %roll3A_207 = arith.constant 48 : i32
      %roll3A_208 = tpu.dynamic_rotate %select_n3A_198 by %roll3A_207 dim 0 : vector<64x128xf32>, i32 -> vector<64x128xf32>
      %select_n3A_209 = arith.select %ne3A_204, %roll3A_206, %roll3A_208 : vector<64x128xi1>, vector<64x128xf32>
      %eq3A_210 = arith.xori %ne3A_204, %ne3A_20 : vector<64x128xi1>
      %eq3A_211 = arith.constant dense<true> : vector<64x128xi1>
      %eq3A_212 = arith.xori %eq3A_210, %eq3A_211 : vector<64x128xi1>
      %min3A_213 = arith.minimumf %select_n3A_198, %select_n3A_209 : vector<64x128xf32>
      %max3A_214 = arith.maximumf %select_n3A_198, %select_n3A_209 : vector<64x128xf32>
      %select_n3A_215 = arith.select %eq3A_212, %min3A_213, %max3A_214 : vector<64x128xi1>, vector<64x128xf32>
      %and3A_216 = arith.constant 8 : i32
      %and3A_217 = vector.broadcast %and3A_216 : i32 to vector<64x128xi32>
      %and3A_218 = arith.andi %iota3A_16, %and3A_217 : vector<64x128xi32>
      %ne3A_219 = arith.constant 0 : i32
      %ne3A_220 = vector.broadcast %ne3A_219 : i32 to vector<64x128xi32>
      %ne3A_221 = arith.cmpi ne, %and3A_218, %ne3A_220 : vector<64x128xi32>
      %roll3A_222 = arith.constant 8 : i32
      %roll3A_223 = tpu.dynamic_rotate %select_n3A_215 by %roll3A_222 dim 0 : vector<64x128xf32>, i32 -> vector<64x128xf32>
      %roll3A_224 = arith.constant 56 : i32
      %roll3A_225 = tpu.dynamic_rotate %select_n3A_215 by %roll3A_224 dim 0 : vector<64x128xf32>, i32 -> vector<64x128xf32>
      %select_n3A_226 = arith.select %ne3A_221, %roll3A_223, %roll3A_225 : vector<64x128xi1>, vector<64x128xf32>
      %eq3A_227 = arith.xori %ne3A_221, %ne3A_20 : vector<64x128xi1>
      %eq3A_228 = arith.constant dense<true> : vector<64x128xi1>
      %eq3A_229 = arith.xori %eq3A_227, %eq3A_228 : vector<64x128xi1>
      %min3A_230 = arith.minimumf %select_n3A_215, %select_n3A_226 : vector<64x128xf32>
      %max3A_231 = arith.maximumf %select_n3A_215, %select_n3A_226 : vector<64x128xf32>
      %select_n3A_232 = arith.select %eq3A_229, %min3A_230, %max3A_231 : vector<64x128xi1>, vector<64x128xf32>
      %and3A_233 = arith.constant 4 : i32
      %and3A_234 = vector.broadcast %and3A_233 : i32 to vector<64x128xi32>
      %and3A_235 = arith.andi %iota3A_16, %and3A_234 : vector<64x128xi32>
      %ne3A_236 = arith.constant 0 : i32
      %ne3A_237 = vector.broadcast %ne3A_236 : i32 to vector<64x128xi32>
      %ne3A_238 = arith.cmpi ne, %and3A_235, %ne3A_237 : vector<64x128xi32>
      %roll3A_239 = arith.constant 4 : i32
      %roll3A_240 = tpu.dynamic_rotate %select_n3A_232 by %roll3A_239 dim 0 : vector<64x128xf32>, i32 -> vector<64x128xf32>
      %roll3A_241 = arith.constant 60 : i32
      %roll3A_242 = tpu.dynamic_rotate %select_n3A_232 by %roll3A_241 dim 0 : vector<64x128xf32>, i32 -> vector<64x128xf32>
      %select_n3A_243 = arith.select %ne3A_238, %roll3A_240, %roll3A_242 : vector<64x128xi1>, vector<64x128xf32>
      %eq3A_244 = arith.xori %ne3A_238, %ne3A_20 : vector<64x128xi1>
      %eq3A_245 = arith.constant dense<true> : vector<64x128xi1>
      %eq3A_246 = arith.xori %eq3A_244, %eq3A_245 : vector<64x128xi1>
      %min3A_247 = arith.minimumf %select_n3A_232, %select_n3A_243 : vector<64x128xf32>
      %max3A_248 = arith.maximumf %select_n3A_232, %select_n3A_243 : vector<64x128xf32>
      %select_n3A_249 = arith.select %eq3A_246, %min3A_247, %max3A_248 : vector<64x128xi1>, vector<64x128xf32>
      %and3A_250 = arith.constant 2 : i32
      %and3A_251 = vector.broadcast %and3A_250 : i32 to vector<64x128xi32>
      %and3A_252 = arith.andi %iota3A_16, %and3A_251 : vector<64x128xi32>
      %ne3A_253 = arith.constant 0 : i32
      %ne3A_254 = vector.broadcast %ne3A_253 : i32 to vector<64x128xi32>
      %ne3A_255 = arith.cmpi ne, %and3A_252, %ne3A_254 : vector<64x128xi32>
      %roll3A_256 = arith.constant 2 : i32
      %roll3A_257 = tpu.dynamic_rotate %select_n3A_249 by %roll3A_256 dim 0 : vector<64x128xf32>, i32 -> vector<64x128xf32>
      %roll3A_258 = arith.constant 62 : i32
      %roll3A_259 = tpu.dynamic_rotate %select_n3A_249 by %roll3A_258 dim 0 : vector<64x128xf32>, i32 -> vector<64x128xf32>
      %select_n3A_260 = arith.select %ne3A_255, %roll3A_257, %roll3A_259 : vector<64x128xi1>, vector<64x128xf32>
      %eq3A_261 = arith.xori %ne3A_255, %ne3A_20 : vector<64x128xi1>
      %eq3A_262 = arith.constant dense<true> : vector<64x128xi1>
      %eq3A_263 = arith.xori %eq3A_261, %eq3A_262 : vector<64x128xi1>
      %min3A_264 = arith.minimumf %select_n3A_249, %select_n3A_260 : vector<64x128xf32>
      %max3A_265 = arith.maximumf %select_n3A_249, %select_n3A_260 : vector<64x128xf32>
      %select_n3A_266 = arith.select %eq3A_263, %min3A_264, %max3A_265 : vector<64x128xi1>, vector<64x128xf32>
      %and3A_267 = arith.constant 1 : i32
      %and3A_268 = vector.broadcast %and3A_267 : i32 to vector<64x128xi32>
      %and3A_269 = arith.andi %iota3A_16, %and3A_268 : vector<64x128xi32>
      %ne3A_270 = arith.constant 0 : i32
      %ne3A_271 = vector.broadcast %ne3A_270 : i32 to vector<64x128xi32>
      %ne3A_272 = arith.cmpi ne, %and3A_269, %ne3A_271 : vector<64x128xi32>
      %roll3A_273 = arith.constant 1 : i32
      %roll3A_274 = tpu.dynamic_rotate %select_n3A_266 by %roll3A_273 dim 0 : vector<64x128xf32>, i32 -> vector<64x128xf32>
      %roll3A_275 = arith.constant 63 : i32
      %roll3A_276 = tpu.dynamic_rotate %select_n3A_266 by %roll3A_275 dim 0 : vector<64x128xf32>, i32 -> vector<64x128xf32>
      %select_n3A_277 = arith.select %ne3A_272, %roll3A_274, %roll3A_276 : vector<64x128xi1>, vector<64x128xf32>
      %eq3A_278 = arith.xori %ne3A_272, %ne3A_20 : vector<64x128xi1>
      %eq3A_279 = arith.constant dense<true> : vector<64x128xi1>
      %eq3A_280 = arith.xori %eq3A_278, %eq3A_279 : vector<64x128xi1>
      %min3A_281 = arith.minimumf %select_n3A_266, %select_n3A_277 : vector<64x128xf32>
      %max3A_282 = arith.maximumf %select_n3A_266, %select_n3A_277 : vector<64x128xf32>
      %select_n3A_283 = arith.select %eq3A_280, %min3A_281, %max3A_282 : vector<64x128xi1>, vector<64x128xf32>
      %mul3A_284 = arith.constant 64 : i32
      %mul3A_285 = arith.muli %scan3A_180, %mul3A_284 : i32
      %swap3A_286 = arith.index_cast %mul3A_285 : i32 to index
      %swap3A_287 = arith.constant 0 : index
      %swap3A_288 = vector.load %arg4[%swap3A_286, %swap3A_287] : memref<4096x128xf32, #tpu.memory_space<vmem>>, vector<64x128xf32>
      tpu.vector_store %arg4[%swap3A_286, %swap3A_287], %select_n3A_283 {strides = array<i32>} : memref<4096x128xf32, #tpu.memory_space<vmem>>, vector<64x128xf32>,
    }
    %scan3A_34 = arith.constant 64 : i32
    %scan3A_35 = arith.constant 0 : i32
    %scan3A_36 = arith.constant 64 : i32
    %scan3A_37 = arith.addi %scan3A_35, %scan3A_36 : i32
    %scan3A_38 = arith.constant 1 : i32
    scf.for %scan3A_180 = %scan3A_35 to %scan3A_37 step %scan3A_38  : i32 {
      %mul3A = arith.constant 64 : i32
      %mul3A_181 = arith.muli %scan3A_180, %mul3A : i32
      %get3A_182 = arith.index_cast %mul3A_181 : i32 to index
      %get3A_183 = arith.constant 0 : index
      %get3A_184 = vector.load %arg5[%get3A_182, %get3A_183] : memref<4096x128xf32, #tpu.memory_space<vmem>>, vector<64x128xf32>
      %and3A_185 = arith.constant 8 : i32
      %and3A_186 = vector.broadcast %and3A_185 : i32 to vector<64x128xi32>
      %and3A_187 = arith.andi %iota3A, %and3A_186 : vector<64x128xi32>
      %ne3A_188 = arith.constant 0 : i32
      %ne3A_189 = vector.broadcast %ne3A_188 : i32 to vector<64x128xi32>
      %ne3A_190 = arith.cmpi ne, %and3A_187, %ne3A_189 : vector<64x128xi32>
      %eq3A_191 = arith.xori %ne3A_190, %ne3A_20 : vector<64x128xi1>
      %eq3A_192 = arith.constant dense<true> : vector<64x128xi1>
      %eq3A_193 = arith.xori %eq3A_191, %eq3A_192 : vector<64x128xi1>
      %roll3A = arith.constant 120 : i32
      %roll3A_194 = tpu.dynamic_rotate %get3A_184 by %roll3A dim 1 : vector<64x128xf32>, i32 -> vector<64x128xf32>
      %roll3A_195 = arith.constant 8 : i32
      %roll3A_196 = tpu.dynamic_rotate %get3A_184 by %roll3A_195 dim 1 : vector<64x128xf32>, i32 -> vector<64x128xf32>
      %select_n3A = arith.select %ne3A_190, %roll3A_196, %roll3A_194 : vector<64x128xi1>, vector<64x128xf32>
      %min3A = arith.minimumf %get3A_184, %select_n3A : vector<64x128xf32>
      %max3A_197 = arith.maximumf %get3A_184, %select_n3A : vector<64x128xf32>
      %select_n3A_198 = arith.select %eq3A_193, %min3A, %max3A_197 : vector<64x128xi1>, vector<64x128xf32>
      %and3A_199 = arith.constant 4 : i32
      %and3A_200 = vector.broadcast %and3A_199 : i32 to vector<64x128xi32>
      %and3A_201 = arith.andi %iota3A, %and3A_200 : vector<64x128xi32>
      %ne3A_202 = arith.constant 0 : i32
      %ne3A_203 = vector.broadcast %ne3A_202 : i32 to vector<64x128xi32>
      %ne3A_204 = arith.cmpi ne, %and3A_201, %ne3A_203 : vector<64x128xi32>
      %eq3A_205 = arith.xori %ne3A_204, %ne3A_20 : vector<64x128xi1>
      %eq3A_206 = arith.constant dense<true> : vector<64x128xi1>
      %eq3A_207 = arith.xori %eq3A_205, %eq3A_206 : vector<64x128xi1>
      %roll3A_208 = arith.constant 124 : i32
      %roll3A_209 = tpu.dynamic_rotate %select_n3A_198 by %roll3A_208 dim 1 : vector<64x128xf32>, i32 -> vector<64x128xf32>
      %roll3A_210 = arith.constant 4 : i32
      %roll3A_211 = tpu.dynamic_rotate %select_n3A_198 by %roll3A_210 dim 1 : vector<64x128xf32>, i32 -> vector<64x128xf32>
      %select_n3A_212 = arith.select %ne3A_204, %roll3A_211, %roll3A_209 : vector<64x128xi1>, vector<64x128xf32>
      %min3A_213 = arith.minimumf %select_n3A_198, %select_n3A_212 : vector<64x128xf32>
      %max3A_214 = arith.maximumf %select_n3A_198, %select_n3A_212 : vector<64x128xf32>
      %select_n3A_215 = arith.select %eq3A_207, %min3A_213, %max3A_214 : vector<64x128xi1>, vector<64x128xf32>
      %and3A_216 = arith.constant 2 : i32
      %and3A_217 = vector.broadcast %and3A_216 : i32 to vector<64x128xi32>
      %and3A_218 = arith.andi %iota3A, %and3A_217 : vector<64x128xi32>
      %ne3A_219 = arith.constant 0 : i32
      %ne3A_220 = vector.broadcast %ne3A_219 : i32 to vector<64x128xi32>
      %ne3A_221 = arith.cmpi ne, %and3A_218, %ne3A_220 : vector<64x128xi32>
      %eq3A_222 = arith.xori %ne3A_221, %ne3A_20 : vector<64x128xi1>
      %eq3A_223 = arith.constant dense<true> : vector<64x128xi1>
      %eq3A_224 = arith.xori %eq3A_222, %eq3A_223 : vector<64x128xi1>
      %roll3A_225 = arith.constant 126 : i32
      %roll3A_226 = tpu.dynamic_rotate %select_n3A_215 by %roll3A_225 dim 1 : vector<64x128xf32>, i32 -> vector<64x128xf32>
      %roll3A_227 = arith.constant 2 : i32
      %roll3A_228 = tpu.dynamic_rotate %select_n3A_215 by %roll3A_227 dim 1 : vector<64x128xf32>, i32 -> vector<64x128xf32>
      %select_n3A_229 = arith.select %ne3A_221, %roll3A_228, %roll3A_226 : vector<64x128xi1>, vector<64x128xf32>
      %min3A_230 = arith.minimumf %select_n3A_215, %select_n3A_229 : vector<64x128xf32>
      %max3A_231 = arith.maximumf %select_n3A_215, %select_n3A_229 : vector<64x128xf32>
      %select_n3A_232 = arith.select %eq3A_224, %min3A_230, %max3A_231 : vector<64x128xi1>, vector<64x128xf32>
      %and3A_233 = arith.constant 1 : i32
      %and3A_234 = vector.broadcast %and3A_233 : i32 to vector<64x128xi32>
      %and3A_235 = arith.andi %iota3A, %and3A_234 : vector<64x128xi32>
      %ne3A_236 = arith.constant 0 : i32
      %ne3A_237 = vector.broadcast %ne3A_236 : i32 to vector<64x128xi32>
      %ne3A_238 = arith.cmpi ne, %and3A_235, %ne3A_237 : vector<64x128xi32>
      %eq3A_239 = arith.xori %ne3A_238, %ne3A_20 : vector<64x128xi1>
      %eq3A_240 = arith.constant dense<true> : vector<64x128xi1>
      %eq3A_241 = arith.xori %eq3A_239, %eq3A_240 : vector<64x128xi1>
      %roll3A_242 = arith.constant 127 : i32
      %roll3A_243 = tpu.dynamic_rotate %select_n3A_232 by %roll3A_242 dim 1 : vector<64x128xf32>, i32 -> vector<64x128xf32>
      %roll3A_244 = arith.constant 1 : i32
      %roll3A_245 = tpu.dynamic_rotate %select_n3A_232 by %roll3A_244 dim 1 : vector<64x128xf32>, i32 -> vector<64x128xf32>
      %select_n3A_246 = arith.select %ne3A_238, %roll3A_245, %roll3A_243 : vector<64x128xi1>, vector<64x128xf32>
      %min3A_247 = arith.minimumf %select_n3A_232, %select_n3A_246 : vector<64x128xf32>
      %max3A_248 = arith.maximumf %select_n3A_232, %select_n3A_246 : vector<64x128xf32>
      %select_n3A_249 = arith.select %eq3A_241, %min3A_247, %max3A_248 : vector<64x128xi1>, vector<64x128xf32>
      %mul3A_250 = arith.constant 64 : i32
      %mul3A_251 = arith.muli %scan3A_180, %mul3A_250 : i32
      %swap3A_252 = arith.index_cast %mul3A_251 : i32 to index
      %swap3A_253 = arith.constant 0 : index
      %swap3A_254 = vector.load %arg5[%swap3A_252, %swap3A_253] : memref<4096x128xf32, #tpu.memory_space<vmem>>, vector<64x128xf32>
      tpu.vector_store %arg5[%swap3A_252, %swap3A_253], %select_n3A_249 {strides = array<i32>} : memref<4096x128xf32, #tpu.memory_space<vmem>>, vector<64x128xf32>,
    }
    %scan3A_39 = arith.constant 64 : i32
    %scan3A_40 = arith.constant 0 : i32
    %scan3A_41 = arith.constant 6 : i32
    %scan3A_42 = arith.addi %scan3A_40, %scan3A_41 : i32
    %scan3A_43 = arith.constant 1 : i32
    scf.for %scan3A_180 = %scan3A_40 to %scan3A_42 step %scan3A_43  : i32 {
      %sub3A_181 = arith.constant 11 : i32
      %sub3A_182 = arith.subi %sub3A_181, %scan3A_180 : i32
      %scan3A_183 = arith.constant 0 : i32
      %scan3A_184 = arith.constant 32 : i32
      %scan3A_185 = arith.addi %scan3A_183, %scan3A_184 : i32
      %scan3A_186 = arith.constant 1 : i32
      scf.for %scan3A_188 = %scan3A_183 to %scan3A_185 step %scan3A_186  : i32 {
        %sub3A_189 = arith.constant 6 : i32
        %sub3A_190 = arith.subi %sub3A_182, %sub3A_189 : i32
        %shift_right_logical3A = arith.shrui %scan3A_188, %sub3A_190 : i32
        %shift_left3A = arith.constant 1 : i32
        %shift_left3A_191 = arith.shli %shift_left3A, %sub3A_190 : i32
        %sub3A_192 = arith.constant 1 : i32
        %sub3A_193 = arith.subi %shift_left3A_191, %sub3A_192 : i32
        %and3A_194 = arith.andi %scan3A_188, %sub3A_193 : i32
        %add3A_195 = arith.constant 1 : i32
        %add3A_196 = arith.addi %sub3A_182, %add3A_195 : i32
        %shift_left3A_197 = arith.shli %shift_right_logical3A, %add3A_196 : i32
        %shift_left3A_198 = arith.constant 6 : i32
        %shift_left3A_199 = arith.shli %and3A_194, %shift_left3A_198 : i32
        %add3A_200 = arith.addi %shift_left3A_197, %shift_left3A_199 : i32
        %shift_left3A_201 = arith.constant 1 : i32
        %shift_left3A_202 = arith.shli %shift_left3A_201, %sub3A_182 : i32
        %get3A_203 = arith.index_cast %add3A_200 : i32 to index
        %get3A_204 = arith.constant 0 : index
        %get3A_205 = vector.load %arg5[%get3A_203, %get3A_204] : memref<4096x128xf32, #tpu.memory_space<vmem>>, vector<64x128xf32>
        %add3A_206 = arith.addi %add3A_200, %shift_left3A_202 : i32
        %get3A_207 = arith.index_cast %add3A_206 : i32 to index
        %get3A_208 = arith.constant 0 : index
        %get3A_209 = vector.load %arg5[%get3A_207, %get3A_208] : memref<4096x128xf32, #tpu.memory_space<vmem>>, vector<64x128xf32>
        %min3A = arith.minimumf %get3A_205, %get3A_209 : vector<64x128xf32>
        %max3A_210 = arith.maximumf %get3A_205, %get3A_209 : vector<64x128xf32>
        %select_n3A = arith.select %ne3A_20, %max3A_210, %min3A : vector<64x128xi1>, vector<64x128xf32>
        %swap3A_211 = arith.index_cast %add3A_200 : i32 to index
        %swap3A_212 = arith.constant 0 : index
        %swap3A_213 = vector.load %arg5[%swap3A_211, %swap3A_212] : memref<4096x128xf32, #tpu.memory_space<vmem>>, vector<64x128xf32>
        tpu.vector_store %arg5[%swap3A_211, %swap3A_212], %select_n3A {strides = array<i32>} : memref<4096x128xf32, #tpu.memory_space<vmem>>, vector<64x128xf32>,
        %select_n3A_214 = arith.select %ne3A_20, %min3A, %max3A_210 : vector<64x128xi1>, vector<64x128xf32>
        %add3A_215 = arith.addi %add3A_200, %shift_left3A_202 : i32
        %swap3A_216 = arith.index_cast %add3A_215 : i32 to index
        %swap3A_217 = arith.constant 0 : index
        %swap3A_218 = vector.load %arg5[%swap3A_216, %swap3A_217] : memref<4096x128xf32, #tpu.memory_space<vmem>>, vector<64x128xf32>
        tpu.vector_store %arg5[%swap3A_216, %swap3A_217], %select_n3A_214 {strides = array<i32>} : memref<4096x128xf32, #tpu.memory_space<vmem>>, vector<64x128xf32>,
      }
      %scan3A_187 = arith.constant 32 : i32
    }
    %scan3A_44 = arith.constant 6 : i32
    %scan3A_45 = arith.constant 0 : i32
    %scan3A_46 = arith.constant 64 : i32
    %scan3A_47 = arith.addi %scan3A_45, %scan3A_46 : i32
    %scan3A_48 = arith.constant 1 : i32
    scf.for %scan3A_180 = %scan3A_45 to %scan3A_47 step %scan3A_48  : i32 {
      %mul3A = arith.constant 64 : i32
      %mul3A_181 = arith.muli %scan3A_180, %mul3A : i32
      %get3A_182 = arith.index_cast %mul3A_181 : i32 to index
      %get3A_183 = arith.constant 0 : index
      %get3A_184 = vector.load %arg5[%get3A_182, %get3A_183] : memref<4096x128xf32, #tpu.memory_space<vmem>>, vector<64x128xf32>
      %and3A_185 = arith.constant 32 : i32
      %and3A_186 = vector.broadcast %and3A_185 : i32 to vector<64x128xi32>
      %and3A_187 = arith.andi %iota3A_16, %and3A_186 : vector<64x128xi32>
      %ne3A_188 = arith.constant 0 : i32
      %ne3A_189 = vector.broadcast %ne3A_188 : i32 to vector<64x128xi32>
      %ne3A_190 = arith.cmpi ne, %and3A_187, %ne3A_189 : vector<64x128xi32>
      %roll3A = arith.constant 32 : i32
      %roll3A_191 = tpu.dynamic_rotate %get3A_184 by %roll3A dim 0 : vector<64x128xf32>, i32 -> vector<64x128xf32>
      %roll3A_192 = arith.constant 32 : i32
      %roll3A_193 = tpu.dynamic_rotate %get3A_184 by %roll3A_192 dim 0 : vector<64x128xf32>, i32 -> vector<64x128xf32>
      %select_n3A = arith.select %ne3A_190, %roll3A_191, %roll3A_193 : vector<64x128xi1>, vector<64x128xf32>
      %eq3A_194 = arith.xori %ne3A_190, %ne3A_20 : vector<64x128xi1>
      %eq3A_195 = arith.constant dense<true> : vector<64x128xi1>
      %eq3A_196 = arith.xori %eq3A_194, %eq3A_195 : vector<64x128xi1>
      %min3A = arith.minimumf %get3A_184, %select_n3A : vector<64x128xf32>
      %max3A_197 = arith.maximumf %get3A_184, %select_n3A : vector<64x128xf32>
      %select_n3A_198 = arith.select %eq3A_196, %min3A, %max3A_197 : vector<64x128xi1>, vector<64x128xf32>
      %and3A_199 = arith.constant 16 : i32
      %and3A_200 = vector.broadcast %and3A_199 : i32 to vector<64x128xi32>
      %and3A_201 = arith.andi %iota3A_16, %and3A_200 : vector<64x128xi32>
      %ne3A_202 = arith.constant 0 : i32
      %ne3A_203 = vector.broadcast %ne3A_202 : i32 to vector<64x128xi32>
      %ne3A_204 = arith.cmpi ne, %and3A_201, %ne3A_203 : vector<64x128xi32>
      %roll3A_205 = arith.constant 16 : i32
      %roll3A_206 = tpu.dynamic_rotate %select_n3A_198 by %roll3A_205 dim 0 : vector<64x128xf32>, i32 -> vector<64x128xf32>
      %roll3A_207 = arith.constant 48 : i32
      %roll3A_208 = tpu.dynamic_rotate %select_n3A_198 by %roll3A_207 dim 0 : vector<64x128xf32>, i32 -> vector<64x128xf32>
      %select_n3A_209 = arith.select %ne3A_204, %roll3A_206, %roll3A_208 : vector<64x128xi1>, vector<64x128xf32>
      %eq3A_210 = arith.xori %ne3A_204, %ne3A_20 : vector<64x128xi1>
      %eq3A_211 = arith.constant dense<true> : vector<64x128xi1>
      %eq3A_212 = arith.xori %eq3A_210, %eq3A_211 : vector<64x128xi1>
      %min3A_213 = arith.minimumf %select_n3A_198, %select_n3A_209 : vector<64x128xf32>
      %max3A_214 = arith.maximumf %select_n3A_198, %select_n3A_209 : vector<64x128xf32>
      %select_n3A_215 = arith.select %eq3A_212, %min3A_213, %max3A_214 : vector<64x128xi1>, vector<64x128xf32>
      %and3A_216 = arith.constant 8 : i32
      %and3A_217 = vector.broadcast %and3A_216 : i32 to vector<64x128xi32>
      %and3A_218 = arith.andi %iota3A_16, %and3A_217 : vector<64x128xi32>
      %ne3A_219 = arith.constant 0 : i32
      %ne3A_220 = vector.broadcast %ne3A_219 : i32 to vector<64x128xi32>
      %ne3A_221 = arith.cmpi ne, %and3A_218, %ne3A_220 : vector<64x128xi32>
      %roll3A_222 = arith.constant 8 : i32
      %roll3A_223 = tpu.dynamic_rotate %select_n3A_215 by %roll3A_222 dim 0 : vector<64x128xf32>, i32 -> vector<64x128xf32>
      %roll3A_224 = arith.constant 56 : i32
      %roll3A_225 = tpu.dynamic_rotate %select_n3A_215 by %roll3A_224 dim 0 : vector<64x128xf32>, i32 -> vector<64x128xf32>
      %select_n3A_226 = arith.select %ne3A_221, %roll3A_223, %roll3A_225 : vector<64x128xi1>, vector<64x128xf32>
      %eq3A_227 = arith.xori %ne3A_221, %ne3A_20 : vector<64x128xi1>
      %eq3A_228 = arith.constant dense<true> : vector<64x128xi1>
      %eq3A_229 = arith.xori %eq3A_227, %eq3A_228 : vector<64x128xi1>
      %min3A_230 = arith.minimumf %select_n3A_215, %select_n3A_226 : vector<64x128xf32>
      %max3A_231 = arith.maximumf %select_n3A_215, %select_n3A_226 : vector<64x128xf32>
      %select_n3A_232 = arith.select %eq3A_229, %min3A_230, %max3A_231 : vector<64x128xi1>, vector<64x128xf32>
      %and3A_233 = arith.constant 4 : i32
      %and3A_234 = vector.broadcast %and3A_233 : i32 to vector<64x128xi32>
      %and3A_235 = arith.andi %iota3A_16, %and3A_234 : vector<64x128xi32>
      %ne3A_236 = arith.constant 0 : i32
      %ne3A_237 = vector.broadcast %ne3A_236 : i32 to vector<64x128xi32>
      %ne3A_238 = arith.cmpi ne, %and3A_235, %ne3A_237 : vector<64x128xi32>
      %roll3A_239 = arith.constant 4 : i32
      %roll3A_240 = tpu.dynamic_rotate %select_n3A_232 by %roll3A_239 dim 0 : vector<64x128xf32>, i32 -> vector<64x128xf32>
      %roll3A_241 = arith.constant 60 : i32
      %roll3A_242 = tpu.dynamic_rotate %select_n3A_232 by %roll3A_241 dim 0 : vector<64x128xf32>, i32 -> vector<64x128xf32>
      %select_n3A_243 = arith.select %ne3A_238, %roll3A_240, %roll3A_242 : vector<64x128xi1>, vector<64x128xf32>
      %eq3A_244 = arith.xori %ne3A_238, %ne3A_20 : vector<64x128xi1>
      %eq3A_245 = arith.constant dense<true> : vector<64x128xi1>
      %eq3A_246 = arith.xori %eq3A_244, %eq3A_245 : vector<64x128xi1>
      %min3A_247 = arith.minimumf %select_n3A_232, %select_n3A_243 : vector<64x128xf32>
      %max3A_248 = arith.maximumf %select_n3A_232, %select_n3A_243 : vector<64x128xf32>
      %select_n3A_249 = arith.select %eq3A_246, %min3A_247, %max3A_248 : vector<64x128xi1>, vector<64x128xf32>
      %and3A_250 = arith.constant 2 : i32
      %and3A_251 = vector.broadcast %and3A_250 : i32 to vector<64x128xi32>
      %and3A_252 = arith.andi %iota3A_16, %and3A_251 : vector<64x128xi32>
      %ne3A_253 = arith.constant 0 : i32
      %ne3A_254 = vector.broadcast %ne3A_253 : i32 to vector<64x128xi32>
      %ne3A_255 = arith.cmpi ne, %and3A_252, %ne3A_254 : vector<64x128xi32>
      %roll3A_256 = arith.constant 2 : i32
      %roll3A_257 = tpu.dynamic_rotate %select_n3A_249 by %roll3A_256 dim 0 : vector<64x128xf32>, i32 -> vector<64x128xf32>
      %roll3A_258 = arith.constant 62 : i32
      %roll3A_259 = tpu.dynamic_rotate %select_n3A_249 by %roll3A_258 dim 0 : vector<64x128xf32>, i32 -> vector<64x128xf32>
      %select_n3A_260 = arith.select %ne3A_255, %roll3A_257, %roll3A_259 : vector<64x128xi1>, vector<64x128xf32>
      %eq3A_261 = arith.xori %ne3A_255, %ne3A_20 : vector<64x128xi1>
      %eq3A_262 = arith.constant dense<true> : vector<64x128xi1>
      %eq3A_263 = arith.xori %eq3A_261, %eq3A_262 : vector<64x128xi1>
      %min3A_264 = arith.minimumf %select_n3A_249, %select_n3A_260 : vector<64x128xf32>
      %max3A_265 = arith.maximumf %select_n3A_249, %select_n3A_260 : vector<64x128xf32>
      %select_n3A_266 = arith.select %eq3A_263, %min3A_264, %max3A_265 : vector<64x128xi1>, vector<64x128xf32>
      %and3A_267 = arith.constant 1 : i32
      %and3A_268 = vector.broadcast %and3A_267 : i32 to vector<64x128xi32>
      %and3A_269 = arith.andi %iota3A_16, %and3A_268 : vector<64x128xi32>
      %ne3A_270 = arith.constant 0 : i32
      %ne3A_271 = vector.broadcast %ne3A_270 : i32 to vector<64x128xi32>
      %ne3A_272 = arith.cmpi ne, %and3A_269, %ne3A_271 : vector<64x128xi32>
      %roll3A_273 = arith.constant 1 : i32
      %roll3A_274 = tpu.dynamic_rotate %select_n3A_266 by %roll3A_273 dim 0 : vector<64x128xf32>, i32 -> vector<64x128xf32>
      %roll3A_275 = arith.constant 63 : i32
      %roll3A_276 = tpu.dynamic_rotate %select_n3A_266 by %roll3A_275 dim 0 : vector<64x128xf32>, i32 -> vector<64x128xf32>
      %select_n3A_277 = arith.select %ne3A_272, %roll3A_274, %roll3A_276 : vector<64x128xi1>, vector<64x128xf32>
      %eq3A_278 = arith.xori %ne3A_272, %ne3A_20 : vector<64x128xi1>
      %eq3A_279 = arith.constant dense<true> : vector<64x128xi1>
      %eq3A_280 = arith.xori %eq3A_278, %eq3A_279 : vector<64x128xi1>
      %min3A_281 = arith.minimumf %select_n3A_266, %select_n3A_277 : vector<64x128xf32>
      %max3A_282 = arith.maximumf %select_n3A_266, %select_n3A_277 : vector<64x128xf32>
      %select_n3A_283 = arith.select %eq3A_280, %min3A_281, %max3A_282 : vector<64x128xi1>, vector<64x128xf32>
      %mul3A_284 = arith.constant 64 : i32
      %mul3A_285 = arith.muli %scan3A_180, %mul3A_284 : i32
      %swap3A_286 = arith.index_cast %mul3A_285 : i32 to index
      %swap3A_287 = arith.constant 0 : index
      %swap3A_288 = vector.load %arg5[%swap3A_286, %swap3A_287] : memref<4096x128xf32, #tpu.memory_space<vmem>>, vector<64x128xf32>
      tpu.vector_store %arg5[%swap3A_286, %swap3A_287], %select_n3A_283 {strides = array<i32>} : memref<4096x128xf32, #tpu.memory_space<vmem>>, vector<64x128xf32>,
    }
    %scan3A_49 = arith.constant 64 : i32
    %and3A_50 = arith.constant 32 : i32
    %and3A_51 = vector.broadcast %and3A_50 : i32 to vector<64x128xi32>
    %and3A_52 = arith.andi %iota3A, %and3A_51 : vector<64x128xi32>
    %ne3A_53 = arith.constant 0 : i32
    %ne3A_54 = vector.broadcast %ne3A_53 : i32 to vector<64x128xi32>
    %ne3A_55 = arith.cmpi ne, %and3A_52, %ne3A_54 : vector<64x128xi32>
    %scan3A_56 = arith.constant 0 : i32
    %scan3A_57 = arith.constant 64 : i32
    %scan3A_58 = arith.addi %scan3A_56, %scan3A_57 : i32
    %scan3A_59 = arith.constant 1 : i32
    scf.for %scan3A_180 = %scan3A_56 to %scan3A_58 step %scan3A_59  : i32 {
      %mul3A = arith.constant 64 : i32
      %mul3A_181 = arith.muli %scan3A_180, %mul3A : i32
      %get3A_182 = arith.index_cast %mul3A_181 : i32 to index
      %get3A_183 = arith.constant 0 : index
      %get3A_184 = vector.load %arg4[%get3A_182, %get3A_183] : memref<4096x128xf32, #tpu.memory_space<vmem>>, vector<64x128xf32>
      %and3A_185 = arith.constant 16 : i32
      %and3A_186 = vector.broadcast %and3A_185 : i32 to vector<64x128xi32>
      %and3A_187 = arith.andi %iota3A, %and3A_186 : vector<64x128xi32>
      %ne3A_188 = arith.constant 0 : i32
      %ne3A_189 = vector.broadcast %ne3A_188 : i32 to vector<64x128xi32>
      %ne3A_190 = arith.cmpi ne, %and3A_187, %ne3A_189 : vector<64x128xi32>
      %eq3A_191 = arith.xori %ne3A_190, %ne3A_55 : vector<64x128xi1>
      %eq3A_192 = arith.constant dense<true> : vector<64x128xi1>
      %eq3A_193 = arith.xori %eq3A_191, %eq3A_192 : vector<64x128xi1>
      %roll3A = arith.constant 112 : i32
      %roll3A_194 = tpu.dynamic_rotate %get3A_184 by %roll3A dim 1 : vector<64x128xf32>, i32 -> vector<64x128xf32>
      %roll3A_195 = arith.constant 16 : i32
      %roll3A_196 = tpu.dynamic_rotate %get3A_184 by %roll3A_195 dim 1 : vector<64x128xf32>, i32 -> vector<64x128xf32>
      %select_n3A = arith.select %ne3A_190, %roll3A_196, %roll3A_194 : vector<64x128xi1>, vector<64x128xf32>
      %min3A = arith.minimumf %get3A_184, %select_n3A : vector<64x128xf32>
      %max3A_197 = arith.maximumf %get3A_184, %select_n3A : vector<64x128xf32>
      %select_n3A_198 = arith.select %eq3A_193, %min3A, %max3A_197 : vector<64x128xi1>, vector<64x128xf32>
      %and3A_199 = arith.constant 8 : i32
      %and3A_200 = vector.broadcast %and3A_199 : i32 to vector<64x128xi32>
      %and3A_201 = arith.andi %iota3A, %and3A_200 : vector<64x128xi32>
      %ne3A_202 = arith.constant 0 : i32
      %ne3A_203 = vector.broadcast %ne3A_202 : i32 to vector<64x128xi32>
      %ne3A_204 = arith.cmpi ne, %and3A_201, %ne3A_203 : vector<64x128xi32>
      %eq3A_205 = arith.xori %ne3A_204, %ne3A_55 : vector<64x128xi1>
      %eq3A_206 = arith.constant dense<true> : vector<64x128xi1>
      %eq3A_207 = arith.xori %eq3A_205, %eq3A_206 : vector<64x128xi1>
      %roll3A_208 = arith.constant 120 : i32
      %roll3A_209 = tpu.dynamic_rotate %select_n3A_198 by %roll3A_208 dim 1 : vector<64x128xf32>, i32 -> vector<64x128xf32>
      %roll3A_210 = arith.constant 8 : i32
      %roll3A_211 = tpu.dynamic_rotate %select_n3A_198 by %roll3A_210 dim 1 : vector<64x128xf32>, i32 -> vector<64x128xf32>
      %select_n3A_212 = arith.select %ne3A_204, %roll3A_211, %roll3A_209 : vector<64x128xi1>, vector<64x128xf32>
      %min3A_213 = arith.minimumf %select_n3A_198, %select_n3A_212 : vector<64x128xf32>
      %max3A_214 = arith.maximumf %select_n3A_198, %select_n3A_212 : vector<64x128xf32>
      %select_n3A_215 = arith.select %eq3A_207, %min3A_213, %max3A_214 : vector<64x128xi1>, vector<64x128xf32>
      %and3A_216 = arith.constant 4 : i32
      %and3A_217 = vector.broadcast %and3A_216 : i32 to vector<64x128xi32>
      %and3A_218 = arith.andi %iota3A, %and3A_217 : vector<64x128xi32>
      %ne3A_219 = arith.constant 0 : i32
      %ne3A_220 = vector.broadcast %ne3A_219 : i32 to vector<64x128xi32>
      %ne3A_221 = arith.cmpi ne, %and3A_218, %ne3A_220 : vector<64x128xi32>
      %eq3A_222 = arith.xori %ne3A_221, %ne3A_55 : vector<64x128xi1>
      %eq3A_223 = arith.constant dense<true> : vector<64x128xi1>
      %eq3A_224 = arith.xori %eq3A_222, %eq3A_223 : vector<64x128xi1>
      %roll3A_225 = arith.constant 124 : i32
      %roll3A_226 = tpu.dynamic_rotate %select_n3A_215 by %roll3A_225 dim 1 : vector<64x128xf32>, i32 -> vector<64x128xf32>
      %roll3A_227 = arith.constant 4 : i32
      %roll3A_228 = tpu.dynamic_rotate %select_n3A_215 by %roll3A_227 dim 1 : vector<64x128xf32>, i32 -> vector<64x128xf32>
      %select_n3A_229 = arith.select %ne3A_221, %roll3A_228, %roll3A_226 : vector<64x128xi1>, vector<64x128xf32>
      %min3A_230 = arith.minimumf %select_n3A_215, %select_n3A_229 : vector<64x128xf32>
      %max3A_231 = arith.maximumf %select_n3A_215, %select_n3A_229 : vector<64x128xf32>
      %select_n3A_232 = arith.select %eq3A_224, %min3A_230, %max3A_231 : vector<64x128xi1>, vector<64x128xf32>
      %and3A_233 = arith.constant 2 : i32
      %and3A_234 = vector.broadcast %and3A_233 : i32 to vector<64x128xi32>
      %and3A_235 = arith.andi %iota3A, %and3A_234 : vector<64x128xi32>
      %ne3A_236 = arith.constant 0 : i32
      %ne3A_237 = vector.broadcast %ne3A_236 : i32 to vector<64x128xi32>
      %ne3A_238 = arith.cmpi ne, %and3A_235, %ne3A_237 : vector<64x128xi32>
      %eq3A_239 = arith.xori %ne3A_238, %ne3A_55 : vector<64x128xi1>
      %eq3A_240 = arith.constant dense<true> : vector<64x128xi1>
      %eq3A_241 = arith.xori %eq3A_239, %eq3A_240 : vector<64x128xi1>
      %roll3A_242 = arith.constant 126 : i32
      %roll3A_243 = tpu.dynamic_rotate %select_n3A_232 by %roll3A_242 dim 1 : vector<64x128xf32>, i32 -> vector<64x128xf32>
      %roll3A_244 = arith.constant 2 : i32
      %roll3A_245 = tpu.dynamic_rotate %select_n3A_232 by %roll3A_244 dim 1 : vector<64x128xf32>, i32 -> vector<64x128xf32>
      %select_n3A_246 = arith.select %ne3A_238, %roll3A_245, %roll3A_243 : vector<64x128xi1>, vector<64x128xf32>
      %min3A_247 = arith.minimumf %select_n3A_232, %select_n3A_246 : vector<64x128xf32>
      %max3A_248 = arith.maximumf %select_n3A_232, %select_n3A_246 : vector<64x128xf32>
      %select_n3A_249 = arith.select %eq3A_241, %min3A_247, %max3A_248 : vector<64x128xi1>, vector<64x128xf32>
      %and3A_250 = arith.constant 1 : i32
      %and3A_251 = vector.broadcast %and3A_250 : i32 to vector<64x128xi32>
      %and3A_252 = arith.andi %iota3A, %and3A_251 : vector<64x128xi32>
      %ne3A_253 = arith.constant 0 : i32
      %ne3A_254 = vector.broadcast %ne3A_253 : i32 to vector<64x128xi32>
      %ne3A_255 = arith.cmpi ne, %and3A_252, %ne3A_254 : vector<64x128xi32>
      %eq3A_256 = arith.xori %ne3A_255, %ne3A_55 : vector<64x128xi1>
      %eq3A_257 = arith.constant dense<true> : vector<64x128xi1>
      %eq3A_258 = arith.xori %eq3A_256, %eq3A_257 : vector<64x128xi1>
      %roll3A_259 = arith.constant 127 : i32
      %roll3A_260 = tpu.dynamic_rotate %select_n3A_249 by %roll3A_259 dim 1 : vector<64x128xf32>, i32 -> vector<64x128xf32>
      %roll3A_261 = arith.constant 1 : i32
      %roll3A_262 = tpu.dynamic_rotate %select_n3A_249 by %roll3A_261 dim 1 : vector<64x128xf32>, i32 -> vector<64x128xf32>
      %select_n3A_263 = arith.select %ne3A_255, %roll3A_262, %roll3A_260 : vector<64x128xi1>, vector<64x128xf32>
      %min3A_264 = arith.minimumf %select_n3A_249, %select_n3A_263 : vector<64x128xf32>
      %max3A_265 = arith.maximumf %select_n3A_249, %select_n3A_263 : vector<64x128xf32>
      %select_n3A_266 = arith.select %eq3A_258, %min3A_264, %max3A_265 : vector<64x128xi1>, vector<64x128xf32>
      %mul3A_267 = arith.constant 64 : i32
      %mul3A_268 = arith.muli %scan3A_180, %mul3A_267 : i32
      %swap3A_269 = arith.index_cast %mul3A_268 : i32 to index
      %swap3A_270 = arith.constant 0 : index
      %swap3A_271 = vector.load %arg4[%swap3A_269, %swap3A_270] : memref<4096x128xf32, #tpu.memory_space<vmem>>, vector<64x128xf32>
      tpu.vector_store %arg4[%swap3A_269, %swap3A_270], %select_n3A_266 {strides = array<i32>} : memref<4096x128xf32, #tpu.memory_space<vmem>>, vector<64x128xf32>,
    }
    %scan3A_60 = arith.constant 64 : i32
    %scan3A_61 = arith.constant 0 : i32
    %scan3A_62 = arith.constant 6 : i32
    %scan3A_63 = arith.addi %scan3A_61, %scan3A_62 : i32
    %scan3A_64 = arith.constant 1 : i32
    scf.for %scan3A_180 = %scan3A_61 to %scan3A_63 step %scan3A_64  : i32 {
      %sub3A_181 = arith.constant 11 : i32
      %sub3A_182 = arith.subi %sub3A_181, %scan3A_180 : i32
      %scan3A_183 = arith.constant 0 : i32
      %scan3A_184 = arith.constant 32 : i32
      %scan3A_185 = arith.addi %scan3A_183, %scan3A_184 : i32
      %scan3A_186 = arith.constant 1 : i32
      scf.for %scan3A_188 = %scan3A_183 to %scan3A_185 step %scan3A_186  : i32 {
        %sub3A_189 = arith.constant 6 : i32
        %sub3A_190 = arith.subi %sub3A_182, %sub3A_189 : i32
        %shift_right_logical3A = arith.shrui %scan3A_188, %sub3A_190 : i32
        %shift_left3A = arith.constant 1 : i32
        %shift_left3A_191 = arith.shli %shift_left3A, %sub3A_190 : i32
        %sub3A_192 = arith.constant 1 : i32
        %sub3A_193 = arith.subi %shift_left3A_191, %sub3A_192 : i32
        %and3A_194 = arith.andi %scan3A_188, %sub3A_193 : i32
        %add3A_195 = arith.constant 1 : i32
        %add3A_196 = arith.addi %sub3A_182, %add3A_195 : i32
        %shift_left3A_197 = arith.shli %shift_right_logical3A, %add3A_196 : i32
        %shift_left3A_198 = arith.constant 6 : i32
        %shift_left3A_199 = arith.shli %and3A_194, %shift_left3A_198 : i32
        %add3A_200 = arith.addi %shift_left3A_197, %shift_left3A_199 : i32
        %shift_left3A_201 = arith.constant 1 : i32
        %shift_left3A_202 = arith.shli %shift_left3A_201, %sub3A_182 : i32
        %get3A_203 = arith.index_cast %add3A_200 : i32 to index
        %get3A_204 = arith.constant 0 : index
        %get3A_205 = vector.load %arg4[%get3A_203, %get3A_204] : memref<4096x128xf32, #tpu.memory_space<vmem>>, vector<64x128xf32>
        %add3A_206 = arith.addi %add3A_200, %shift_left3A_202 : i32
        %get3A_207 = arith.index_cast %add3A_206 : i32 to index
        %get3A_208 = arith.constant 0 : index
        %get3A_209 = vector.load %arg4[%get3A_207, %get3A_208] : memref<4096x128xf32, #tpu.memory_space<vmem>>, vector<64x128xf32>
        %min3A = arith.minimumf %get3A_205, %get3A_209 : vector<64x128xf32>
        %max3A_210 = arith.maximumf %get3A_205, %get3A_209 : vector<64x128xf32>
        %select_n3A = arith.select %ne3A_55, %max3A_210, %min3A : vector<64x128xi1>, vector<64x128xf32>
        %swap3A_211 = arith.index_cast %add3A_200 : i32 to index
        %swap3A_212 = arith.constant 0 : index
        %swap3A_213 = vector.load %arg4[%swap3A_211, %swap3A_212] : memref<4096x128xf32, #tpu.memory_space<vmem>>, vector<64x128xf32>
        tpu.vector_store %arg4[%swap3A_211, %swap3A_212], %select_n3A {strides = array<i32>} : memref<4096x128xf32, #tpu.memory_space<vmem>>, vector<64x128xf32>,
        %select_n3A_214 = arith.select %ne3A_55, %min3A, %max3A_210 : vector<64x128xi1>, vector<64x128xf32>
        %add3A_215 = arith.addi %add3A_200, %shift_left3A_202 : i32
        %swap3A_216 = arith.index_cast %add3A_215 : i32 to index
        %swap3A_217 = arith.constant 0 : index
        %swap3A_218 = vector.load %arg4[%swap3A_216, %swap3A_217] : memref<4096x128xf32, #tpu.memory_space<vmem>>, vector<64x128xf32>
        tpu.vector_store %arg4[%swap3A_216, %swap3A_217], %select_n3A_214 {strides = array<i32>} : memref<4096x128xf32, #tpu.memory_space<vmem>>, vector<64x128xf32>,
      }
      %scan3A_187 = arith.constant 32 : i32
    }
    %scan3A_65 = arith.constant 6 : i32
    %scan3A_66 = arith.constant 0 : i32
    %scan3A_67 = arith.constant 64 : i32
    %scan3A_68 = arith.addi %scan3A_66, %scan3A_67 : i32
    %scan3A_69 = arith.constant 1 : i32
    scf.for %scan3A_180 = %scan3A_66 to %scan3A_68 step %scan3A_69  : i32 {
      %mul3A = arith.constant 64 : i32
      %mul3A_181 = arith.muli %scan3A_180, %mul3A : i32
      %get3A_182 = arith.index_cast %mul3A_181 : i32 to index
      %get3A_183 = arith.constant 0 : index
      %get3A_184 = vector.load %arg4[%get3A_182, %get3A_183] : memref<4096x128xf32, #tpu.memory_space<vmem>>, vector<64x128xf32>
      %and3A_185 = arith.constant 32 : i32
      %and3A_186 = vector.broadcast %and3A_185 : i32 to vector<64x128xi32>
      %and3A_187 = arith.andi %iota3A_16, %and3A_186 : vector<64x128xi32>
      %ne3A_188 = arith.constant 0 : i32
      %ne3A_189 = vector.broadcast %ne3A_188 : i32 to vector<64x128xi32>
      %ne3A_190 = arith.cmpi ne, %and3A_187, %ne3A_189 : vector<64x128xi32>
      %roll3A = arith.constant 32 : i32
      %roll3A_191 = tpu.dynamic_rotate %get3A_184 by %roll3A dim 0 : vector<64x128xf32>, i32 -> vector<64x128xf32>
      %roll3A_192 = arith.constant 32 : i32
      %roll3A_193 = tpu.dynamic_rotate %get3A_184 by %roll3A_192 dim 0 : vector<64x128xf32>, i32 -> vector<64x128xf32>
      %select_n3A = arith.select %ne3A_190, %roll3A_191, %roll3A_193 : vector<64x128xi1>, vector<64x128xf32>
      %eq3A_194 = arith.xori %ne3A_190, %ne3A_55 : vector<64x128xi1>
      %eq3A_195 = arith.constant dense<true> : vector<64x128xi1>
      %eq3A_196 = arith.xori %eq3A_194, %eq3A_195 : vector<64x128xi1>
      %min3A = arith.minimumf %get3A_184, %select_n3A : vector<64x128xf32>
      %max3A_197 = arith.maximumf %get3A_184, %select_n3A : vector<64x128xf32>
      %select_n3A_198 = arith.select %eq3A_196, %min3A, %max3A_197 : vector<64x128xi1>, vector<64x128xf32>
      %and3A_199 = arith.constant 16 : i32
      %and3A_200 = vector.broadcast %and3A_199 : i32 to vector<64x128xi32>
      %and3A_201 = arith.andi %iota3A_16, %and3A_200 : vector<64x128xi32>
      %ne3A_202 = arith.constant 0 : i32
      %ne3A_203 = vector.broadcast %ne3A_202 : i32 to vector<64x128xi32>
      %ne3A_204 = arith.cmpi ne, %and3A_201, %ne3A_203 : vector<64x128xi32>
      %roll3A_205 = arith.constant 16 : i32
      %roll3A_206 = tpu.dynamic_rotate %select_n3A_198 by %roll3A_205 dim 0 : vector<64x128xf32>, i32 -> vector<64x128xf32>
      %roll3A_207 = arith.constant 48 : i32
      %roll3A_208 = tpu.dynamic_rotate %select_n3A_198 by %roll3A_207 dim 0 : vector<64x128xf32>, i32 -> vector<64x128xf32>
      %select_n3A_209 = arith.select %ne3A_204, %roll3A_206, %roll3A_208 : vector<64x128xi1>, vector<64x128xf32>
      %eq3A_210 = arith.xori %ne3A_204, %ne3A_55 : vector<64x128xi1>
      %eq3A_211 = arith.constant dense<true> : vector<64x128xi1>
      %eq3A_212 = arith.xori %eq3A_210, %eq3A_211 : vector<64x128xi1>
      %min3A_213 = arith.minimumf %select_n3A_198, %select_n3A_209 : vector<64x128xf32>
      %max3A_214 = arith.maximumf %select_n3A_198, %select_n3A_209 : vector<64x128xf32>
      %select_n3A_215 = arith.select %eq3A_212, %min3A_213, %max3A_214 : vector<64x128xi1>, vector<64x128xf32>
      %and3A_216 = arith.constant 8 : i32
      %and3A_217 = vector.broadcast %and3A_216 : i32 to vector<64x128xi32>
      %and3A_218 = arith.andi %iota3A_16, %and3A_217 : vector<64x128xi32>
      %ne3A_219 = arith.constant 0 : i32
      %ne3A_220 = vector.broadcast %ne3A_219 : i32 to vector<64x128xi32>
      %ne3A_221 = arith.cmpi ne, %and3A_218, %ne3A_220 : vector<64x128xi32>
      %roll3A_222 = arith.constant 8 : i32
      %roll3A_223 = tpu.dynamic_rotate %select_n3A_215 by %roll3A_222 dim 0 : vector<64x128xf32>, i32 -> vector<64x128xf32>
      %roll3A_224 = arith.constant 56 : i32
      %roll3A_225 = tpu.dynamic_rotate %select_n3A_215 by %roll3A_224 dim 0 : vector<64x128xf32>, i32 -> vector<64x128xf32>
      %select_n3A_226 = arith.select %ne3A_221, %roll3A_223, %roll3A_225 : vector<64x128xi1>, vector<64x128xf32>
      %eq3A_227 = arith.xori %ne3A_221, %ne3A_55 : vector<64x128xi1>
      %eq3A_228 = arith.constant dense<true> : vector<64x128xi1>
      %eq3A_229 = arith.xori %eq3A_227, %eq3A_228 : vector<64x128xi1>
      %min3A_230 = arith.minimumf %select_n3A_215, %select_n3A_226 : vector<64x128xf32>
      %max3A_231 = arith.maximumf %select_n3A_215, %select_n3A_226 : vector<64x128xf32>
      %select_n3A_232 = arith.select %eq3A_229, %min3A_230, %max3A_231 : vector<64x128xi1>, vector<64x128xf32>
      %and3A_233 = arith.constant 4 : i32
      %and3A_234 = vector.broadcast %and3A_233 : i32 to vector<64x128xi32>
      %and3A_235 = arith.andi %iota3A_16, %and3A_234 : vector<64x128xi32>
      %ne3A_236 = arith.constant 0 : i32
      %ne3A_237 = vector.broadcast %ne3A_236 : i32 to vector<64x128xi32>
      %ne3A_238 = arith.cmpi ne, %and3A_235, %ne3A_237 : vector<64x128xi32>
      %roll3A_239 = arith.constant 4 : i32
      %roll3A_240 = tpu.dynamic_rotate %select_n3A_232 by %roll3A_239 dim 0 : vector<64x128xf32>, i32 -> vector<64x128xf32>
      %roll3A_241 = arith.constant 60 : i32
      %roll3A_242 = tpu.dynamic_rotate %select_n3A_232 by %roll3A_241 dim 0 : vector<64x128xf32>, i32 -> vector<64x128xf32>
      %select_n3A_243 = arith.select %ne3A_238, %roll3A_240, %roll3A_242 : vector<64x128xi1>, vector<64x128xf32>
      %eq3A_244 = arith.xori %ne3A_238, %ne3A_55 : vector<64x128xi1>
      %eq3A_245 = arith.constant dense<true> : vector<64x128xi1>
      %eq3A_246 = arith.xori %eq3A_244, %eq3A_245 : vector<64x128xi1>
      %min3A_247 = arith.minimumf %select_n3A_232, %select_n3A_243 : vector<64x128xf32>
      %max3A_248 = arith.maximumf %select_n3A_232, %select_n3A_243 : vector<64x128xf32>
      %select_n3A_249 = arith.select %eq3A_246, %min3A_247, %max3A_248 : vector<64x128xi1>, vector<64x128xf32>
      %and3A_250 = arith.constant 2 : i32
      %and3A_251 = vector.broadcast %and3A_250 : i32 to vector<64x128xi32>
      %and3A_252 = arith.andi %iota3A_16, %and3A_251 : vector<64x128xi32>
      %ne3A_253 = arith.constant 0 : i32
      %ne3A_254 = vector.broadcast %ne3A_253 : i32 to vector<64x128xi32>
      %ne3A_255 = arith.cmpi ne, %and3A_252, %ne3A_254 : vector<64x128xi32>
      %roll3A_256 = arith.constant 2 : i32
      %roll3A_257 = tpu.dynamic_rotate %select_n3A_249 by %roll3A_256 dim 0 : vector<64x128xf32>, i32 -> vector<64x128xf32>
      %roll3A_258 = arith.constant 62 : i32
      %roll3A_259 = tpu.dynamic_rotate %select_n3A_249 by %roll3A_258 dim 0 : vector<64x128xf32>, i32 -> vector<64x128xf32>
      %select_n3A_260 = arith.select %ne3A_255, %roll3A_257, %roll3A_259 : vector<64x128xi1>, vector<64x128xf32>
      %eq3A_261 = arith.xori %ne3A_255, %ne3A_55 : vector<64x128xi1>
      %eq3A_262 = arith.constant dense<true> : vector<64x128xi1>
      %eq3A_263 = arith.xori %eq3A_261, %eq3A_262 : vector<64x128xi1>
      %min3A_264 = arith.minimumf %select_n3A_249, %select_n3A_260 : vector<64x128xf32>
      %max3A_265 = arith.maximumf %select_n3A_249, %select_n3A_260 : vector<64x128xf32>
      %select_n3A_266 = arith.select %eq3A_263, %min3A_264, %max3A_265 : vector<64x128xi1>, vector<64x128xf32>
      %and3A_267 = arith.constant 1 : i32
      %and3A_268 = vector.broadcast %and3A_267 : i32 to vector<64x128xi32>
      %and3A_269 = arith.andi %iota3A_16, %and3A_268 : vector<64x128xi32>
      %ne3A_270 = arith.constant 0 : i32
      %ne3A_271 = vector.broadcast %ne3A_270 : i32 to vector<64x128xi32>
      %ne3A_272 = arith.cmpi ne, %and3A_269, %ne3A_271 : vector<64x128xi32>
      %roll3A_273 = arith.constant 1 : i32
      %roll3A_274 = tpu.dynamic_rotate %select_n3A_266 by %roll3A_273 dim 0 : vector<64x128xf32>, i32 -> vector<64x128xf32>
      %roll3A_275 = arith.constant 63 : i32
      %roll3A_276 = tpu.dynamic_rotate %select_n3A_266 by %roll3A_275 dim 0 : vector<64x128xf32>, i32 -> vector<64x128xf32>
      %select_n3A_277 = arith.select %ne3A_272, %roll3A_274, %roll3A_276 : vector<64x128xi1>, vector<64x128xf32>
      %eq3A_278 = arith.xori %ne3A_272, %ne3A_55 : vector<64x128xi1>
      %eq3A_279 = arith.constant dense<true> : vector<64x128xi1>
      %eq3A_280 = arith.xori %eq3A_278, %eq3A_279 : vector<64x128xi1>
      %min3A_281 = arith.minimumf %select_n3A_266, %select_n3A_277 : vector<64x128xf32>
      %max3A_282 = arith.maximumf %select_n3A_266, %select_n3A_277 : vector<64x128xf32>
      %select_n3A_283 = arith.select %eq3A_280, %min3A_281, %max3A_282 : vector<64x128xi1>, vector<64x128xf32>
      %mul3A_284 = arith.constant 64 : i32
      %mul3A_285 = arith.muli %scan3A_180, %mul3A_284 : i32
      %swap3A_286 = arith.index_cast %mul3A_285 : i32 to index
      %swap3A_287 = arith.constant 0 : index
      %swap3A_288 = vector.load %arg4[%swap3A_286, %swap3A_287] : memref<4096x128xf32, #tpu.memory_space<vmem>>, vector<64x128xf32>
      tpu.vector_store %arg4[%swap3A_286, %swap3A_287], %select_n3A_283 {strides = array<i32>} : memref<4096x128xf32, #tpu.memory_space<vmem>>, vector<64x128xf32>,
    }
    %scan3A_70 = arith.constant 64 : i32
    %scan3A_71 = arith.constant 0 : i32
    %scan3A_72 = arith.constant 64 : i32
    %scan3A_73 = arith.addi %scan3A_71, %scan3A_72 : i32
    %scan3A_74 = arith.constant 1 : i32
    scf.for %scan3A_180 = %scan3A_71 to %scan3A_73 step %scan3A_74  : i32 {
      %mul3A = arith.constant 64 : i32
      %mul3A_181 = arith.muli %scan3A_180, %mul3A : i32
      %get3A_182 = arith.index_cast %mul3A_181 : i32 to index
      %get3A_183 = arith.constant 0 : index
      %get3A_184 = vector.load %arg5[%get3A_182, %get3A_183] : memref<4096x128xf32, #tpu.memory_space<vmem>>, vector<64x128xf32>
      %and3A_185 = arith.constant 16 : i32
      %and3A_186 = vector.broadcast %and3A_185 : i32 to vector<64x128xi32>
      %and3A_187 = arith.andi %iota3A, %and3A_186 : vector<64x128xi32>
      %ne3A_188 = arith.constant 0 : i32
      %ne3A_189 = vector.broadcast %ne3A_188 : i32 to vector<64x128xi32>
      %ne3A_190 = arith.cmpi ne, %and3A_187, %ne3A_189 : vector<64x128xi32>
      %eq3A_191 = arith.xori %ne3A_190, %ne3A_55 : vector<64x128xi1>
      %eq3A_192 = arith.constant dense<true> : vector<64x128xi1>
      %eq3A_193 = arith.xori %eq3A_191, %eq3A_192 : vector<64x128xi1>
      %roll3A = arith.constant 112 : i32
      %roll3A_194 = tpu.dynamic_rotate %get3A_184 by %roll3A dim 1 : vector<64x128xf32>, i32 -> vector<64x128xf32>
      %roll3A_195 = arith.constant 16 : i32
      %roll3A_196 = tpu.dynamic_rotate %get3A_184 by %roll3A_195 dim 1 : vector<64x128xf32>, i32 -> vector<64x128xf32>
      %select_n3A = arith.select %ne3A_190, %roll3A_196, %roll3A_194 : vector<64x128xi1>, vector<64x128xf32>
      %min3A = arith.minimumf %get3A_184, %select_n3A : vector<64x128xf32>
      %max3A_197 = arith.maximumf %get3A_184, %select_n3A : vector<64x128xf32>
      %select_n3A_198 = arith.select %eq3A_193, %min3A, %max3A_197 : vector<64x128xi1>, vector<64x128xf32>
      %and3A_199 = arith.constant 8 : i32
      %and3A_200 = vector.broadcast %and3A_199 : i32 to vector<64x128xi32>
      %and3A_201 = arith.andi %iota3A, %and3A_200 : vector<64x128xi32>
      %ne3A_202 = arith.constant 0 : i32
      %ne3A_203 = vector.broadcast %ne3A_202 : i32 to vector<64x128xi32>
      %ne3A_204 = arith.cmpi ne, %and3A_201, %ne3A_203 : vector<64x128xi32>
      %eq3A_205 = arith.xori %ne3A_204, %ne3A_55 : vector<64x128xi1>
      %eq3A_206 = arith.constant dense<true> : vector<64x128xi1>
      %eq3A_207 = arith.xori %eq3A_205, %eq3A_206 : vector<64x128xi1>
      %roll3A_208 = arith.constant 120 : i32
      %roll3A_209 = tpu.dynamic_rotate %select_n3A_198 by %roll3A_208 dim 1 : vector<64x128xf32>, i32 -> vector<64x128xf32>
      %roll3A_210 = arith.constant 8 : i32
      %roll3A_211 = tpu.dynamic_rotate %select_n3A_198 by %roll3A_210 dim 1 : vector<64x128xf32>, i32 -> vector<64x128xf32>
      %select_n3A_212 = arith.select %ne3A_204, %roll3A_211, %roll3A_209 : vector<64x128xi1>, vector<64x128xf32>
      %min3A_213 = arith.minimumf %select_n3A_198, %select_n3A_212 : vector<64x128xf32>
      %max3A_214 = arith.maximumf %select_n3A_198, %select_n3A_212 : vector<64x128xf32>
      %select_n3A_215 = arith.select %eq3A_207, %min3A_213, %max3A_214 : vector<64x128xi1>, vector<64x128xf32>
      %and3A_216 = arith.constant 4 : i32
      %and3A_217 = vector.broadcast %and3A_216 : i32 to vector<64x128xi32>
      %and3A_218 = arith.andi %iota3A, %and3A_217 : vector<64x128xi32>
      %ne3A_219 = arith.constant 0 : i32
      %ne3A_220 = vector.broadcast %ne3A_219 : i32 to vector<64x128xi32>
      %ne3A_221 = arith.cmpi ne, %and3A_218, %ne3A_220 : vector<64x128xi32>
      %eq3A_222 = arith.xori %ne3A_221, %ne3A_55 : vector<64x128xi1>
      %eq3A_223 = arith.constant dense<true> : vector<64x128xi1>
      %eq3A_224 = arith.xori %eq3A_222, %eq3A_223 : vector<64x128xi1>
      %roll3A_225 = arith.constant 124 : i32
      %roll3A_226 = tpu.dynamic_rotate %select_n3A_215 by %roll3A_225 dim 1 : vector<64x128xf32>, i32 -> vector<64x128xf32>
      %roll3A_227 = arith.constant 4 : i32
      %roll3A_228 = tpu.dynamic_rotate %select_n3A_215 by %roll3A_227 dim 1 : vector<64x128xf32>, i32 -> vector<64x128xf32>
      %select_n3A_229 = arith.select %ne3A_221, %roll3A_228, %roll3A_226 : vector<64x128xi1>, vector<64x128xf32>
      %min3A_230 = arith.minimumf %select_n3A_215, %select_n3A_229 : vector<64x128xf32>
      %max3A_231 = arith.maximumf %select_n3A_215, %select_n3A_229 : vector<64x128xf32>
      %select_n3A_232 = arith.select %eq3A_224, %min3A_230, %max3A_231 : vector<64x128xi1>, vector<64x128xf32>
      %and3A_233 = arith.constant 2 : i32
      %and3A_234 = vector.broadcast %and3A_233 : i32 to vector<64x128xi32>
      %and3A_235 = arith.andi %iota3A, %and3A_234 : vector<64x128xi32>
      %ne3A_236 = arith.constant 0 : i32
      %ne3A_237 = vector.broadcast %ne3A_236 : i32 to vector<64x128xi32>
      %ne3A_238 = arith.cmpi ne, %and3A_235, %ne3A_237 : vector<64x128xi32>
      %eq3A_239 = arith.xori %ne3A_238, %ne3A_55 : vector<64x128xi1>
      %eq3A_240 = arith.constant dense<true> : vector<64x128xi1>
      %eq3A_241 = arith.xori %eq3A_239, %eq3A_240 : vector<64x128xi1>
      %roll3A_242 = arith.constant 126 : i32
      %roll3A_243 = tpu.dynamic_rotate %select_n3A_232 by %roll3A_242 dim 1 : vector<64x128xf32>, i32 -> vector<64x128xf32>
      %roll3A_244 = arith.constant 2 : i32
      %roll3A_245 = tpu.dynamic_rotate %select_n3A_232 by %roll3A_244 dim 1 : vector<64x128xf32>, i32 -> vector<64x128xf32>
      %select_n3A_246 = arith.select %ne3A_238, %roll3A_245, %roll3A_243 : vector<64x128xi1>, vector<64x128xf32>
      %min3A_247 = arith.minimumf %select_n3A_232, %select_n3A_246 : vector<64x128xf32>
      %max3A_248 = arith.maximumf %select_n3A_232, %select_n3A_246 : vector<64x128xf32>
      %select_n3A_249 = arith.select %eq3A_241, %min3A_247, %max3A_248 : vector<64x128xi1>, vector<64x128xf32>
      %and3A_250 = arith.constant 1 : i32
      %and3A_251 = vector.broadcast %and3A_250 : i32 to vector<64x128xi32>
      %and3A_252 = arith.andi %iota3A, %and3A_251 : vector<64x128xi32>
      %ne3A_253 = arith.constant 0 : i32
      %ne3A_254 = vector.broadcast %ne3A_253 : i32 to vector<64x128xi32>
      %ne3A_255 = arith.cmpi ne, %and3A_252, %ne3A_254 : vector<64x128xi32>
      %eq3A_256 = arith.xori %ne3A_255, %ne3A_55 : vector<64x128xi1>
      %eq3A_257 = arith.constant dense<true> : vector<64x128xi1>
      %eq3A_258 = arith.xori %eq3A_256, %eq3A_257 : vector<64x128xi1>
      %roll3A_259 = arith.constant 127 : i32
      %roll3A_260 = tpu.dynamic_rotate %select_n3A_249 by %roll3A_259 dim 1 : vector<64x128xf32>, i32 -> vector<64x128xf32>
      %roll3A_261 = arith.constant 1 : i32
      %roll3A_262 = tpu.dynamic_rotate %select_n3A_249 by %roll3A_261 dim 1 : vector<64x128xf32>, i32 -> vector<64x128xf32>
      %select_n3A_263 = arith.select %ne3A_255, %roll3A_262, %roll3A_260 : vector<64x128xi1>, vector<64x128xf32>
      %min3A_264 = arith.minimumf %select_n3A_249, %select_n3A_263 : vector<64x128xf32>
      %max3A_265 = arith.maximumf %select_n3A_249, %select_n3A_263 : vector<64x128xf32>
      %select_n3A_266 = arith.select %eq3A_258, %min3A_264, %max3A_265 : vector<64x128xi1>, vector<64x128xf32>
      %mul3A_267 = arith.constant 64 : i32
      %mul3A_268 = arith.muli %scan3A_180, %mul3A_267 : i32
      %swap3A_269 = arith.index_cast %mul3A_268 : i32 to index
      %swap3A_270 = arith.constant 0 : index
      %swap3A_271 = vector.load %arg5[%swap3A_269, %swap3A_270] : memref<4096x128xf32, #tpu.memory_space<vmem>>, vector<64x128xf32>
      tpu.vector_store %arg5[%swap3A_269, %swap3A_270], %select_n3A_266 {strides = array<i32>} : memref<4096x128xf32, #tpu.memory_space<vmem>>, vector<64x128xf32>,
    }
    %scan3A_75 = arith.constant 64 : i32
    %scan3A_76 = arith.constant 0 : i32
    %scan3A_77 = arith.constant 6 : i32
    %scan3A_78 = arith.addi %scan3A_76, %scan3A_77 : i32
    %scan3A_79 = arith.constant 1 : i32
    scf.for %scan3A_180 = %scan3A_76 to %scan3A_78 step %scan3A_79  : i32 {
      %sub3A_181 = arith.constant 11 : i32
      %sub3A_182 = arith.subi %sub3A_181, %scan3A_180 : i32
      %scan3A_183 = arith.constant 0 : i32
      %scan3A_184 = arith.constant 32 : i32
      %scan3A_185 = arith.addi %scan3A_183, %scan3A_184 : i32
      %scan3A_186 = arith.constant 1 : i32
      scf.for %scan3A_188 = %scan3A_183 to %scan3A_185 step %scan3A_186  : i32 {
        %sub3A_189 = arith.constant 6 : i32
        %sub3A_190 = arith.subi %sub3A_182, %sub3A_189 : i32
        %shift_right_logical3A = arith.shrui %scan3A_188, %sub3A_190 : i32
        %shift_left3A = arith.constant 1 : i32
        %shift_left3A_191 = arith.shli %shift_left3A, %sub3A_190 : i32
        %sub3A_192 = arith.constant 1 : i32
        %sub3A_193 = arith.subi %shift_left3A_191, %sub3A_192 : i32
        %and3A_194 = arith.andi %scan3A_188, %sub3A_193 : i32
        %add3A_195 = arith.constant 1 : i32
        %add3A_196 = arith.addi %sub3A_182, %add3A_195 : i32
        %shift_left3A_197 = arith.shli %shift_right_logical3A, %add3A_196 : i32
        %shift_left3A_198 = arith.constant 6 : i32
        %shift_left3A_199 = arith.shli %and3A_194, %shift_left3A_198 : i32
        %add3A_200 = arith.addi %shift_left3A_197, %shift_left3A_199 : i32
        %shift_left3A_201 = arith.constant 1 : i32
        %shift_left3A_202 = arith.shli %shift_left3A_201, %sub3A_182 : i32
        %get3A_203 = arith.index_cast %add3A_200 : i32 to index
        %get3A_204 = arith.constant 0 : index
        %get3A_205 = vector.load %arg5[%get3A_203, %get3A_204] : memref<4096x128xf32, #tpu.memory_space<vmem>>, vector<64x128xf32>
        %add3A_206 = arith.addi %add3A_200, %shift_left3A_202 : i32
        %get3A_207 = arith.index_cast %add3A_206 : i32 to index
        %get3A_208 = arith.constant 0 : index
        %get3A_209 = vector.load %arg5[%get3A_207, %get3A_208] : memref<4096x128xf32, #tpu.memory_space<vmem>>, vector<64x128xf32>
        %min3A = arith.minimumf %get3A_205, %get3A_209 : vector<64x128xf32>
        %max3A_210 = arith.maximumf %get3A_205, %get3A_209 : vector<64x128xf32>
        %select_n3A = arith.select %ne3A_55, %max3A_210, %min3A : vector<64x128xi1>, vector<64x128xf32>
        %swap3A_211 = arith.index_cast %add3A_200 : i32 to index
        %swap3A_212 = arith.constant 0 : index
        %swap3A_213 = vector.load %arg5[%swap3A_211, %swap3A_212] : memref<4096x128xf32, #tpu.memory_space<vmem>>, vector<64x128xf32>
        tpu.vector_store %arg5[%swap3A_211, %swap3A_212], %select_n3A {strides = array<i32>} : memref<4096x128xf32, #tpu.memory_space<vmem>>, vector<64x128xf32>,
        %select_n3A_214 = arith.select %ne3A_55, %min3A, %max3A_210 : vector<64x128xi1>, vector<64x128xf32>
        %add3A_215 = arith.addi %add3A_200, %shift_left3A_202 : i32
        %swap3A_216 = arith.index_cast %add3A_215 : i32 to index
        %swap3A_217 = arith.constant 0 : index
        %swap3A_218 = vector.load %arg5[%swap3A_216, %swap3A_217] : memref<4096x128xf32, #tpu.memory_space<vmem>>, vector<64x128xf32>
        tpu.vector_store %arg5[%swap3A_216, %swap3A_217], %select_n3A_214 {strides = array<i32>} : memref<4096x128xf32, #tpu.memory_space<vmem>>, vector<64x128xf32>,
      }
      %scan3A_187 = arith.constant 32 : i32
    }
    %scan3A_80 = arith.constant 6 : i32
    %scan3A_81 = arith.constant 0 : i32
    %scan3A_82 = arith.constant 64 : i32
    %scan3A_83 = arith.addi %scan3A_81, %scan3A_82 : i32
    %scan3A_84 = arith.constant 1 : i32
    scf.for %scan3A_180 = %scan3A_81 to %scan3A_83 step %scan3A_84  : i32 {
      %mul3A = arith.constant 64 : i32
      %mul3A_181 = arith.muli %scan3A_180, %mul3A : i32
      %get3A_182 = arith.index_cast %mul3A_181 : i32 to index
      %get3A_183 = arith.constant 0 : index
      %get3A_184 = vector.load %arg5[%get3A_182, %get3A_183] : memref<4096x128xf32, #tpu.memory_space<vmem>>, vector<64x128xf32>
      %and3A_185 = arith.constant 32 : i32
      %and3A_186 = vector.broadcast %and3A_185 : i32 to vector<64x128xi32>
      %and3A_187 = arith.andi %iota3A_16, %and3A_186 : vector<64x128xi32>
      %ne3A_188 = arith.constant 0 : i32
      %ne3A_189 = vector.broadcast %ne3A_188 : i32 to vector<64x128xi32>
      %ne3A_190 = arith.cmpi ne, %and3A_187, %ne3A_189 : vector<64x128xi32>
      %roll3A = arith.constant 32 : i32
      %roll3A_191 = tpu.dynamic_rotate %get3A_184 by %roll3A dim 0 : vector<64x128xf32>, i32 -> vector<64x128xf32>
      %roll3A_192 = arith.constant 32 : i32
      %roll3A_193 = tpu.dynamic_rotate %get3A_184 by %roll3A_192 dim 0 : vector<64x128xf32>, i32 -> vector<64x128xf32>
      %select_n3A = arith.select %ne3A_190, %roll3A_191, %roll3A_193 : vector<64x128xi1>, vector<64x128xf32>
      %eq3A_194 = arith.xori %ne3A_190, %ne3A_55 : vector<64x128xi1>
      %eq3A_195 = arith.constant dense<true> : vector<64x128xi1>
      %eq3A_196 = arith.xori %eq3A_194, %eq3A_195 : vector<64x128xi1>
      %min3A = arith.minimumf %get3A_184, %select_n3A : vector<64x128xf32>
      %max3A_197 = arith.maximumf %get3A_184, %select_n3A : vector<64x128xf32>
      %select_n3A_198 = arith.select %eq3A_196, %min3A, %max3A_197 : vector<64x128xi1>, vector<64x128xf32>
      %and3A_199 = arith.constant 16 : i32
      %and3A_200 = vector.broadcast %and3A_199 : i32 to vector<64x128xi32>
      %and3A_201 = arith.andi %iota3A_16, %and3A_200 : vector<64x128xi32>
      %ne3A_202 = arith.constant 0 : i32
      %ne3A_203 = vector.broadcast %ne3A_202 : i32 to vector<64x128xi32>
      %ne3A_204 = arith.cmpi ne, %and3A_201, %ne3A_203 : vector<64x128xi32>
      %roll3A_205 = arith.constant 16 : i32
      %roll3A_206 = tpu.dynamic_rotate %select_n3A_198 by %roll3A_205 dim 0 : vector<64x128xf32>, i32 -> vector<64x128xf32>
      %roll3A_207 = arith.constant 48 : i32
      %roll3A_208 = tpu.dynamic_rotate %select_n3A_198 by %roll3A_207 dim 0 : vector<64x128xf32>, i32 -> vector<64x128xf32>
      %select_n3A_209 = arith.select %ne3A_204, %roll3A_206, %roll3A_208 : vector<64x128xi1>, vector<64x128xf32>
      %eq3A_210 = arith.xori %ne3A_204, %ne3A_55 : vector<64x128xi1>
      %eq3A_211 = arith.constant dense<true> : vector<64x128xi1>
      %eq3A_212 = arith.xori %eq3A_210, %eq3A_211 : vector<64x128xi1>
      %min3A_213 = arith.minimumf %select_n3A_198, %select_n3A_209 : vector<64x128xf32>
      %max3A_214 = arith.maximumf %select_n3A_198, %select_n3A_209 : vector<64x128xf32>
      %select_n3A_215 = arith.select %eq3A_212, %min3A_213, %max3A_214 : vector<64x128xi1>, vector<64x128xf32>
      %and3A_216 = arith.constant 8 : i32
      %and3A_217 = vector.broadcast %and3A_216 : i32 to vector<64x128xi32>
      %and3A_218 = arith.andi %iota3A_16, %and3A_217 : vector<64x128xi32>
      %ne3A_219 = arith.constant 0 : i32
      %ne3A_220 = vector.broadcast %ne3A_219 : i32 to vector<64x128xi32>
      %ne3A_221 = arith.cmpi ne, %and3A_218, %ne3A_220 : vector<64x128xi32>
      %roll3A_222 = arith.constant 8 : i32
      %roll3A_223 = tpu.dynamic_rotate %select_n3A_215 by %roll3A_222 dim 0 : vector<64x128xf32>, i32 -> vector<64x128xf32>
      %roll3A_224 = arith.constant 56 : i32
      %roll3A_225 = tpu.dynamic_rotate %select_n3A_215 by %roll3A_224 dim 0 : vector<64x128xf32>, i32 -> vector<64x128xf32>
      %select_n3A_226 = arith.select %ne3A_221, %roll3A_223, %roll3A_225 : vector<64x128xi1>, vector<64x128xf32>
      %eq3A_227 = arith.xori %ne3A_221, %ne3A_55 : vector<64x128xi1>
      %eq3A_228 = arith.constant dense<true> : vector<64x128xi1>
      %eq3A_229 = arith.xori %eq3A_227, %eq3A_228 : vector<64x128xi1>
      %min3A_230 = arith.minimumf %select_n3A_215, %select_n3A_226 : vector<64x128xf32>
      %max3A_231 = arith.maximumf %select_n3A_215, %select_n3A_226 : vector<64x128xf32>
      %select_n3A_232 = arith.select %eq3A_229, %min3A_230, %max3A_231 : vector<64x128xi1>, vector<64x128xf32>
      %and3A_233 = arith.constant 4 : i32
      %and3A_234 = vector.broadcast %and3A_233 : i32 to vector<64x128xi32>
      %and3A_235 = arith.andi %iota3A_16, %and3A_234 : vector<64x128xi32>
      %ne3A_236 = arith.constant 0 : i32
      %ne3A_237 = vector.broadcast %ne3A_236 : i32 to vector<64x128xi32>
      %ne3A_238 = arith.cmpi ne, %and3A_235, %ne3A_237 : vector<64x128xi32>
      %roll3A_239 = arith.constant 4 : i32
      %roll3A_240 = tpu.dynamic_rotate %select_n3A_232 by %roll3A_239 dim 0 : vector<64x128xf32>, i32 -> vector<64x128xf32>
      %roll3A_241 = arith.constant 60 : i32
      %roll3A_242 = tpu.dynamic_rotate %select_n3A_232 by %roll3A_241 dim 0 : vector<64x128xf32>, i32 -> vector<64x128xf32>
      %select_n3A_243 = arith.select %ne3A_238, %roll3A_240, %roll3A_242 : vector<64x128xi1>, vector<64x128xf32>
      %eq3A_244 = arith.xori %ne3A_238, %ne3A_55 : vector<64x128xi1>
      %eq3A_245 = arith.constant dense<true> : vector<64x128xi1>
      %eq3A_246 = arith.xori %eq3A_244, %eq3A_245 : vector<64x128xi1>
      %min3A_247 = arith.minimumf %select_n3A_232, %select_n3A_243 : vector<64x128xf32>
      %max3A_248 = arith.maximumf %select_n3A_232, %select_n3A_243 : vector<64x128xf32>
      %select_n3A_249 = arith.select %eq3A_246, %min3A_247, %max3A_248 : vector<64x128xi1>, vector<64x128xf32>
      %and3A_250 = arith.constant 2 : i32
      %and3A_251 = vector.broadcast %and3A_250 : i32 to vector<64x128xi32>
      %and3A_252 = arith.andi %iota3A_16, %and3A_251 : vector<64x128xi32>
      %ne3A_253 = arith.constant 0 : i32
      %ne3A_254 = vector.broadcast %ne3A_253 : i32 to vector<64x128xi32>
      %ne3A_255 = arith.cmpi ne, %and3A_252, %ne3A_254 : vector<64x128xi32>
      %roll3A_256 = arith.constant 2 : i32
      %roll3A_257 = tpu.dynamic_rotate %select_n3A_249 by %roll3A_256 dim 0 : vector<64x128xf32>, i32 -> vector<64x128xf32>
      %roll3A_258 = arith.constant 62 : i32
      %roll3A_259 = tpu.dynamic_rotate %select_n3A_249 by %roll3A_258 dim 0 : vector<64x128xf32>, i32 -> vector<64x128xf32>
      %select_n3A_260 = arith.select %ne3A_255, %roll3A_257, %roll3A_259 : vector<64x128xi1>, vector<64x128xf32>
      %eq3A_261 = arith.xori %ne3A_255, %ne3A_55 : vector<64x128xi1>
      %eq3A_262 = arith.constant dense<true> : vector<64x128xi1>
      %eq3A_263 = arith.xori %eq3A_261, %eq3A_262 : vector<64x128xi1>
      %min3A_264 = arith.minimumf %select_n3A_249, %select_n3A_260 : vector<64x128xf32>
      %max3A_265 = arith.maximumf %select_n3A_249, %select_n3A_260 : vector<64x128xf32>
      %select_n3A_266 = arith.select %eq3A_263, %min3A_264, %max3A_265 : vector<64x128xi1>, vector<64x128xf32>
      %and3A_267 = arith.constant 1 : i32
      %and3A_268 = vector.broadcast %and3A_267 : i32 to vector<64x128xi32>
      %and3A_269 = arith.andi %iota3A_16, %and3A_268 : vector<64x128xi32>
      %ne3A_270 = arith.constant 0 : i32
      %ne3A_271 = vector.broadcast %ne3A_270 : i32 to vector<64x128xi32>
      %ne3A_272 = arith.cmpi ne, %and3A_269, %ne3A_271 : vector<64x128xi32>
      %roll3A_273 = arith.constant 1 : i32
      %roll3A_274 = tpu.dynamic_rotate %select_n3A_266 by %roll3A_273 dim 0 : vector<64x128xf32>, i32 -> vector<64x128xf32>
      %roll3A_275 = arith.constant 63 : i32
      %roll3A_276 = tpu.dynamic_rotate %select_n3A_266 by %roll3A_275 dim 0 : vector<64x128xf32>, i32 -> vector<64x128xf32>
      %select_n3A_277 = arith.select %ne3A_272, %roll3A_274, %roll3A_276 : vector<64x128xi1>, vector<64x128xf32>
      %eq3A_278 = arith.xori %ne3A_272, %ne3A_55 : vector<64x128xi1>
      %eq3A_279 = arith.constant dense<true> : vector<64x128xi1>
      %eq3A_280 = arith.xori %eq3A_278, %eq3A_279 : vector<64x128xi1>
      %min3A_281 = arith.minimumf %select_n3A_266, %select_n3A_277 : vector<64x128xf32>
      %max3A_282 = arith.maximumf %select_n3A_266, %select_n3A_277 : vector<64x128xf32>
      %select_n3A_283 = arith.select %eq3A_280, %min3A_281, %max3A_282 : vector<64x128xi1>, vector<64x128xf32>
      %mul3A_284 = arith.constant 64 : i32
      %mul3A_285 = arith.muli %scan3A_180, %mul3A_284 : i32
      %swap3A_286 = arith.index_cast %mul3A_285 : i32 to index
      %swap3A_287 = arith.constant 0 : index
      %swap3A_288 = vector.load %arg5[%swap3A_286, %swap3A_287] : memref<4096x128xf32, #tpu.memory_space<vmem>>, vector<64x128xf32>
      tpu.vector_store %arg5[%swap3A_286, %swap3A_287], %select_n3A_283 {strides = array<i32>} : memref<4096x128xf32, #tpu.memory_space<vmem>>, vector<64x128xf32>,
    }
    %scan3A_85 = arith.constant 64 : i32
    %and3A_86 = arith.constant 64 : i32
    %and3A_87 = vector.broadcast %and3A_86 : i32 to vector<64x128xi32>
    %and3A_88 = arith.andi %iota3A, %and3A_87 : vector<64x128xi32>
    %ne3A_89 = arith.constant 0 : i32
    %ne3A_90 = vector.broadcast %ne3A_89 : i32 to vector<64x128xi32>
    %ne3A_91 = arith.cmpi ne, %and3A_88, %ne3A_90 : vector<64x128xi32>
    %scan3A_92 = arith.constant 0 : i32
    %scan3A_93 = arith.constant 64 : i32
    %scan3A_94 = arith.addi %scan3A_92, %scan3A_93 : i32
    %scan3A_95 = arith.constant 1 : i32
    scf.for %scan3A_180 = %scan3A_92 to %scan3A_94 step %scan3A_95  : i32 {
      %mul3A = arith.constant 64 : i32
      %mul3A_181 = arith.muli %scan3A_180, %mul3A : i32
      %get3A_182 = arith.index_cast %mul3A_181 : i32 to index
      %get3A_183 = arith.constant 0 : index
      %get3A_184 = vector.load %arg4[%get3A_182, %get3A_183] : memref<4096x128xf32, #tpu.memory_space<vmem>>, vector<64x128xf32>
      %and3A_185 = arith.constant 32 : i32
      %and3A_186 = vector.broadcast %and3A_185 : i32 to vector<64x128xi32>
      %and3A_187 = arith.andi %iota3A, %and3A_186 : vector<64x128xi32>
      %ne3A_188 = arith.constant 0 : i32
      %ne3A_189 = vector.broadcast %ne3A_188 : i32 to vector<64x128xi32>
      %ne3A_190 = arith.cmpi ne, %and3A_187, %ne3A_189 : vector<64x128xi32>
      %eq3A_191 = arith.xori %ne3A_190, %ne3A_91 : vector<64x128xi1>
      %eq3A_192 = arith.constant dense<true> : vector<64x128xi1>
      %eq3A_193 = arith.xori %eq3A_191, %eq3A_192 : vector<64x128xi1>
      %roll3A = arith.constant 96 : i32
      %roll3A_194 = tpu.dynamic_rotate %get3A_184 by %roll3A dim 1 : vector<64x128xf32>, i32 -> vector<64x128xf32>
      %roll3A_195 = arith.constant 32 : i32
      %roll3A_196 = tpu.dynamic_rotate %get3A_184 by %roll3A_195 dim 1 : vector<64x128xf32>, i32 -> vector<64x128xf32>
      %select_n3A = arith.select %ne3A_190, %roll3A_196, %roll3A_194 : vector<64x128xi1>, vector<64x128xf32>
      %min3A = arith.minimumf %get3A_184, %select_n3A : vector<64x128xf32>
      %max3A_197 = arith.maximumf %get3A_184, %select_n3A : vector<64x128xf32>
      %select_n3A_198 = arith.select %eq3A_193, %min3A, %max3A_197 : vector<64x128xi1>, vector<64x128xf32>
      %and3A_199 = arith.constant 16 : i32
      %and3A_200 = vector.broadcast %and3A_199 : i32 to vector<64x128xi32>
      %and3A_201 = arith.andi %iota3A, %and3A_200 : vector<64x128xi32>
      %ne3A_202 = arith.constant 0 : i32
      %ne3A_203 = vector.broadcast %ne3A_202 : i32 to vector<64x128xi32>
      %ne3A_204 = arith.cmpi ne, %and3A_201, %ne3A_203 : vector<64x128xi32>
      %eq3A_205 = arith.xori %ne3A_204, %ne3A_91 : vector<64x128xi1>
      %eq3A_206 = arith.constant dense<true> : vector<64x128xi1>
      %eq3A_207 = arith.xori %eq3A_205, %eq3A_206 : vector<64x128xi1>
      %roll3A_208 = arith.constant 112 : i32
      %roll3A_209 = tpu.dynamic_rotate %select_n3A_198 by %roll3A_208 dim 1 : vector<64x128xf32>, i32 -> vector<64x128xf32>
      %roll3A_210 = arith.constant 16 : i32
      %roll3A_211 = tpu.dynamic_rotate %select_n3A_198 by %roll3A_210 dim 1 : vector<64x128xf32>, i32 -> vector<64x128xf32>
      %select_n3A_212 = arith.select %ne3A_204, %roll3A_211, %roll3A_209 : vector<64x128xi1>, vector<64x128xf32>
      %min3A_213 = arith.minimumf %select_n3A_198, %select_n3A_212 : vector<64x128xf32>
      %max3A_214 = arith.maximumf %select_n3A_198, %select_n3A_212 : vector<64x128xf32>
      %select_n3A_215 = arith.select %eq3A_207, %min3A_213, %max3A_214 : vector<64x128xi1>, vector<64x128xf32>
      %and3A_216 = arith.constant 8 : i32
      %and3A_217 = vector.broadcast %and3A_216 : i32 to vector<64x128xi32>
      %and3A_218 = arith.andi %iota3A, %and3A_217 : vector<64x128xi32>
      %ne3A_219 = arith.constant 0 : i32
      %ne3A_220 = vector.broadcast %ne3A_219 : i32 to vector<64x128xi32>
      %ne3A_221 = arith.cmpi ne, %and3A_218, %ne3A_220 : vector<64x128xi32>
      %eq3A_222 = arith.xori %ne3A_221, %ne3A_91 : vector<64x128xi1>
      %eq3A_223 = arith.constant dense<true> : vector<64x128xi1>
      %eq3A_224 = arith.xori %eq3A_222, %eq3A_223 : vector<64x128xi1>
      %roll3A_225 = arith.constant 120 : i32
      %roll3A_226 = tpu.dynamic_rotate %select_n3A_215 by %roll3A_225 dim 1 : vector<64x128xf32>, i32 -> vector<64x128xf32>
      %roll3A_227 = arith.constant 8 : i32
      %roll3A_228 = tpu.dynamic_rotate %select_n3A_215 by %roll3A_227 dim 1 : vector<64x128xf32>, i32 -> vector<64x128xf32>
      %select_n3A_229 = arith.select %ne3A_221, %roll3A_228, %roll3A_226 : vector<64x128xi1>, vector<64x128xf32>
      %min3A_230 = arith.minimumf %select_n3A_215, %select_n3A_229 : vector<64x128xf32>
      %max3A_231 = arith.maximumf %select_n3A_215, %select_n3A_229 : vector<64x128xf32>
      %select_n3A_232 = arith.select %eq3A_224, %min3A_230, %max3A_231 : vector<64x128xi1>, vector<64x128xf32>
      %and3A_233 = arith.constant 4 : i32
      %and3A_234 = vector.broadcast %and3A_233 : i32 to vector<64x128xi32>
      %and3A_235 = arith.andi %iota3A, %and3A_234 : vector<64x128xi32>
      %ne3A_236 = arith.constant 0 : i32
      %ne3A_237 = vector.broadcast %ne3A_236 : i32 to vector<64x128xi32>
      %ne3A_238 = arith.cmpi ne, %and3A_235, %ne3A_237 : vector<64x128xi32>
      %eq3A_239 = arith.xori %ne3A_238, %ne3A_91 : vector<64x128xi1>
      %eq3A_240 = arith.constant dense<true> : vector<64x128xi1>
      %eq3A_241 = arith.xori %eq3A_239, %eq3A_240 : vector<64x128xi1>
      %roll3A_242 = arith.constant 124 : i32
      %roll3A_243 = tpu.dynamic_rotate %select_n3A_232 by %roll3A_242 dim 1 : vector<64x128xf32>, i32 -> vector<64x128xf32>
      %roll3A_244 = arith.constant 4 : i32
      %roll3A_245 = tpu.dynamic_rotate %select_n3A_232 by %roll3A_244 dim 1 : vector<64x128xf32>, i32 -> vector<64x128xf32>
      %select_n3A_246 = arith.select %ne3A_238, %roll3A_245, %roll3A_243 : vector<64x128xi1>, vector<64x128xf32>
      %min3A_247 = arith.minimumf %select_n3A_232, %select_n3A_246 : vector<64x128xf32>
      %max3A_248 = arith.maximumf %select_n3A_232, %select_n3A_246 : vector<64x128xf32>
      %select_n3A_249 = arith.select %eq3A_241, %min3A_247, %max3A_248 : vector<64x128xi1>, vector<64x128xf32>
      %and3A_250 = arith.constant 2 : i32
      %and3A_251 = vector.broadcast %and3A_250 : i32 to vector<64x128xi32>
      %and3A_252 = arith.andi %iota3A, %and3A_251 : vector<64x128xi32>
      %ne3A_253 = arith.constant 0 : i32
      %ne3A_254 = vector.broadcast %ne3A_253 : i32 to vector<64x128xi32>
      %ne3A_255 = arith.cmpi ne, %and3A_252, %ne3A_254 : vector<64x128xi32>
      %eq3A_256 = arith.xori %ne3A_255, %ne3A_91 : vector<64x128xi1>
      %eq3A_257 = arith.constant dense<true> : vector<64x128xi1>
      %eq3A_258 = arith.xori %eq3A_256, %eq3A_257 : vector<64x128xi1>
      %roll3A_259 = arith.constant 126 : i32
      %roll3A_260 = tpu.dynamic_rotate %select_n3A_249 by %roll3A_259 dim 1 : vector<64x128xf32>, i32 -> vector<64x128xf32>
      %roll3A_261 = arith.constant 2 : i32
      %roll3A_262 = tpu.dynamic_rotate %select_n3A_249 by %roll3A_261 dim 1 : vector<64x128xf32>, i32 -> vector<64x128xf32>
      %select_n3A_263 = arith.select %ne3A_255, %roll3A_262, %roll3A_260 : vector<64x128xi1>, vector<64x128xf32>
      %min3A_264 = arith.minimumf %select_n3A_249, %select_n3A_263 : vector<64x128xf32>
      %max3A_265 = arith.maximumf %select_n3A_249, %select_n3A_263 : vector<64x128xf32>
      %select_n3A_266 = arith.select %eq3A_258, %min3A_264, %max3A_265 : vector<64x128xi1>, vector<64x128xf32>
      %and3A_267 = arith.constant 1 : i32
      %and3A_268 = vector.broadcast %and3A_267 : i32 to vector<64x128xi32>
      %and3A_269 = arith.andi %iota3A, %and3A_268 : vector<64x128xi32>
      %ne3A_270 = arith.constant 0 : i32
      %ne3A_271 = vector.broadcast %ne3A_270 : i32 to vector<64x128xi32>
      %ne3A_272 = arith.cmpi ne, %and3A_269, %ne3A_271 : vector<64x128xi32>
      %eq3A_273 = arith.xori %ne3A_272, %ne3A_91 : vector<64x128xi1>
      %eq3A_274 = arith.constant dense<true> : vector<64x128xi1>
      %eq3A_275 = arith.xori %eq3A_273, %eq3A_274 : vector<64x128xi1>
      %roll3A_276 = arith.constant 127 : i32
      %roll3A_277 = tpu.dynamic_rotate %select_n3A_266 by %roll3A_276 dim 1 : vector<64x128xf32>, i32 -> vector<64x128xf32>
      %roll3A_278 = arith.constant 1 : i32
      %roll3A_279 = tpu.dynamic_rotate %select_n3A_266 by %roll3A_278 dim 1 : vector<64x128xf32>, i32 -> vector<64x128xf32>
      %select_n3A_280 = arith.select %ne3A_272, %roll3A_279, %roll3A_277 : vector<64x128xi1>, vector<64x128xf32>
      %min3A_281 = arith.minimumf %select_n3A_266, %select_n3A_280 : vector<64x128xf32>
      %max3A_282 = arith.maximumf %select_n3A_266, %select_n3A_280 : vector<64x128xf32>
      %select_n3A_283 = arith.select %eq3A_275, %min3A_281, %max3A_282 : vector<64x128xi1>, vector<64x128xf32>
      %mul3A_284 = arith.constant 64 : i32
      %mul3A_285 = arith.muli %scan3A_180, %mul3A_284 : i32
      %swap3A_286 = arith.index_cast %mul3A_285 : i32 to index
      %swap3A_287 = arith.constant 0 : index
      %swap3A_288 = vector.load %arg4[%swap3A_286, %swap3A_287] : memref<4096x128xf32, #tpu.memory_space<vmem>>, vector<64x128xf32>
      tpu.vector_store %arg4[%swap3A_286, %swap3A_287], %select_n3A_283 {strides = array<i32>} : memref<4096x128xf32, #tpu.memory_space<vmem>>, vector<64x128xf32>,
    }
    %scan3A_96 = arith.constant 64 : i32
    %scan3A_97 = arith.constant 0 : i32
    %scan3A_98 = arith.constant 6 : i32
    %scan3A_99 = arith.addi %scan3A_97, %scan3A_98 : i32
    %scan3A_100 = arith.constant 1 : i32
    scf.for %scan3A_180 = %scan3A_97 to %scan3A_99 step %scan3A_100  : i32 {
      %sub3A_181 = arith.constant 11 : i32
      %sub3A_182 = arith.subi %sub3A_181, %scan3A_180 : i32
      %scan3A_183 = arith.constant 0 : i32
      %scan3A_184 = arith.constant 32 : i32
      %scan3A_185 = arith.addi %scan3A_183, %scan3A_184 : i32
      %scan3A_186 = arith.constant 1 : i32
      scf.for %scan3A_188 = %scan3A_183 to %scan3A_185 step %scan3A_186  : i32 {
        %sub3A_189 = arith.constant 6 : i32
        %sub3A_190 = arith.subi %sub3A_182, %sub3A_189 : i32
        %shift_right_logical3A = arith.shrui %scan3A_188, %sub3A_190 : i32
        %shift_left3A = arith.constant 1 : i32
        %shift_left3A_191 = arith.shli %shift_left3A, %sub3A_190 : i32
        %sub3A_192 = arith.constant 1 : i32
        %sub3A_193 = arith.subi %shift_left3A_191, %sub3A_192 : i32
        %and3A_194 = arith.andi %scan3A_188, %sub3A_193 : i32
        %add3A_195 = arith.constant 1 : i32
        %add3A_196 = arith.addi %sub3A_182, %add3A_195 : i32
        %shift_left3A_197 = arith.shli %shift_right_logical3A, %add3A_196 : i32
        %shift_left3A_198 = arith.constant 6 : i32
        %shift_left3A_199 = arith.shli %and3A_194, %shift_left3A_198 : i32
        %add3A_200 = arith.addi %shift_left3A_197, %shift_left3A_199 : i32
        %shift_left3A_201 = arith.constant 1 : i32
        %shift_left3A_202 = arith.shli %shift_left3A_201, %sub3A_182 : i32
        %get3A_203 = arith.index_cast %add3A_200 : i32 to index
        %get3A_204 = arith.constant 0 : index
        %get3A_205 = vector.load %arg4[%get3A_203, %get3A_204] : memref<4096x128xf32, #tpu.memory_space<vmem>>, vector<64x128xf32>
        %add3A_206 = arith.addi %add3A_200, %shift_left3A_202 : i32
        %get3A_207 = arith.index_cast %add3A_206 : i32 to index
        %get3A_208 = arith.constant 0 : index
        %get3A_209 = vector.load %arg4[%get3A_207, %get3A_208] : memref<4096x128xf32, #tpu.memory_space<vmem>>, vector<64x128xf32>
        %min3A = arith.minimumf %get3A_205, %get3A_209 : vector<64x128xf32>
        %max3A_210 = arith.maximumf %get3A_205, %get3A_209 : vector<64x128xf32>
        %select_n3A = arith.select %ne3A_91, %max3A_210, %min3A : vector<64x128xi1>, vector<64x128xf32>
        %swap3A_211 = arith.index_cast %add3A_200 : i32 to index
        %swap3A_212 = arith.constant 0 : index
        %swap3A_213 = vector.load %arg4[%swap3A_211, %swap3A_212] : memref<4096x128xf32, #tpu.memory_space<vmem>>, vector<64x128xf32>
        tpu.vector_store %arg4[%swap3A_211, %swap3A_212], %select_n3A {strides = array<i32>} : memref<4096x128xf32, #tpu.memory_space<vmem>>, vector<64x128xf32>,
        %select_n3A_214 = arith.select %ne3A_91, %min3A, %max3A_210 : vector<64x128xi1>, vector<64x128xf32>
        %add3A_215 = arith.addi %add3A_200, %shift_left3A_202 : i32
        %swap3A_216 = arith.index_cast %add3A_215 : i32 to index
        %swap3A_217 = arith.constant 0 : index
        %swap3A_218 = vector.load %arg4[%swap3A_216, %swap3A_217] : memref<4096x128xf32, #tpu.memory_space<vmem>>, vector<64x128xf32>
        tpu.vector_store %arg4[%swap3A_216, %swap3A_217], %select_n3A_214 {strides = array<i32>} : memref<4096x128xf32, #tpu.memory_space<vmem>>, vector<64x128xf32>,
      }
      %scan3A_187 = arith.constant 32 : i32
    }
    %scan3A_101 = arith.constant 6 : i32
    %scan3A_102 = arith.constant 0 : i32
    %scan3A_103 = arith.constant 64 : i32
    %scan3A_104 = arith.addi %scan3A_102, %scan3A_103 : i32
    %scan3A_105 = arith.constant 1 : i32
    scf.for %scan3A_180 = %scan3A_102 to %scan3A_104 step %scan3A_105  : i32 {
      %mul3A = arith.constant 64 : i32
      %mul3A_181 = arith.muli %scan3A_180, %mul3A : i32
      %get3A_182 = arith.index_cast %mul3A_181 : i32 to index
      %get3A_183 = arith.constant 0 : index
      %get3A_184 = vector.load %arg4[%get3A_182, %get3A_183] : memref<4096x128xf32, #tpu.memory_space<vmem>>, vector<64x128xf32>
      %and3A_185 = arith.constant 32 : i32
      %and3A_186 = vector.broadcast %and3A_185 : i32 to vector<64x128xi32>
      %and3A_187 = arith.andi %iota3A_16, %and3A_186 : vector<64x128xi32>
      %ne3A_188 = arith.constant 0 : i32
      %ne3A_189 = vector.broadcast %ne3A_188 : i32 to vector<64x128xi32>
      %ne3A_190 = arith.cmpi ne, %and3A_187, %ne3A_189 : vector<64x128xi32>
      %roll3A = arith.constant 32 : i32
      %roll3A_191 = tpu.dynamic_rotate %get3A_184 by %roll3A dim 0 : vector<64x128xf32>, i32 -> vector<64x128xf32>
      %roll3A_192 = arith.constant 32 : i32
      %roll3A_193 = tpu.dynamic_rotate %get3A_184 by %roll3A_192 dim 0 : vector<64x128xf32>, i32 -> vector<64x128xf32>
      %select_n3A = arith.select %ne3A_190, %roll3A_191, %roll3A_193 : vector<64x128xi1>, vector<64x128xf32>
      %eq3A_194 = arith.xori %ne3A_190, %ne3A_91 : vector<64x128xi1>
      %eq3A_195 = arith.constant dense<true> : vector<64x128xi1>
      %eq3A_196 = arith.xori %eq3A_194, %eq3A_195 : vector<64x128xi1>
      %min3A = arith.minimumf %get3A_184, %select_n3A : vector<64x128xf32>
      %max3A_197 = arith.maximumf %get3A_184, %select_n3A : vector<64x128xf32>
      %select_n3A_198 = arith.select %eq3A_196, %min3A, %max3A_197 : vector<64x128xi1>, vector<64x128xf32>
      %and3A_199 = arith.constant 16 : i32
      %and3A_200 = vector.broadcast %and3A_199 : i32 to vector<64x128xi32>
      %and3A_201 = arith.andi %iota3A_16, %and3A_200 : vector<64x128xi32>
      %ne3A_202 = arith.constant 0 : i32
      %ne3A_203 = vector.broadcast %ne3A_202 : i32 to vector<64x128xi32>
      %ne3A_204 = arith.cmpi ne, %and3A_201, %ne3A_203 : vector<64x128xi32>
      %roll3A_205 = arith.constant 16 : i32
      %roll3A_206 = tpu.dynamic_rotate %select_n3A_198 by %roll3A_205 dim 0 : vector<64x128xf32>, i32 -> vector<64x128xf32>
      %roll3A_207 = arith.constant 48 : i32
      %roll3A_208 = tpu.dynamic_rotate %select_n3A_198 by %roll3A_207 dim 0 : vector<64x128xf32>, i32 -> vector<64x128xf32>
      %select_n3A_209 = arith.select %ne3A_204, %roll3A_206, %roll3A_208 : vector<64x128xi1>, vector<64x128xf32>
      %eq3A_210 = arith.xori %ne3A_204, %ne3A_91 : vector<64x128xi1>
      %eq3A_211 = arith.constant dense<true> : vector<64x128xi1>
      %eq3A_212 = arith.xori %eq3A_210, %eq3A_211 : vector<64x128xi1>
      %min3A_213 = arith.minimumf %select_n3A_198, %select_n3A_209 : vector<64x128xf32>
      %max3A_214 = arith.maximumf %select_n3A_198, %select_n3A_209 : vector<64x128xf32>
      %select_n3A_215 = arith.select %eq3A_212, %min3A_213, %max3A_214 : vector<64x128xi1>, vector<64x128xf32>
      %and3A_216 = arith.constant 8 : i32
      %and3A_217 = vector.broadcast %and3A_216 : i32 to vector<64x128xi32>
      %and3A_218 = arith.andi %iota3A_16, %and3A_217 : vector<64x128xi32>
      %ne3A_219 = arith.constant 0 : i32
      %ne3A_220 = vector.broadcast %ne3A_219 : i32 to vector<64x128xi32>
      %ne3A_221 = arith.cmpi ne, %and3A_218, %ne3A_220 : vector<64x128xi32>
      %roll3A_222 = arith.constant 8 : i32
      %roll3A_223 = tpu.dynamic_rotate %select_n3A_215 by %roll3A_222 dim 0 : vector<64x128xf32>, i32 -> vector<64x128xf32>
      %roll3A_224 = arith.constant 56 : i32
      %roll3A_225 = tpu.dynamic_rotate %select_n3A_215 by %roll3A_224 dim 0 : vector<64x128xf32>, i32 -> vector<64x128xf32>
      %select_n3A_226 = arith.select %ne3A_221, %roll3A_223, %roll3A_225 : vector<64x128xi1>, vector<64x128xf32>
      %eq3A_227 = arith.xori %ne3A_221, %ne3A_91 : vector<64x128xi1>
      %eq3A_228 = arith.constant dense<true> : vector<64x128xi1>
      %eq3A_229 = arith.xori %eq3A_227, %eq3A_228 : vector<64x128xi1>
      %min3A_230 = arith.minimumf %select_n3A_215, %select_n3A_226 : vector<64x128xf32>
      %max3A_231 = arith.maximumf %select_n3A_215, %select_n3A_226 : vector<64x128xf32>
      %select_n3A_232 = arith.select %eq3A_229, %min3A_230, %max3A_231 : vector<64x128xi1>, vector<64x128xf32>
      %and3A_233 = arith.constant 4 : i32
      %and3A_234 = vector.broadcast %and3A_233 : i32 to vector<64x128xi32>
      %and3A_235 = arith.andi %iota3A_16, %and3A_234 : vector<64x128xi32>
      %ne3A_236 = arith.constant 0 : i32
      %ne3A_237 = vector.broadcast %ne3A_236 : i32 to vector<64x128xi32>
      %ne3A_238 = arith.cmpi ne, %and3A_235, %ne3A_237 : vector<64x128xi32>
      %roll3A_239 = arith.constant 4 : i32
      %roll3A_240 = tpu.dynamic_rotate %select_n3A_232 by %roll3A_239 dim 0 : vector<64x128xf32>, i32 -> vector<64x128xf32>
      %roll3A_241 = arith.constant 60 : i32
      %roll3A_242 = tpu.dynamic_rotate %select_n3A_232 by %roll3A_241 dim 0 : vector<64x128xf32>, i32 -> vector<64x128xf32>
      %select_n3A_243 = arith.select %ne3A_238, %roll3A_240, %roll3A_242 : vector<64x128xi1>, vector<64x128xf32>
      %eq3A_244 = arith.xori %ne3A_238, %ne3A_91 : vector<64x128xi1>
      %eq3A_245 = arith.constant dense<true> : vector<64x128xi1>
      %eq3A_246 = arith.xori %eq3A_244, %eq3A_245 : vector<64x128xi1>
      %min3A_247 = arith.minimumf %select_n3A_232, %select_n3A_243 : vector<64x128xf32>
      %max3A_248 = arith.maximumf %select_n3A_232, %select_n3A_243 : vector<64x128xf32>
      %select_n3A_249 = arith.select %eq3A_246, %min3A_247, %max3A_248 : vector<64x128xi1>, vector<64x128xf32>
      %and3A_250 = arith.constant 2 : i32
      %and3A_251 = vector.broadcast %and3A_250 : i32 to vector<64x128xi32>
      %and3A_252 = arith.andi %iota3A_16, %and3A_251 : vector<64x128xi32>
      %ne3A_253 = arith.constant 0 : i32
      %ne3A_254 = vector.broadcast %ne3A_253 : i32 to vector<64x128xi32>
      %ne3A_255 = arith.cmpi ne, %and3A_252, %ne3A_254 : vector<64x128xi32>
      %roll3A_256 = arith.constant 2 : i32
      %roll3A_257 = tpu.dynamic_rotate %select_n3A_249 by %roll3A_256 dim 0 : vector<64x128xf32>, i32 -> vector<64x128xf32>
      %roll3A_258 = arith.constant 62 : i32
      %roll3A_259 = tpu.dynamic_rotate %select_n3A_249 by %roll3A_258 dim 0 : vector<64x128xf32>, i32 -> vector<64x128xf32>
      %select_n3A_260 = arith.select %ne3A_255, %roll3A_257, %roll3A_259 : vector<64x128xi1>, vector<64x128xf32>
      %eq3A_261 = arith.xori %ne3A_255, %ne3A_91 : vector<64x128xi1>
      %eq3A_262 = arith.constant dense<true> : vector<64x128xi1>
      %eq3A_263 = arith.xori %eq3A_261, %eq3A_262 : vector<64x128xi1>
      %min3A_264 = arith.minimumf %select_n3A_249, %select_n3A_260 : vector<64x128xf32>
      %max3A_265 = arith.maximumf %select_n3A_249, %select_n3A_260 : vector<64x128xf32>
      %select_n3A_266 = arith.select %eq3A_263, %min3A_264, %max3A_265 : vector<64x128xi1>, vector<64x128xf32>
      %and3A_267 = arith.constant 1 : i32
      %and3A_268 = vector.broadcast %and3A_267 : i32 to vector<64x128xi32>
      %and3A_269 = arith.andi %iota3A_16, %and3A_268 : vector<64x128xi32>
      %ne3A_270 = arith.constant 0 : i32
      %ne3A_271 = vector.broadcast %ne3A_270 : i32 to vector<64x128xi32>
      %ne3A_272 = arith.cmpi ne, %and3A_269, %ne3A_271 : vector<64x128xi32>
      %roll3A_273 = arith.constant 1 : i32
      %roll3A_274 = tpu.dynamic_rotate %select_n3A_266 by %roll3A_273 dim 0 : vector<64x128xf32>, i32 -> vector<64x128xf32>
      %roll3A_275 = arith.constant 63 : i32
      %roll3A_276 = tpu.dynamic_rotate %select_n3A_266 by %roll3A_275 dim 0 : vector<64x128xf32>, i32 -> vector<64x128xf32>
      %select_n3A_277 = arith.select %ne3A_272, %roll3A_274, %roll3A_276 : vector<64x128xi1>, vector<64x128xf32>
      %eq3A_278 = arith.xori %ne3A_272, %ne3A_91 : vector<64x128xi1>
      %eq3A_279 = arith.constant dense<true> : vector<64x128xi1>
      %eq3A_280 = arith.xori %eq3A_278, %eq3A_279 : vector<64x128xi1>
      %min3A_281 = arith.minimumf %select_n3A_266, %select_n3A_277 : vector<64x128xf32>
      %max3A_282 = arith.maximumf %select_n3A_266, %select_n3A_277 : vector<64x128xf32>
      %select_n3A_283 = arith.select %eq3A_280, %min3A_281, %max3A_282 : vector<64x128xi1>, vector<64x128xf32>
      %mul3A_284 = arith.constant 64 : i32
      %mul3A_285 = arith.muli %scan3A_180, %mul3A_284 : i32
      %swap3A_286 = arith.index_cast %mul3A_285 : i32 to index
      %swap3A_287 = arith.constant 0 : index
      %swap3A_288 = vector.load %arg4[%swap3A_286, %swap3A_287] : memref<4096x128xf32, #tpu.memory_space<vmem>>, vector<64x128xf32>
      tpu.vector_store %arg4[%swap3A_286, %swap3A_287], %select_n3A_283 {strides = array<i32>} : memref<4096x128xf32, #tpu.memory_space<vmem>>, vector<64x128xf32>,
    }
    %scan3A_106 = arith.constant 64 : i32
    %scan3A_107 = arith.constant 0 : i32
    %scan3A_108 = arith.constant 64 : i32
    %scan3A_109 = arith.addi %scan3A_107, %scan3A_108 : i32
    %scan3A_110 = arith.constant 1 : i32
    scf.for %scan3A_180 = %scan3A_107 to %scan3A_109 step %scan3A_110  : i32 {
      %mul3A = arith.constant 64 : i32
      %mul3A_181 = arith.muli %scan3A_180, %mul3A : i32
      %get3A_182 = arith.index_cast %mul3A_181 : i32 to index
      %get3A_183 = arith.constant 0 : index
      %get3A_184 = vector.load %arg5[%get3A_182, %get3A_183] : memref<4096x128xf32, #tpu.memory_space<vmem>>, vector<64x128xf32>
      %and3A_185 = arith.constant 32 : i32
      %and3A_186 = vector.broadcast %and3A_185 : i32 to vector<64x128xi32>
      %and3A_187 = arith.andi %iota3A, %and3A_186 : vector<64x128xi32>
      %ne3A_188 = arith.constant 0 : i32
      %ne3A_189 = vector.broadcast %ne3A_188 : i32 to vector<64x128xi32>
      %ne3A_190 = arith.cmpi ne, %and3A_187, %ne3A_189 : vector<64x128xi32>
      %eq3A_191 = arith.xori %ne3A_190, %ne3A_91 : vector<64x128xi1>
      %eq3A_192 = arith.constant dense<true> : vector<64x128xi1>
      %eq3A_193 = arith.xori %eq3A_191, %eq3A_192 : vector<64x128xi1>
      %roll3A = arith.constant 96 : i32
      %roll3A_194 = tpu.dynamic_rotate %get3A_184 by %roll3A dim 1 : vector<64x128xf32>, i32 -> vector<64x128xf32>
      %roll3A_195 = arith.constant 32 : i32
      %roll3A_196 = tpu.dynamic_rotate %get3A_184 by %roll3A_195 dim 1 : vector<64x128xf32>, i32 -> vector<64x128xf32>
      %select_n3A = arith.select %ne3A_190, %roll3A_196, %roll3A_194 : vector<64x128xi1>, vector<64x128xf32>
      %min3A = arith.minimumf %get3A_184, %select_n3A : vector<64x128xf32>
      %max3A_197 = arith.maximumf %get3A_184, %select_n3A : vector<64x128xf32>
      %select_n3A_198 = arith.select %eq3A_193, %min3A, %max3A_197 : vector<64x128xi1>, vector<64x128xf32>
      %and3A_199 = arith.constant 16 : i32
      %and3A_200 = vector.broadcast %and3A_199 : i32 to vector<64x128xi32>
      %and3A_201 = arith.andi %iota3A, %and3A_200 : vector<64x128xi32>
      %ne3A_202 = arith.constant 0 : i32
      %ne3A_203 = vector.broadcast %ne3A_202 : i32 to vector<64x128xi32>
      %ne3A_204 = arith.cmpi ne, %and3A_201, %ne3A_203 : vector<64x128xi32>
      %eq3A_205 = arith.xori %ne3A_204, %ne3A_91 : vector<64x128xi1>
      %eq3A_206 = arith.constant dense<true> : vector<64x128xi1>
      %eq3A_207 = arith.xori %eq3A_205, %eq3A_206 : vector<64x128xi1>
      %roll3A_208 = arith.constant 112 : i32
      %roll3A_209 = tpu.dynamic_rotate %select_n3A_198 by %roll3A_208 dim 1 : vector<64x128xf32>, i32 -> vector<64x128xf32>
      %roll3A_210 = arith.constant 16 : i32
      %roll3A_211 = tpu.dynamic_rotate %select_n3A_198 by %roll3A_210 dim 1 : vector<64x128xf32>, i32 -> vector<64x128xf32>
      %select_n3A_212 = arith.select %ne3A_204, %roll3A_211, %roll3A_209 : vector<64x128xi1>, vector<64x128xf32>
      %min3A_213 = arith.minimumf %select_n3A_198, %select_n3A_212 : vector<64x128xf32>
      %max3A_214 = arith.maximumf %select_n3A_198, %select_n3A_212 : vector<64x128xf32>
      %select_n3A_215 = arith.select %eq3A_207, %min3A_213, %max3A_214 : vector<64x128xi1>, vector<64x128xf32>
      %and3A_216 = arith.constant 8 : i32
      %and3A_217 = vector.broadcast %and3A_216 : i32 to vector<64x128xi32>
      %and3A_218 = arith.andi %iota3A, %and3A_217 : vector<64x128xi32>
      %ne3A_219 = arith.constant 0 : i32
      %ne3A_220 = vector.broadcast %ne3A_219 : i32 to vector<64x128xi32>
      %ne3A_221 = arith.cmpi ne, %and3A_218, %ne3A_220 : vector<64x128xi32>
      %eq3A_222 = arith.xori %ne3A_221, %ne3A_91 : vector<64x128xi1>
      %eq3A_223 = arith.constant dense<true> : vector<64x128xi1>
      %eq3A_224 = arith.xori %eq3A_222, %eq3A_223 : vector<64x128xi1>
      %roll3A_225 = arith.constant 120 : i32
      %roll3A_226 = tpu.dynamic_rotate %select_n3A_215 by %roll3A_225 dim 1 : vector<64x128xf32>, i32 -> vector<64x128xf32>
      %roll3A_227 = arith.constant 8 : i32
      %roll3A_228 = tpu.dynamic_rotate %select_n3A_215 by %roll3A_227 dim 1 : vector<64x128xf32>, i32 -> vector<64x128xf32>
      %select_n3A_229 = arith.select %ne3A_221, %roll3A_228, %roll3A_226 : vector<64x128xi1>, vector<64x128xf32>
      %min3A_230 = arith.minimumf %select_n3A_215, %select_n3A_229 : vector<64x128xf32>
      %max3A_231 = arith.maximumf %select_n3A_215, %select_n3A_229 : vector<64x128xf32>
      %select_n3A_232 = arith.select %eq3A_224, %min3A_230, %max3A_231 : vector<64x128xi1>, vector<64x128xf32>
      %and3A_233 = arith.constant 4 : i32
      %and3A_234 = vector.broadcast %and3A_233 : i32 to vector<64x128xi32>
      %and3A_235 = arith.andi %iota3A, %and3A_234 : vector<64x128xi32>
      %ne3A_236 = arith.constant 0 : i32
      %ne3A_237 = vector.broadcast %ne3A_236 : i32 to vector<64x128xi32>
      %ne3A_238 = arith.cmpi ne, %and3A_235, %ne3A_237 : vector<64x128xi32>
      %eq3A_239 = arith.xori %ne3A_238, %ne3A_91 : vector<64x128xi1>
      %eq3A_240 = arith.constant dense<true> : vector<64x128xi1>
      %eq3A_241 = arith.xori %eq3A_239, %eq3A_240 : vector<64x128xi1>
      %roll3A_242 = arith.constant 124 : i32
      %roll3A_243 = tpu.dynamic_rotate %select_n3A_232 by %roll3A_242 dim 1 : vector<64x128xf32>, i32 -> vector<64x128xf32>
      %roll3A_244 = arith.constant 4 : i32
      %roll3A_245 = tpu.dynamic_rotate %select_n3A_232 by %roll3A_244 dim 1 : vector<64x128xf32>, i32 -> vector<64x128xf32>
      %select_n3A_246 = arith.select %ne3A_238, %roll3A_245, %roll3A_243 : vector<64x128xi1>, vector<64x128xf32>
      %min3A_247 = arith.minimumf %select_n3A_232, %select_n3A_246 : vector<64x128xf32>
      %max3A_248 = arith.maximumf %select_n3A_232, %select_n3A_246 : vector<64x128xf32>
      %select_n3A_249 = arith.select %eq3A_241, %min3A_247, %max3A_248 : vector<64x128xi1>, vector<64x128xf32>
      %and3A_250 = arith.constant 2 : i32
      %and3A_251 = vector.broadcast %and3A_250 : i32 to vector<64x128xi32>
      %and3A_252 = arith.andi %iota3A, %and3A_251 : vector<64x128xi32>
      %ne3A_253 = arith.constant 0 : i32
      %ne3A_254 = vector.broadcast %ne3A_253 : i32 to vector<64x128xi32>
      %ne3A_255 = arith.cmpi ne, %and3A_252, %ne3A_254 : vector<64x128xi32>
      %eq3A_256 = arith.xori %ne3A_255, %ne3A_91 : vector<64x128xi1>
      %eq3A_257 = arith.constant dense<true> : vector<64x128xi1>
      %eq3A_258 = arith.xori %eq3A_256, %eq3A_257 : vector<64x128xi1>
      %roll3A_259 = arith.constant 126 : i32
      %roll3A_260 = tpu.dynamic_rotate %select_n3A_249 by %roll3A_259 dim 1 : vector<64x128xf32>, i32 -> vector<64x128xf32>
      %roll3A_261 = arith.constant 2 : i32
      %roll3A_262 = tpu.dynamic_rotate %select_n3A_249 by %roll3A_261 dim 1 : vector<64x128xf32>, i32 -> vector<64x128xf32>
      %select_n3A_263 = arith.select %ne3A_255, %roll3A_262, %roll3A_260 : vector<64x128xi1>, vector<64x128xf32>
      %min3A_264 = arith.minimumf %select_n3A_249, %select_n3A_263 : vector<64x128xf32>
      %max3A_265 = arith.maximumf %select_n3A_249, %select_n3A_263 : vector<64x128xf32>
      %select_n3A_266 = arith.select %eq3A_258, %min3A_264, %max3A_265 : vector<64x128xi1>, vector<64x128xf32>
      %and3A_267 = arith.constant 1 : i32
      %and3A_268 = vector.broadcast %and3A_267 : i32 to vector<64x128xi32>
      %and3A_269 = arith.andi %iota3A, %and3A_268 : vector<64x128xi32>
      %ne3A_270 = arith.constant 0 : i32
      %ne3A_271 = vector.broadcast %ne3A_270 : i32 to vector<64x128xi32>
      %ne3A_272 = arith.cmpi ne, %and3A_269, %ne3A_271 : vector<64x128xi32>
      %eq3A_273 = arith.xori %ne3A_272, %ne3A_91 : vector<64x128xi1>
      %eq3A_274 = arith.constant dense<true> : vector<64x128xi1>
      %eq3A_275 = arith.xori %eq3A_273, %eq3A_274 : vector<64x128xi1>
      %roll3A_276 = arith.constant 127 : i32
      %roll3A_277 = tpu.dynamic_rotate %select_n3A_266 by %roll3A_276 dim 1 : vector<64x128xf32>, i32 -> vector<64x128xf32>
      %roll3A_278 = arith.constant 1 : i32
      %roll3A_279 = tpu.dynamic_rotate %select_n3A_266 by %roll3A_278 dim 1 : vector<64x128xf32>, i32 -> vector<64x128xf32>
      %select_n3A_280 = arith.select %ne3A_272, %roll3A_279, %roll3A_277 : vector<64x128xi1>, vector<64x128xf32>
      %min3A_281 = arith.minimumf %select_n3A_266, %select_n3A_280 : vector<64x128xf32>
      %max3A_282 = arith.maximumf %select_n3A_266, %select_n3A_280 : vector<64x128xf32>
      %select_n3A_283 = arith.select %eq3A_275, %min3A_281, %max3A_282 : vector<64x128xi1>, vector<64x128xf32>
      %mul3A_284 = arith.constant 64 : i32
      %mul3A_285 = arith.muli %scan3A_180, %mul3A_284 : i32
      %swap3A_286 = arith.index_cast %mul3A_285 : i32 to index
      %swap3A_287 = arith.constant 0 : index
      %swap3A_288 = vector.load %arg5[%swap3A_286, %swap3A_287] : memref<4096x128xf32, #tpu.memory_space<vmem>>, vector<64x128xf32>
      tpu.vector_store %arg5[%swap3A_286, %swap3A_287], %select_n3A_283 {strides = array<i32>} : memref<4096x128xf32, #tpu.memory_space<vmem>>, vector<64x128xf32>,
    }
    %scan3A_111 = arith.constant 64 : i32
    %scan3A_112 = arith.constant 0 : i32
    %scan3A_113 = arith.constant 6 : i32
    %scan3A_114 = arith.addi %scan3A_112, %scan3A_113 : i32
    %scan3A_115 = arith.constant 1 : i32
    scf.for %scan3A_180 = %scan3A_112 to %scan3A_114 step %scan3A_115  : i32 {
      %sub3A_181 = arith.constant 11 : i32
      %sub3A_182 = arith.subi %sub3A_181, %scan3A_180 : i32
      %scan3A_183 = arith.constant 0 : i32
      %scan3A_184 = arith.constant 32 : i32
      %scan3A_185 = arith.addi %scan3A_183, %scan3A_184 : i32
      %scan3A_186 = arith.constant 1 : i32
      scf.for %scan3A_188 = %scan3A_183 to %scan3A_185 step %scan3A_186  : i32 {
        %sub3A_189 = arith.constant 6 : i32
        %sub3A_190 = arith.subi %sub3A_182, %sub3A_189 : i32
        %shift_right_logical3A = arith.shrui %scan3A_188, %sub3A_190 : i32
        %shift_left3A = arith.constant 1 : i32
        %shift_left3A_191 = arith.shli %shift_left3A, %sub3A_190 : i32
        %sub3A_192 = arith.constant 1 : i32
        %sub3A_193 = arith.subi %shift_left3A_191, %sub3A_192 : i32
        %and3A_194 = arith.andi %scan3A_188, %sub3A_193 : i32
        %add3A_195 = arith.constant 1 : i32
        %add3A_196 = arith.addi %sub3A_182, %add3A_195 : i32
        %shift_left3A_197 = arith.shli %shift_right_logical3A, %add3A_196 : i32
        %shift_left3A_198 = arith.constant 6 : i32
        %shift_left3A_199 = arith.shli %and3A_194, %shift_left3A_198 : i32
        %add3A_200 = arith.addi %shift_left3A_197, %shift_left3A_199 : i32
        %shift_left3A_201 = arith.constant 1 : i32
        %shift_left3A_202 = arith.shli %shift_left3A_201, %sub3A_182 : i32
        %get3A_203 = arith.index_cast %add3A_200 : i32 to index
        %get3A_204 = arith.constant 0 : index
        %get3A_205 = vector.load %arg5[%get3A_203, %get3A_204] : memref<4096x128xf32, #tpu.memory_space<vmem>>, vector<64x128xf32>
        %add3A_206 = arith.addi %add3A_200, %shift_left3A_202 : i32
        %get3A_207 = arith.index_cast %add3A_206 : i32 to index
        %get3A_208 = arith.constant 0 : index
        %get3A_209 = vector.load %arg5[%get3A_207, %get3A_208] : memref<4096x128xf32, #tpu.memory_space<vmem>>, vector<64x128xf32>
        %min3A = arith.minimumf %get3A_205, %get3A_209 : vector<64x128xf32>
        %max3A_210 = arith.maximumf %get3A_205, %get3A_209 : vector<64x128xf32>
        %select_n3A = arith.select %ne3A_91, %max3A_210, %min3A : vector<64x128xi1>, vector<64x128xf32>
        %swap3A_211 = arith.index_cast %add3A_200 : i32 to index
        %swap3A_212 = arith.constant 0 : index
        %swap3A_213 = vector.load %arg5[%swap3A_211, %swap3A_212] : memref<4096x128xf32, #tpu.memory_space<vmem>>, vector<64x128xf32>
        tpu.vector_store %arg5[%swap3A_211, %swap3A_212], %select_n3A {strides = array<i32>} : memref<4096x128xf32, #tpu.memory_space<vmem>>, vector<64x128xf32>,
        %select_n3A_214 = arith.select %ne3A_91, %min3A, %max3A_210 : vector<64x128xi1>, vector<64x128xf32>
        %add3A_215 = arith.addi %add3A_200, %shift_left3A_202 : i32
        %swap3A_216 = arith.index_cast %add3A_215 : i32 to index
        %swap3A_217 = arith.constant 0 : index
        %swap3A_218 = vector.load %arg5[%swap3A_216, %swap3A_217] : memref<4096x128xf32, #tpu.memory_space<vmem>>, vector<64x128xf32>
        tpu.vector_store %arg5[%swap3A_216, %swap3A_217], %select_n3A_214 {strides = array<i32>} : memref<4096x128xf32, #tpu.memory_space<vmem>>, vector<64x128xf32>,
      }
      %scan3A_187 = arith.constant 32 : i32
    }
    %scan3A_116 = arith.constant 6 : i32
    %scan3A_117 = arith.constant 0 : i32
    %scan3A_118 = arith.constant 64 : i32
    %scan3A_119 = arith.addi %scan3A_117, %scan3A_118 : i32
    %scan3A_120 = arith.constant 1 : i32
    scf.for %scan3A_180 = %scan3A_117 to %scan3A_119 step %scan3A_120  : i32 {
      %mul3A = arith.constant 64 : i32
      %mul3A_181 = arith.muli %scan3A_180, %mul3A : i32
      %get3A_182 = arith.index_cast %mul3A_181 : i32 to index
      %get3A_183 = arith.constant 0 : index
      %get3A_184 = vector.load %arg5[%get3A_182, %get3A_183] : memref<4096x128xf32, #tpu.memory_space<vmem>>, vector<64x128xf32>
      %and3A_185 = arith.constant 32 : i32
      %and3A_186 = vector.broadcast %and3A_185 : i32 to vector<64x128xi32>
      %and3A_187 = arith.andi %iota3A_16, %and3A_186 : vector<64x128xi32>
      %ne3A_188 = arith.constant 0 : i32
      %ne3A_189 = vector.broadcast %ne3A_188 : i32 to vector<64x128xi32>
      %ne3A_190 = arith.cmpi ne, %and3A_187, %ne3A_189 : vector<64x128xi32>
      %roll3A = arith.constant 32 : i32
      %roll3A_191 = tpu.dynamic_rotate %get3A_184 by %roll3A dim 0 : vector<64x128xf32>, i32 -> vector<64x128xf32>
      %roll3A_192 = arith.constant 32 : i32
      %roll3A_193 = tpu.dynamic_rotate %get3A_184 by %roll3A_192 dim 0 : vector<64x128xf32>, i32 -> vector<64x128xf32>
      %select_n3A = arith.select %ne3A_190, %roll3A_191, %roll3A_193 : vector<64x128xi1>, vector<64x128xf32>
      %eq3A_194 = arith.xori %ne3A_190, %ne3A_91 : vector<64x128xi1>
      %eq3A_195 = arith.constant dense<true> : vector<64x128xi1>
      %eq3A_196 = arith.xori %eq3A_194, %eq3A_195 : vector<64x128xi1>
      %min3A = arith.minimumf %get3A_184, %select_n3A : vector<64x128xf32>
      %max3A_197 = arith.maximumf %get3A_184, %select_n3A : vector<64x128xf32>
      %select_n3A_198 = arith.select %eq3A_196, %min3A, %max3A_197 : vector<64x128xi1>, vector<64x128xf32>
      %and3A_199 = arith.constant 16 : i32
      %and3A_200 = vector.broadcast %and3A_199 : i32 to vector<64x128xi32>
      %and3A_201 = arith.andi %iota3A_16, %and3A_200 : vector<64x128xi32>
      %ne3A_202 = arith.constant 0 : i32
      %ne3A_203 = vector.broadcast %ne3A_202 : i32 to vector<64x128xi32>
      %ne3A_204 = arith.cmpi ne, %and3A_201, %ne3A_203 : vector<64x128xi32>
      %roll3A_205 = arith.constant 16 : i32
      %roll3A_206 = tpu.dynamic_rotate %select_n3A_198 by %roll3A_205 dim 0 : vector<64x128xf32>, i32 -> vector<64x128xf32>
      %roll3A_207 = arith.constant 48 : i32
      %roll3A_208 = tpu.dynamic_rotate %select_n3A_198 by %roll3A_207 dim 0 : vector<64x128xf32>, i32 -> vector<64x128xf32>
      %select_n3A_209 = arith.select %ne3A_204, %roll3A_206, %roll3A_208 : vector<64x128xi1>, vector<64x128xf32>
      %eq3A_210 = arith.xori %ne3A_204, %ne3A_91 : vector<64x128xi1>
      %eq3A_211 = arith.constant dense<true> : vector<64x128xi1>
      %eq3A_212 = arith.xori %eq3A_210, %eq3A_211 : vector<64x128xi1>
      %min3A_213 = arith.minimumf %select_n3A_198, %select_n3A_209 : vector<64x128xf32>
      %max3A_214 = arith.maximumf %select_n3A_198, %select_n3A_209 : vector<64x128xf32>
      %select_n3A_215 = arith.select %eq3A_212, %min3A_213, %max3A_214 : vector<64x128xi1>, vector<64x128xf32>
      %and3A_216 = arith.constant 8 : i32
      %and3A_217 = vector.broadcast %and3A_216 : i32 to vector<64x128xi32>
      %and3A_218 = arith.andi %iota3A_16, %and3A_217 : vector<64x128xi32>
      %ne3A_219 = arith.constant 0 : i32
      %ne3A_220 = vector.broadcast %ne3A_219 : i32 to vector<64x128xi32>
      %ne3A_221 = arith.cmpi ne, %and3A_218, %ne3A_220 : vector<64x128xi32>
      %roll3A_222 = arith.constant 8 : i32
      %roll3A_223 = tpu.dynamic_rotate %select_n3A_215 by %roll3A_222 dim 0 : vector<64x128xf32>, i32 -> vector<64x128xf32>
      %roll3A_224 = arith.constant 56 : i32
      %roll3A_225 = tpu.dynamic_rotate %select_n3A_215 by %roll3A_224 dim 0 : vector<64x128xf32>, i32 -> vector<64x128xf32>
      %select_n3A_226 = arith.select %ne3A_221, %roll3A_223, %roll3A_225 : vector<64x128xi1>, vector<64x128xf32>
      %eq3A_227 = arith.xori %ne3A_221, %ne3A_91 : vector<64x128xi1>
      %eq3A_228 = arith.constant dense<true> : vector<64x128xi1>
      %eq3A_229 = arith.xori %eq3A_227, %eq3A_228 : vector<64x128xi1>
      %min3A_230 = arith.minimumf %select_n3A_215, %select_n3A_226 : vector<64x128xf32>
      %max3A_231 = arith.maximumf %select_n3A_215, %select_n3A_226 : vector<64x128xf32>
      %select_n3A_232 = arith.select %eq3A_229, %min3A_230, %max3A_231 : vector<64x128xi1>, vector<64x128xf32>
      %and3A_233 = arith.constant 4 : i32
      %and3A_234 = vector.broadcast %and3A_233 : i32 to vector<64x128xi32>
      %and3A_235 = arith.andi %iota3A_16, %and3A_234 : vector<64x128xi32>
      %ne3A_236 = arith.constant 0 : i32
      %ne3A_237 = vector.broadcast %ne3A_236 : i32 to vector<64x128xi32>
      %ne3A_238 = arith.cmpi ne, %and3A_235, %ne3A_237 : vector<64x128xi32>
      %roll3A_239 = arith.constant 4 : i32
      %roll3A_240 = tpu.dynamic_rotate %select_n3A_232 by %roll3A_239 dim 0 : vector<64x128xf32>, i32 -> vector<64x128xf32>
      %roll3A_241 = arith.constant 60 : i32
      %roll3A_242 = tpu.dynamic_rotate %select_n3A_232 by %roll3A_241 dim 0 : vector<64x128xf32>, i32 -> vector<64x128xf32>
      %select_n3A_243 = arith.select %ne3A_238, %roll3A_240, %roll3A_242 : vector<64x128xi1>, vector<64x128xf32>
      %eq3A_244 = arith.xori %ne3A_238, %ne3A_91 : vector<64x128xi1>
      %eq3A_245 = arith.constant dense<true> : vector<64x128xi1>
      %eq3A_246 = arith.xori %eq3A_244, %eq3A_245 : vector<64x128xi1>
      %min3A_247 = arith.minimumf %select_n3A_232, %select_n3A_243 : vector<64x128xf32>
      %max3A_248 = arith.maximumf %select_n3A_232, %select_n3A_243 : vector<64x128xf32>
      %select_n3A_249 = arith.select %eq3A_246, %min3A_247, %max3A_248 : vector<64x128xi1>, vector<64x128xf32>
      %and3A_250 = arith.constant 2 : i32
      %and3A_251 = vector.broadcast %and3A_250 : i32 to vector<64x128xi32>
      %and3A_252 = arith.andi %iota3A_16, %and3A_251 : vector<64x128xi32>
      %ne3A_253 = arith.constant 0 : i32
      %ne3A_254 = vector.broadcast %ne3A_253 : i32 to vector<64x128xi32>
      %ne3A_255 = arith.cmpi ne, %and3A_252, %ne3A_254 : vector<64x128xi32>
      %roll3A_256 = arith.constant 2 : i32
      %roll3A_257 = tpu.dynamic_rotate %select_n3A_249 by %roll3A_256 dim 0 : vector<64x128xf32>, i32 -> vector<64x128xf32>
      %roll3A_258 = arith.constant 62 : i32
      %roll3A_259 = tpu.dynamic_rotate %select_n3A_249 by %roll3A_258 dim 0 : vector<64x128xf32>, i32 -> vector<64x128xf32>
      %select_n3A_260 = arith.select %ne3A_255, %roll3A_257, %roll3A_259 : vector<64x128xi1>, vector<64x128xf32>
      %eq3A_261 = arith.xori %ne3A_255, %ne3A_91 : vector<64x128xi1>
      %eq3A_262 = arith.constant dense<true> : vector<64x128xi1>
      %eq3A_263 = arith.xori %eq3A_261, %eq3A_262 : vector<64x128xi1>
      %min3A_264 = arith.minimumf %select_n3A_249, %select_n3A_260 : vector<64x128xf32>
      %max3A_265 = arith.maximumf %select_n3A_249, %select_n3A_260 : vector<64x128xf32>
      %select_n3A_266 = arith.select %eq3A_263, %min3A_264, %max3A_265 : vector<64x128xi1>, vector<64x128xf32>
      %and3A_267 = arith.constant 1 : i32
      %and3A_268 = vector.broadcast %and3A_267 : i32 to vector<64x128xi32>
      %and3A_269 = arith.andi %iota3A_16, %and3A_268 : vector<64x128xi32>
      %ne3A_270 = arith.constant 0 : i32
      %ne3A_271 = vector.broadcast %ne3A_270 : i32 to vector<64x128xi32>
      %ne3A_272 = arith.cmpi ne, %and3A_269, %ne3A_271 : vector<64x128xi32>
      %roll3A_273 = arith.constant 1 : i32
      %roll3A_274 = tpu.dynamic_rotate %select_n3A_266 by %roll3A_273 dim 0 : vector<64x128xf32>, i32 -> vector<64x128xf32>
      %roll3A_275 = arith.constant 63 : i32
      %roll3A_276 = tpu.dynamic_rotate %select_n3A_266 by %roll3A_275 dim 0 : vector<64x128xf32>, i32 -> vector<64x128xf32>
      %select_n3A_277 = arith.select %ne3A_272, %roll3A_274, %roll3A_276 : vector<64x128xi1>, vector<64x128xf32>
      %eq3A_278 = arith.xori %ne3A_272, %ne3A_91 : vector<64x128xi1>
      %eq3A_279 = arith.constant dense<true> : vector<64x128xi1>
      %eq3A_280 = arith.xori %eq3A_278, %eq3A_279 : vector<64x128xi1>
      %min3A_281 = arith.minimumf %select_n3A_266, %select_n3A_277 : vector<64x128xf32>
      %max3A_282 = arith.maximumf %select_n3A_266, %select_n3A_277 : vector<64x128xf32>
      %select_n3A_283 = arith.select %eq3A_280, %min3A_281, %max3A_282 : vector<64x128xi1>, vector<64x128xf32>
      %mul3A_284 = arith.constant 64 : i32
      %mul3A_285 = arith.muli %scan3A_180, %mul3A_284 : i32
      %swap3A_286 = arith.index_cast %mul3A_285 : i32 to index
      %swap3A_287 = arith.constant 0 : index
      %swap3A_288 = vector.load %arg5[%swap3A_286, %swap3A_287] : memref<4096x128xf32, #tpu.memory_space<vmem>>, vector<64x128xf32>
      tpu.vector_store %arg5[%swap3A_286, %swap3A_287], %select_n3A_283 {strides = array<i32>} : memref<4096x128xf32, #tpu.memory_space<vmem>>, vector<64x128xf32>,
    }
    %scan3A_121 = arith.constant 64 : i32
    %and3A_122 = arith.constant 128 : i32
    %and3A_123 = vector.broadcast %and3A_122 : i32 to vector<64x128xi32>
    %and3A_124 = arith.andi %iota3A, %and3A_123 : vector<64x128xi32>
    %ne3A_125 = arith.constant 0 : i32
    %ne3A_126 = vector.broadcast %ne3A_125 : i32 to vector<64x128xi32>
    %ne3A_127 = arith.cmpi ne, %and3A_124, %ne3A_126 : vector<64x128xi32>
    %scan3A_128 = arith.constant 0 : i32
    %scan3A_129 = arith.constant 64 : i32
    %scan3A_130 = arith.addi %scan3A_128, %scan3A_129 : i32
    %scan3A_131 = arith.constant 1 : i32
    scf.for %scan3A_180 = %scan3A_128 to %scan3A_130 step %scan3A_131  : i32 {
      %mul3A = arith.constant 64 : i32
      %mul3A_181 = arith.muli %scan3A_180, %mul3A : i32
      %get3A_182 = arith.index_cast %mul3A_181 : i32 to index
      %get3A_183 = arith.constant 0 : index
      %get3A_184 = vector.load %arg4[%get3A_182, %get3A_183] : memref<4096x128xf32, #tpu.memory_space<vmem>>, vector<64x128xf32>
      %and3A_185 = arith.constant 64 : i32
      %and3A_186 = vector.broadcast %and3A_185 : i32 to vector<64x128xi32>
      %and3A_187 = arith.andi %iota3A, %and3A_186 : vector<64x128xi32>
      %ne3A_188 = arith.constant 0 : i32
      %ne3A_189 = vector.broadcast %ne3A_188 : i32 to vector<64x128xi32>
      %ne3A_190 = arith.cmpi ne, %and3A_187, %ne3A_189 : vector<64x128xi32>
      %eq3A_191 = arith.xori %ne3A_190, %ne3A_127 : vector<64x128xi1>
      %eq3A_192 = arith.constant dense<true> : vector<64x128xi1>
      %eq3A_193 = arith.xori %eq3A_191, %eq3A_192 : vector<64x128xi1>
      %roll3A = arith.constant 64 : i32
      %roll3A_194 = tpu.dynamic_rotate %get3A_184 by %roll3A dim 1 : vector<64x128xf32>, i32 -> vector<64x128xf32>
      %roll3A_195 = arith.constant 64 : i32
      %roll3A_196 = tpu.dynamic_rotate %get3A_184 by %roll3A_195 dim 1 : vector<64x128xf32>, i32 -> vector<64x128xf32>
      %select_n3A = arith.select %ne3A_190, %roll3A_196, %roll3A_194 : vector<64x128xi1>, vector<64x128xf32>
      %min3A = arith.minimumf %get3A_184, %select_n3A : vector<64x128xf32>
      %max3A_197 = arith.maximumf %get3A_184, %select_n3A : vector<64x128xf32>
      %select_n3A_198 = arith.select %eq3A_193, %min3A, %max3A_197 : vector<64x128xi1>, vector<64x128xf32>
      %and3A_199 = arith.constant 32 : i32
      %and3A_200 = vector.broadcast %and3A_199 : i32 to vector<64x128xi32>
      %and3A_201 = arith.andi %iota3A, %and3A_200 : vector<64x128xi32>
      %ne3A_202 = arith.constant 0 : i32
      %ne3A_203 = vector.broadcast %ne3A_202 : i32 to vector<64x128xi32>
      %ne3A_204 = arith.cmpi ne, %and3A_201, %ne3A_203 : vector<64x128xi32>
      %eq3A_205 = arith.xori %ne3A_204, %ne3A_127 : vector<64x128xi1>
      %eq3A_206 = arith.constant dense<true> : vector<64x128xi1>
      %eq3A_207 = arith.xori %eq3A_205, %eq3A_206 : vector<64x128xi1>
      %roll3A_208 = arith.constant 96 : i32
      %roll3A_209 = tpu.dynamic_rotate %select_n3A_198 by %roll3A_208 dim 1 : vector<64x128xf32>, i32 -> vector<64x128xf32>
      %roll3A_210 = arith.constant 32 : i32
      %roll3A_211 = tpu.dynamic_rotate %select_n3A_198 by %roll3A_210 dim 1 : vector<64x128xf32>, i32 -> vector<64x128xf32>
      %select_n3A_212 = arith.select %ne3A_204, %roll3A_211, %roll3A_209 : vector<64x128xi1>, vector<64x128xf32>
      %min3A_213 = arith.minimumf %select_n3A_198, %select_n3A_212 : vector<64x128xf32>
      %max3A_214 = arith.maximumf %select_n3A_198, %select_n3A_212 : vector<64x128xf32>
      %select_n3A_215 = arith.select %eq3A_207, %min3A_213, %max3A_214 : vector<64x128xi1>, vector<64x128xf32>
      %and3A_216 = arith.constant 16 : i32
      %and3A_217 = vector.broadcast %and3A_216 : i32 to vector<64x128xi32>
      %and3A_218 = arith.andi %iota3A, %and3A_217 : vector<64x128xi32>
      %ne3A_219 = arith.constant 0 : i32
      %ne3A_220 = vector.broadcast %ne3A_219 : i32 to vector<64x128xi32>
      %ne3A_221 = arith.cmpi ne, %and3A_218, %ne3A_220 : vector<64x128xi32>
      %eq3A_222 = arith.xori %ne3A_221, %ne3A_127 : vector<64x128xi1>
      %eq3A_223 = arith.constant dense<true> : vector<64x128xi1>
      %eq3A_224 = arith.xori %eq3A_222, %eq3A_223 : vector<64x128xi1>
      %roll3A_225 = arith.constant 112 : i32
      %roll3A_226 = tpu.dynamic_rotate %select_n3A_215 by %roll3A_225 dim 1 : vector<64x128xf32>, i32 -> vector<64x128xf32>
      %roll3A_227 = arith.constant 16 : i32
      %roll3A_228 = tpu.dynamic_rotate %select_n3A_215 by %roll3A_227 dim 1 : vector<64x128xf32>, i32 -> vector<64x128xf32>
      %select_n3A_229 = arith.select %ne3A_221, %roll3A_228, %roll3A_226 : vector<64x128xi1>, vector<64x128xf32>
      %min3A_230 = arith.minimumf %select_n3A_215, %select_n3A_229 : vector<64x128xf32>
      %max3A_231 = arith.maximumf %select_n3A_215, %select_n3A_229 : vector<64x128xf32>
      %select_n3A_232 = arith.select %eq3A_224, %min3A_230, %max3A_231 : vector<64x128xi1>, vector<64x128xf32>
      %and3A_233 = arith.constant 8 : i32
      %and3A_234 = vector.broadcast %and3A_233 : i32 to vector<64x128xi32>
      %and3A_235 = arith.andi %iota3A, %and3A_234 : vector<64x128xi32>
      %ne3A_236 = arith.constant 0 : i32
      %ne3A_237 = vector.broadcast %ne3A_236 : i32 to vector<64x128xi32>
      %ne3A_238 = arith.cmpi ne, %and3A_235, %ne3A_237 : vector<64x128xi32>
      %eq3A_239 = arith.xori %ne3A_238, %ne3A_127 : vector<64x128xi1>
      %eq3A_240 = arith.constant dense<true> : vector<64x128xi1>
      %eq3A_241 = arith.xori %eq3A_239, %eq3A_240 : vector<64x128xi1>
      %roll3A_242 = arith.constant 120 : i32
      %roll3A_243 = tpu.dynamic_rotate %select_n3A_232 by %roll3A_242 dim 1 : vector<64x128xf32>, i32 -> vector<64x128xf32>
      %roll3A_244 = arith.constant 8 : i32
      %roll3A_245 = tpu.dynamic_rotate %select_n3A_232 by %roll3A_244 dim 1 : vector<64x128xf32>, i32 -> vector<64x128xf32>
      %select_n3A_246 = arith.select %ne3A_238, %roll3A_245, %roll3A_243 : vector<64x128xi1>, vector<64x128xf32>
      %min3A_247 = arith.minimumf %select_n3A_232, %select_n3A_246 : vector<64x128xf32>
      %max3A_248 = arith.maximumf %select_n3A_232, %select_n3A_246 : vector<64x128xf32>
      %select_n3A_249 = arith.select %eq3A_241, %min3A_247, %max3A_248 : vector<64x128xi1>, vector<64x128xf32>
      %and3A_250 = arith.constant 4 : i32
      %and3A_251 = vector.broadcast %and3A_250 : i32 to vector<64x128xi32>
      %and3A_252 = arith.andi %iota3A, %and3A_251 : vector<64x128xi32>
      %ne3A_253 = arith.constant 0 : i32
      %ne3A_254 = vector.broadcast %ne3A_253 : i32 to vector<64x128xi32>
      %ne3A_255 = arith.cmpi ne, %and3A_252, %ne3A_254 : vector<64x128xi32>
      %eq3A_256 = arith.xori %ne3A_255, %ne3A_127 : vector<64x128xi1>
      %eq3A_257 = arith.constant dense<true> : vector<64x128xi1>
      %eq3A_258 = arith.xori %eq3A_256, %eq3A_257 : vector<64x128xi1>
      %roll3A_259 = arith.constant 124 : i32
      %roll3A_260 = tpu.dynamic_rotate %select_n3A_249 by %roll3A_259 dim 1 : vector<64x128xf32>, i32 -> vector<64x128xf32>
      %roll3A_261 = arith.constant 4 : i32
      %roll3A_262 = tpu.dynamic_rotate %select_n3A_249 by %roll3A_261 dim 1 : vector<64x128xf32>, i32 -> vector<64x128xf32>
      %select_n3A_263 = arith.select %ne3A_255, %roll3A_262, %roll3A_260 : vector<64x128xi1>, vector<64x128xf32>
      %min3A_264 = arith.minimumf %select_n3A_249, %select_n3A_263 : vector<64x128xf32>
      %max3A_265 = arith.maximumf %select_n3A_249, %select_n3A_263 : vector<64x128xf32>
      %select_n3A_266 = arith.select %eq3A_258, %min3A_264, %max3A_265 : vector<64x128xi1>, vector<64x128xf32>
      %and3A_267 = arith.constant 2 : i32
      %and3A_268 = vector.broadcast %and3A_267 : i32 to vector<64x128xi32>
      %and3A_269 = arith.andi %iota3A, %and3A_268 : vector<64x128xi32>
      %ne3A_270 = arith.constant 0 : i32
      %ne3A_271 = vector.broadcast %ne3A_270 : i32 to vector<64x128xi32>
      %ne3A_272 = arith.cmpi ne, %and3A_269, %ne3A_271 : vector<64x128xi32>
      %eq3A_273 = arith.xori %ne3A_272, %ne3A_127 : vector<64x128xi1>
      %eq3A_274 = arith.constant dense<true> : vector<64x128xi1>
      %eq3A_275 = arith.xori %eq3A_273, %eq3A_274 : vector<64x128xi1>
      %roll3A_276 = arith.constant 126 : i32
      %roll3A_277 = tpu.dynamic_rotate %select_n3A_266 by %roll3A_276 dim 1 : vector<64x128xf32>, i32 -> vector<64x128xf32>
      %roll3A_278 = arith.constant 2 : i32
      %roll3A_279 = tpu.dynamic_rotate %select_n3A_266 by %roll3A_278 dim 1 : vector<64x128xf32>, i32 -> vector<64x128xf32>
      %select_n3A_280 = arith.select %ne3A_272, %roll3A_279, %roll3A_277 : vector<64x128xi1>, vector<64x128xf32>
      %min3A_281 = arith.minimumf %select_n3A_266, %select_n3A_280 : vector<64x128xf32>
      %max3A_282 = arith.maximumf %select_n3A_266, %select_n3A_280 : vector<64x128xf32>
      %select_n3A_283 = arith.select %eq3A_275, %min3A_281, %max3A_282 : vector<64x128xi1>, vector<64x128xf32>
      %and3A_284 = arith.constant 1 : i32
      %and3A_285 = vector.broadcast %and3A_284 : i32 to vector<64x128xi32>
      %and3A_286 = arith.andi %iota3A, %and3A_285 : vector<64x128xi32>
      %ne3A_287 = arith.constant 0 : i32
      %ne3A_288 = vector.broadcast %ne3A_287 : i32 to vector<64x128xi32>
      %ne3A_289 = arith.cmpi ne, %and3A_286, %ne3A_288 : vector<64x128xi32>
      %eq3A_290 = arith.xori %ne3A_289, %ne3A_127 : vector<64x128xi1>
      %eq3A_291 = arith.constant dense<true> : vector<64x128xi1>
      %eq3A_292 = arith.xori %eq3A_290, %eq3A_291 : vector<64x128xi1>
      %roll3A_293 = arith.constant 127 : i32
      %roll3A_294 = tpu.dynamic_rotate %select_n3A_283 by %roll3A_293 dim 1 : vector<64x128xf32>, i32 -> vector<64x128xf32>
      %roll3A_295 = arith.constant 1 : i32
      %roll3A_296 = tpu.dynamic_rotate %select_n3A_283 by %roll3A_295 dim 1 : vector<64x128xf32>, i32 -> vector<64x128xf32>
      %select_n3A_297 = arith.select %ne3A_289, %roll3A_296, %roll3A_294 : vector<64x128xi1>, vector<64x128xf32>
      %min3A_298 = arith.minimumf %select_n3A_283, %select_n3A_297 : vector<64x128xf32>
      %max3A_299 = arith.maximumf %select_n3A_283, %select_n3A_297 : vector<64x128xf32>
      %select_n3A_300 = arith.select %eq3A_292, %min3A_298, %max3A_299 : vector<64x128xi1>, vector<64x128xf32>
      %mul3A_301 = arith.constant 64 : i32
      %mul3A_302 = arith.muli %scan3A_180, %mul3A_301 : i32
      %swap3A_303 = arith.index_cast %mul3A_302 : i32 to index
      %swap3A_304 = arith.constant 0 : index
      %swap3A_305 = vector.load %arg4[%swap3A_303, %swap3A_304] : memref<4096x128xf32, #tpu.memory_space<vmem>>, vector<64x128xf32>
      tpu.vector_store %arg4[%swap3A_303, %swap3A_304], %select_n3A_300 {strides = array<i32>} : memref<4096x128xf32, #tpu.memory_space<vmem>>, vector<64x128xf32>,
    }
    %scan3A_132 = arith.constant 64 : i32
    %scan3A_133 = arith.constant 0 : i32
    %scan3A_134 = arith.constant 6 : i32
    %scan3A_135 = arith.addi %scan3A_133, %scan3A_134 : i32
    %scan3A_136 = arith.constant 1 : i32
    scf.for %scan3A_180 = %scan3A_133 to %scan3A_135 step %scan3A_136  : i32 {
      %sub3A_181 = arith.constant 11 : i32
      %sub3A_182 = arith.subi %sub3A_181, %scan3A_180 : i32
      %scan3A_183 = arith.constant 0 : i32
      %scan3A_184 = arith.constant 32 : i32
      %scan3A_185 = arith.addi %scan3A_183, %scan3A_184 : i32
      %scan3A_186 = arith.constant 1 : i32
      scf.for %scan3A_188 = %scan3A_183 to %scan3A_185 step %scan3A_186  : i32 {
        %sub3A_189 = arith.constant 6 : i32
        %sub3A_190 = arith.subi %sub3A_182, %sub3A_189 : i32
        %shift_right_logical3A = arith.shrui %scan3A_188, %sub3A_190 : i32
        %shift_left3A = arith.constant 1 : i32
        %shift_left3A_191 = arith.shli %shift_left3A, %sub3A_190 : i32
        %sub3A_192 = arith.constant 1 : i32
        %sub3A_193 = arith.subi %shift_left3A_191, %sub3A_192 : i32
        %and3A_194 = arith.andi %scan3A_188, %sub3A_193 : i32
        %add3A_195 = arith.constant 1 : i32
        %add3A_196 = arith.addi %sub3A_182, %add3A_195 : i32
        %shift_left3A_197 = arith.shli %shift_right_logical3A, %add3A_196 : i32
        %shift_left3A_198 = arith.constant 6 : i32
        %shift_left3A_199 = arith.shli %and3A_194, %shift_left3A_198 : i32
        %add3A_200 = arith.addi %shift_left3A_197, %shift_left3A_199 : i32
        %shift_left3A_201 = arith.constant 1 : i32
        %shift_left3A_202 = arith.shli %shift_left3A_201, %sub3A_182 : i32
        %get3A_203 = arith.index_cast %add3A_200 : i32 to index
        %get3A_204 = arith.constant 0 : index
        %get3A_205 = vector.load %arg4[%get3A_203, %get3A_204] : memref<4096x128xf32, #tpu.memory_space<vmem>>, vector<64x128xf32>
        %add3A_206 = arith.addi %add3A_200, %shift_left3A_202 : i32
        %get3A_207 = arith.index_cast %add3A_206 : i32 to index
        %get3A_208 = arith.constant 0 : index
        %get3A_209 = vector.load %arg4[%get3A_207, %get3A_208] : memref<4096x128xf32, #tpu.memory_space<vmem>>, vector<64x128xf32>
        %min3A = arith.minimumf %get3A_205, %get3A_209 : vector<64x128xf32>
        %max3A_210 = arith.maximumf %get3A_205, %get3A_209 : vector<64x128xf32>
        %select_n3A = arith.select %ne3A_127, %max3A_210, %min3A : vector<64x128xi1>, vector<64x128xf32>
        %swap3A_211 = arith.index_cast %add3A_200 : i32 to index
        %swap3A_212 = arith.constant 0 : index
        %swap3A_213 = vector.load %arg4[%swap3A_211, %swap3A_212] : memref<4096x128xf32, #tpu.memory_space<vmem>>, vector<64x128xf32>
        tpu.vector_store %arg4[%swap3A_211, %swap3A_212], %select_n3A {strides = array<i32>} : memref<4096x128xf32, #tpu.memory_space<vmem>>, vector<64x128xf32>,
        %select_n3A_214 = arith.select %ne3A_127, %min3A, %max3A_210 : vector<64x128xi1>, vector<64x128xf32>
        %add3A_215 = arith.addi %add3A_200, %shift_left3A_202 : i32
        %swap3A_216 = arith.index_cast %add3A_215 : i32 to index
        %swap3A_217 = arith.constant 0 : index
        %swap3A_218 = vector.load %arg4[%swap3A_216, %swap3A_217] : memref<4096x128xf32, #tpu.memory_space<vmem>>, vector<64x128xf32>
        tpu.vector_store %arg4[%swap3A_216, %swap3A_217], %select_n3A_214 {strides = array<i32>} : memref<4096x128xf32, #tpu.memory_space<vmem>>, vector<64x128xf32>,
      }
      %scan3A_187 = arith.constant 32 : i32
    }
    %scan3A_137 = arith.constant 6 : i32
    %scan3A_138 = arith.constant 0 : i32
    %scan3A_139 = arith.constant 64 : i32
    %scan3A_140 = arith.addi %scan3A_138, %scan3A_139 : i32
    %scan3A_141 = arith.constant 1 : i32
    scf.for %scan3A_180 = %scan3A_138 to %scan3A_140 step %scan3A_141  : i32 {
      %mul3A = arith.constant 64 : i32
      %mul3A_181 = arith.muli %scan3A_180, %mul3A : i32
      %get3A_182 = arith.index_cast %mul3A_181 : i32 to index
      %get3A_183 = arith.constant 0 : index
      %get3A_184 = vector.load %arg4[%get3A_182, %get3A_183] : memref<4096x128xf32, #tpu.memory_space<vmem>>, vector<64x128xf32>
      %and3A_185 = arith.constant 32 : i32
      %and3A_186 = vector.broadcast %and3A_185 : i32 to vector<64x128xi32>
      %and3A_187 = arith.andi %iota3A_16, %and3A_186 : vector<64x128xi32>
      %ne3A_188 = arith.constant 0 : i32
      %ne3A_189 = vector.broadcast %ne3A_188 : i32 to vector<64x128xi32>
      %ne3A_190 = arith.cmpi ne, %and3A_187, %ne3A_189 : vector<64x128xi32>
      %roll3A = arith.constant 32 : i32
      %roll3A_191 = tpu.dynamic_rotate %get3A_184 by %roll3A dim 0 : vector<64x128xf32>, i32 -> vector<64x128xf32>
      %roll3A_192 = arith.constant 32 : i32
      %roll3A_193 = tpu.dynamic_rotate %get3A_184 by %roll3A_192 dim 0 : vector<64x128xf32>, i32 -> vector<64x128xf32>
      %select_n3A = arith.select %ne3A_190, %roll3A_191, %roll3A_193 : vector<64x128xi1>, vector<64x128xf32>
      %eq3A_194 = arith.xori %ne3A_190, %ne3A_127 : vector<64x128xi1>
      %eq3A_195 = arith.constant dense<true> : vector<64x128xi1>
      %eq3A_196 = arith.xori %eq3A_194, %eq3A_195 : vector<64x128xi1>
      %min3A = arith.minimumf %get3A_184, %select_n3A : vector<64x128xf32>
      %max3A_197 = arith.maximumf %get3A_184, %select_n3A : vector<64x128xf32>
      %select_n3A_198 = arith.select %eq3A_196, %min3A, %max3A_197 : vector<64x128xi1>, vector<64x128xf32>
      %and3A_199 = arith.constant 16 : i32
      %and3A_200 = vector.broadcast %and3A_199 : i32 to vector<64x128xi32>
      %and3A_201 = arith.andi %iota3A_16, %and3A_200 : vector<64x128xi32>
      %ne3A_202 = arith.constant 0 : i32
      %ne3A_203 = vector.broadcast %ne3A_202 : i32 to vector<64x128xi32>
      %ne3A_204 = arith.cmpi ne, %and3A_201, %ne3A_203 : vector<64x128xi32>
      %roll3A_205 = arith.constant 16 : i32
      %roll3A_206 = tpu.dynamic_rotate %select_n3A_198 by %roll3A_205 dim 0 : vector<64x128xf32>, i32 -> vector<64x128xf32>
      %roll3A_207 = arith.constant 48 : i32
      %roll3A_208 = tpu.dynamic_rotate %select_n3A_198 by %roll3A_207 dim 0 : vector<64x128xf32>, i32 -> vector<64x128xf32>
      %select_n3A_209 = arith.select %ne3A_204, %roll3A_206, %roll3A_208 : vector<64x128xi1>, vector<64x128xf32>
      %eq3A_210 = arith.xori %ne3A_204, %ne3A_127 : vector<64x128xi1>
      %eq3A_211 = arith.constant dense<true> : vector<64x128xi1>
      %eq3A_212 = arith.xori %eq3A_210, %eq3A_211 : vector<64x128xi1>
      %min3A_213 = arith.minimumf %select_n3A_198, %select_n3A_209 : vector<64x128xf32>
      %max3A_214 = arith.maximumf %select_n3A_198, %select_n3A_209 : vector<64x128xf32>
      %select_n3A_215 = arith.select %eq3A_212, %min3A_213, %max3A_214 : vector<64x128xi1>, vector<64x128xf32>
      %and3A_216 = arith.constant 8 : i32
      %and3A_217 = vector.broadcast %and3A_216 : i32 to vector<64x128xi32>
      %and3A_218 = arith.andi %iota3A_16, %and3A_217 : vector<64x128xi32>
      %ne3A_219 = arith.constant 0 : i32
      %ne3A_220 = vector.broadcast %ne3A_219 : i32 to vector<64x128xi32>
      %ne3A_221 = arith.cmpi ne, %and3A_218, %ne3A_220 : vector<64x128xi32>
      %roll3A_222 = arith.constant 8 : i32
      %roll3A_223 = tpu.dynamic_rotate %select_n3A_215 by %roll3A_222 dim 0 : vector<64x128xf32>, i32 -> vector<64x128xf32>
      %roll3A_224 = arith.constant 56 : i32
      %roll3A_225 = tpu.dynamic_rotate %select_n3A_215 by %roll3A_224 dim 0 : vector<64x128xf32>, i32 -> vector<64x128xf32>
      %select_n3A_226 = arith.select %ne3A_221, %roll3A_223, %roll3A_225 : vector<64x128xi1>, vector<64x128xf32>
      %eq3A_227 = arith.xori %ne3A_221, %ne3A_127 : vector<64x128xi1>
      %eq3A_228 = arith.constant dense<true> : vector<64x128xi1>
      %eq3A_229 = arith.xori %eq3A_227, %eq3A_228 : vector<64x128xi1>
      %min3A_230 = arith.minimumf %select_n3A_215, %select_n3A_226 : vector<64x128xf32>
      %max3A_231 = arith.maximumf %select_n3A_215, %select_n3A_226 : vector<64x128xf32>
      %select_n3A_232 = arith.select %eq3A_229, %min3A_230, %max3A_231 : vector<64x128xi1>, vector<64x128xf32>
      %and3A_233 = arith.constant 4 : i32
      %and3A_234 = vector.broadcast %and3A_233 : i32 to vector<64x128xi32>
      %and3A_235 = arith.andi %iota3A_16, %and3A_234 : vector<64x128xi32>
      %ne3A_236 = arith.constant 0 : i32
      %ne3A_237 = vector.broadcast %ne3A_236 : i32 to vector<64x128xi32>
      %ne3A_238 = arith.cmpi ne, %and3A_235, %ne3A_237 : vector<64x128xi32>
      %roll3A_239 = arith.constant 4 : i32
      %roll3A_240 = tpu.dynamic_rotate %select_n3A_232 by %roll3A_239 dim 0 : vector<64x128xf32>, i32 -> vector<64x128xf32>
      %roll3A_241 = arith.constant 60 : i32
      %roll3A_242 = tpu.dynamic_rotate %select_n3A_232 by %roll3A_241 dim 0 : vector<64x128xf32>, i32 -> vector<64x128xf32>
      %select_n3A_243 = arith.select %ne3A_238, %roll3A_240, %roll3A_242 : vector<64x128xi1>, vector<64x128xf32>
      %eq3A_244 = arith.xori %ne3A_238, %ne3A_127 : vector<64x128xi1>
      %eq3A_245 = arith.constant dense<true> : vector<64x128xi1>
      %eq3A_246 = arith.xori %eq3A_244, %eq3A_245 : vector<64x128xi1>
      %min3A_247 = arith.minimumf %select_n3A_232, %select_n3A_243 : vector<64x128xf32>
      %max3A_248 = arith.maximumf %select_n3A_232, %select_n3A_243 : vector<64x128xf32>
      %select_n3A_249 = arith.select %eq3A_246, %min3A_247, %max3A_248 : vector<64x128xi1>, vector<64x128xf32>
      %and3A_250 = arith.constant 2 : i32
      %and3A_251 = vector.broadcast %and3A_250 : i32 to vector<64x128xi32>
      %and3A_252 = arith.andi %iota3A_16, %and3A_251 : vector<64x128xi32>
      %ne3A_253 = arith.constant 0 : i32
      %ne3A_254 = vector.broadcast %ne3A_253 : i32 to vector<64x128xi32>
      %ne3A_255 = arith.cmpi ne, %and3A_252, %ne3A_254 : vector<64x128xi32>
      %roll3A_256 = arith.constant 2 : i32
      %roll3A_257 = tpu.dynamic_rotate %select_n3A_249 by %roll3A_256 dim 0 : vector<64x128xf32>, i32 -> vector<64x128xf32>
      %roll3A_258 = arith.constant 62 : i32
      %roll3A_259 = tpu.dynamic_rotate %select_n3A_249 by %roll3A_258 dim 0 : vector<64x128xf32>, i32 -> vector<64x128xf32>
      %select_n3A_260 = arith.select %ne3A_255, %roll3A_257, %roll3A_259 : vector<64x128xi1>, vector<64x128xf32>
      %eq3A_261 = arith.xori %ne3A_255, %ne3A_127 : vector<64x128xi1>
      %eq3A_262 = arith.constant dense<true> : vector<64x128xi1>
      %eq3A_263 = arith.xori %eq3A_261, %eq3A_262 : vector<64x128xi1>
      %min3A_264 = arith.minimumf %select_n3A_249, %select_n3A_260 : vector<64x128xf32>
      %max3A_265 = arith.maximumf %select_n3A_249, %select_n3A_260 : vector<64x128xf32>
      %select_n3A_266 = arith.select %eq3A_263, %min3A_264, %max3A_265 : vector<64x128xi1>, vector<64x128xf32>
      %and3A_267 = arith.constant 1 : i32
      %and3A_268 = vector.broadcast %and3A_267 : i32 to vector<64x128xi32>
      %and3A_269 = arith.andi %iota3A_16, %and3A_268 : vector<64x128xi32>
      %ne3A_270 = arith.constant 0 : i32
      %ne3A_271 = vector.broadcast %ne3A_270 : i32 to vector<64x128xi32>
      %ne3A_272 = arith.cmpi ne, %and3A_269, %ne3A_271 : vector<64x128xi32>
      %roll3A_273 = arith.constant 1 : i32
      %roll3A_274 = tpu.dynamic_rotate %select_n3A_266 by %roll3A_273 dim 0 : vector<64x128xf32>, i32 -> vector<64x128xf32>
      %roll3A_275 = arith.constant 63 : i32
      %roll3A_276 = tpu.dynamic_rotate %select_n3A_266 by %roll3A_275 dim 0 : vector<64x128xf32>, i32 -> vector<64x128xf32>
      %select_n3A_277 = arith.select %ne3A_272, %roll3A_274, %roll3A_276 : vector<64x128xi1>, vector<64x128xf32>
      %eq3A_278 = arith.xori %ne3A_272, %ne3A_127 : vector<64x128xi1>
      %eq3A_279 = arith.constant dense<true> : vector<64x128xi1>
      %eq3A_280 = arith.xori %eq3A_278, %eq3A_279 : vector<64x128xi1>
      %min3A_281 = arith.minimumf %select_n3A_266, %select_n3A_277 : vector<64x128xf32>
      %max3A_282 = arith.maximumf %select_n3A_266, %select_n3A_277 : vector<64x128xf32>
      %select_n3A_283 = arith.select %eq3A_280, %min3A_281, %max3A_282 : vector<64x128xi1>, vector<64x128xf32>
      %mul3A_284 = arith.constant 64 : i32
      %mul3A_285 = arith.muli %scan3A_180, %mul3A_284 : i32
      %swap3A_286 = arith.index_cast %mul3A_285 : i32 to index
      %swap3A_287 = arith.constant 0 : index
      %swap3A_288 = vector.load %arg4[%swap3A_286, %swap3A_287] : memref<4096x128xf32, #tpu.memory_space<vmem>>, vector<64x128xf32>
      tpu.vector_store %arg4[%swap3A_286, %swap3A_287], %select_n3A_283 {strides = array<i32>} : memref<4096x128xf32, #tpu.memory_space<vmem>>, vector<64x128xf32>,
    }
    %scan3A_142 = arith.constant 64 : i32
    %scan3A_143 = arith.constant 0 : i32
    %scan3A_144 = arith.constant 64 : i32
    %scan3A_145 = arith.addi %scan3A_143, %scan3A_144 : i32
    %scan3A_146 = arith.constant 1 : i32
    scf.for %scan3A_180 = %scan3A_143 to %scan3A_145 step %scan3A_146  : i32 {
      %mul3A = arith.constant 64 : i32
      %mul3A_181 = arith.muli %scan3A_180, %mul3A : i32
      %get3A_182 = arith.index_cast %mul3A_181 : i32 to index
      %get3A_183 = arith.constant 0 : index
      %get3A_184 = vector.load %arg5[%get3A_182, %get3A_183] : memref<4096x128xf32, #tpu.memory_space<vmem>>, vector<64x128xf32>
      %and3A_185 = arith.constant 64 : i32
      %and3A_186 = vector.broadcast %and3A_185 : i32 to vector<64x128xi32>
      %and3A_187 = arith.andi %iota3A, %and3A_186 : vector<64x128xi32>
      %ne3A_188 = arith.constant 0 : i32
      %ne3A_189 = vector.broadcast %ne3A_188 : i32 to vector<64x128xi32>
      %ne3A_190 = arith.cmpi ne, %and3A_187, %ne3A_189 : vector<64x128xi32>
      %eq3A_191 = arith.xori %ne3A_190, %ne3A_127 : vector<64x128xi1>
      %eq3A_192 = arith.constant dense<true> : vector<64x128xi1>
      %eq3A_193 = arith.xori %eq3A_191, %eq3A_192 : vector<64x128xi1>
      %roll3A = arith.constant 64 : i32
      %roll3A_194 = tpu.dynamic_rotate %get3A_184 by %roll3A dim 1 : vector<64x128xf32>, i32 -> vector<64x128xf32>
      %roll3A_195 = arith.constant 64 : i32
      %roll3A_196 = tpu.dynamic_rotate %get3A_184 by %roll3A_195 dim 1 : vector<64x128xf32>, i32 -> vector<64x128xf32>
      %select_n3A = arith.select %ne3A_190, %roll3A_196, %roll3A_194 : vector<64x128xi1>, vector<64x128xf32>
      %min3A = arith.minimumf %get3A_184, %select_n3A : vector<64x128xf32>
      %max3A_197 = arith.maximumf %get3A_184, %select_n3A : vector<64x128xf32>
      %select_n3A_198 = arith.select %eq3A_193, %min3A, %max3A_197 : vector<64x128xi1>, vector<64x128xf32>
      %and3A_199 = arith.constant 32 : i32
      %and3A_200 = vector.broadcast %and3A_199 : i32 to vector<64x128xi32>
      %and3A_201 = arith.andi %iota3A, %and3A_200 : vector<64x128xi32>
      %ne3A_202 = arith.constant 0 : i32
      %ne3A_203 = vector.broadcast %ne3A_202 : i32 to vector<64x128xi32>
      %ne3A_204 = arith.cmpi ne, %and3A_201, %ne3A_203 : vector<64x128xi32>
      %eq3A_205 = arith.xori %ne3A_204, %ne3A_127 : vector<64x128xi1>
      %eq3A_206 = arith.constant dense<true> : vector<64x128xi1>
      %eq3A_207 = arith.xori %eq3A_205, %eq3A_206 : vector<64x128xi1>
      %roll3A_208 = arith.constant 96 : i32
      %roll3A_209 = tpu.dynamic_rotate %select_n3A_198 by %roll3A_208 dim 1 : vector<64x128xf32>, i32 -> vector<64x128xf32>
      %roll3A_210 = arith.constant 32 : i32
      %roll3A_211 = tpu.dynamic_rotate %select_n3A_198 by %roll3A_210 dim 1 : vector<64x128xf32>, i32 -> vector<64x128xf32>
      %select_n3A_212 = arith.select %ne3A_204, %roll3A_211, %roll3A_209 : vector<64x128xi1>, vector<64x128xf32>
      %min3A_213 = arith.minimumf %select_n3A_198, %select_n3A_212 : vector<64x128xf32>
      %max3A_214 = arith.maximumf %select_n3A_198, %select_n3A_212 : vector<64x128xf32>
      %select_n3A_215 = arith.select %eq3A_207, %min3A_213, %max3A_214 : vector<64x128xi1>, vector<64x128xf32>
      %and3A_216 = arith.constant 16 : i32
      %and3A_217 = vector.broadcast %and3A_216 : i32 to vector<64x128xi32>
      %and3A_218 = arith.andi %iota3A, %and3A_217 : vector<64x128xi32>
      %ne3A_219 = arith.constant 0 : i32
      %ne3A_220 = vector.broadcast %ne3A_219 : i32 to vector<64x128xi32>
      %ne3A_221 = arith.cmpi ne, %and3A_218, %ne3A_220 : vector<64x128xi32>
      %eq3A_222 = arith.xori %ne3A_221, %ne3A_127 : vector<64x128xi1>
      %eq3A_223 = arith.constant dense<true> : vector<64x128xi1>
      %eq3A_224 = arith.xori %eq3A_222, %eq3A_223 : vector<64x128xi1>
      %roll3A_225 = arith.constant 112 : i32
      %roll3A_226 = tpu.dynamic_rotate %select_n3A_215 by %roll3A_225 dim 1 : vector<64x128xf32>, i32 -> vector<64x128xf32>
      %roll3A_227 = arith.constant 16 : i32
      %roll3A_228 = tpu.dynamic_rotate %select_n3A_215 by %roll3A_227 dim 1 : vector<64x128xf32>, i32 -> vector<64x128xf32>
      %select_n3A_229 = arith.select %ne3A_221, %roll3A_228, %roll3A_226 : vector<64x128xi1>, vector<64x128xf32>
      %min3A_230 = arith.minimumf %select_n3A_215, %select_n3A_229 : vector<64x128xf32>
      %max3A_231 = arith.maximumf %select_n3A_215, %select_n3A_229 : vector<64x128xf32>
      %select_n3A_232 = arith.select %eq3A_224, %min3A_230, %max3A_231 : vector<64x128xi1>, vector<64x128xf32>
      %and3A_233 = arith.constant 8 : i32
      %and3A_234 = vector.broadcast %and3A_233 : i32 to vector<64x128xi32>
      %and3A_235 = arith.andi %iota3A, %and3A_234 : vector<64x128xi32>
      %ne3A_236 = arith.constant 0 : i32
      %ne3A_237 = vector.broadcast %ne3A_236 : i32 to vector<64x128xi32>
      %ne3A_238 = arith.cmpi ne, %and3A_235, %ne3A_237 : vector<64x128xi32>
      %eq3A_239 = arith.xori %ne3A_238, %ne3A_127 : vector<64x128xi1>
      %eq3A_240 = arith.constant dense<true> : vector<64x128xi1>
      %eq3A_241 = arith.xori %eq3A_239, %eq3A_240 : vector<64x128xi1>
      %roll3A_242 = arith.constant 120 : i32
      %roll3A_243 = tpu.dynamic_rotate %select_n3A_232 by %roll3A_242 dim 1 : vector<64x128xf32>, i32 -> vector<64x128xf32>
      %roll3A_244 = arith.constant 8 : i32
      %roll3A_245 = tpu.dynamic_rotate %select_n3A_232 by %roll3A_244 dim 1 : vector<64x128xf32>, i32 -> vector<64x128xf32>
      %select_n3A_246 = arith.select %ne3A_238, %roll3A_245, %roll3A_243 : vector<64x128xi1>, vector<64x128xf32>
      %min3A_247 = arith.minimumf %select_n3A_232, %select_n3A_246 : vector<64x128xf32>
      %max3A_248 = arith.maximumf %select_n3A_232, %select_n3A_246 : vector<64x128xf32>
      %select_n3A_249 = arith.select %eq3A_241, %min3A_247, %max3A_248 : vector<64x128xi1>, vector<64x128xf32>
      %and3A_250 = arith.constant 4 : i32
      %and3A_251 = vector.broadcast %and3A_250 : i32 to vector<64x128xi32>
      %and3A_252 = arith.andi %iota3A, %and3A_251 : vector<64x128xi32>
      %ne3A_253 = arith.constant 0 : i32
      %ne3A_254 = vector.broadcast %ne3A_253 : i32 to vector<64x128xi32>
      %ne3A_255 = arith.cmpi ne, %and3A_252, %ne3A_254 : vector<64x128xi32>
      %eq3A_256 = arith.xori %ne3A_255, %ne3A_127 : vector<64x128xi1>
      %eq3A_257 = arith.constant dense<true> : vector<64x128xi1>
      %eq3A_258 = arith.xori %eq3A_256, %eq3A_257 : vector<64x128xi1>
      %roll3A_259 = arith.constant 124 : i32
      %roll3A_260 = tpu.dynamic_rotate %select_n3A_249 by %roll3A_259 dim 1 : vector<64x128xf32>, i32 -> vector<64x128xf32>
      %roll3A_261 = arith.constant 4 : i32
      %roll3A_262 = tpu.dynamic_rotate %select_n3A_249 by %roll3A_261 dim 1 : vector<64x128xf32>, i32 -> vector<64x128xf32>
      %select_n3A_263 = arith.select %ne3A_255, %roll3A_262, %roll3A_260 : vector<64x128xi1>, vector<64x128xf32>
      %min3A_264 = arith.minimumf %select_n3A_249, %select_n3A_263 : vector<64x128xf32>
      %max3A_265 = arith.maximumf %select_n3A_249, %select_n3A_263 : vector<64x128xf32>
      %select_n3A_266 = arith.select %eq3A_258, %min3A_264, %max3A_265 : vector<64x128xi1>, vector<64x128xf32>
      %and3A_267 = arith.constant 2 : i32
      %and3A_268 = vector.broadcast %and3A_267 : i32 to vector<64x128xi32>
      %and3A_269 = arith.andi %iota3A, %and3A_268 : vector<64x128xi32>
      %ne3A_270 = arith.constant 0 : i32
      %ne3A_271 = vector.broadcast %ne3A_270 : i32 to vector<64x128xi32>
      %ne3A_272 = arith.cmpi ne, %and3A_269, %ne3A_271 : vector<64x128xi32>
      %eq3A_273 = arith.xori %ne3A_272, %ne3A_127 : vector<64x128xi1>
      %eq3A_274 = arith.constant dense<true> : vector<64x128xi1>
      %eq3A_275 = arith.xori %eq3A_273, %eq3A_274 : vector<64x128xi1>
      %roll3A_276 = arith.constant 126 : i32
      %roll3A_277 = tpu.dynamic_rotate %select_n3A_266 by %roll3A_276 dim 1 : vector<64x128xf32>, i32 -> vector<64x128xf32>
      %roll3A_278 = arith.constant 2 : i32
      %roll3A_279 = tpu.dynamic_rotate %select_n3A_266 by %roll3A_278 dim 1 : vector<64x128xf32>, i32 -> vector<64x128xf32>
      %select_n3A_280 = arith.select %ne3A_272, %roll3A_279, %roll3A_277 : vector<64x128xi1>, vector<64x128xf32>
      %min3A_281 = arith.minimumf %select_n3A_266, %select_n3A_280 : vector<64x128xf32>
      %max3A_282 = arith.maximumf %select_n3A_266, %select_n3A_280 : vector<64x128xf32>
      %select_n3A_283 = arith.select %eq3A_275, %min3A_281, %max3A_282 : vector<64x128xi1>, vector<64x128xf32>
      %and3A_284 = arith.constant 1 : i32
      %and3A_285 = vector.broadcast %and3A_284 : i32 to vector<64x128xi32>
      %and3A_286 = arith.andi %iota3A, %and3A_285 : vector<64x128xi32>
      %ne3A_287 = arith.constant 0 : i32
      %ne3A_288 = vector.broadcast %ne3A_287 : i32 to vector<64x128xi32>
      %ne3A_289 = arith.cmpi ne, %and3A_286, %ne3A_288 : vector<64x128xi32>
      %eq3A_290 = arith.xori %ne3A_289, %ne3A_127 : vector<64x128xi1>
      %eq3A_291 = arith.constant dense<true> : vector<64x128xi1>
      %eq3A_292 = arith.xori %eq3A_290, %eq3A_291 : vector<64x128xi1>
      %roll3A_293 = arith.constant 127 : i32
      %roll3A_294 = tpu.dynamic_rotate %select_n3A_283 by %roll3A_293 dim 1 : vector<64x128xf32>, i32 -> vector<64x128xf32>
      %roll3A_295 = arith.constant 1 : i32
      %roll3A_296 = tpu.dynamic_rotate %select_n3A_283 by %roll3A_295 dim 1 : vector<64x128xf32>, i32 -> vector<64x128xf32>
      %select_n3A_297 = arith.select %ne3A_289, %roll3A_296, %roll3A_294 : vector<64x128xi1>, vector<64x128xf32>
      %min3A_298 = arith.minimumf %select_n3A_283, %select_n3A_297 : vector<64x128xf32>
      %max3A_299 = arith.maximumf %select_n3A_283, %select_n3A_297 : vector<64x128xf32>
      %select_n3A_300 = arith.select %eq3A_292, %min3A_298, %max3A_299 : vector<64x128xi1>, vector<64x128xf32>
      %mul3A_301 = arith.constant 64 : i32
      %mul3A_302 = arith.muli %scan3A_180, %mul3A_301 : i32
      %swap3A_303 = arith.index_cast %mul3A_302 : i32 to index
      %swap3A_304 = arith.constant 0 : index
      %swap3A_305 = vector.load %arg5[%swap3A_303, %swap3A_304] : memref<4096x128xf32, #tpu.memory_space<vmem>>, vector<64x128xf32>
      tpu.vector_store %arg5[%swap3A_303, %swap3A_304], %select_n3A_300 {strides = array<i32>} : memref<4096x128xf32, #tpu.memory_space<vmem>>, vector<64x128xf32>,
    }
    %scan3A_147 = arith.constant 64 : i32
    %scan3A_148 = arith.constant 0 : i32
    %scan3A_149 = arith.constant 6 : i32
    %scan3A_150 = arith.addi %scan3A_148, %scan3A_149 : i32
    %scan3A_151 = arith.constant 1 : i32
    scf.for %scan3A_180 = %scan3A_148 to %scan3A_150 step %scan3A_151  : i32 {
      %sub3A_181 = arith.constant 11 : i32
      %sub3A_182 = arith.subi %sub3A_181, %scan3A_180 : i32
      %scan3A_183 = arith.constant 0 : i32
      %scan3A_184 = arith.constant 32 : i32
      %scan3A_185 = arith.addi %scan3A_183, %scan3A_184 : i32
      %scan3A_186 = arith.constant 1 : i32
      scf.for %scan3A_188 = %scan3A_183 to %scan3A_185 step %scan3A_186  : i32 {
        %sub3A_189 = arith.constant 6 : i32
        %sub3A_190 = arith.subi %sub3A_182, %sub3A_189 : i32
        %shift_right_logical3A = arith.shrui %scan3A_188, %sub3A_190 : i32
        %shift_left3A = arith.constant 1 : i32
        %shift_left3A_191 = arith.shli %shift_left3A, %sub3A_190 : i32
        %sub3A_192 = arith.constant 1 : i32
        %sub3A_193 = arith.subi %shift_left3A_191, %sub3A_192 : i32
        %and3A_194 = arith.andi %scan3A_188, %sub3A_193 : i32
        %add3A_195 = arith.constant 1 : i32
        %add3A_196 = arith.addi %sub3A_182, %add3A_195 : i32
        %shift_left3A_197 = arith.shli %shift_right_logical3A, %add3A_196 : i32
        %shift_left3A_198 = arith.constant 6 : i32
        %shift_left3A_199 = arith.shli %and3A_194, %shift_left3A_198 : i32
        %add3A_200 = arith.addi %shift_left3A_197, %shift_left3A_199 : i32
        %shift_left3A_201 = arith.constant 1 : i32
        %shift_left3A_202 = arith.shli %shift_left3A_201, %sub3A_182 : i32
        %get3A_203 = arith.index_cast %add3A_200 : i32 to index
        %get3A_204 = arith.constant 0 : index
        %get3A_205 = vector.load %arg5[%get3A_203, %get3A_204] : memref<4096x128xf32, #tpu.memory_space<vmem>>, vector<64x128xf32>
        %add3A_206 = arith.addi %add3A_200, %shift_left3A_202 : i32
        %get3A_207 = arith.index_cast %add3A_206 : i32 to index
        %get3A_208 = arith.constant 0 : index
        %get3A_209 = vector.load %arg5[%get3A_207, %get3A_208] : memref<4096x128xf32, #tpu.memory_space<vmem>>, vector<64x128xf32>
        %min3A = arith.minimumf %get3A_205, %get3A_209 : vector<64x128xf32>
        %max3A_210 = arith.maximumf %get3A_205, %get3A_209 : vector<64x128xf32>
        %select_n3A = arith.select %ne3A_127, %max3A_210, %min3A : vector<64x128xi1>, vector<64x128xf32>
        %swap3A_211 = arith.index_cast %add3A_200 : i32 to index
        %swap3A_212 = arith.constant 0 : index
        %swap3A_213 = vector.load %arg5[%swap3A_211, %swap3A_212] : memref<4096x128xf32, #tpu.memory_space<vmem>>, vector<64x128xf32>
        tpu.vector_store %arg5[%swap3A_211, %swap3A_212], %select_n3A {strides = array<i32>} : memref<4096x128xf32, #tpu.memory_space<vmem>>, vector<64x128xf32>,
        %select_n3A_214 = arith.select %ne3A_127, %min3A, %max3A_210 : vector<64x128xi1>, vector<64x128xf32>
        %add3A_215 = arith.addi %add3A_200, %shift_left3A_202 : i32
        %swap3A_216 = arith.index_cast %add3A_215 : i32 to index
        %swap3A_217 = arith.constant 0 : index
        %swap3A_218 = vector.load %arg5[%swap3A_216, %swap3A_217] : memref<4096x128xf32, #tpu.memory_space<vmem>>, vector<64x128xf32>
        tpu.vector_store %arg5[%swap3A_216, %swap3A_217], %select_n3A_214 {strides = array<i32>} : memref<4096x128xf32, #tpu.memory_space<vmem>>, vector<64x128xf32>,
      }
      %scan3A_187 = arith.constant 32 : i32
    }
    %scan3A_152 = arith.constant 6 : i32
    %scan3A_153 = arith.constant 0 : i32
    %scan3A_154 = arith.constant 64 : i32
    %scan3A_155 = arith.addi %scan3A_153, %scan3A_154 : i32
    %scan3A_156 = arith.constant 1 : i32
    scf.for %scan3A_180 = %scan3A_153 to %scan3A_155 step %scan3A_156  : i32 {
      %mul3A = arith.constant 64 : i32
      %mul3A_181 = arith.muli %scan3A_180, %mul3A : i32
      %get3A_182 = arith.index_cast %mul3A_181 : i32 to index
      %get3A_183 = arith.constant 0 : index
      %get3A_184 = vector.load %arg5[%get3A_182, %get3A_183] : memref<4096x128xf32, #tpu.memory_space<vmem>>, vector<64x128xf32>
      %and3A_185 = arith.constant 32 : i32
      %and3A_186 = vector.broadcast %and3A_185 : i32 to vector<64x128xi32>
      %and3A_187 = arith.andi %iota3A_16, %and3A_186 : vector<64x128xi32>
      %ne3A_188 = arith.constant 0 : i32
      %ne3A_189 = vector.broadcast %ne3A_188 : i32 to vector<64x128xi32>
      %ne3A_190 = arith.cmpi ne, %and3A_187, %ne3A_189 : vector<64x128xi32>
      %roll3A = arith.constant 32 : i32
      %roll3A_191 = tpu.dynamic_rotate %get3A_184 by %roll3A dim 0 : vector<64x128xf32>, i32 -> vector<64x128xf32>
      %roll3A_192 = arith.constant 32 : i32
      %roll3A_193 = tpu.dynamic_rotate %get3A_184 by %roll3A_192 dim 0 : vector<64x128xf32>, i32 -> vector<64x128xf32>
      %select_n3A = arith.select %ne3A_190, %roll3A_191, %roll3A_193 : vector<64x128xi1>, vector<64x128xf32>
      %eq3A_194 = arith.xori %ne3A_190, %ne3A_127 : vector<64x128xi1>
      %eq3A_195 = arith.constant dense<true> : vector<64x128xi1>
      %eq3A_196 = arith.xori %eq3A_194, %eq3A_195 : vector<64x128xi1>
      %min3A = arith.minimumf %get3A_184, %select_n3A : vector<64x128xf32>
      %max3A_197 = arith.maximumf %get3A_184, %select_n3A : vector<64x128xf32>
      %select_n3A_198 = arith.select %eq3A_196, %min3A, %max3A_197 : vector<64x128xi1>, vector<64x128xf32>
      %and3A_199 = arith.constant 16 : i32
      %and3A_200 = vector.broadcast %and3A_199 : i32 to vector<64x128xi32>
      %and3A_201 = arith.andi %iota3A_16, %and3A_200 : vector<64x128xi32>
      %ne3A_202 = arith.constant 0 : i32
      %ne3A_203 = vector.broadcast %ne3A_202 : i32 to vector<64x128xi32>
      %ne3A_204 = arith.cmpi ne, %and3A_201, %ne3A_203 : vector<64x128xi32>
      %roll3A_205 = arith.constant 16 : i32
      %roll3A_206 = tpu.dynamic_rotate %select_n3A_198 by %roll3A_205 dim 0 : vector<64x128xf32>, i32 -> vector<64x128xf32>
      %roll3A_207 = arith.constant 48 : i32
      %roll3A_208 = tpu.dynamic_rotate %select_n3A_198 by %roll3A_207 dim 0 : vector<64x128xf32>, i32 -> vector<64x128xf32>
      %select_n3A_209 = arith.select %ne3A_204, %roll3A_206, %roll3A_208 : vector<64x128xi1>, vector<64x128xf32>
      %eq3A_210 = arith.xori %ne3A_204, %ne3A_127 : vector<64x128xi1>
      %eq3A_211 = arith.constant dense<true> : vector<64x128xi1>
      %eq3A_212 = arith.xori %eq3A_210, %eq3A_211 : vector<64x128xi1>
      %min3A_213 = arith.minimumf %select_n3A_198, %select_n3A_209 : vector<64x128xf32>
      %max3A_214 = arith.maximumf %select_n3A_198, %select_n3A_209 : vector<64x128xf32>
      %select_n3A_215 = arith.select %eq3A_212, %min3A_213, %max3A_214 : vector<64x128xi1>, vector<64x128xf32>
      %and3A_216 = arith.constant 8 : i32
      %and3A_217 = vector.broadcast %and3A_216 : i32 to vector<64x128xi32>
      %and3A_218 = arith.andi %iota3A_16, %and3A_217 : vector<64x128xi32>
      %ne3A_219 = arith.constant 0 : i32
      %ne3A_220 = vector.broadcast %ne3A_219 : i32 to vector<64x128xi32>
      %ne3A_221 = arith.cmpi ne, %and3A_218, %ne3A_220 : vector<64x128xi32>
      %roll3A_222 = arith.constant 8 : i32
      %roll3A_223 = tpu.dynamic_rotate %select_n3A_215 by %roll3A_222 dim 0 : vector<64x128xf32>, i32 -> vector<64x128xf32>
      %roll3A_224 = arith.constant 56 : i32
      %roll3A_225 = tpu.dynamic_rotate %select_n3A_215 by %roll3A_224 dim 0 : vector<64x128xf32>, i32 -> vector<64x128xf32>
      %select_n3A_226 = arith.select %ne3A_221, %roll3A_223, %roll3A_225 : vector<64x128xi1>, vector<64x128xf32>
      %eq3A_227 = arith.xori %ne3A_221, %ne3A_127 : vector<64x128xi1>
      %eq3A_228 = arith.constant dense<true> : vector<64x128xi1>
      %eq3A_229 = arith.xori %eq3A_227, %eq3A_228 : vector<64x128xi1>
      %min3A_230 = arith.minimumf %select_n3A_215, %select_n3A_226 : vector<64x128xf32>
      %max3A_231 = arith.maximumf %select_n3A_215, %select_n3A_226 : vector<64x128xf32>
      %select_n3A_232 = arith.select %eq3A_229, %min3A_230, %max3A_231 : vector<64x128xi1>, vector<64x128xf32>
      %and3A_233 = arith.constant 4 : i32
      %and3A_234 = vector.broadcast %and3A_233 : i32 to vector<64x128xi32>
      %and3A_235 = arith.andi %iota3A_16, %and3A_234 : vector<64x128xi32>
      %ne3A_236 = arith.constant 0 : i32
      %ne3A_237 = vector.broadcast %ne3A_236 : i32 to vector<64x128xi32>
      %ne3A_238 = arith.cmpi ne, %and3A_235, %ne3A_237 : vector<64x128xi32>
      %roll3A_239 = arith.constant 4 : i32
      %roll3A_240 = tpu.dynamic_rotate %select_n3A_232 by %roll3A_239 dim 0 : vector<64x128xf32>, i32 -> vector<64x128xf32>
      %roll3A_241 = arith.constant 60 : i32
      %roll3A_242 = tpu.dynamic_rotate %select_n3A_232 by %roll3A_241 dim 0 : vector<64x128xf32>, i32 -> vector<64x128xf32>
      %select_n3A_243 = arith.select %ne3A_238, %roll3A_240, %roll3A_242 : vector<64x128xi1>, vector<64x128xf32>
      %eq3A_244 = arith.xori %ne3A_238, %ne3A_127 : vector<64x128xi1>
      %eq3A_245 = arith.constant dense<true> : vector<64x128xi1>
      %eq3A_246 = arith.xori %eq3A_244, %eq3A_245 : vector<64x128xi1>
      %min3A_247 = arith.minimumf %select_n3A_232, %select_n3A_243 : vector<64x128xf32>
      %max3A_248 = arith.maximumf %select_n3A_232, %select_n3A_243 : vector<64x128xf32>
      %select_n3A_249 = arith.select %eq3A_246, %min3A_247, %max3A_248 : vector<64x128xi1>, vector<64x128xf32>
      %and3A_250 = arith.constant 2 : i32
      %and3A_251 = vector.broadcast %and3A_250 : i32 to vector<64x128xi32>
      %and3A_252 = arith.andi %iota3A_16, %and3A_251 : vector<64x128xi32>
      %ne3A_253 = arith.constant 0 : i32
      %ne3A_254 = vector.broadcast %ne3A_253 : i32 to vector<64x128xi32>
      %ne3A_255 = arith.cmpi ne, %and3A_252, %ne3A_254 : vector<64x128xi32>
      %roll3A_256 = arith.constant 2 : i32
      %roll3A_257 = tpu.dynamic_rotate %select_n3A_249 by %roll3A_256 dim 0 : vector<64x128xf32>, i32 -> vector<64x128xf32>
      %roll3A_258 = arith.constant 62 : i32
      %roll3A_259 = tpu.dynamic_rotate %select_n3A_249 by %roll3A_258 dim 0 : vector<64x128xf32>, i32 -> vector<64x128xf32>
      %select_n3A_260 = arith.select %ne3A_255, %roll3A_257, %roll3A_259 : vector<64x128xi1>, vector<64x128xf32>
      %eq3A_261 = arith.xori %ne3A_255, %ne3A_127 : vector<64x128xi1>
      %eq3A_262 = arith.constant dense<true> : vector<64x128xi1>
      %eq3A_263 = arith.xori %eq3A_261, %eq3A_262 : vector<64x128xi1>
      %min3A_264 = arith.minimumf %select_n3A_249, %select_n3A_260 : vector<64x128xf32>
      %max3A_265 = arith.maximumf %select_n3A_249, %select_n3A_260 : vector<64x128xf32>
      %select_n3A_266 = arith.select %eq3A_263, %min3A_264, %max3A_265 : vector<64x128xi1>, vector<64x128xf32>
      %and3A_267 = arith.constant 1 : i32
      %and3A_268 = vector.broadcast %and3A_267 : i32 to vector<64x128xi32>
      %and3A_269 = arith.andi %iota3A_16, %and3A_268 : vector<64x128xi32>
      %ne3A_270 = arith.constant 0 : i32
      %ne3A_271 = vector.broadcast %ne3A_270 : i32 to vector<64x128xi32>
      %ne3A_272 = arith.cmpi ne, %and3A_269, %ne3A_271 : vector<64x128xi32>
      %roll3A_273 = arith.constant 1 : i32
      %roll3A_274 = tpu.dynamic_rotate %select_n3A_266 by %roll3A_273 dim 0 : vector<64x128xf32>, i32 -> vector<64x128xf32>
      %roll3A_275 = arith.constant 63 : i32
      %roll3A_276 = tpu.dynamic_rotate %select_n3A_266 by %roll3A_275 dim 0 : vector<64x128xf32>, i32 -> vector<64x128xf32>
      %select_n3A_277 = arith.select %ne3A_272, %roll3A_274, %roll3A_276 : vector<64x128xi1>, vector<64x128xf32>
      %eq3A_278 = arith.xori %ne3A_272, %ne3A_127 : vector<64x128xi1>
      %eq3A_279 = arith.constant dense<true> : vector<64x128xi1>
      %eq3A_280 = arith.xori %eq3A_278, %eq3A_279 : vector<64x128xi1>
      %min3A_281 = arith.minimumf %select_n3A_266, %select_n3A_277 : vector<64x128xf32>
      %max3A_282 = arith.maximumf %select_n3A_266, %select_n3A_277 : vector<64x128xf32>
      %select_n3A_283 = arith.select %eq3A_280, %min3A_281, %max3A_282 : vector<64x128xi1>, vector<64x128xf32>
      %mul3A_284 = arith.constant 64 : i32
      %mul3A_285 = arith.muli %scan3A_180, %mul3A_284 : i32
      %swap3A_286 = arith.index_cast %mul3A_285 : i32 to index
      %swap3A_287 = arith.constant 0 : index
      %swap3A_288 = vector.load %arg5[%swap3A_286, %swap3A_287] : memref<4096x128xf32, #tpu.memory_space<vmem>>, vector<64x128xf32>
      tpu.vector_store %arg5[%swap3A_286, %swap3A_287], %select_n3A_283 {strides = array<i32>} : memref<4096x128xf32, #tpu.memory_space<vmem>>, vector<64x128xf32>,
    }
    %scan3A_157 = arith.constant 64 : i32
    %get3A_158 = arith.constant 0 : index
    %get3A_159 = arith.constant 0 : index
    %get3A_160 = vector.load %arg5[%get3A_158, %get3A_159] : memref<4096x128xf32, #tpu.memory_space<vmem>>, vector<4096x128xf32>
    %get3A_161 = arith.constant 0 : index
    %get3A_162 = arith.constant 0 : index
    %get3A_163 = vector.load %arg4[%get3A_161, %get3A_162] : memref<4096x128xf32, #tpu.memory_space<vmem>>, vector<4096x128xf32>
    %sub3A = arith.subf %get3A_160, %get3A_163 : vector<4096x128xf32>
    %max3A = arith.constant 0.000000e+00 : f32
    %max3A_164 = vector.broadcast %max3A : f32 to vector<4096x128xf32>
    %max3A_165 = arith.maximumf %sub3A, %max3A_164 : vector<4096x128xf32>
    %sub3A_166 = arith.subf %max3A_165, %sub3A : vector<4096x128xf32>
    %abs3A = math.absf %sub3A : vector<4096x128xf32>
    %neg3A = arith.constant 0.000000e+00 : f32
    %neg3A_167 = vector.broadcast %neg3A : f32 to vector<4096x128xf32>
    %neg3A_168 = arith.subf %neg3A_167, %abs3A : vector<4096x128xf32>
    %exp3A = math.exp %neg3A_168 : vector<4096x128xf32>
    %log1p3A = math.log1p %exp3A : vector<4096x128xf32>
    %add3A = arith.addf %sub3A_166, %log1p3A : vector<4096x128xf32>
    %get3A_169 = arith.constant 0 : index
    %get3A_170 = arith.constant 0 : index
    %get3A_171 = memref.load %arg3[%get3A_169, %get3A_170] : memref<1x1xf32, #tpu.memory_space<smem>>
    %reduce_sum3A = vector.shape_cast %add3A : vector<4096x128xf32> to vector<1x4096x128xf32>
    %reduce_sum3A_172 = arith.constant dense<0.000000e+00> : vector<1xf32>
    %reduce_sum3A_173 = vector.multi_reduction <add>, %reduce_sum3A, %reduce_sum3A_172 [1, 2] : vector<1x4096x128xf32> to vector<1xf32>
    %reduce_sum3A_174 = vector.shape_cast %reduce_sum3A_173 : vector<1xf32> to vector<1x1x1xf32>
    %reduce_sum3A_175 = vector.extract %reduce_sum3A_174[0, 0, 0] : f32 from vector<1x1x1xf32>
    %add3A_176 = arith.addf %get3A_171, %reduce_sum3A_175 : f32
    %swap3A_177 = arith.constant 0 : index
    %swap3A_178 = arith.constant 0 : index
    %swap3A_179 = memref.load %arg3[%swap3A_177, %swap3A_178] : memref<1x1xf32, #tpu.memory_space<smem>>
    memref.store %add3A_176, %arg3[%swap3A_177, %swap3A_178] : memref<1x1xf32, #tpu.memory_space<smem>>
    return
  }
  func.func @transform_0(%arg0: i32) -> (i32, i32, i32) {
    %c0_i32 = arith.constant 0 : i32
    %c0_i32_0 = arith.constant 0 : i32
    %c0_i32_1 = arith.constant 0 : i32
    return %arg0, %c0_i32, %c0_i32_0 : i32, i32, i32
  }
  func.func @transform_1(%arg0: i32) -> (i32, i32, i32) {
    %c0_i32 = arith.constant 0 : i32
    %c0_i32_0 = arith.constant 0 : i32
    %c0_i32_1 = arith.constant 0 : i32
    return %arg0, %c0_i32, %c0_i32_0 : i32, i32, i32
  }
  func.func @transform_2(%arg0: i32) -> (i32, i32) {
    %c0_i32 = arith.constant 0 : i32
    %c0_i32_0 = arith.constant 0 : i32
    %c0_i32_1 = arith.constant 0 : i32
    return %c0_i32, %c0_i32_0 : i32, i32
  }
}

</mosaic_0001>

<sc_bundles>
// kernel: kernel.4.cloned.1.call-start
scs
__scs_entry_jumppad:
0x0: {  	(pc) =	sbr.rel $0x88, $3  }
0x1: {  	(tag) =	ssettag $0x0;
	lr =	simm.s32 $0x1  }
0x2: {  	[smem:$0x3F9F] =	sst lr;
	_ =	strace $0xD0000000  }
0x3: {  	_ = 	snop  }
0x4: {  	_ = 	snop  }
0x5: {  	_ = 	snop  }
0x6: {  	_ = 	snop  }
0x7: {  	_ = 	snop  }
__scs_overlays_trampoline_lowered:
0x8: {  	[smem:$0x3FAE] =	sst s0  }
0x9: {  	[smem:$0x3FAF] =	sst s1  }
0xa: {  	[smem:$0x3FB0] =	sst s2  }
0xb: {  	[smem:$0x3FB1] =	sst s3  }
0xc: {  	[smem:$0x3FB2] =	sst s4  }
0xd: {  	[smem:$0x3FB3] =	sst s5  }
0xe: {  	[smem:$0x3FB4] =	sst s6  }
0xf: {  	[smem:$0x3FB5] =	sst s7  }
0x10: {  	[smem:$0x3FB6] =	sst s8  }
0x11: {  	[smem:$0x3FB7] =	sst s9;
	s0 =	simm.s32 @!p0 $0x0  }
0x12: {  	s1 =	sld [smem:$0x3F9D];
	s0 =	simm.s32 @p0 $0x1  }
0x13: {  	[smem:$0x3FB8] =	sst s0;
	s0 =	simm.s32 @!p1 $0x0  }
0x14: {  	s2 =	sld [smem:$0x3F9C];
	s0 =	simm.s32 @p1 $0x1  }
0x15: {  	[smem:$0x3FB9] =	sst s0;
	s0 =	simm.s32 @!p2 $0x0  }
0x16: {  	s3 =	sld [smem:$0x3FDB];
	s0 =	simm.s32 @p2 $0x1  }
0x17: {  	s4 =	simm.s32 $0x1BF5;
	[smem:$0x3FBB] =	sst s0  }
0x18: {  	s0 =	sld [smem:$0x3F9E];
	_ =	swait.ge [sflag:s4], $0x0  }
0x19: {  	s7 =	sld [smem:$0x3F9F]  }
0x1a: {  	s8 =	sadd.s32 $0xFFFFE003, lr  }
0x1b: {  	s9 =	sadd.s32 $0xFFFFFEF7, lr;
	s5 =	simm.s32 $0xFFFFFFFF;
	p2 =	slt.u32 s8, $0xFFFFF086  }
0x1c: {  	p1 =	slt.u32 s9, $0xF7A;
	s5 =	simm.s32 @!p2 $0x0  }
0x1d: {  	s5 =	simm.s32 @p1 $0x1;
	p0 =	seq.s32 s7, s2  }
0x1e: {  	s7 =	smul.u32 @!p0 $0xF7A, s2;
	p2 =	seq.s32 @!p0 s5, $0x0  }
0x1f: {  	s9 =	smul.u32 $0xF7A, s1;
	s8 =	simm.s32 @!p0 $0x1BF5;
	p2 =	por !p2, p0  }
0x20: {  	[sflag:s8] =	ssyncset.s32 @!p0 $0xFFFFF086;
	s6 =	sadd.s32 @!p0 s3, s7;
	s7 =	simm.s32 @!p0 $0x108  }
0x21: {  	s3 =	sadd.s32 s3, s9;
	s6 =	sadd.s32 @!p0 $0x88, s6;
	s7 =	simm.s32 @p2 $0x1082  }
0x22: {  	[simem:s7], [sflag:s8] =	dma.local @!p0 [hbm:s6], $0xF7A  }
0x23: {  	s9 =	sor.u32 $0xD0000000, s2;
	s6 =	simm.s32 $0x108;
	_ =	swait.ge @!p0 [sflag:s8], $0x0  }
0x24: {  	s3 =	sadd.s32 $0x88, s3;
	s6 =	simm.s32 @!p1 $0x1082;
	[sflag:s4] =	ssyncset.s32 $0xFFFFF086  }
0x25: {  	[simem:s6], [sflag:s4] =	dma.local [hbm:s3], $0xF7A  }
0x26: {  	[smem:$0x3F9F] =	sst s1;
	(tag) =	ssettag s2;
	_ =	strace s9  }
0x27: {  	s1 =	sld [smem:$0x3FAF]  }
0x28: {  	s2 =	sld [smem:$0x3FB0]  }
0x29: {  	s4 =	sld [smem:$0x3FB2]  }
0x2a: {  	p0 =	seq.s32 s5, $0x0;
	s5 =	sld [smem:$0x3FB3]  }
0x2b: {  	s6 =	sld [smem:$0x3FB4]  }
0x2c: {  	s7 =	sld [smem:$0x3FB5]  }
0x2d: {  	s3 =	simm.s32 $0x108;
	s8 =	sld [smem:$0x3FB6]  }
0x2e: {  	s3 =	simm.s32 @!p0 $0x1082;
	s9 =	sld [smem:$0x3FB7]  }
0x2f: {  	lr =	sadd.s32 s0, s3;
	s0 =	sld [smem:$0x3FAE]  }
0x30: {  	s3 =	sld [smem:$0x3FB1]  }
0x31: {  	[smem:$0x3FBA] =	sst s10  }
0x32: {  	s10 =	sld [smem:$0x3FB8];
	_ =	sdelay $0x3  }
0x33: {  	p0 =	seq.s32 s10, $0x1;
	s10 =	sld [smem:$0x3FBA];
	_ =	sdelay $0x3  }
0x34: {  	[smem:$0x3FBA] =	sst s10  }
0x35: {  	s10 =	sld [smem:$0x3FB9];
	_ =	sdelay $0x3  }
0x36: {  	p1 =	seq.s32 s10, $0x1;
	s10 =	sld [smem:$0x3FBA];
	_ =	sdelay $0x3  }
0x37: {  	[smem:$0x3FBA] =	sst s10  }
0x38: {  	s10 =	sld [smem:$0x3FBB]  }
0x39: {  	_ = 	snop;
	(pc) =	sbr.ind lr, $3  }
0x3a: {  	_ = 	snop  }
0x3b: {  	_ = 	snop  }
0x3c: {  	p2 =	seq.s32 s10, $0x1;
	s10 =	sld [smem:$0x3FBA]  }
0x3d: {  	_ =	shalt  }
0x3e: {  	_ =	shalt  }
0x3f: {  	_ =	shalt  }
0x40: {  	_ =	shalt  }
0x41: {  	_ =	shalt  }
0x42: {  	_ =	shalt  }
0x43: {  	_ =	shalt  }
0x44: {  	_ =	shalt  }
0x45: {  	_ =	shalt  }
0x46: {  	_ =	shalt  }
0x47: {  	_ =	shalt  }
0x48: {  	_ =	shalt  }
0x49: {  	_ =	shalt  }
0x4a: {  	_ =	shalt  }
0x4b: {  	_ =	shalt  }
0x4c: {  	_ =	shalt  }
0x4d: {  	_ =	shalt  }
0x4e: {  	_ =	shalt  }
0x4f: {  	_ =	shalt  }
0x50: {  	_ =	shalt  }
0x51: {  	_ =	shalt  }
0x52: {  	_ =	shalt  }
0x53: {  	_ =	shalt  }
0x54: {  	_ =	shalt  }
0x55: {  	_ =	shalt  }
0x56: {  	_ =	shalt  }
0x57: {  	_ =	shalt  }
0x58: {  	_ =	shalt  }
0x59: {  	_ =	shalt  }
0x5a: {  	_ =	shalt  }
0x5b: {  	_ =	shalt  }
0x5c: {  	_ =	shalt  }
0x5d: {  	_ =	shalt  }
0x5e: {  	_ =	shalt  }
0x5f: {  	_ =	shalt  }
0x60: {  	_ =	shalt  }
0x61: {  	_ =	shalt  }
0x62: {  	_ =	shalt  }
0x63: {  	_ =	shalt  }
0x64: {  	_ =	shalt  }
0x65: {  	_ =	shalt  }
0x66: {  	_ =	shalt  }
0x67: {  	_ =	shalt  }
0x68: {  	_ =	shalt  }
0x69: {  	_ =	shalt  }
0x6a: {  	_ =	shalt  }
0x6b: {  	_ =	shalt  }
0x6c: {  	_ =	shalt  }
0x6d: {  	_ =	shalt  }
0x6e: {  	_ =	shalt  }
0x6f: {  	_ =	shalt  }
0x70: {  	_ =	shalt  }
0x71: {  	_ =	shalt  }
0x72: {  	_ =	shalt  }
0x73: {  	_ =	shalt  }
0x74: {  	_ =	shalt  }
0x75: {  	_ =	shalt  }
0x76: {  	_ =	shalt  }
0x77: {  	_ =	shalt  }
0x78: {  	_ =	shalt  }
0x79: {  	_ =	shalt  }
0x7a: {  	_ =	shalt  }
0x7b: {  	_ =	shalt  }
0x7c: {  	_ =	shalt  }
0x7d: {  	_ =	shalt  }
0x7e: {  	_ =	shalt  }
0x7f: {  	_ =	shalt  }
0x80: {  	_ =	shalt  }
0x81: {  	_ =	shalt  }
0x82: {  	_ =	shalt  }
0x83: {  	_ =	shalt  }
0x84: {  	_ =	shalt  }
0x85: {  	_ =	shalt  }
0x86: {  	_ =	shalt  }
0x87: {  	_ =	shalt  }
.Lfunc_end0:
.L_simem_size_0:
called_computation.2_lowered:
.L_overlay_start_0:
0x88: {  	s2 =	sld [smem:$0x3FD9]  }
0x89: {  	s3 =	sld [smem:$0x3FFE];
	_ =	sdelay $0x1  }
0x8a: {  	s1 =	srdreg.scid  }
0x8b: {  	s0 =	sand.u32 $0x1, s1  }
0x8c: {  	s16 =	sshll.u32 s0, $0xA;
	s2 =	sadd.s32 s3, s2  }
0x8d: {  	s2 =	sadd.s32 s2, s16  }
0x8e: {  	[smem:$0x3FC6] =	sst s2  }
0x8f: {  	_ = 	snop  }
0x90: {  	(tm) =	ssettm $0x1  }
0x91: {  	s17 =	sld [smem:$0x3FFB];
	_ =	sdelay $0x3  }
0x92: {  	_ =	strace s17  }
0x93: {  	s2 =	sld [smem:$0x3FFC];
	_ =	sdelay $0x3  }
0x94: {  	_ =	strace s2  }
0x95: {  	s2 =	sld [smem:$0x3FFD];
	_ =	sdelay $0x3  }
0x96: {  	_ =	strace s2  }
0x97: {  	_ =	strace $0x8FFFFFFF  }
0x98: {  	s18 =	sld [smem:$0x3FDB];
	_ =	sdelay $0x1  }
0x99: {  	s19 =	simm.s32 $_scs_section_size  }
0x9a: {  	s4 =	simm.s32 $_size__tile_overlayer_lowered;
	s5 =	simm.s32 $_tile_overlayer_lowered  }
0x9b: {  	s22 =	simm.s32 $0x1BFF;
	s21 =	sshll.u32 s5, $0x1;
	s2 =	sadd.s32 s19, s18  }
0x9c: {  	s6 =	simm.s32 $0x0;
	s20 =	sshll.u32 s4, $0x1;
	s4 =	sadd.s32 s21, s2  }
0x9d: {  	[timem:s6], [sflag:s22] =	dma.local [hbm:s4], s20  }
0x9e: {  	_ =	swait.ge [sflag:s22], s20  }
0x9f: {  	s3 =	ssub.s32 $0x0, s20;
	[sflag:s22] =	ssyncset.done $0x0  }
0xa0: {  	[sflag:s22] =	ssyncadd.s32 s3;
	_ =	sdelay $0x1  }
0xa1: {  	s23 =	simm.s32 $0x1B8B  }
0xa2: {  	_ =	swait.ge [sflag:s23], $0x1  }
0xa3: {  	[sflag:s23] =	ssyncset.done $0x0  }
0xa4: {  	s25 =	simm.s32 $0x1B8E;
	s24 =	sld [smem:$0x3FFE];
	[sflag:s23] =	ssyncadd.s32 $0xFFFFFFFF  }
0xa5: {  	s26 =	simm.s32 $execute0_lowered;
	[smem:$0x3FD2] =	sst s25  }
0xa6: {  	s4 =	sshll.u32 s26, $0x1;
	_ =	strace $0x80000046;
	[dreg:$0x1] =	wrdreg $0xFFFFFFFF  }
0xa7: {  	s28 =	simm.s32 $_size_execute0_lowered;
	s2 =	sadd.s32 s2, s4;
	[dreg:$0x0] =	wrdreg $0x0  }
0xa8: {  	s4 =	sshll.u32 s28, $0x1;
	[dreg:$0x2] =	wrdreg s2  }
0xa9: {  	[dreg:$0x3] =	wrdreg s4  }
0xaa: {  	[dreg:$0x4] =	wrdreg $0xC0  }
0xab: {  	_ =	task [dreg:s6], $0x5FFFF  }
0xac: {  	[dreg:$0x1] =	wrdreg $0xFFFFFFFF  }
0xad: {  	[dreg:$0x0] =	wrdreg $0x60  }
0xae: {  	[dreg:$0x2] =	wrdreg s24  }
0xaf: {  	[dreg:$0x3] =	wrdreg $0x9  }
0xb0: {  	_ =	task.clear_ibuf [dreg:s6], $0x4FFFF;
	_ =	strace $0x90000046  }
0xb1: {  	s29 =	simm.s32 $0x9;
	_ =	strace $0x80000048  }
0xb2: {  	_ =	swait.ge [sflag:s29], $0x1  }
0xb3: {  	[sflag:s29] =	ssyncadd.s32 $0xFFFFFFFF  }
0xb4: {  	_ =	strace $0x90000048  }
0xb5: {  	_ =	sfence  }
0xb6: {  	s30 =	sld [smem:$0x0];
	_ =	sdelay $0x2  }
0xb7: {  	s31 =	sshll.u32 s1, $0xD;
	s1 =	sshrl.u32 s1, $0x2  }
0xb8: {  	s3 =	sand.u32 $0x4000, s31;
	s1 =	sadd.s32 s1, s30  }
0xb9: {  	s0 =	sor.u32 s3, s0;
	s1 =	sshll.u32 s1, $0x11  }
0xba: {  	s0 =	sor.u32 s1, s0  }
0xbb: {  	s0 =	sadd.s32 $0x8F2B, s0  }
0xbc: {  	[sflag:s0] =	ssyncadd.remote.s32 $0x1  }
0xbd: {  	_ =	sfence.sel $0xFFFF  }
0xbe: {  	[dreg:$0x0] =	wrdreg $0xFFFFFFFF;
	(pc) =	sbr.abs _section_cstart, $3  }
0xbf: {  	[dreg:$0x1] =	wrdreg $0xFFFFFFFF  }
0xc0: {  	_ =	task.clear_ibuf [dreg:s6], $0x2FFFF;
	_ =	strace $0x9FFFFFFF  }
0xc1: {  	(tm) =	ssettm $0x7FFFFFFF  }
tec
execute0_lowered:
.L_overlay_start_1:
0x0: {  	(tag) =	ssettag $0x1  }
0x1: {  	s0 =	srdreg.scid;
	v1 =	vimm.s32 $0x65432100  }
0x2: {  	s5 =	rddreg [dreg:$0x0];
	s1 =	simm.s32 $0x0;
	v2 =	vimm.s32 $0xEDCBA987;
	v3 =	vimm.s32 $0xFFEDCBA9;
	v4 =	vimm.s32 $0x87654321;
	s2 =	stileid.u32  }
0x3: {  	vm0 =	vcmask $0x3F3C;
	s10 =	simm.s32 $0x10000;
	s11 =	simm.s32 $0x8000;
	[smem:$0x7FF] =	sst s1  }
0x4: {  	s12 =	simm.s32 $0x0;
	s4 =	sand.u32 $0x1, s0;
	s0 =	rddreg [dreg:$0x1];
	v2 =	vunpack.c.l.s4.s8 v2;
	v3 =	vunpack.c.l.s4.s8 v3;
	v4 =	vunpack.c.l.s4.s8 v4  }
0x5: {  	s3 =	sadd.s32 $0x400C00, s5;
	s8 =	sshll.u32 s2, $0x5;
	v5 =	vunpack.c.l.s4.s8 v1;
	s9 =	sshll.u32 s2, $0xD;
	v1 =	vimm.s32 $0x0;
	v0 =	vmov s4  }
.Ltmp0:
0x6: {  	_ =	strace $0x80000047;
	s6 =	ssub.s32 $0x2, s4;
	v0 =	vsub.s32 $0x0, v0;
	v7 =	vunpack.c.0.s8.s32 v3;
	v4 =	vunpack.c.0.s8.s32 v4;
	(pc) =	sbr.rel .LBB2_1-.Ltmp0, $4  }
0x7: {  	s8 =	sand.u32 $0x60, s8;
	s4 =	sshll.u32 s4, $0x4;
	s31 =	sand.u32 $0x18000, s9;
	v6 =	vunpack.c.0.s8.s32 v2;
	v2 =	vlaneseq.u32;
	v8 =	vunpack.c.0.s8.s32 v5  }
0x8: {  	s9 =	simm.s32 $0x1;
	s7 =	sshrl.u32 s6, $0x1;
	s8 =	sor.u32 s4, s8;
	v0 =	vbroadcast v0, $0x0;
	v3 =	vmul.u32 $0x800, v2;
	v7 =	vcombine.low v4, v7  }
0x9: {  	s4 =	sadd.s32 $0xC00, s5;
	s6 =	ssub.s32 s6, s7;
	s5 =	sor.u32 s8, s31;
	v5 =	vor.u32 $0x80000000, v2;
	v6 =	vand.u32 $0xF, v6;
	v4 =	vimm.s32 $0x1  }
0xa: {  	s7 =	simm.s32 $0x80;
	s8 =	simm.s32 $0x400;
	s6 =	smax.u32 s6, $0x1;
	v6 =	vcombine.low v8, v6;
	v8 =	vadd.s32 $0x1, v2;
	v7 =	vand.u32 $0xF, v7  }
.LBB2_32:
0xb: {  	s12 =	sadd.s32 $0x1, s12  }
0xc: {  	p0 =	sne.s32 s12, s6  }
.Ltmp1:
0xd: {  	_ = 	snop;
	(pc) =	sbr.rel @!p0 .LBB2_33-.Ltmp1, $1  }
0xe: {  	_ =	sdelay $0x3  }
.LBB2_1:
0xf: {  	s13 =	simm.s32 $0x10820  }
0x10: {  	[tilespmem:s13+$0xFFFFFFE0] =	vst v1  }
0x11: {  	[tilespmem:s13+$0x10] =	vst v1  }
0x12: {  	s14 =	simm.s32 $0x0;
	[tilespmem:s13+$0x0] =	vst v1  }
.LBB2_2:
0x13: {  	s14 =	sadd.s32 $0x4, s14  }
0x14: {  	[tilespmem:s13+$0xFFFFFFF0] =	vst v1;
	s13 =	sadd.s32 $0x40, s13;
	p0 =	slt.u32 s14, $0x7FC  }
.Ltmp2:
0x15: {  	[tilespmem:s13+$0xFFFFFFE0] =	vst v1;
	(pc) =	sbr.rel @p0 .LBB2_2-.Ltmp2, $3  }
0x16: {  	_ =	sdelay $0x1  }
0x17: {  	[tilespmem:s13+$0x10] =	vst v1  }
0x18: {  	[tilespmem:s13+$0x0] =	vst v1  }
0x19: {  	[tilespmem:s13+$0xFFFFFFF0] =	vst v1;
	s13 =	simm.s32 $0x0  }
.LBB2_4:
0x1a: {  	s14 =	sshll.u32 s13, $0x11  }
0x1b: {  	s14 =	sor.u32 s5, s14  }
0x1c: {  	s15 =	sadd.s32 s3, s14  }
0x1d: {  	[tilespmem:s1], [sflag:$0x1] =	stream.strided.gather [hbm4b:s15+s7], $0x8000, s8, s7, $0x38;
	[tilespmem:$0x18800] =	vst v63  }
0x1e: {  	_ =	swait.ge [sflag:s9], $0x8000  }
0x1f: {  	[sflag:s9] =	ssyncset.done $0x0  }
0x20: {  	s30 =	simm.s32 $0x20;
	[sflag:s9] =	ssyncadd.s32 $0xFFFF8000  }
0x21: {  	v9 =	vld [tilespmem:s30+$0x10]  }
0x22: {  	v11 =	vld [tilespmem:s30+$0xFFFFFFF0]  }
0x23: {  	v12 =	vld [tilespmem:s30+$0x0]  }
0x24: {  	v13 =	vld [tilespmem:s30+$0xFFFFFFE0];
	_ =	sdelay $0x2  }
0x25: {  	v10 =	vshra.s32 v9, $0x1F  }
0x26: {  	s31 =	simm.s32 $0x60;
	v14 =	vshra.s32 v11, $0x1F;
	v15 =	vshra.s32 v12, $0x1F;
	v10 =	vxor.u32 v10, v0  }
0x27: {  	v17 =	vld [tilespmem:s31+$0x10];
	v16 =	vshra.s32 v13, $0x1F;
	v14 =	vxor.u32 v14, v0;
	v9 =	vxor.u32 v9, v10  }
0x28: {  	v16 =	vxor.u32 v16, v0;
	v14 =	vxor.u32 v11, v14;
	v9 =	vand.u32 $0x7FF, v9  }
0x29: {  	v10 =	vld [tilespmem:s31+$0xFFFFFFF0];
	v13 =	vxor.u32 v13, v16;
	v18 =	vor.u32 v3, v9;
	v9 =	vxor.u32 v15, v0  }
0x2a: {  	v11 =	vld [tilespmem:s31+$0x0];
	v14 =	vand.u32 $0x7FF, v14;
	v13 =	vand.u32 $0x7FF, v13;
	v12 =	vxor.u32 v12, v9  }
0x2b: {  	v9 =	vor.u32 v3, v14;
	v14 =	vand.u32 $0x7FF, v12;
	v12 =	vor.u32 v3, v13;
	v13 =	vld [tilespmem:s31+$0xFFFFFFE0]  }
0x2c: {  	v15 =	vshra.s32 v17, $0x1F  }
0x2d: {  	v19 =	vxor.u32 v15, v0  }
0x2e: {  	s16 =	simm.s32 $0x10800;
	v17 =	vxor.u32 v17, v19;
	v16 =	vshra.s32 v10, $0x1F  }
0x2f: {  	s17 =	simm.s32 $0x4;
	s18 =	simm.s32 $0xA0;
	s15 =	simm.s32 $0x10800;
	v14 =	vor.u32 v3, v14;
	v15 =	vxor.u32 v16, v0;
	v16 =	vshra.s32 v11, $0x1F;
	[tilespmem:v18+s16+$0x0] =	vst.idx.add.s32.msk $0xffff, v4  }
.LBB2_5:
0x30: {  	v18 =	vld [tilespmem:s18+$0x10];
	s17 =	sadd.s32 $0x4, s17;
	v19 =	vshra.s32 v13, $0x1F;
	v16 =	vxor.u32 v16, v0;
	v17 =	vand.u32 $0x7FF, v17;
	v20 =	vmovc v14  }
0x31: {  	v15 =	vxor.u32 v10, v15;
	p0 =	slt.u32 s17, $0x7FC;
	v14 =	vxor.u32 v19, v0;
	v10 =	vld [tilespmem:s18+$0xFFFFFFF0];
	v17 =	vor.u32 v3, v17  }
0x32: {  	v15 =	vand.u32 $0x7FF, v15;
	v16 =	vxor.u32 v11, v16;
	v14 =	vxor.u32 v13, v14;
	v11 =	vld [tilespmem:s18+$0x0]  }
.Ltmp3:
0x33: {  	v15 =	vor.u32 v3, v15;
	v13 =	vld [tilespmem:s18+$0xFFFFFFE0];
	v19 =	vand.u32 $0x7FF, v14;
	v14 =	vand.u32 $0x7FF, v16;
	(pc) =	sbr.rel @p0 .LBB2_5-.Ltmp3, $4  }
0x34: {  	v14 =	vor.u32 v3, v14;
	[tilespmem:v12+s15+$0x0] =	vst.idx.add.s32.msk $0xffff, v4;
	v12 =	vor.u32 v3, v19  }
0x35: {  	v16 =	vshra.s32 v18, $0x1F;
	[tilespmem:v9+s15+$0x0] =	vst.idx.add.s32.msk $0xffff, v4;
	v9 =	vmov v15  }
0x36: {  	v15 =	vshra.s32 v10, $0x1F;
	v19 =	vxor.u32 v16, v0;
	[tilespmem:v17+s16+$0x0] =	vst.idx.add.s32.msk $0xffff, v4  }
0x37: {  	s18 =	sadd.s32 $0x40, s18;
	v15 =	vxor.u32 v15, v0;
	v16 =	vshra.s32 v11, $0x1F;
	v17 =	vxor.u32 v18, v19;
	[tilespmem:v20+s15+$0x0] =	vst.idx.add.s32.msk $0xffff, v4;
	s15 =	smov.u32 s16  }
0x38: {  	v18 =	vshra.s32 v13, $0x1F;
	v17 =	vand.u32 $0x7FF, v17  }
0x39: {  	v16 =	vxor.u32 v16, v0;
	v10 =	vxor.u32 v10, v15;
	v18 =	vxor.u32 v18, v0  }
0x3a: {  	v17 =	vor.u32 v3, v17;
	v10 =	vand.u32 $0x7FF, v10;
	v11 =	vxor.u32 v11, v16  }
0x3b: {  	v13 =	vxor.u32 v13, v18;
	v10 =	vor.u32 v3, v10;
	v11 =	vand.u32 $0x7FF, v11  }
0x3c: {  	[tilespmem:v12+s15+$0x0] =	vst.idx.add.s32.msk $0xffff, v4;
	v13 =	vand.u32 $0x7FF, v13;
	v11 =	vor.u32 v3, v11  }
0x3d: {  	[tilespmem:v9+s15+$0x0] =	vst.idx.add.s32.msk $0xffff, v4;
	v13 =	vor.u32 v3, v13  }
0x3e: {  	s16 =	simm.s32 $0x10800;
	[tilespmem:v14+s15+$0x0] =	vst.idx.add.s32.msk $0xffff, v4  }
0x3f: {  	[tilespmem:v17+s16+$0x0] =	vst.idx.add.s32.msk $0xffff, v4  }
0x40: {  	[tilespmem:v10+s16+$0x0] =	vst.idx.add.s32.msk $0xffff, v4  }
0x41: {  	[tilespmem:v11+s16+$0x0] =	vst.idx.add.s32.msk $0xffff, v4  }
0x42: {  	s15 =	simm.s32 $0x0;
	[tilespmem:v13+s16+$0x0] =	vst.idx.add.s32.msk $0xffff, v4  }
0x43: {  	v9 =	vld [tilespmem:s16+$0x0];
	[tilespmem:s16+$0x0] =	vst v1;
	s16 =	sand.u32 $0x7F0, s15  }
0x44: {  	v11 =	vld [tilespmem:s16+$0x11000]  }
0x45: {  	[tilespmem:s16+$0x11000] =	vst v1;
	v12 =	vld [tilespmem:s16+$0x11800]  }
0x46: {  	[tilespmem:s16+$0x11800] =	vst v1;
	v13 =	vld [tilespmem:s16+$0x12000]  }
0x47: {  	[tilespmem:s16+$0x12000] =	vst v1;
	v14 =	vld [tilespmem:s16+$0x12800]  }
0x48: {  	[tilespmem:s16+$0x12800] =	vst v1;
	v15 =	vld [tilespmem:s16+$0x13000]  }
0x49: {  	[tilespmem:s16+$0x13000] =	vst v1;
	v63 =	vld [tilespmem:s16+$0x13800];
	v11 =	vadd.s32 v9, v11  }
0x4a: {  	p1 =	por $0x1, $0x1;
	[tilespmem:s16+$0x13800] =	vst v1;
	v17 =	vld [tilespmem:s16+$0x14000];
	v11 =	vadd.s32 v12, v11  }
.Ltmp4:
0x4b: {  	[tilespmem:s16+$0x14000] =	vst v1;
	v10 =	vld [tilespmem:s16+$0x14800];
	v12 =	vadd.s32 v13, v11;
	(pc) =	sbr.rel @!p1 .LBB2_7-.Ltmp4, $4  }
0x4c: {  	[tilespmem:s16+$0x14800] =	vst v1;
	v9 =	vld [tilespmem:s16+$0x15000];
	v12 =	vadd.s32 v14, v12  }
0x4d: {  	[tilespmem:s16+$0x15000] =	vst v1;
	v11 =	vld [tilespmem:s16+$0x15800];
	v13 =	vadd.s32 v15, v12  }
0x4e: {  	[tilespmem:s16+$0x15800] =	vst v1;
	v12 =	vld [tilespmem:s16+$0x16000];
	v13 =	vadd.s32 v63, v13  }
0x4f: {  	s17 =	simm.s32 $0x10000;
	s19 =	simm.s32 $0x10;
	p0 =	por $0x0, $0x0;
	[tilespmem:s16+$0x16000] =	vst v1;
	v14 =	vadd.s32 v17, v13;
	v13 =	vld [tilespmem:s16+$0x16800]  }
0x50: {  	v15 =	vld [tilespmem:s16+$0x17000];
	v10 =	vadd.s32 v10, v14  }
0x51: {  	v14 =	vld [tilespmem:s16+$0x17800];
	v9 =	vadd.s32 v9, v10  }
0x52: {  	v10 =	vld [tilespmem:s16+$0x18000];
	v9 =	vadd.s32 v11, v9  }
0x53: {  	v9 =	vadd.s32 v12, v9  }
0x54: {  	v9 =	vadd.s32 v13, v9  }
0x55: {  	v9 =	vadd.s32 v15, v9  }
0x56: {  	v9 =	vadd.s32 v14, v9  }
0x57: {  	v9 =	vadd.s32 v10, v9  }
0x58: {  	(xrf0) =	vadd.scan.msk.s32 $0xffff, v9;
	_ =	sdelay $0x4  }
0x59: {  	[tilespmem:s16+$0x17000] =	vst v1  }
0x5a: {  	[tilespmem:s16+$0x17800] =	vst v1;
	v10, _, _ =	vpop (xrf0)  }
0x5b: {  	[tilespmem:s16+$0x16800] =	vst v1;
	v9 =	vsub.s32 s15, v9;
	(v2sf) =	vpush v10, $0xF  }
0x5c: {  	[tilespmem:s16+$0x18000] =	vst v1;
	v9 =	vadd.s32 v10, v9  }
0x5d: {  	s18 =	simm.s32 $0x10810;
	[tilespmem:s17+$0x0] =	vst v9  }
0x5e: {  	s16 =	sand.u32 $0x7F0, s19;
	v9 =	vld [tilespmem:s18+$0x0];
	[tilespmem:s18+$0x0] =	vst v1  }
0x5f: {  	v11 =	vld [tilespmem:s16+$0x11000]  }
0x60: {  	[tilespmem:s16+$0x11000] =	vst v1;
	v12 =	vld [tilespmem:s16+$0x11800]  }
0x61: {  	[tilespmem:s16+$0x11800] =	vst v1;
	v13 =	vld [tilespmem:s16+$0x12000]  }
0x62: {  	[tilespmem:s16+$0x12000] =	vst v1;
	v14 =	vld [tilespmem:s16+$0x12800]  }
0x63: {  	[tilespmem:s16+$0x12800] =	vst v1;
	v15 =	vld [tilespmem:s16+$0x13000]  }
0x64: {  	[tilespmem:s16+$0x13000] =	vst v1;
	v16 =	vld [tilespmem:s16+$0x13800];
	v11 =	vadd.s32 v9, v11  }
0x65: {  	p1 =	por $0x1, $0x1;
	[tilespmem:s16+$0x13800] =	vst v1;
	v17 =	vld [tilespmem:s16+$0x14000];
	v11 =	vadd.s32 v12, v11  }
.Ltmp5:
0x66: {  	[tilespmem:s16+$0x14000] =	vst v1;
	v10 =	vld [tilespmem:s16+$0x14800];
	v12 =	vadd.s32 v13, v11;
	(pc) =	sbr.rel @!p1 .LBB2_9-.Ltmp5, $4  }
0x67: {  	[tilespmem:s16+$0x14800] =	vst v1;
	v9 =	vld [tilespmem:s16+$0x15000];
	v12 =	vadd.s32 v14, v12  }
0x68: {  	[tilespmem:s16+$0x15000] =	vst v1;
	v11 =	vld [tilespmem:s16+$0x15800];
	v13 =	vadd.s32 v15, v12  }
0x69: {  	s23 =	simm.s32 $0x20;
	p0 =	por $0x1, $0x1;
	[tilespmem:s16+$0x15800] =	vst v1;
	v12 =	vld [tilespmem:s16+$0x16000];
	v13 =	vadd.s32 v16, v13  }
0x6a: {  	s20 =	simm.s32 $0x10000;
	s19 =	simm.s32 $0x0;
	[tilespmem:s16+$0x16000] =	vst v1;
	v14 =	vadd.s32 v17, v13;
	v13 =	vld [tilespmem:s16+$0x16800];
	s22 =	spop (v2sf)  }
.LBB2_10:
0x6b: {  	s19 =	sadd.s32 s19, s22  }
0x6c: {  	v10 =	vadd.s32 v10, v14;
	v14 =	vld [tilespmem:s16+$0x17000];
	s20 =	sadd.s32 $0x10, s20;
	s22 =	smov.u32 s23;
	s21 =	sadd.s32 $0x10, s23  }
0x6d: {  	p1 =	sne.s32 s23, $0x7F0;
	v9 =	vadd.s32 v9, v10;
	[tilespmem:s16+$0x17000] =	vst v1;
	v10 =	vld [tilespmem:s16+$0x17800]  }
0x6e: {  	v9 =	vadd.s32 v11, v9;
	[tilespmem:s16+$0x17800] =	vst v1;
	v11 =	vld [tilespmem:s16+$0x18000]  }
0x6f: {  	v9 =	vadd.s32 v12, v9;
	[tilespmem:s16+$0x18000] =	vst v1  }
0x70: {  	v9 =	vadd.s32 v13, v9  }
0x71: {  	v9 =	vadd.s32 v14, v9  }
0x72: {  	v9 =	vadd.s32 v10, v9  }
0x73: {  	v9 =	vadd.s32 v11, v9  }
0x74: {  	(xrf0) =	vadd.scan.msk.s32 $0xffff, v9;
	_ =	sdelay $0x5  }
0x75: {  	v9 =	vsub.s32 s19, v9;
	v10, _, _ =	vpop (xrf0)  }
0x76: {  	[tilespmem:s16+$0x16800] =	vst v1;
	v9 =	vadd.s32 v10, v9;
	(v2sf) =	vpush v10, $0xF  }
0x77: {  	s18 =	sadd.s32 $0x10, s18;
	[tilespmem:s20+$0x0] =	vst v9  }
0x78: {  	v9 =	vld [tilespmem:s18+$0x0]  }
0x79: {  	s16 =	sand.u32 $0x7F0, s22;
	[tilespmem:s18+$0x0] =	vst v1  }
0x7a: {  	v10 =	vld [tilespmem:s16+$0x11000]  }
0x7b: {  	[tilespmem:s16+$0x11000] =	vst v1;
	v11 =	vld [tilespmem:s16+$0x11800]  }
0x7c: {  	[tilespmem:s16+$0x11800] =	vst v1;
	v12 =	vld [tilespmem:s16+$0x12000]  }
0x7d: {  	[tilespmem:s16+$0x12000] =	vst v1;
	v13 =	vld [tilespmem:s16+$0x12800]  }
0x7e: {  	[tilespmem:s16+$0x12800] =	vst v1;
	v14 =	vld [tilespmem:s16+$0x13000]  }
0x7f: {  	v9 =	vadd.s32 v9, v10;
	[tilespmem:s16+$0x13000] =	vst v1;
	v15 =	vld [tilespmem:s16+$0x13800]  }
0x80: {  	v9 =	vadd.s32 v11, v9;
	[tilespmem:s16+$0x13800] =	vst v1;
	v16 =	vld [tilespmem:s16+$0x14000]  }
.Ltmp6:
0x81: {  	v9 =	vadd.s32 v12, v9;
	[tilespmem:s16+$0x14000] =	vst v1;
	v10 =	vld [tilespmem:s16+$0x14800];
	(pc) =	sbr.rel @p1 .LBB2_10-.Ltmp6, $4  }
0x82: {  	v11 =	vadd.s32 v13, v9;
	[tilespmem:s16+$0x14800] =	vst v1;
	v9 =	vld [tilespmem:s16+$0x15000]  }
0x83: {  	v12 =	vadd.s32 v14, v11;
	[tilespmem:s16+$0x15000] =	vst v1;
	v11 =	vld [tilespmem:s16+$0x15800]  }
0x84: {  	v13 =	vadd.s32 v15, v12;
	[tilespmem:s16+$0x15800] =	vst v1;
	v12 =	vld [tilespmem:s16+$0x16000]  }
0x85: {  	s23 =	smov.u32 s21;
	v14 =	vadd.s32 v16, v13;
	[tilespmem:s16+$0x16000] =	vst v1;
	v13 =	vld [tilespmem:s16+$0x16800];
	s22 =	spop (v2sf)  }
.LBB2_11:
0x86: {  	v15 =	vld [tilespmem:s16+$0x17000];
	v10 =	vadd.s32 v10, v14  }
0x87: {  	v63 =	vld [tilespmem:s16+$0x17800];
	v9 =	vadd.s32 v9, v10  }
0x88: {  	v10 =	vld [tilespmem:s16+$0x18000];
	v9 =	vadd.s32 v11, v9  }
0x89: {  	v9 =	vadd.s32 v12, v9  }
0x8a: {  	v9 =	vadd.s32 v13, v9  }
0x8b: {  	v9 =	vadd.s32 v15, v9  }
0x8c: {  	v9 =	vadd.s32 v63, v9  }
0x8d: {  	v9 =	vadd.s32 v10, v9  }
0x8e: {  	(xrf0) =	vadd.scan.msk.s32 $0xffff, v9;
	_ =	sdelay $0x5  }
0x8f: {  	v10, _, _ =	vpop (xrf0)  }
0x90: {  	(v2sf) =	vpush v10, $0xF;
	_ =	sdelay $0xa  }
0x91: {  	[tilespmem:s16+$0x17000] =	vst v1;
	s18 =	sadd.s32 @p0 s19, s22;
	s19 =	simm.s32 $0x0  }
0x92: {  	[tilespmem:s16+$0x17800] =	vst v1;
	s19 =	smov.u32 @p0 s18  }
0x93: {  	[tilespmem:s16+$0x16800] =	vst v1;
	s18 =	sadd.s32 @p0 $0x10, s20;
	v9 =	vsub.s32 s19, v9  }
0x94: {  	[tilespmem:s16+$0x18000] =	vst v1;
	s17 =	smov.u32 @p0 s18;
	v9 =	vadd.s32 v10, v9  }
0x95: {  	[tilespmem:s17+$0x0] =	vst v9;
	s31 =	spop (v2sf)  }
.LBB2_12:
0x96: {  	s16 =	sshra.s32 s15, $0x2  }
0x97: {  	v9 =	vld [tilespmem:s16+$0x0];
	_ =	sdelay $0x4  }
0x98: {  	v10 =	vshra.s32 v9, $0x1F  }
0x99: {  	v10 =	vxor.u32 v10, v0  }
0x9a: {  	v10 =	vxor.u32 v9, v10  }
0x9b: {  	v10 =	vshll.u32 v10, $0x4  }
0x9c: {  	v10 =	vand.u32 $0x7FF0, v10  }
0x9d: {  	v10 =	vor.u32 v5, v10  }
0x9e: {  	(xrf1) =	vsort.ascd.msk.u32 $0xffff, v10, v2;
	_ =	sdelay $0xd  }
0x9f: {  	v10, v11, _ =	vpop (xrf1)  }
0xa0: {  	v10 =	vshrl.u32 v10, $0x4  }
0xa1: {  	v12 =	vxor.u32 $0x8000000, v10  }
0xa2: {  	v13 =	vperm.xlane v12, v6  }
0xa3: {  	v10 =	vand.u32 $0x7F, v10;
	v14 =	vand.u32 $0xFFFFF80, v12  }
0xa4: {  	v10 =	vor.u32 v10, v14;
	vm1 =	veq.s32 v12, v13  }
0xa5: {  	v13 =	vsel vm1, $0x80000000, v5  }
0xa6: {  	(xrf0) =	vmax.scan.msk.u32 $0xffff, v13;
	_ =	sdelay $0x2  }
0xa7: {  	v43 =	vld.idx.msk [tilespmem:v10+s10+$0x0], $0xffff  }
0xa8: {  	v44 =	vperm.xlane v12, v7;
	_ =	sdelay $0x1  }
0xa9: {  	vm1 =	vne.s32 v12, v44;
	v45, _, _ =	vpop (xrf0)  }
0xaa: {  	vm1 =	vmor vm1, vm0;
	v12 =	vxor.u32 $0x80000000, v45  }
0xab: {  	v12 =	vsub.s32 v43, v12  }
0xac: {  	v13 =	vadd.s32 v2, v12;
	_ =	sdelay $0x2  }
0xad: {  	v9 =	vperm.xlane v9, v11;
	v12 =	vadd.s32 v8, v12  }
0xae: {  	[tilespmem:v10+s10+$0x0] =	vst.idx.msk vm1, v12  }
0xaf: {  	[tilespmem:v13+s11+$0x0] =	vst.idx.msk $0xffff, v9  }
0xb0: {  	v9 =	vld [tilespmem:s16+$0x10];
	_ =	sdelay $0x4  }
0xb1: {  	v10 =	vshra.s32 v9, $0x1F  }
0xb2: {  	v10 =	vxor.u32 v10, v0  }
0xb3: {  	v10 =	vxor.u32 v9, v10  }
0xb4: {  	v10 =	vshll.u32 v10, $0x4  }
0xb5: {  	v10 =	vand.u32 $0x7FF0, v10  }
0xb6: {  	v10 =	vor.u32 v5, v10  }
0xb7: {  	(xrf1) =	vsort.ascd.msk.u32 $0xffff, v10, v2;
	_ =	sdelay $0xd  }
0xb8: {  	v10, v11, _ =	vpop (xrf1)  }
0xb9: {  	v10 =	vshrl.u32 v10, $0x4  }
0xba: {  	v46 =	vxor.u32 $0x8000000, v10  }
0xbb: {  	v47 =	vperm.xlane v46, v6  }
0xbc: {  	v10 =	vand.u32 $0x7F, v10;
	v48 =	vand.u32 $0xFFFFF80, v46  }
0xbd: {  	v10 =	vor.u32 v10, v48;
	vm1 =	veq.s32 v46, v47  }
0xbe: {  	v13 =	vsel vm1, $0x80000000, v5  }
0xbf: {  	(xrf0) =	vmax.scan.msk.u32 $0xffff, v13;
	_ =	sdelay $0x2  }
0xc0: {  	v49 =	vld.idx.msk [tilespmem:v10+s10+$0x0], $0xffff  }
0xc1: {  	v50 =	vperm.xlane v46, v7;
	_ =	sdelay $0x1  }
0xc2: {  	vm1 =	vne.s32 v46, v50;
	v51, _, _ =	vpop (xrf0)  }
0xc3: {  	vm1 =	vmor vm1, vm0;
	v12 =	vxor.u32 $0x80000000, v51  }
0xc4: {  	v12 =	vsub.s32 v49, v12  }
0xc5: {  	v13 =	vadd.s32 v2, v12;
	_ =	sdelay $0x2  }
0xc6: {  	v9 =	vperm.xlane v9, v11;
	v12 =	vadd.s32 v8, v12  }
0xc7: {  	[tilespmem:v10+s10+$0x0] =	vst.idx.msk vm1, v12  }
0xc8: {  	[tilespmem:v13+s11+$0x0] =	vst.idx.msk $0xffff, v9  }
0xc9: {  	v9 =	vld [tilespmem:s16+$0x20];
	_ =	sdelay $0x4  }
0xca: {  	v10 =	vshra.s32 v9, $0x1F  }
0xcb: {  	v10 =	vxor.u32 v10, v0  }
0xcc: {  	v10 =	vxor.u32 v9, v10  }
0xcd: {  	v10 =	vshll.u32 v10, $0x4  }
0xce: {  	v10 =	vand.u32 $0x7FF0, v10  }
0xcf: {  	v10 =	vor.u32 v5, v10  }
0xd0: {  	(xrf1) =	vsort.ascd.msk.u32 $0xffff, v10, v2;
	_ =	sdelay $0xd  }
0xd1: {  	v10, v11, _ =	vpop (xrf1)  }
0xd2: {  	v10 =	vshrl.u32 v10, $0x4  }
0xd3: {  	v52 =	vxor.u32 $0x8000000, v10  }
0xd4: {  	v53 =	vperm.xlane v52, v6  }
0xd5: {  	v10 =	vand.u32 $0x7F, v10;
	v54 =	vand.u32 $0xFFFFF80, v52  }
0xd6: {  	v10 =	vor.u32 v10, v54;
	vm1 =	veq.s32 v52, v53  }
0xd7: {  	v13 =	vsel vm1, $0x80000000, v5  }
0xd8: {  	(xrf0) =	vmax.scan.msk.u32 $0xffff, v13;
	_ =	sdelay $0x2  }
0xd9: {  	v55 =	vld.idx.msk [tilespmem:v10+s10+$0x0], $0xffff  }
0xda: {  	v56 =	vperm.xlane v52, v7;
	_ =	sdelay $0x1  }
0xdb: {  	vm1 =	vne.s32 v52, v56;
	v57, _, _ =	vpop (xrf0)  }
0xdc: {  	vm1 =	vmor vm1, vm0;
	v12 =	vxor.u32 $0x80000000, v57  }
0xdd: {  	v12 =	vsub.s32 v55, v12  }
0xde: {  	v13 =	vadd.s32 v2, v12;
	_ =	sdelay $0x2  }
0xdf: {  	v9 =	vperm.xlane v9, v11;
	v12 =	vadd.s32 v8, v12  }
0xe0: {  	[tilespmem:v10+s10+$0x0] =	vst.idx.msk vm1, v12  }
0xe1: {  	[tilespmem:v13+s11+$0x0] =	vst.idx.msk $0xffff, v9  }
0xe2: {  	v9 =	vld [tilespmem:s16+$0x30];
	_ =	sdelay $0x4  }
0xe3: {  	v10 =	vshra.s32 v9, $0x1F  }
0xe4: {  	v10 =	vxor.u32 v10, v0  }
0xe5: {  	v10 =	vxor.u32 v9, v10  }
0xe6: {  	v10 =	vshll.u32 v10, $0x4  }
0xe7: {  	v10 =	vand.u32 $0x7FF0, v10  }
0xe8: {  	v10 =	vor.u32 v5, v10  }
0xe9: {  	(xrf1) =	vsort.ascd.msk.u32 $0xffff, v10, v2;
	_ =	sdelay $0xd  }
0xea: {  	v10, v11, _ =	vpop (xrf1)  }
0xeb: {  	v10 =	vshrl.u32 v10, $0x4  }
0xec: {  	v58 =	vxor.u32 $0x8000000, v10  }
0xed: {  	v59 =	vperm.xlane v58, v6  }
0xee: {  	v10 =	vand.u32 $0x7F, v10;
	v60 =	vand.u32 $0xFFFFF80, v58  }
0xef: {  	v10 =	vor.u32 v10, v60;
	vm1 =	veq.s32 v58, v59  }
0xf0: {  	v13 =	vsel vm1, $0x80000000, v5  }
0xf1: {  	(xrf0) =	vmax.scan.msk.u32 $0xffff, v13;
	_ =	sdelay $0x2  }
0xf2: {  	v61 =	vld.idx.msk [tilespmem:v10+s10+$0x0], $0xffff  }
0xf3: {  	v62 =	vperm.xlane v58, v7;
	_ =	sdelay $0x1  }
0xf4: {  	vm1 =	vne.s32 v58, v62;
	v63, _, _ =	vpop (xrf0)  }
0xf5: {  	vm1 =	vmor vm1, vm0;
	v12 =	vxor.u32 $0x80000000, v63  }
0xf6: {  	v12 =	vsub.s32 v61, v12  }
0xf7: {  	p0 =	sne.s32 s15, $0x1FF00;
	v13 =	vadd.s32 v2, v12  }
.Ltmp7:
0xf8: {  	_ = 	snop;
	(pc) =	sbr.rel @p0 .LBB2_12-.Ltmp7, $4  }
0xf9: {  	_ = 	snop  }
0xfa: {  	v9 =	vperm.xlane v9, v11;
	v12 =	vadd.s32 v8, v12  }
0xfb: {  	[tilespmem:v10+s10+$0x0] =	vst.idx.msk vm1, v12  }
0xfc: {  	s15 =	sadd.s32 $0x100, s15;
	[tilespmem:v13+s11+$0x0] =	vst.idx.msk $0xffff, v9  }
0xfd: {  	s15 =	simm.s32 $0x8020  }
0xfe: {  	v9 =	vld [tilespmem:s15+$0x10]  }
0xff: {  	v10 =	vld [tilespmem:s15+$0xFFFFFFF0]  }
0x100: {  	v11 =	vld [tilespmem:s15+$0x0];
	_ =	sdelay $0x1  }
0x101: {  	v12 =	vld [tilespmem:s15+$0xFFFFFFE0];
	_ =	sdelay $0x2  }
0x102: {  	v13 =	vshra.s32 v9, $0x1F;
	v14 =	vshra.s32 v10, $0x1F;
	v15 =	vshra.s32 v11, $0x1F  }
0x103: {  	s31 =	simm.s32 $0x8060;
	v13 =	vxor.u32 v13, v0;
	v14 =	vxor.u32 v14, v0;
	v15 =	vxor.u32 v15, v0  }
0x104: {  	v16 =	vld [tilespmem:s31+$0x10];
	v9 =	vxor.u32 v9, v13;
	v13 =	vshra.s32 v12, $0x1F;
	v14 =	vxor.u32 v10, v14  }
0x105: {  	v11 =	vxor.u32 v11, v15;
	v17 =	vshrl.u32 v9, $0xB;
	v13 =	vxor.u32 v13, v0  }
0x106: {  	v9 =	vld [tilespmem:s31+$0xFFFFFFF0];
	v17 =	vand.u32 $0x7FF, v17;
	v12 =	vxor.u32 v12, v13;
	v13 =	vshrl.u32 v14, $0xB  }
0x107: {  	v10 =	vld [tilespmem:s31+$0x0];
	v11 =	vshrl.u32 v11, $0xB;
	v18 =	vor.u32 v3, v17;
	v14 =	vand.u32 $0x7FF, v13  }
0x108: {  	v15 =	vand.u32 $0x7FF, v11;
	v11 =	vor.u32 v3, v14;
	v14 =	vld [tilespmem:s31+$0xFFFFFFE0]  }
0x109: {  	v12 =	vshrl.u32 v12, $0xB;
	v17 =	vshra.s32 v16, $0x1F  }
0x10a: {  	v12 =	vand.u32 $0x7FF, v12;
	v20 =	vxor.u32 v17, v0  }
0x10b: {  	s15 =	simm.s32 $0x10800;
	v13 =	vor.u32 v3, v12;
	v12 =	vor.u32 v3, v15;
	v19 =	vshra.s32 v9, $0x1F  }
0x10c: {  	s16 =	simm.s32 $0x4;
	s17 =	simm.s32 $0x80A0;
	v17 =	vshra.s32 v10, $0x1F;
	v16 =	vxor.u32 v16, v20;
	v15 =	vxor.u32 v19, v0;
	[tilespmem:v18+s15+$0x0] =	vst.idx.add.s32.msk $0xffff, v4  }
.LBB2_14:
0x10d: {  	v18 =	vld [tilespmem:s17+$0x10];
	s16 =	sadd.s32 $0x4, s16;
	v19 =	vshra.s32 v14, $0x1F;
	v17 =	vxor.u32 v17, v0;
	v16 =	vshrl.u32 v16, $0xB  }
0x10e: {  	v15 =	vxor.u32 v9, v15;
	p0 =	slt.u32 s16, $0x7FC;
	v19 =	vxor.u32 v19, v0;
	v9 =	vld [tilespmem:s17+$0xFFFFFFF0];
	v16 =	vand.u32 $0x7FF, v16  }
0x10f: {  	v17 =	vxor.u32 v10, v17;
	v19 =	vxor.u32 v14, v19;
	v10 =	vld [tilespmem:s17+$0x0];
	v20 =	vor.u32 v3, v16  }
.Ltmp8:
0x110: {  	v15 =	vshrl.u32 v15, $0xB;
	v17 =	vshrl.u32 v17, $0xB;
	v14 =	vld [tilespmem:s17+$0xFFFFFFE0];
	v16 =	vshrl.u32 v19, $0xB;
	(pc) =	sbr.rel @p0 .LBB2_14-.Ltmp8, $4  }
0x111: {  	v15 =	vand.u32 $0x7FF, v15;
	v17 =	vand.u32 $0x7FF, v17;
	v16 =	vand.u32 $0x7FF, v16;
	[tilespmem:v13+s15+$0x0] =	vst.idx.add.s32.msk $0xffff, v4  }
0x112: {  	v19 =	vshra.s32 v18, $0x1F;
	v13 =	vor.u32 v3, v16;
	[tilespmem:v11+s15+$0x0] =	vst.idx.add.s32.msk $0xffff, v4;
	v11 =	vor.u32 v3, v15  }
0x113: {  	v15 =	vshra.s32 v9, $0x1F;
	v16 =	vxor.u32 v19, v0;
	[tilespmem:v12+s15+$0x0] =	vst.idx.add.s32.msk $0xffff, v4;
	v12 =	vor.u32 v3, v17  }
0x114: {  	s17 =	sadd.s32 $0x40, s17;
	v15 =	vxor.u32 v15, v0;
	v17 =	vshra.s32 v10, $0x1F;
	v16 =	vxor.u32 v18, v16;
	[tilespmem:v20+s15+$0x0] =	vst.idx.add.s32.msk $0xffff, v4  }
0x115: {  	v18 =	vshra.s32 v14, $0x1F;
	v17 =	vxor.u32 v17, v0;
	v16 =	vshrl.u32 v16, $0xB  }
0x116: {  	v9 =	vxor.u32 v9, v15;
	v18 =	vxor.u32 v18, v0;
	v15 =	vand.u32 $0x7FF, v16  }
0x117: {  	v10 =	vxor.u32 v10, v17;
	v9 =	vshrl.u32 v9, $0xB;
	v14 =	vxor.u32 v14, v18  }
0x118: {  	v15 =	vor.u32 v3, v15;
	v10 =	vshrl.u32 v10, $0xB;
	v9 =	vand.u32 $0x7FF, v9  }
0x119: {  	v14 =	vshrl.u32 v14, $0xB;
	v10 =	vand.u32 $0x7FF, v10;
	v9 =	vor.u32 v3, v9  }
0x11a: {  	[tilespmem:v13+s15+$0x0] =	vst.idx.add.s32.msk $0xffff, v4;
	v14 =	vand.u32 $0x7FF, v14;
	v10 =	vor.u32 v3, v10  }
0x11b: {  	[tilespmem:v11+s15+$0x0] =	vst.idx.add.s32.msk $0xffff, v4;
	v14 =	vor.u32 v3, v14  }
0x11c: {  	s16 =	simm.s32 $0x10800;
	[tilespmem:v12+s15+$0x0] =	vst.idx.add.s32.msk $0xffff, v4  }
0x11d: {  	[tilespmem:v15+s16+$0x0] =	vst.idx.add.s32.msk $0xffff, v4  }
0x11e: {  	[tilespmem:v9+s16+$0x0] =	vst.idx.add.s32.msk $0xffff, v4  }
0x11f: {  	[tilespmem:v10+s16+$0x0] =	vst.idx.add.s32.msk $0xffff, v4  }
0x120: {  	s15 =	simm.s32 $0x0;
	[tilespmem:v14+s16+$0x0] =	vst.idx.add.s32.msk $0xffff, v4  }
0x121: {  	v9 =	vld [tilespmem:s16+$0x0];
	[tilespmem:s16+$0x0] =	vst v1;
	s16 =	sand.u32 $0x7F0, s15  }
0x122: {  	v11 =	vld [tilespmem:s16+$0x11000]  }
0x123: {  	[tilespmem:s16+$0x11000] =	vst v1;
	v12 =	vld [tilespmem:s16+$0x11800]  }
0x124: {  	[tilespmem:s16+$0x11800] =	vst v1;
	v13 =	vld [tilespmem:s16+$0x12000]  }
0x125: {  	[tilespmem:s16+$0x12000] =	vst v1;
	v14 =	vld [tilespmem:s16+$0x12800]  }
0x126: {  	[tilespmem:s16+$0x12800] =	vst v1;
	v15 =	vld [tilespmem:s16+$0x13000]  }
0x127: {  	[tilespmem:s16+$0x13000] =	vst v1;
	v62 =	vld [tilespmem:s16+$0x13800];
	v11 =	vadd.s32 v9, v11  }
0x128: {  	p1 =	por $0x1, $0x1;
	[tilespmem:s16+$0x13800] =	vst v1;
	v63 =	vld [tilespmem:s16+$0x14000];
	v11 =	vadd.s32 v12, v11  }
.Ltmp9:
0x129: {  	[tilespmem:s16+$0x14000] =	vst v1;
	v10 =	vld [tilespmem:s16+$0x14800];
	v12 =	vadd.s32 v13, v11;
	(pc) =	sbr.rel @!p1 .LBB2_16-.Ltmp9, $4  }
0x12a: {  	[tilespmem:s16+$0x14800] =	vst v1;
	v9 =	vld [tilespmem:s16+$0x15000];
	v12 =	vadd.s32 v14, v12  }
0x12b: {  	[tilespmem:s16+$0x15000] =	vst v1;
	v11 =	vld [tilespmem:s16+$0x15800];
	v13 =	vadd.s32 v15, v12  }
0x12c: {  	[tilespmem:s16+$0x15800] =	vst v1;
	v12 =	vld [tilespmem:s16+$0x16000];
	v13 =	vadd.s32 v62, v13  }
0x12d: {  	s17 =	simm.s32 $0x10000;
	s19 =	simm.s32 $0x10;
	p0 =	por $0x0, $0x0;
	[tilespmem:s16+$0x16000] =	vst v1;
	v14 =	vadd.s32 v63, v13;
	v13 =	vld [tilespmem:s16+$0x16800]  }
0x12e: {  	v15 =	vld [tilespmem:s16+$0x17000];
	v10 =	vadd.s32 v10, v14  }
0x12f: {  	v14 =	vld [tilespmem:s16+$0x17800];
	v9 =	vadd.s32 v9, v10  }
0x130: {  	v10 =	vld [tilespmem:s16+$0x18000];
	v9 =	vadd.s32 v11, v9  }
0x131: {  	v9 =	vadd.s32 v12, v9  }
0x132: {  	v9 =	vadd.s32 v13, v9  }
0x133: {  	v9 =	vadd.s32 v15, v9  }
0x134: {  	v9 =	vadd.s32 v14, v9  }
0x135: {  	v9 =	vadd.s32 v10, v9  }
0x136: {  	(xrf0) =	vadd.scan.msk.s32 $0xffff, v9;
	_ =	sdelay $0x4  }
0x137: {  	[tilespmem:s16+$0x17000] =	vst v1  }
0x138: {  	[tilespmem:s16+$0x17800] =	vst v1;
	v10, _, _ =	vpop (xrf0)  }
0x139: {  	[tilespmem:s16+$0x16800] =	vst v1;
	v9 =	vsub.s32 s15, v9;
	(v2sf) =	vpush v10, $0xF  }
0x13a: {  	[tilespmem:s16+$0x18000] =	vst v1;
	v9 =	vadd.s32 v10, v9  }
0x13b: {  	s18 =	simm.s32 $0x10810;
	[tilespmem:s17+$0x0] =	vst v9  }
0x13c: {  	s16 =	sand.u32 $0x7F0, s19;
	v9 =	vld [tilespmem:s18+$0x0];
	[tilespmem:s18+$0x0] =	vst v1  }
0x13d: {  	v11 =	vld [tilespmem:s16+$0x11000]  }
0x13e: {  	[tilespmem:s16+$0x11000] =	vst v1;
	v12 =	vld [tilespmem:s16+$0x11800]  }
0x13f: {  	[tilespmem:s16+$0x11800] =	vst v1;
	v13 =	vld [tilespmem:s16+$0x12000]  }
0x140: {  	[tilespmem:s16+$0x12000] =	vst v1;
	v14 =	vld [tilespmem:s16+$0x12800]  }
0x141: {  	[tilespmem:s16+$0x12800] =	vst v1;
	v15 =	vld [tilespmem:s16+$0x13000]  }
0x142: {  	[tilespmem:s16+$0x13000] =	vst v1;
	v16 =	vld [tilespmem:s16+$0x13800];
	v11 =	vadd.s32 v9, v11  }
0x143: {  	p1 =	por $0x1, $0x1;
	[tilespmem:s16+$0x13800] =	vst v1;
	v17 =	vld [tilespmem:s16+$0x14000];
	v11 =	vadd.s32 v12, v11  }
.Ltmp10:
0x144: {  	[tilespmem:s16+$0x14000] =	vst v1;
	v10 =	vld [tilespmem:s16+$0x14800];
	v12 =	vadd.s32 v13, v11;
	(pc) =	sbr.rel @!p1 .LBB2_18-.Ltmp10, $4  }
0x145: {  	[tilespmem:s16+$0x14800] =	vst v1;
	v9 =	vld [tilespmem:s16+$0x15000];
	v12 =	vadd.s32 v14, v12  }
0x146: {  	[tilespmem:s16+$0x15000] =	vst v1;
	v11 =	vld [tilespmem:s16+$0x15800];
	v13 =	vadd.s32 v15, v12  }
0x147: {  	s23 =	simm.s32 $0x20;
	p0 =	por $0x1, $0x1;
	[tilespmem:s16+$0x15800] =	vst v1;
	v12 =	vld [tilespmem:s16+$0x16000];
	v13 =	vadd.s32 v16, v13  }
0x148: {  	s20 =	simm.s32 $0x10000;
	s19 =	simm.s32 $0x0;
	[tilespmem:s16+$0x16000] =	vst v1;
	v14 =	vadd.s32 v17, v13;
	v13 =	vld [tilespmem:s16+$0x16800];
	s22 =	spop (v2sf)  }
.LBB2_19:
0x149: {  	s19 =	sadd.s32 s19, s22  }
0x14a: {  	v10 =	vadd.s32 v10, v14;
	v14 =	vld [tilespmem:s16+$0x17000];
	s20 =	sadd.s32 $0x10, s20;
	s22 =	smov.u32 s23;
	s21 =	sadd.s32 $0x10, s23  }
0x14b: {  	p1 =	sne.s32 s23, $0x7F0;
	v9 =	vadd.s32 v9, v10;
	[tilespmem:s16+$0x17000] =	vst v1;
	v10 =	vld [tilespmem:s16+$0x17800]  }
0x14c: {  	v9 =	vadd.s32 v11, v9;
	[tilespmem:s16+$0x17800] =	vst v1;
	v11 =	vld [tilespmem:s16+$0x18000]  }
0x14d: {  	v9 =	vadd.s32 v12, v9;
	[tilespmem:s16+$0x18000] =	vst v1  }
0x14e: {  	v9 =	vadd.s32 v13, v9  }
0x14f: {  	v9 =	vadd.s32 v14, v9  }
0x150: {  	v9 =	vadd.s32 v10, v9  }
0x151: {  	v9 =	vadd.s32 v11, v9  }
0x152: {  	(xrf0) =	vadd.scan.msk.s32 $0xffff, v9;
	_ =	sdelay $0x5  }
0x153: {  	v9 =	vsub.s32 s19, v9;
	v10, _, _ =	vpop (xrf0)  }
0x154: {  	[tilespmem:s16+$0x16800] =	vst v1;
	v9 =	vadd.s32 v10, v9;
	(v2sf) =	vpush v10, $0xF  }
0x155: {  	s18 =	sadd.s32 $0x10, s18;
	[tilespmem:s20+$0x0] =	vst v9  }
0x156: {  	v9 =	vld [tilespmem:s18+$0x0]  }
0x157: {  	s16 =	sand.u32 $0x7F0, s22;
	[tilespmem:s18+$0x0] =	vst v1  }
0x158: {  	v10 =	vld [tilespmem:s16+$0x11000]  }
0x159: {  	[tilespmem:s16+$0x11000] =	vst v1;
	v11 =	vld [tilespmem:s16+$0x11800]  }
0x15a: {  	[tilespmem:s16+$0x11800] =	vst v1;
	v12 =	vld [tilespmem:s16+$0x12000]  }
0x15b: {  	[tilespmem:s16+$0x12000] =	vst v1;
	v13 =	vld [tilespmem:s16+$0x12800]  }
0x15c: {  	[tilespmem:s16+$0x12800] =	vst v1;
	v14 =	vld [tilespmem:s16+$0x13000]  }
0x15d: {  	v9 =	vadd.s32 v9, v10;
	[tilespmem:s16+$0x13000] =	vst v1;
	v15 =	vld [tilespmem:s16+$0x13800]  }
0x15e: {  	v9 =	vadd.s32 v11, v9;
	[tilespmem:s16+$0x13800] =	vst v1;
	v16 =	vld [tilespmem:s16+$0x14000]  }
.Ltmp11:
0x15f: {  	v9 =	vadd.s32 v12, v9;
	[tilespmem:s16+$0x14000] =	vst v1;
	v10 =	vld [tilespmem:s16+$0x14800];
	(pc) =	sbr.rel @p1 .LBB2_19-.Ltmp11, $4  }
0x160: {  	v11 =	vadd.s32 v13, v9;
	[tilespmem:s16+$0x14800] =	vst v1;
	v9 =	vld [tilespmem:s16+$0x15000]  }
0x161: {  	v12 =	vadd.s32 v14, v11;
	[tilespmem:s16+$0x15000] =	vst v1;
	v11 =	vld [tilespmem:s16+$0x15800]  }
0x162: {  	v13 =	vadd.s32 v15, v12;
	[tilespmem:s16+$0x15800] =	vst v1;
	v12 =	vld [tilespmem:s16+$0x16000]  }
0x163: {  	s23 =	smov.u32 s21;
	v14 =	vadd.s32 v16, v13;
	[tilespmem:s16+$0x16000] =	vst v1;
	v13 =	vld [tilespmem:s16+$0x16800];
	s22 =	spop (v2sf)  }
.LBB2_20:
0x164: {  	v15 =	vld [tilespmem:s16+$0x17000];
	v10 =	vadd.s32 v10, v14  }
0x165: {  	v63 =	vld [tilespmem:s16+$0x17800];
	v9 =	vadd.s32 v9, v10  }
0x166: {  	v10 =	vld [tilespmem:s16+$0x18000];
	v9 =	vadd.s32 v11, v9  }
0x167: {  	v9 =	vadd.s32 v12, v9  }
0x168: {  	v9 =	vadd.s32 v13, v9  }
0x169: {  	v9 =	vadd.s32 v15, v9  }
0x16a: {  	v9 =	vadd.s32 v63, v9  }
0x16b: {  	v9 =	vadd.s32 v10, v9  }
0x16c: {  	(xrf0) =	vadd.scan.msk.s32 $0xffff, v9;
	_ =	sdelay $0x5  }
0x16d: {  	v10, _, _ =	vpop (xrf0)  }
0x16e: {  	(v2sf) =	vpush v10, $0xF;
	_ =	sdelay $0xa  }
0x16f: {  	[tilespmem:s16+$0x17000] =	vst v1;
	s18 =	sadd.s32 @p0 s19, s22;
	s19 =	simm.s32 $0x0  }
0x170: {  	[tilespmem:s16+$0x17800] =	vst v1;
	s19 =	smov.u32 @p0 s18  }
0x171: {  	[tilespmem:s16+$0x16800] =	vst v1;
	s18 =	sadd.s32 @p0 $0x10, s20;
	v9 =	vsub.s32 s19, v9  }
0x172: {  	[tilespmem:s16+$0x18000] =	vst v1;
	s17 =	smov.u32 @p0 s18;
	v9 =	vadd.s32 v10, v9  }
0x173: {  	[tilespmem:s17+$0x0] =	vst v9;
	s31 =	spop (v2sf)  }
.LBB2_21:
0x174: {  	s16 =	sshra.s32 s15, $0x2  }
0x175: {  	v9 =	vld [tilespmem:s16+$0x8000];
	_ =	sdelay $0x4  }
0x176: {  	v10 =	vshra.s32 v9, $0x1F  }
0x177: {  	v10 =	vxor.u32 v10, v0  }
0x178: {  	v10 =	vxor.u32 v9, v10  }
0x179: {  	v10 =	vshrl.u32 v10, $0x7  }
0x17a: {  	v10 =	vand.u32 $0x7FF0, v10  }
0x17b: {  	v10 =	vor.u32 v5, v10  }
0x17c: {  	(xrf1) =	vsort.ascd.msk.u32 $0xffff, v10, v2;
	_ =	sdelay $0xd  }
0x17d: {  	v10, v11, _ =	vpop (xrf1)  }
0x17e: {  	v10 =	vshrl.u32 v10, $0x4  }
0x17f: {  	v12 =	vxor.u32 $0x8000000, v10  }
0x180: {  	v13 =	vperm.xlane v12, v6  }
0x181: {  	v10 =	vand.u32 $0x7F, v10;
	v14 =	vand.u32 $0xFFFFF80, v12  }
0x182: {  	v10 =	vor.u32 v10, v14;
	vm1 =	veq.s32 v12, v13  }
0x183: {  	v13 =	vsel vm1, $0x80000000, v5  }
0x184: {  	(xrf0) =	vmax.scan.msk.u32 $0xffff, v13;
	_ =	sdelay $0x2  }
0x185: {  	v43 =	vld.idx.msk [tilespmem:v10+s10+$0x0], $0xffff  }
0x186: {  	v44 =	vperm.xlane v12, v7;
	_ =	sdelay $0x1  }
0x187: {  	vm1 =	vne.s32 v12, v44;
	v45, _, _ =	vpop (xrf0)  }
0x188: {  	vm1 =	vmor vm1, vm0;
	v12 =	vxor.u32 $0x80000000, v45  }
0x189: {  	v12 =	vsub.s32 v43, v12  }
0x18a: {  	v13 =	vadd.s32 v2, v12;
	_ =	sdelay $0x2  }
0x18b: {  	v9 =	vperm.xlane v9, v11;
	v12 =	vadd.s32 v8, v12  }
0x18c: {  	[tilespmem:v10+s10+$0x0] =	vst.idx.msk vm1, v12  }
0x18d: {  	[tilespmem:v13+s1+$0x0] =	vst.idx.msk $0xffff, v9  }
0x18e: {  	v9 =	vld [tilespmem:s16+$0x8010];
	_ =	sdelay $0x4  }
0x18f: {  	v10 =	vshra.s32 v9, $0x1F  }
0x190: {  	v10 =	vxor.u32 v10, v0  }
0x191: {  	v10 =	vxor.u32 v9, v10  }
0x192: {  	v10 =	vshrl.u32 v10, $0x7  }
0x193: {  	v10 =	vand.u32 $0x7FF0, v10  }
0x194: {  	v10 =	vor.u32 v5, v10  }
0x195: {  	(xrf1) =	vsort.ascd.msk.u32 $0xffff, v10, v2;
	_ =	sdelay $0xd  }
0x196: {  	v10, v11, _ =	vpop (xrf1)  }
0x197: {  	v10 =	vshrl.u32 v10, $0x4  }
0x198: {  	v46 =	vxor.u32 $0x8000000, v10  }
0x199: {  	v47 =	vperm.xlane v46, v6  }
0x19a: {  	v10 =	vand.u32 $0x7F, v10;
	v48 =	vand.u32 $0xFFFFF80, v46  }
0x19b: {  	v10 =	vor.u32 v10, v48;
	vm1 =	veq.s32 v46, v47  }
0x19c: {  	v13 =	vsel vm1, $0x80000000, v5  }
0x19d: {  	(xrf0) =	vmax.scan.msk.u32 $0xffff, v13;
	_ =	sdelay $0x2  }
0x19e: {  	v49 =	vld.idx.msk [tilespmem:v10+s10+$0x0], $0xffff  }
0x19f: {  	v50 =	vperm.xlane v46, v7;
	_ =	sdelay $0x1  }
0x1a0: {  	vm1 =	vne.s32 v46, v50;
	v51, _, _ =	vpop (xrf0)  }
0x1a1: {  	vm1 =	vmor vm1, vm0;
	v12 =	vxor.u32 $0x80000000, v51  }
0x1a2: {  	v12 =	vsub.s32 v49, v12  }
0x1a3: {  	v13 =	vadd.s32 v2, v12;
	_ =	sdelay $0x2  }
0x1a4: {  	v9 =	vperm.xlane v9, v11;
	v12 =	vadd.s32 v8, v12  }
0x1a5: {  	[tilespmem:v10+s10+$0x0] =	vst.idx.msk vm1, v12  }
0x1a6: {  	[tilespmem:v13+s1+$0x0] =	vst.idx.msk $0xffff, v9  }
0x1a7: {  	v9 =	vld [tilespmem:s16+$0x8020];
	_ =	sdelay $0x4  }
0x1a8: {  	v10 =	vshra.s32 v9, $0x1F  }
0x1a9: {  	v10 =	vxor.u32 v10, v0  }
0x1aa: {  	v10 =	vxor.u32 v9, v10  }
0x1ab: {  	v10 =	vshrl.u32 v10, $0x7  }
0x1ac: {  	v10 =	vand.u32 $0x7FF0, v10  }
0x1ad: {  	v10 =	vor.u32 v5, v10  }
0x1ae: {  	(xrf1) =	vsort.ascd.msk.u32 $0xffff, v10, v2;
	_ =	sdelay $0xd  }
0x1af: {  	v10, v11, _ =	vpop (xrf1)  }
0x1b0: {  	v10 =	vshrl.u32 v10, $0x4  }
0x1b1: {  	v52 =	vxor.u32 $0x8000000, v10  }
0x1b2: {  	v53 =	vperm.xlane v52, v6  }
0x1b3: {  	v10 =	vand.u32 $0x7F, v10;
	v54 =	vand.u32 $0xFFFFF80, v52  }
0x1b4: {  	v10 =	vor.u32 v10, v54;
	vm1 =	veq.s32 v52, v53  }
0x1b5: {  	v13 =	vsel vm1, $0x80000000, v5  }
0x1b6: {  	(xrf0) =	vmax.scan.msk.u32 $0xffff, v13;
	_ =	sdelay $0x2  }
0x1b7: {  	v55 =	vld.idx.msk [tilespmem:v10+s10+$0x0], $0xffff  }
0x1b8: {  	v56 =	vperm.xlane v52, v7;
	_ =	sdelay $0x1  }
0x1b9: {  	vm1 =	vne.s32 v52, v56;
	v57, _, _ =	vpop (xrf0)  }
0x1ba: {  	vm1 =	vmor vm1, vm0;
	v12 =	vxor.u32 $0x80000000, v57  }
0x1bb: {  	v12 =	vsub.s32 v55, v12  }
0x1bc: {  	v13 =	vadd.s32 v2, v12;
	_ =	sdelay $0x2  }
0x1bd: {  	v9 =	vperm.xlane v9, v11;
	v12 =	vadd.s32 v8, v12  }
0x1be: {  	[tilespmem:v10+s10+$0x0] =	vst.idx.msk vm1, v12  }
0x1bf: {  	[tilespmem:v13+s1+$0x0] =	vst.idx.msk $0xffff, v9  }
0x1c0: {  	v9 =	vld [tilespmem:s16+$0x8030];
	_ =	sdelay $0x4  }
0x1c1: {  	v10 =	vshra.s32 v9, $0x1F  }
0x1c2: {  	v10 =	vxor.u32 v10, v0  }
0x1c3: {  	v10 =	vxor.u32 v9, v10  }
0x1c4: {  	v10 =	vshrl.u32 v10, $0x7  }
0x1c5: {  	v10 =	vand.u32 $0x7FF0, v10  }
0x1c6: {  	v10 =	vor.u32 v5, v10  }
0x1c7: {  	(xrf1) =	vsort.ascd.msk.u32 $0xffff, v10, v2;
	_ =	sdelay $0xd  }
0x1c8: {  	v10, v11, _ =	vpop (xrf1)  }
0x1c9: {  	v10 =	vshrl.u32 v10, $0x4  }
0x1ca: {  	v58 =	vxor.u32 $0x8000000, v10  }
0x1cb: {  	v59 =	vperm.xlane v58, v6  }
0x1cc: {  	v10 =	vand.u32 $0x7F, v10;
	v60 =	vand.u32 $0xFFFFF80, v58  }
0x1cd: {  	v10 =	vor.u32 v10, v60;
	vm1 =	veq.s32 v58, v59  }
0x1ce: {  	v13 =	vsel vm1, $0x80000000, v5  }
0x1cf: {  	(xrf0) =	vmax.scan.msk.u32 $0xffff, v13;
	_ =	sdelay $0x2  }
0x1d0: {  	v61 =	vld.idx.msk [tilespmem:v10+s10+$0x0], $0xffff  }
0x1d1: {  	v62 =	vperm.xlane v58, v7;
	_ =	sdelay $0x1  }
0x1d2: {  	vm1 =	vne.s32 v58, v62;
	v63, _, _ =	vpop (xrf0)  }
0x1d3: {  	vm1 =	vmor vm1, vm0;
	v12 =	vxor.u32 $0x80000000, v63  }
0x1d4: {  	v12 =	vsub.s32 v61, v12  }
0x1d5: {  	p0 =	sne.s32 s15, $0x1FF00;
	v13 =	vadd.s32 v2, v12  }
.Ltmp12:
0x1d6: {  	_ = 	snop;
	(pc) =	sbr.rel @p0 .LBB2_21-.Ltmp12, $4  }
0x1d7: {  	_ = 	snop  }
0x1d8: {  	v9 =	vperm.xlane v9, v11;
	v12 =	vadd.s32 v8, v12  }
0x1d9: {  	[tilespmem:v10+s10+$0x0] =	vst.idx.msk vm1, v12  }
0x1da: {  	s15 =	sadd.s32 $0x100, s15;
	[tilespmem:v13+s1+$0x0] =	vst.idx.msk $0xffff, v9  }
0x1db: {  	s15 =	simm.s32 $0x20  }
0x1dc: {  	v9 =	vld [tilespmem:s15+$0x10]  }
0x1dd: {  	v10 =	vld [tilespmem:s15+$0xFFFFFFF0]  }
0x1de: {  	v11 =	vld [tilespmem:s15+$0x0]  }
0x1df: {  	s31 =	simm.s32 $0x60;
	v12 =	vld [tilespmem:s15+$0xFFFFFFE0]  }
0x1e0: {  	v19 =	vld [tilespmem:s31+$0xFFFFFFE0];
	_ =	sdelay $0x3  }
0x1e1: {  	v13 =	vshra.s32 v9, $0x1F;
	v14 =	vshra.s32 v10, $0x1F;
	v15 =	vshra.s32 v11, $0x1F  }
0x1e2: {  	v16 =	vshra.s32 v12, $0x1F;
	v62 =	vshra.s32 v19, $0x1F;
	v13 =	vor.u32 $0x80000000, v13  }
0x1e3: {  	v14 =	vor.u32 $0x80000000, v14;
	v15 =	vor.u32 $0x80000000, v15;
	v13 =	vxor.u32 v13, v0  }
0x1e4: {  	v14 =	vxor.u32 v14, v0;
	v15 =	vxor.u32 v15, v0;
	v9 =	vxor.u32 v9, v13  }
0x1e5: {  	v13 =	vor.u32 $0x80000000, v16;
	v10 =	vxor.u32 v10, v14;
	v9 =	vshrl.u32 v9, $0x16  }
0x1e6: {  	v11 =	vxor.u32 v11, v15;
	v13 =	vxor.u32 v13, v0;
	v16 =	vand.u32 $0x380, v9  }
0x1e7: {  	v10 =	vshrl.u32 v10, $0x16;
	v12 =	vxor.u32 v12, v13;
	v13 =	vor.u32 v3, v16;
	v16 =	vld [tilespmem:s31+$0x10]  }
0x1e8: {  	v14 =	vshrl.u32 v11, $0x16;
	v11 =	vld [tilespmem:s31+$0x0];
	v9 =	vand.u32 $0x7F, v9;
	v17 =	vand.u32 $0x380, v10  }
0x1e9: {  	v18 =	vand.u32 $0x380, v14;
	v10 =	vand.u32 $0x7F, v10;
	v13 =	vor.u32 v9, v13;
	v9 =	vld [tilespmem:s31+$0xFFFFFFF0]  }
0x1ea: {  	v14 =	vand.u32 $0x7F, v14;
	v12 =	vshrl.u32 v12, $0x16;
	v17 =	vor.u32 v3, v17  }
0x1eb: {  	v18 =	vor.u32 v3, v18;
	v15 =	vand.u32 $0x380, v12;
	v12 =	vand.u32 $0x7F, v12  }
0x1ec: {  	v17 =	vor.u32 v10, v17;
	v15 =	vor.u32 v3, v15;
	v20 =	vshra.s32 v16, $0x1F  }
0x1ed: {  	v10 =	vor.u32 v14, v18;
	v15 =	vor.u32 v12, v15;
	v20 =	vor.u32 $0x80000000, v20  }
0x1ee: {  	v14 =	vshra.s32 v11, $0x1F;
	v12 =	vshra.s32 v9, $0x1F;
	v18 =	vxor.u32 v20, v0  }
0x1ef: {  	s15 =	simm.s32 $0x10800;
	v14 =	vor.u32 $0x80000000, v14;
	v12 =	vor.u32 $0x80000000, v12;
	v16 =	vxor.u32 v16, v18  }
0x1f0: {  	[tilespmem:v13+s15+$0x0] =	vst.idx.add.s32.msk $0xffff, v4;
	v13 =	vor.u32 $0x80000000, v62;
	v12 =	vxor.u32 v12, v0;
	v16 =	vshrl.u32 v16, $0x16  }
0x1f1: {  	[tilespmem:v17+s15+$0x0] =	vst.idx.add.s32.msk $0xffff, v4;
	v18 =	vxor.u32 v13, v0;
	v13 =	vxor.u32 v14, v0;
	v63 =	vand.u32 $0x380, v16  }
0x1f2: {  	s16 =	simm.s32 $0x4;
	s17 =	simm.s32 $0xA0;
	[tilespmem:v15+s15+$0x0] =	vst.idx.add.s32.msk $0xffff, v4;
	v14 =	vxor.u32 v19, v18;
	v15 =	vand.u32 $0x7F, v16;
	v16 =	vor.u32 v3, v63  }
.LBB2_23:
0x1f3: {  	v17 =	vld [tilespmem:s17+$0x10];
	s16 =	sadd.s32 $0x4, s16;
	v12 =	vxor.u32 v9, v12;
	v11 =	vxor.u32 v11, v13;
	v13 =	vor.u32 v15, v16  }
0x1f4: {  	v14 =	vshrl.u32 v14, $0x16;
	v9 =	vld [tilespmem:s17+$0xFFFFFFF0];
	p0 =	slt.u32 s16, $0x7FC;
	v12 =	vshrl.u32 v12, $0x16;
	v15 =	vshrl.u32 v11, $0x16  }
0x1f5: {  	v16 =	vand.u32 $0x380, v14;
	v11 =	vld [tilespmem:s17+$0x0];
	v18 =	vand.u32 $0x380, v12;
	v19 =	vand.u32 $0x380, v15  }
0x1f6: {  	v16 =	vor.u32 v3, v16;
	v20 =	vld [tilespmem:s17+$0xFFFFFFE0];
	v18 =	vor.u32 v3, v18;
	v19 =	vor.u32 v3, v19  }
0x1f7: {  	v14 =	vand.u32 $0x7F, v14;
	v12 =	vand.u32 $0x7F, v12;
	v15 =	vand.u32 $0x7F, v15;
	[tilespmem:v10+s15+$0x0] =	vst.idx.add.s32.msk $0xffff, v4  }
0x1f8: {  	v14 =	vor.u32 v14, v16;
	v18 =	vor.u32 v12, v18;
	v10 =	vshra.s32 v17, $0x1F;
	[tilespmem:v13+s15+$0x0] =	vst.idx.add.s32.msk $0xffff, v4  }
0x1f9: {  	v12 =	vshra.s32 v9, $0x1F;
	v13 =	vor.u32 $0x80000000, v10;
	v10 =	vor.u32 v15, v19  }
.Ltmp13:
0x1fa: {  	v12 =	vor.u32 $0x80000000, v12;
	v15 =	vshra.s32 v11, $0x1F;
	v13 =	vxor.u32 v13, v0;
	(pc) =	sbr.rel @p0 .LBB2_23-.Ltmp13, $4  }
0x1fb: {  	v16 =	vshra.s32 v20, $0x1F;
	v15 =	vor.u32 $0x80000000, v15;
	v13 =	vxor.u32 v17, v13  }
0x1fc: {  	v12 =	vxor.u32 v12, v0;
	v16 =	vor.u32 $0x80000000, v16;
	v17 =	vshrl.u32 v13, $0x16  }
0x1fd: {  	v13 =	vxor.u32 v15, v0;
	v16 =	vxor.u32 v16, v0;
	v19 =	vand.u32 $0x380, v17;
	[tilespmem:v14+s15+$0x0] =	vst.idx.add.s32.msk $0xffff, v4  }
0x1fe: {  	s17 =	sadd.s32 $0x40, s17;
	v15 =	vand.u32 $0x7F, v17;
	v14 =	vxor.u32 v20, v16;
	v16 =	vor.u32 v3, v19;
	[tilespmem:v18+s15+$0x0] =	vst.idx.add.s32.msk $0xffff, v4  }
0x1ff: {  	v9 =	vxor.u32 v9, v12;
	v11 =	vxor.u32 v11, v13  }
0x200: {  	v12 =	vor.u32 v15, v16;
	v13 =	vshrl.u32 v14, $0x16;
	v9 =	vshrl.u32 v9, $0x16  }
0x201: {  	v11 =	vshrl.u32 v11, $0x16;
	v14 =	vand.u32 $0x380, v13;
	v13 =	vand.u32 $0x7F, v13  }
0x202: {  	v15 =	vand.u32 $0x380, v9;
	v62 =	vand.u32 $0x380, v11;
	v14 =	vor.u32 v3, v14  }
0x203: {  	v9 =	vand.u32 $0x7F, v9;
	v15 =	vor.u32 v3, v15;
	v13 =	vor.u32 v13, v14  }
0x204: {  	v11 =	vand.u32 $0x7F, v11;
	v14 =	vor.u32 v3, v62;
	v9 =	vor.u32 v9, v15  }
0x205: {  	v11 =	vor.u32 v11, v14  }
0x206: {  	s16 =	simm.s32 $0x10800;
	[tilespmem:v10+s15+$0x0] =	vst.idx.add.s32.msk $0xffff, v4  }
0x207: {  	[tilespmem:v12+s16+$0x0] =	vst.idx.add.s32.msk $0xffff, v4  }
0x208: {  	[tilespmem:v13+s16+$0x0] =	vst.idx.add.s32.msk $0xffff, v4  }
0x209: {  	[tilespmem:v9+s16+$0x0] =	vst.idx.add.s32.msk $0xffff, v4  }
0x20a: {  	s15 =	simm.s32 $0x0;
	[tilespmem:v11+s16+$0x0] =	vst.idx.add.s32.msk $0xffff, v4  }
0x20b: {  	v9 =	vld [tilespmem:s16+$0x0];
	[tilespmem:s16+$0x0] =	vst v1;
	s16 =	sand.u32 $0x7F0, s15  }
0x20c: {  	v11 =	vld [tilespmem:s16+$0x11000]  }
0x20d: {  	[tilespmem:s16+$0x11000] =	vst v1;
	v12 =	vld [tilespmem:s16+$0x11800]  }
0x20e: {  	[tilespmem:s16+$0x11800] =	vst v1;
	v13 =	vld [tilespmem:s16+$0x12000]  }
0x20f: {  	[tilespmem:s16+$0x12000] =	vst v1;
	v14 =	vld [tilespmem:s16+$0x12800]  }
0x210: {  	[tilespmem:s16+$0x12800] =	vst v1;
	v15 =	vld [tilespmem:s16+$0x13000]  }
0x211: {  	[tilespmem:s16+$0x13000] =	vst v1;
	v63 =	vld [tilespmem:s16+$0x13800];
	v11 =	vadd.s32 v9, v11  }
0x212: {  	p1 =	por $0x1, $0x1;
	[tilespmem:s16+$0x13800] =	vst v1;
	v17 =	vld [tilespmem:s16+$0x14000];
	v11 =	vadd.s32 v12, v11  }
.Ltmp14:
0x213: {  	[tilespmem:s16+$0x14000] =	vst v1;
	v10 =	vld [tilespmem:s16+$0x14800];
	v12 =	vadd.s32 v13, v11;
	(pc) =	sbr.rel @!p1 .LBB2_25-.Ltmp14, $4  }
0x214: {  	[tilespmem:s16+$0x14800] =	vst v1;
	v9 =	vld [tilespmem:s16+$0x15000];
	v12 =	vadd.s32 v14, v12  }
0x215: {  	[tilespmem:s16+$0x15000] =	vst v1;
	v11 =	vld [tilespmem:s16+$0x15800];
	v13 =	vadd.s32 v15, v12  }
0x216: {  	[tilespmem:s16+$0x15800] =	vst v1;
	v12 =	vld [tilespmem:s16+$0x16000];
	v13 =	vadd.s32 v63, v13  }
0x217: {  	s17 =	simm.s32 $0x10000;
	s19 =	simm.s32 $0x10;
	p0 =	por $0x0, $0x0;
	[tilespmem:s16+$0x16000] =	vst v1;
	v14 =	vadd.s32 v17, v13;
	v13 =	vld [tilespmem:s16+$0x16800]  }
0x218: {  	v15 =	vld [tilespmem:s16+$0x17000];
	v10 =	vadd.s32 v10, v14  }
0x219: {  	v14 =	vld [tilespmem:s16+$0x17800];
	v9 =	vadd.s32 v9, v10  }
0x21a: {  	v10 =	vld [tilespmem:s16+$0x18000];
	v9 =	vadd.s32 v11, v9  }
0x21b: {  	v9 =	vadd.s32 v12, v9  }
0x21c: {  	v9 =	vadd.s32 v13, v9  }
0x21d: {  	v9 =	vadd.s32 v15, v9  }
0x21e: {  	v9 =	vadd.s32 v14, v9  }
0x21f: {  	v9 =	vadd.s32 v10, v9  }
0x220: {  	(xrf0) =	vadd.scan.msk.s32 $0xffff, v9;
	_ =	sdelay $0x4  }
0x221: {  	[tilespmem:s16+$0x17000] =	vst v1  }
0x222: {  	[tilespmem:s16+$0x17800] =	vst v1;
	v10, _, _ =	vpop (xrf0)  }
0x223: {  	[tilespmem:s16+$0x16800] =	vst v1;
	v9 =	vsub.s32 s15, v9;
	(v2sf) =	vpush v10, $0xF  }
0x224: {  	[tilespmem:s16+$0x18000] =	vst v1;
	v9 =	vadd.s32 v10, v9  }
0x225: {  	s18 =	simm.s32 $0x10810;
	[tilespmem:s17+$0x0] =	vst v9  }
0x226: {  	s16 =	sand.u32 $0x7F0, s19;
	v9 =	vld [tilespmem:s18+$0x0];
	[tilespmem:s18+$0x0] =	vst v1  }
0x227: {  	v11 =	vld [tilespmem:s16+$0x11000]  }
0x228: {  	[tilespmem:s16+$0x11000] =	vst v1;
	v12 =	vld [tilespmem:s16+$0x11800]  }
0x229: {  	[tilespmem:s16+$0x11800] =	vst v1;
	v13 =	vld [tilespmem:s16+$0x12000]  }
0x22a: {  	[tilespmem:s16+$0x12000] =	vst v1;
	v14 =	vld [tilespmem:s16+$0x12800]  }
0x22b: {  	[tilespmem:s16+$0x12800] =	vst v1;
	v15 =	vld [tilespmem:s16+$0x13000]  }
0x22c: {  	[tilespmem:s16+$0x13000] =	vst v1;
	v16 =	vld [tilespmem:s16+$0x13800];
	v11 =	vadd.s32 v9, v11  }
0x22d: {  	p1 =	por $0x1, $0x1;
	[tilespmem:s16+$0x13800] =	vst v1;
	v17 =	vld [tilespmem:s16+$0x14000];
	v11 =	vadd.s32 v12, v11  }
.Ltmp15:
0x22e: {  	[tilespmem:s16+$0x14000] =	vst v1;
	v10 =	vld [tilespmem:s16+$0x14800];
	v12 =	vadd.s32 v13, v11;
	(pc) =	sbr.rel @!p1 .LBB2_27-.Ltmp15, $4  }
0x22f: {  	[tilespmem:s16+$0x14800] =	vst v1;
	v9 =	vld [tilespmem:s16+$0x15000];
	v12 =	vadd.s32 v14, v12  }
0x230: {  	[tilespmem:s16+$0x15000] =	vst v1;
	v11 =	vld [tilespmem:s16+$0x15800];
	v13 =	vadd.s32 v15, v12  }
0x231: {  	s23 =	simm.s32 $0x20;
	p0 =	por $0x1, $0x1;
	[tilespmem:s16+$0x15800] =	vst v1;
	v12 =	vld [tilespmem:s16+$0x16000];
	v13 =	vadd.s32 v16, v13  }
0x232: {  	s20 =	simm.s32 $0x10000;
	s19 =	simm.s32 $0x0;
	[tilespmem:s16+$0x16000] =	vst v1;
	v14 =	vadd.s32 v17, v13;
	v13 =	vld [tilespmem:s16+$0x16800];
	s22 =	spop (v2sf)  }
.LBB2_28:
0x233: {  	s19 =	sadd.s32 s19, s22  }
0x234: {  	v10 =	vadd.s32 v10, v14;
	v14 =	vld [tilespmem:s16+$0x17000];
	s20 =	sadd.s32 $0x10, s20;
	s22 =	smov.u32 s23;
	s21 =	sadd.s32 $0x10, s23  }
0x235: {  	p1 =	sne.s32 s23, $0x7F0;
	v9 =	vadd.s32 v9, v10;
	[tilespmem:s16+$0x17000] =	vst v1;
	v10 =	vld [tilespmem:s16+$0x17800]  }
0x236: {  	v9 =	vadd.s32 v11, v9;
	[tilespmem:s16+$0x17800] =	vst v1;
	v11 =	vld [tilespmem:s16+$0x18000]  }
0x237: {  	v9 =	vadd.s32 v12, v9;
	[tilespmem:s16+$0x18000] =	vst v1  }
0x238: {  	v9 =	vadd.s32 v13, v9  }
0x239: {  	v9 =	vadd.s32 v14, v9  }
0x23a: {  	v9 =	vadd.s32 v10, v9  }
0x23b: {  	v9 =	vadd.s32 v11, v9  }
0x23c: {  	(xrf0) =	vadd.scan.msk.s32 $0xffff, v9;
	_ =	sdelay $0x5  }
0x23d: {  	v9 =	vsub.s32 s19, v9;
	v10, _, _ =	vpop (xrf0)  }
0x23e: {  	[tilespmem:s16+$0x16800] =	vst v1;
	v9 =	vadd.s32 v10, v9;
	(v2sf) =	vpush v10, $0xF  }
0x23f: {  	s18 =	sadd.s32 $0x10, s18;
	[tilespmem:s20+$0x0] =	vst v9  }
0x240: {  	v9 =	vld [tilespmem:s18+$0x0]  }
0x241: {  	s16 =	sand.u32 $0x7F0, s22;
	[tilespmem:s18+$0x0] =	vst v1  }
0x242: {  	v10 =	vld [tilespmem:s16+$0x11000]  }
0x243: {  	[tilespmem:s16+$0x11000] =	vst v1;
	v11 =	vld [tilespmem:s16+$0x11800]  }
0x244: {  	[tilespmem:s16+$0x11800] =	vst v1;
	v12 =	vld [tilespmem:s16+$0x12000]  }
0x245: {  	[tilespmem:s16+$0x12000] =	vst v1;
	v13 =	vld [tilespmem:s16+$0x12800]  }
0x246: {  	[tilespmem:s16+$0x12800] =	vst v1;
	v14 =	vld [tilespmem:s16+$0x13000]  }
0x247: {  	v9 =	vadd.s32 v9, v10;
	[tilespmem:s16+$0x13000] =	vst v1;
	v15 =	vld [tilespmem:s16+$0x13800]  }
0x248: {  	v9 =	vadd.s32 v11, v9;
	[tilespmem:s16+$0x13800] =	vst v1;
	v16 =	vld [tilespmem:s16+$0x14000]  }
.Ltmp16:
0x249: {  	v9 =	vadd.s32 v12, v9;
	[tilespmem:s16+$0x14000] =	vst v1;
	v10 =	vld [tilespmem:s16+$0x14800];
	(pc) =	sbr.rel @p1 .LBB2_28-.Ltmp16, $4  }
0x24a: {  	v11 =	vadd.s32 v13, v9;
	[tilespmem:s16+$0x14800] =	vst v1;
	v9 =	vld [tilespmem:s16+$0x15000]  }
0x24b: {  	v12 =	vadd.s32 v14, v11;
	[tilespmem:s16+$0x15000] =	vst v1;
	v11 =	vld [tilespmem:s16+$0x15800]  }
0x24c: {  	v13 =	vadd.s32 v15, v12;
	[tilespmem:s16+$0x15800] =	vst v1;
	v12 =	vld [tilespmem:s16+$0x16000]  }
0x24d: {  	s23 =	smov.u32 s21;
	v14 =	vadd.s32 v16, v13;
	[tilespmem:s16+$0x16000] =	vst v1;
	v13 =	vld [tilespmem:s16+$0x16800];
	s22 =	spop (v2sf)  }
.LBB2_29:
0x24e: {  	v15 =	vld [tilespmem:s16+$0x17000];
	v10 =	vadd.s32 v10, v14  }
0x24f: {  	v63 =	vld [tilespmem:s16+$0x17800];
	v9 =	vadd.s32 v9, v10  }
0x250: {  	v10 =	vld [tilespmem:s16+$0x18000];
	v9 =	vadd.s32 v11, v9  }
0x251: {  	v9 =	vadd.s32 v12, v9  }
0x252: {  	v9 =	vadd.s32 v13, v9  }
0x253: {  	v9 =	vadd.s32 v15, v9  }
0x254: {  	v9 =	vadd.s32 v63, v9  }
0x255: {  	v9 =	vadd.s32 v10, v9  }
0x256: {  	(xrf0) =	vadd.scan.msk.s32 $0xffff, v9;
	_ =	sdelay $0x5  }
0x257: {  	v10, _, _ =	vpop (xrf0)  }
0x258: {  	(v2sf) =	vpush v10, $0xF;
	_ =	sdelay $0xa  }
0x259: {  	[tilespmem:s16+$0x17000] =	vst v1;
	s18 =	sadd.s32 @p0 s19, s22;
	s19 =	simm.s32 $0x0  }
0x25a: {  	[tilespmem:s16+$0x17800] =	vst v1;
	s19 =	smov.u32 @p0 s18  }
0x25b: {  	[tilespmem:s16+$0x16800] =	vst v1;
	s18 =	sadd.s32 @p0 $0x10, s20;
	v9 =	vsub.s32 s19, v9  }
0x25c: {  	[tilespmem:s16+$0x18000] =	vst v1;
	s17 =	smov.u32 @p0 s18;
	v9 =	vadd.s32 v10, v9  }
0x25d: {  	[tilespmem:s17+$0x0] =	vst v9;
	s31 =	spop (v2sf)  }
.LBB2_30:
0x25e: {  	s16 =	sshra.s32 s15, $0x2  }
0x25f: {  	v9 =	vld [tilespmem:s16+$0x0];
	_ =	sdelay $0x4  }
0x260: {  	v10 =	vshra.s32 v9, $0x1F  }
0x261: {  	v10 =	vor.u32 $0x80000000, v10  }
0x262: {  	v10 =	vxor.u32 v10, v0  }
0x263: {  	v10 =	vxor.u32 v9, v10  }
0x264: {  	v10 =	vshrl.u32 v10, $0x12  }
0x265: {  	v10 =	vand.u32 $0x3FF0, v10  }
0x266: {  	v10 =	vor.u32 v5, v10  }
0x267: {  	(xrf1) =	vsort.ascd.msk.u32 $0xffff, v10, v2;
	_ =	sdelay $0xd  }
0x268: {  	v10, v11, _ =	vpop (xrf1)  }
0x269: {  	v10 =	vshrl.u32 v10, $0x4  }
0x26a: {  	v12 =	vxor.u32 $0x8000000, v10  }
0x26b: {  	v13 =	vperm.xlane v12, v6  }
0x26c: {  	v10 =	vand.u32 $0x7F, v10;
	v14 =	vand.u32 $0xFFFFF80, v12  }
0x26d: {  	v10 =	vor.u32 v10, v14;
	vm1 =	veq.s32 v12, v13  }
0x26e: {  	v13 =	vsel vm1, $0x80000000, v5  }
0x26f: {  	(xrf0) =	vmax.scan.msk.u32 $0xffff, v13;
	_ =	sdelay $0x2  }
0x270: {  	v43 =	vld.idx.msk [tilespmem:v10+s10+$0x0], $0xffff  }
0x271: {  	v44 =	vperm.xlane v12, v7;
	_ =	sdelay $0x1  }
0x272: {  	vm1 =	vne.s32 v12, v44;
	v45, _, _ =	vpop (xrf0)  }
0x273: {  	vm1 =	vmor vm1, vm0;
	v12 =	vxor.u32 $0x80000000, v45  }
0x274: {  	v12 =	vsub.s32 v43, v12  }
0x275: {  	v13 =	vadd.s32 v2, v12;
	_ =	sdelay $0x2  }
0x276: {  	v9 =	vperm.xlane v9, v11;
	v12 =	vadd.s32 v8, v12  }
0x277: {  	[tilespmem:v10+s10+$0x0] =	vst.idx.msk vm1, v12  }
0x278: {  	[tilespmem:v13+s11+$0x0] =	vst.idx.msk $0xffff, v9  }
0x279: {  	v9 =	vld [tilespmem:s16+$0x10];
	_ =	sdelay $0x4  }
0x27a: {  	v10 =	vshra.s32 v9, $0x1F  }
0x27b: {  	v10 =	vor.u32 $0x80000000, v10  }
0x27c: {  	v10 =	vxor.u32 v10, v0  }
0x27d: {  	v10 =	vxor.u32 v9, v10  }
0x27e: {  	v10 =	vshrl.u32 v10, $0x12  }
0x27f: {  	v10 =	vand.u32 $0x3FF0, v10  }
0x280: {  	v10 =	vor.u32 v5, v10  }
0x281: {  	(xrf1) =	vsort.ascd.msk.u32 $0xffff, v10, v2;
	_ =	sdelay $0xd  }
0x282: {  	v10, v11, _ =	vpop (xrf1)  }
0x283: {  	v10 =	vshrl.u32 v10, $0x4  }
0x284: {  	v46 =	vxor.u32 $0x8000000, v10  }
0x285: {  	v47 =	vperm.xlane v46, v6  }
0x286: {  	v10 =	vand.u32 $0x7F, v10;
	v48 =	vand.u32 $0xFFFFF80, v46  }
0x287: {  	v10 =	vor.u32 v10, v48;
	vm1 =	veq.s32 v46, v47  }
0x288: {  	v13 =	vsel vm1, $0x80000000, v5  }
0x289: {  	(xrf0) =	vmax.scan.msk.u32 $0xffff, v13;
	_ =	sdelay $0x2  }
0x28a: {  	v49 =	vld.idx.msk [tilespmem:v10+s10+$0x0], $0xffff  }
0x28b: {  	v50 =	vperm.xlane v46, v7;
	_ =	sdelay $0x1  }
0x28c: {  	vm1 =	vne.s32 v46, v50;
	v51, _, _ =	vpop (xrf0)  }
0x28d: {  	vm1 =	vmor vm1, vm0;
	v12 =	vxor.u32 $0x80000000, v51  }
0x28e: {  	v12 =	vsub.s32 v49, v12  }
0x28f: {  	v13 =	vadd.s32 v2, v12;
	_ =	sdelay $0x2  }
0x290: {  	v9 =	vperm.xlane v9, v11;
	v12 =	vadd.s32 v8, v12  }
0x291: {  	[tilespmem:v10+s10+$0x0] =	vst.idx.msk vm1, v12  }
0x292: {  	[tilespmem:v13+s11+$0x0] =	vst.idx.msk $0xffff, v9  }
0x293: {  	v9 =	vld [tilespmem:s16+$0x20];
	_ =	sdelay $0x4  }
0x294: {  	v10 =	vshra.s32 v9, $0x1F  }
0x295: {  	v10 =	vor.u32 $0x80000000, v10  }
0x296: {  	v10 =	vxor.u32 v10, v0  }
0x297: {  	v10 =	vxor.u32 v9, v10  }
0x298: {  	v10 =	vshrl.u32 v10, $0x12  }
0x299: {  	v10 =	vand.u32 $0x3FF0, v10  }
0x29a: {  	v10 =	vor.u32 v5, v10  }
0x29b: {  	(xrf1) =	vsort.ascd.msk.u32 $0xffff, v10, v2;
	_ =	sdelay $0xd  }
0x29c: {  	v10, v11, _ =	vpop (xrf1)  }
0x29d: {  	v10 =	vshrl.u32 v10, $0x4  }
0x29e: {  	v52 =	vxor.u32 $0x8000000, v10  }
0x29f: {  	v53 =	vperm.xlane v52, v6  }
0x2a0: {  	v10 =	vand.u32 $0x7F, v10;
	v54 =	vand.u32 $0xFFFFF80, v52  }
0x2a1: {  	v10 =	vor.u32 v10, v54;
	vm1 =	veq.s32 v52, v53  }
0x2a2: {  	v13 =	vsel vm1, $0x80000000, v5  }
0x2a3: {  	(xrf0) =	vmax.scan.msk.u32 $0xffff, v13;
	_ =	sdelay $0x2  }
0x2a4: {  	v55 =	vld.idx.msk [tilespmem:v10+s10+$0x0], $0xffff  }
0x2a5: {  	v56 =	vperm.xlane v52, v7;
	_ =	sdelay $0x1  }
0x2a6: {  	vm1 =	vne.s32 v52, v56;
	v57, _, _ =	vpop (xrf0)  }
0x2a7: {  	vm1 =	vmor vm1, vm0;
	v12 =	vxor.u32 $0x80000000, v57  }
0x2a8: {  	v12 =	vsub.s32 v55, v12  }
0x2a9: {  	v13 =	vadd.s32 v2, v12;
	_ =	sdelay $0x2  }
0x2aa: {  	v9 =	vperm.xlane v9, v11;
	v12 =	vadd.s32 v8, v12  }
0x2ab: {  	[tilespmem:v10+s10+$0x0] =	vst.idx.msk vm1, v12  }
0x2ac: {  	[tilespmem:v13+s11+$0x0] =	vst.idx.msk $0xffff, v9  }
0x2ad: {  	v9 =	vld [tilespmem:s16+$0x30];
	_ =	sdelay $0x4  }
0x2ae: {  	v10 =	vshra.s32 v9, $0x1F  }
0x2af: {  	v10 =	vor.u32 $0x80000000, v10  }
0x2b0: {  	v10 =	vxor.u32 v10, v0  }
0x2b1: {  	v10 =	vxor.u32 v9, v10  }
0x2b2: {  	v10 =	vshrl.u32 v10, $0x12  }
0x2b3: {  	v10 =	vand.u32 $0x3FF0, v10  }
0x2b4: {  	v10 =	vor.u32 v5, v10  }
0x2b5: {  	(xrf1) =	vsort.ascd.msk.u32 $0xffff, v10, v2;
	_ =	sdelay $0xd  }
0x2b6: {  	v10, v11, _ =	vpop (xrf1)  }
0x2b7: {  	v10 =	vshrl.u32 v10, $0x4  }
0x2b8: {  	v58 =	vxor.u32 $0x8000000, v10  }
0x2b9: {  	v59 =	vperm.xlane v58, v6  }
0x2ba: {  	v10 =	vand.u32 $0x7F, v10;
	v60 =	vand.u32 $0xFFFFF80, v58  }
0x2bb: {  	v10 =	vor.u32 v10, v60;
	vm1 =	veq.s32 v58, v59  }
0x2bc: {  	v13 =	vsel vm1, $0x80000000, v5  }
0x2bd: {  	(xrf0) =	vmax.scan.msk.u32 $0xffff, v13;
	_ =	sdelay $0x2  }
0x2be: {  	v61 =	vld.idx.msk [tilespmem:v10+s10+$0x0], $0xffff  }
0x2bf: {  	v62 =	vperm.xlane v58, v7;
	_ =	sdelay $0x1  }
0x2c0: {  	vm1 =	vne.s32 v58, v62;
	v63, _, _ =	vpop (xrf0)  }
0x2c1: {  	vm1 =	vmor vm1, vm0;
	v12 =	vxor.u32 $0x80000000, v63  }
0x2c2: {  	v12 =	vsub.s32 v61, v12  }
0x2c3: {  	p0 =	sne.s32 s15, $0x1FF00;
	v13 =	vadd.s32 v2, v12  }
.Ltmp17:
0x2c4: {  	_ = 	snop;
	(pc) =	sbr.rel @p0 .LBB2_30-.Ltmp17, $4  }
0x2c5: {  	_ = 	snop  }
0x2c6: {  	v9 =	vperm.xlane v9, v11;
	v12 =	vadd.s32 v8, v12  }
0x2c7: {  	[tilespmem:v10+s10+$0x0] =	vst.idx.msk vm1, v12  }
0x2c8: {  	s15 =	sadd.s32 $0x100, s15;
	[tilespmem:v13+s11+$0x0] =	vst.idx.msk $0xffff, v9  }
0x2c9: {  	s14 =	sadd.s32 s4, s14;
	s13 =	sadd.s32 $0x1, s13  }
0x2ca: {  	[hbm4b:s14+s7] =	stream.strided.scatter [tilespmem:s11], [sflag:$0x1], $0x8000, s8, s7, $0x38;
	[tilespmem:$0x18800] =	vst v63  }
0x2cb: {  	p0 =	sne.s32 s13, $0x20  }
.Ltmp18:
0x2cc: {  	_ = 	snop;
	(pc) =	sbr.rel @p0 .LBB2_4-.Ltmp18, $4  }
.Ltmp19:
0x2cd: {  	_ = 	snop;
	(pc) =	sbr.rel @!p0 .LBB2_32-.Ltmp19, $4  }
0x2ce: {  	_ =	swait.ge [sflag:s9], $0x8000  }
0x2cf: {  	[sflag:s9] =	ssyncset.done $0x0  }
0x2d0: {  	[sflag:s9] =	ssyncadd.s32 $0xFFFF8000  }
0x2d1: {  	_ = 	snop  }
.LBB2_7:
.Ltmp20:
0x2d2: {  	(pc) =	sbr.rel .LBB2_11-.Ltmp20, $2  }
0x2d3: {  	_ =	sdelay $0x2  }
0x2d4: {  	s19 =	simm.s32 $0x0;
	s20 =	simm.s32 $0x10000  }
.LBB2_16:
.Ltmp21:
0x2d5: {  	(pc) =	sbr.rel .LBB2_20-.Ltmp21, $2  }
0x2d6: {  	_ =	sdelay $0x2  }
0x2d7: {  	s19 =	simm.s32 $0x0;
	s20 =	simm.s32 $0x10000  }
.LBB2_25:
.Ltmp22:
0x2d8: {  	(pc) =	sbr.rel .LBB2_29-.Ltmp22, $2  }
0x2d9: {  	_ =	sdelay $0x2  }
0x2da: {  	s19 =	simm.s32 $0x0;
	s20 =	simm.s32 $0x10000  }
.LBB2_9:
.Ltmp23:
0x2db: {  	(pc) =	sbr.rel .LBB2_11-.Ltmp23, $2  }
0x2dc: {  	_ =	sdelay $0x2  }
0x2dd: {  	s19 =	simm.s32 $0x0;
	s20 =	simm.s32 $0x10000  }
.LBB2_18:
.Ltmp24:
0x2de: {  	(pc) =	sbr.rel .LBB2_20-.Ltmp24, $2  }
0x2df: {  	_ =	sdelay $0x2  }
0x2e0: {  	s19 =	simm.s32 $0x0;
	s20 =	simm.s32 $0x10000  }
.LBB2_27:
.Ltmp25:
0x2e1: {  	(pc) =	sbr.rel .LBB2_29-.Ltmp25, $2  }
0x2e2: {  	_ =	sdelay $0x2  }
0x2e3: {  	s19 =	simm.s32 $0x0;
	s20 =	simm.s32 $0x10000  }
.LBB2_33:
0x2e4: {  	_ =	sfence.sel $0x180000  }
0x2e5: {  	[bflag:$0x0] =	sbarrier.arrive $0xFFFF  }
0x2e6: {  	p0 =	sne.s32 s2, $0x0;
	_ =	strace $0x90000047  }
0x2e7: {  	s0 =	sadd.s32 @!p0 $0x100000, s0;
	[bflag:$0x2] =	sbarrier.arrive $0xFFFF  }
0x2e8: {  	[sflag:s0] =	ssyncadd.tile.s32 @!p0 $0x1;
	_ =	shalt  }
.Lfunc_end2:
_tile_overlayer_lowered:
.L_overlay_start_2:
0x2e9: {  	(tag) =	ssettag $0x2  }
0x2ea: {  	s0 =	rddreg [dreg:$0x0];
	s2 =	stileid.u32  }
0x2eb: {  	s1 =	rddreg [dreg:$0x1];
	p0 =	sne.s32 s2, $0x0  }
0x2ec: {  	s3 =	rddreg [dreg:$0x2];
	[bflag:$0x3] =	sbarrier.arrive $0xFFFF;
	s2 =	simm.s32 @!p0 $0x1C01  }
0x2ed: {  	[timem:s3], [sflag:s2] =	dma.local @!p0 [hbm:s0], s1  }
0x2ee: {  	s0 =	simm.s32 @!p0 $0x1  }
0x2ef: {  	_ =	swait.ge @!p0 [sflag:s0], s1  }
0x2f0: {  	s1 =	ssub.s32 @!p0 $0x0, s1;
	[sflag:s0] =	ssyncset.done @!p0 $0x0  }
0x2f1: {  	[sflag:s0] =	ssyncadd.s32 @!p0 s1  }
0x2f2: {  	[bflag:$0x3] =	sbarrier.arrive $0xFFFF  }
0x2f3: {  	_ =	shalt  }

// kernel: sparse-core-data-format-call.1.cloned.1.call-start
scs
called_computation.1_lowered:
.L_overlay_start_0:
0x0: {  	s1 =	sld [smem:$0x3FD9]  }
0x1: {  	s2 =	sld [smem:$0x3FFE];
	_ =	sdelay $0x1  }
0x2: {  	s3 =	srdreg.scid  }
0x3: {  	s0 =	sand.u32 $0x1, s3  }
0x4: {  	s17 =	sshll.u32 s0, $0xA;
	s1 =	sadd.s32 s2, s1  }
0x5: {  	s1 =	sadd.s32 s1, s17  }
0x6: {  	[smem:$0x3FC6] =	sst s1  }
0x7: {  	_ = 	snop  }
0x8: {  	(tm) =	ssettm $0x1  }
0x9: {  	s18 =	sld [smem:$0x3FFB];
	_ =	sdelay $0x3  }
0xa: {  	_ =	strace s18  }
0xb: {  	s1 =	sld [smem:$0x3FFC];
	_ =	sdelay $0x3  }
0xc: {  	_ =	strace s1  }
0xd: {  	s1 =	sld [smem:$0x3FFD];
	_ =	sdelay $0x3  }
0xe: {  	_ =	strace s1  }
0xf: {  	_ =	strace $0x8FFFFFFF  }
0x10: {  	s19 =	sld [smem:$0x3FDB];
	_ =	sdelay $0x1  }
0x11: {  	s20 =	simm.s32 $_scs_section_size  }
0x12: {  	s4 =	simm.s32 $_size__tile_overlayer_lowered;
	s5 =	simm.s32 $_tile_overlayer_lowered  }
0x13: {  	s23 =	simm.s32 $0x1BFF;
	s22 =	sshll.u32 s5, $0x1;
	s1 =	sadd.s32 s20, s19  }
0x14: {  	s6 =	simm.s32 $0x0;
	s21 =	sshll.u32 s4, $0x1;
	s4 =	sadd.s32 s22, s1  }
0x15: {  	[timem:s6], [sflag:s23] =	dma.local [hbm:s4], s21  }
0x16: {  	_ =	swait.ge [sflag:s23], s21  }
0x17: {  	s2 =	ssub.s32 $0x0, s21;
	[sflag:s23] =	ssyncset.done $0x0  }
0x18: {  	[sflag:s23] =	ssyncadd.s32 s2;
	_ =	sdelay $0x1  }
0x19: {  	s24 =	simm.s32 $0x1B8B  }
0x1a: {  	_ =	swait.ge [sflag:s24], $0x1  }
0x1b: {  	[sflag:s24] =	ssyncset.done $0x0  }
0x1c: {  	s26 =	simm.s32 $0x1B8E;
	s25 =	sld [smem:$0x3FFE];
	[sflag:s24] =	ssyncadd.s32 $0xFFFFFFFF  }
0x1d: {  	s27 =	simm.s32 $execute0_lowered;
	[smem:$0x3FD2] =	sst s26  }
0x1e: {  	s4 =	sshll.u32 s27, $0x1;
	_ =	strace $0x80000049;
	[dreg:$0x1] =	wrdreg $0xFFFFFFFF  }
0x1f: {  	s28 =	simm.s32 $_size_execute0_lowered;
	s1 =	sadd.s32 s1, s4;
	[dreg:$0x0] =	wrdreg $0x0  }
0x20: {  	s4 =	sshll.u32 s28, $0x1;
	[dreg:$0x2] =	wrdreg s1  }
0x21: {  	[dreg:$0x3] =	wrdreg s4  }
0x22: {  	[dreg:$0x4] =	wrdreg $0xC0  }
0x23: {  	_ =	task [dreg:s6], $0x5FFFF  }
0x24: {  	[dreg:$0x1] =	wrdreg $0xFFFFFFFF  }
0x25: {  	[dreg:$0x0] =	wrdreg $0x60  }
0x26: {  	[dreg:$0x2] =	wrdreg s25  }
0x27: {  	[dreg:$0x3] =	wrdreg $0x9  }
0x28: {  	_ =	task.clear_ibuf [dreg:s6], $0x4FFFF;
	_ =	strace $0x90000049  }
0x29: {  	s29 =	simm.s32 $0x9;
	_ =	strace $0x8000004B  }
0x2a: {  	_ =	swait.ge [sflag:s29], $0x1  }
0x2b: {  	[sflag:s29] =	ssyncadd.s32 $0xFFFFFFFF  }
0x2c: {  	_ =	strace $0x9000004B  }
0x2d: {  	_ =	sfence  }
0x2e: {  	s30 =	sld [smem:$0x0];
	_ =	sdelay $0x2  }
0x2f: {  	s31 =	sshll.u32 s3, $0xD;
	s3 =	sshrl.u32 s3, $0x2  }
0x30: {  	s2 =	sand.u32 $0x4000, s31;
	s1 =	sadd.s32 s3, s30  }
0x31: {  	s0 =	sor.u32 s2, s0;
	s1 =	sshll.u32 s1, $0x11  }
0x32: {  	s0 =	sor.u32 s1, s0  }
0x33: {  	s0 =	sadd.s32 $0x8F2B, s0  }
0x34: {  	[sflag:s0] =	ssyncadd.remote.s32 $0x1  }
0x35: {  	_ =	sfence.sel $0xFFFF  }
0x36: {  	[dreg:$0x0] =	wrdreg $0xFFFFFFFF;
	(pc) =	sbr.abs _section_cstart, $3  }
0x37: {  	[dreg:$0x1] =	wrdreg $0xFFFFFFFF  }
0x38: {  	_ =	task.clear_ibuf [dreg:s6], $0x2FFFF;
	_ =	strace $0x9FFFFFFF  }
0x39: {  	(tm) =	ssettm $0x7FFFFFFF  }
tec
execute0_lowered:
.L_overlay_start_1:
0x0: {  	(tag) =	ssettag $0x1  }
0x1: {  	s1 =	rddreg [dreg:$0x0]  }
0x2: {  	s0 =	rddreg [dreg:$0x1];
	_ =	strace $0x8000004A  }
0x3: {  	s4 =	srdreg.scid;
	s6 =	simm.s32 $0x2;
	s12 =	simm.s32 $0x0  }
0x4: {  	p0 =	por $0x0, $0x0;
	s13 =	simm.s32 $0x0;
	s15 =	simm.s32 $0x0  }
0x5: {  	s14 =	simm.s32 $0x0;
	s8 =	simm.s32 $0x0;
	s9 =	simm.s32 $0x0  }
.Ltmp0:
0x6: {  	s10 =	simm.s32 $0x0;
	s7 =	simm.s32 $0x0;
	(pc) =	sbr.rel .LBB1_1-.Ltmp0, $4  }
0x7: {  	s2 =	sadd.s32 $0x400C00, s1;
	s3 =	sadd.s32 $0xC00, s1;
	s5 =	sshll.u32 s4, $0x4  }
0x8: {  	s1 =	stileid.u32;
	s4 =	simm.s32 $0x1;
	s5 =	sand.u32 $0x10, s5  }
0x9: {  	s21 =	simm.s32 $0x0;
	[sflag:s4] =	ssyncpa.u1 $0x0;
	s5 =	sor.u32 s1, s5  }
0xa: {  	[sflag:s6] =	ssyncpa.u1 $0x0;
	s6 =	simm.s32 $0x8000;
	s11 =	smov.u32 s5  }
.LBB1_7:
0xb: {  	s16 =	sadd.s32 $0x100, s8  }
0xc: {  	s12 =	sadd.s32 $0x8, s9;
	s17 =	smov.u32 s9;
	p2 =	sgt.s32 s16, $0xFFF  }
0xd: {  	s17 =	smov.u32 @p2 s12  }
0xe: {  	s18 =	smov.u32 s10;
	s12 =	sadd.s32 $0x8, s10;
	p3 =	sgt.s32 s17, $0x7  }
0xf: {  	s18 =	smov.u32 @p3 s12  }
0x10: {  	s19 =	smov.u32 s11;
	s12 =	sadd.s32 $0x20, s11;
	p4 =	sgt.s32 s18, $0x7  }
0x11: {  	p1 =	slt.u32 s7, $0x2;
	s19 =	smov.u32 @p4 s12  }
0x12: {  	s7 =	sadd.s32 $0x1, s7;
	s16 =	simm.s32 @p2 $0x0;
	p2 =	sgt.s32 s19, $0x7F  }
0x13: {  	s20 =	simm.s32 @!p1 $0x2;
	s19 =	smov.u32 @p2 s5;
	p2 =	sne.s32 s7, $0x42  }
.Ltmp1:
0x14: {  	s13 =	smov.u32 s9;
	_ =	swait.ge @!p1 [sflag:s20], $0x4000;
	(pc) =	sbr.rel @!p2 .LBB1_8-.Ltmp1, $4  }
0x15: {  	s15 =	smov.u32 s10;
	s14 =	smov.u32 s11;
	[sflag:s20] =	ssyncset.done @!p1 $0x0  }
0x16: {  	p0 =	por !p0, !p0;
	s17 =	simm.s32 @p3 $0x0;
	[sflag:s20] =	ssyncadd.s32 @!p1 $0xFFFFC000  }
0x17: {  	s9 =	smov.u32 s17;
	s18 =	simm.s32 @p4 $0x0;
	s12 =	smov.u32 s8  }
0x18: {  	s8 =	smov.u32 s16;
	s10 =	smov.u32 s18;
	s11 =	smov.u32 s19  }
.LBB1_1:
0x19: {  	p1 =	sgt.u32 s7, $0x3F  }
0x1a: {  	s16 =	sxor.u32 @!p1 $0xFFFFFFFF, s7  }
0x1b: {  	s17 =	sshll.u32 @!p1 s9, $0x7;
	s18 =	sand.u32 @!p1 $0x78, s8;
	s19 =	sshll.u32 @!p1 s8, $0x3  }
0x1c: {  	s20 =	sand.u32 @!p1 $0xE00, s8;
	s16 =	sshll.u32 @!p1 s16, $0xE;
	s17 =	sand.u32 @!p1 $0x380, s17  }
0x1d: {  	s19 =	sand.u32 @!p1 $0xC00, s19;
	s17 =	sor.u32 @!p1 s17, s18;
	s18 =	sshll.u32 @!p1 s11, $0xF  }
0x1e: {  	s17 =	sor.u32 @!p1 s19, s17;
	s19 =	sshll.u32 @!p1 s10, $0xC;
	s18 =	sadd.s32 @!p1 s2, s18  }
0x1f: {  	s16 =	sand.u32 @!p1 $0x4000, s16;
	s18 =	sadd.s32 @!p1 s19, s18;
	s19 =	sand.u32 @!p1 $0x7, s8  }
0x20: {  	s17 =	sshrl.u32 @!p1 s17, $0x3;
	s18 =	sadd.s32 @!p1 s20, s18;
	s19 =	sshll.u32 @!p1 s19, $0x12  }
0x21: {  	s17 =	sadd.s32 @!p1 s17, s18;
	s18 =	sor.u32 @!p1 $0x800, s19;
	s19 =	simm.s32 @!p1 $0x8000  }
0x22: {  	[tilespmem:s16], [sflag:$0x1] =	stream.strided.gather @!p1 [hbm4b:s17+s18], $0x4000, s19, s18, $0x38;
	[tilespmem:$0x10000] =	vst v63  }
0x23: {  	p1 =	seq.s32 s7, $0x0  }
0x24: {  	p2 =	seq.s32 @!p1 s7, $0x41  }
0x25: {  	p1 =	por p1, p2  }
.Ltmp2:
0x26: {  	_ = 	snop;
	(pc) =	sbr.rel @p1 .LBB1_7-.Ltmp2, $1  }
0x27: {  	_ =	sdelay $0x3  }
0x28: {  	s16 =	simm.s32 $0x1  }
0x29: {  	_ =	swait.ge [sflag:s4], $0x4000;
	s31 =	sshll.u32 s7, $0xE;
	p1 =	por $0x0, $0x0  }
0x2a: {  	s22 =	simm.s32 $0x0;
	s23 =	simm.s32 $0x0;
	s16 =	simm.s32 @!p0 $0x0  }
0x2b: {  	[sflag:s4] =	ssyncset.done $0x0;
	s19 =	sand.u32 $0x4000, s31;
	s16 =	sshll.u32 s16, $0x10  }
0x2c: {  	[sflag:s4] =	ssyncadd.s32 $0xFFFFC000;
	s20 =	sshrl.u32 s16, $0x2;
	s16 =	sor.u32 $0x8000, s19  }
0x2d: {  	s17 =	sor.u32 $0x40, s20;
	s18 =	sor.u32 $0x8410, s20;
	s20 =	sadd.s32 $0x8400, s20  }
.LBB1_3:
0x2e: {  	v1 =	vld [tilespmem:s17+$0xFFFFFFD0]  }
0x2f: {  	v2 =	vld [tilespmem:s17+$0x430]  }
0x30: {  	s24 =	sshll.u32 s23, $0xB;
	v4 =	vld [tilespmem:s17+$0xFFFFFFE0]  }
0x31: {  	v7 =	vld [tilespmem:s17+$0xFFFFFFF0];
	v0 =	vmov s24  }
0x32: {  	v8 =	vld [tilespmem:s17+$0x0]  }
0x33: {  	s30 =	sand.u32 $0x300, s21;
	v9 =	vld [tilespmem:s17+$0x10]  }
0x34: {  	s25 =	sand.u32 $0x80, s21;
	v10 =	vld [tilespmem:s17+$0x20];
	s24 =	sadd.s32 s30, s19  }
0x35: {  	v11 =	vld [tilespmem:s17+$0x30];
	s24 =	sadd.s32 s25, s24;
	s25 =	simm.s32 $0x1;
	[tilespmem:s18+$0x60] =	vst v2  }
0x36: {  	s31 =	sshll.u32 s22, $0x2;
	s25 =	simm.s32 @!p1 $0x0;
	[tilespmem:s18+$0xFFFFFC00] =	vst v1;
	v3 =	vld.idx.msk [tilespmem:v0+s24+$0x400 ss:$0x1], $0xffff  }
0x37: {  	v6 =	vld [tilespmem:s17+$0x3D0];
	s25 =	sshll.u32 s25, $0x9;
	[tilespmem:s18+$0xFFFFFC10] =	vst v4;
	s24 =	sand.u32 $0xFFFFFC00, s31  }
0x38: {  	v5 =	vld [tilespmem:s17+$0x3E0];
	[tilespmem:s18+$0xFFFFFC20] =	vst v7;
	s24 =	sor.u32 s25, s24  }
0x39: {  	[tilespmem:s18+$0xFFFFFC30] =	vst v8;
	v4 =	vld [tilespmem:s17+$0x400];
	s24 =	sshrl.u32 s24, $0x2  }
0x3a: {  	[tilespmem:s18+$0xFFFFFC40] =	vst v9;
	v1 =	vld [tilespmem:s17+$0x410];
	s24 =	sadd.s32 s24, s20  }
0x3b: {  	[tilespmem:s24+$0x0] =	vst v3;
	v3 =	vld [tilespmem:s17+$0x3F0]  }
0x3c: {  	s28 =	simm.s32 $0x80;
	s27 =	simm.s32 $0x100;
	[tilespmem:s18+$0xFFFFFC50] =	vst v10;
	v2 =	vld [tilespmem:s17+$0x420]  }
0x3d: {  	s26 =	smov.u32 s18;
	s29 =	sand.u32 $0x300, s28;
	v7 =	vld [tilespmem:s17+$0xFFFFFFC0];
	[tilespmem:s18+$0xFFFFFC60] =	vst v11;
	s25 =	sadd.s32 $0x80, s17  }
.LBB1_4:
0x3e: {  	p2 =	sne.s32 s27, $0x380;
	v8 =	vld [tilespmem:s25+$0xFFFFFFD0];
	s28 =	sand.u32 $0x80, s28;
	s29 =	sadd.s32 s29, s19;
	[tilespmem:s26+$0x0] =	vst v6  }
0x3f: {  	s29 =	sadd.s32 s28, s29;
	v6 =	vld [tilespmem:s25+$0x430];
	[tilespmem:s26+$0x10] =	vst v5;
	s28 =	smov.u32 s27  }
0x40: {  	v5 =	vld.idx.msk [tilespmem:v0+s29+$0x400 ss:$0x1], $0xffff;
	[tilespmem:s26+$0x20] =	vst v3  }
0x41: {  	v3 =	vld [tilespmem:s25+$0xFFFFFFE0];
	[tilespmem:s26+$0x30] =	vst v4  }
0x42: {  	v4 =	vld [tilespmem:s25+$0xFFFFFFF0];
	[tilespmem:s26+$0xFFFFFBF0] =	vst v7  }
0x43: {  	v7 =	vld [tilespmem:s25+$0x0];
	[tilespmem:s26+$0x40] =	vst v1  }
0x44: {  	v1 =	vld [tilespmem:s25+$0x10];
	[tilespmem:s26+$0x50] =	vst v2;
	s26 =	sadd.s32 $0x800, s26  }
0x45: {  	s24 =	sadd.s32 $0x800, s24;
	v2 =	vld [tilespmem:s25+$0x20];
	[tilespmem:s26+$0x60] =	vst v6  }
0x46: {  	v9 =	vld [tilespmem:s25+$0x30];
	[tilespmem:s24+$0x0] =	vst v5  }
0x47: {  	[tilespmem:s26+$0xFFFFFC00] =	vst v8;
	v6 =	vld [tilespmem:s25+$0x3D0]  }
0x48: {  	[tilespmem:s26+$0xFFFFFC10] =	vst v3;
	v5 =	vld [tilespmem:s25+$0x3E0]  }
.Ltmp3:
0x49: {  	[tilespmem:s26+$0xFFFFFC20] =	vst v4;
	v3 =	vld [tilespmem:s25+$0x3F0];
	(pc) =	sbr.rel @p2 .LBB1_4-.Ltmp3, $4  }
0x4a: {  	[tilespmem:s26+$0xFFFFFC30] =	vst v7;
	v4 =	vld [tilespmem:s25+$0x400]  }
0x4b: {  	[tilespmem:s26+$0xFFFFFC40] =	vst v1;
	v1 =	vld [tilespmem:s25+$0x410]  }
0x4c: {  	[tilespmem:s26+$0xFFFFFC50] =	vst v2;
	v2 =	vld [tilespmem:s25+$0x420]  }
0x4d: {  	s27 =	sadd.s32 $0x80, s27;
	s29 =	sand.u32 $0x300, s28;
	v7 =	vld [tilespmem:s25+$0xFFFFFFC0];
	[tilespmem:s26+$0xFFFFFC60] =	vst v9;
	s25 =	sadd.s32 $0x80, s25  }
0x4e: {  	[tilespmem:s26+$0x0] =	vst v6  }
0x4f: {  	[tilespmem:s26+$0x10] =	vst v5  }
0x50: {  	v49 =	vld [tilespmem:s25+$0x430];
	[tilespmem:s26+$0x20] =	vst v3  }
0x51: {  	v50 =	vld [tilespmem:s25+$0xFFFFFFD0];
	[tilespmem:s26+$0x30] =	vst v4  }
0x52: {  	v51 =	vld [tilespmem:s25+$0xFFFFFFE0];
	[tilespmem:s26+$0x40] =	vst v1  }
0x53: {  	v52 =	vld [tilespmem:s25+$0xFFFFFFF0];
	[tilespmem:s26+$0x50] =	vst v2  }
0x54: {  	s31 =	sadd.s32 $0x800, s26;
	v53 =	vld [tilespmem:s25+$0x0];
	[tilespmem:s26+$0xFFFFFBF0] =	vst v7  }
0x55: {  	v54 =	vld [tilespmem:s25+$0x10];
	[tilespmem:s31+$0x60] =	vst v49  }
0x56: {  	v55 =	vld [tilespmem:s25+$0x20];
	[tilespmem:s31+$0xFFFFFC00] =	vst v50  }
0x57: {  	v56 =	vld [tilespmem:s25+$0x30];
	[tilespmem:s31+$0xFFFFFC10] =	vst v51  }
0x58: {  	v57 =	vld [tilespmem:s25+$0x3D0];
	[tilespmem:s31+$0xFFFFFC20] =	vst v52  }
0x59: {  	v58 =	vld [tilespmem:s25+$0x3E0];
	[tilespmem:s31+$0xFFFFFC30] =	vst v53  }
0x5a: {  	v59 =	vld [tilespmem:s25+$0x3F0];
	[tilespmem:s31+$0xFFFFFC40] =	vst v54  }
0x5b: {  	v60 =	vld [tilespmem:s25+$0x400];
	[tilespmem:s31+$0xFFFFFC50] =	vst v55  }
0x5c: {  	v61 =	vld [tilespmem:s25+$0xFFFFFFC0];
	[tilespmem:s31+$0xFFFFFC60] =	vst v56  }
0x5d: {  	s27 =	sand.u32 $0x80, s28;
	s30 =	sadd.s32 s29, s19;
	v62 =	vld [tilespmem:s25+$0x410];
	[tilespmem:s31+$0x0] =	vst v57  }
0x5e: {  	v63 =	vld [tilespmem:s25+$0x420];
	s23 =	sadd.s32 $0x1, s23;
	s27 =	sadd.s32 s27, s30;
	[tilespmem:s31+$0x10] =	vst v58  }
0x5f: {  	p2 =	sne.s32 s23, $0x8;
	v0 =	vld.idx.msk [tilespmem:v0+s27+$0x400 ss:$0x1], $0xffff;
	[tilespmem:s31+$0x20] =	vst v59  }
.Ltmp4:
0x60: {  	[tilespmem:s31+$0x30] =	vst v60;
	(pc) =	sbr.rel @p2 .LBB1_3-.Ltmp4, $4  }
0x61: {  	[tilespmem:s31+$0xFFFFFBF0] =	vst v61  }
0x62: {  	[tilespmem:s31+$0x40] =	vst v62  }
0x63: {  	s24 =	sadd.s32 $0x800, s24;
	s17 =	sadd.s32 $0x800, s17;
	[tilespmem:s31+$0x50] =	vst v63  }
0x64: {  	s22 =	sadd.s32 $0x80, s22;
	p1 =	por !p1, !p1;
	s18 =	sadd.s32 $0x80, s18;
	[tilespmem:s24+$0x0] =	vst v0  }
0x65: {  	s15 =	sshll.u32 s15, $0x7;
	s17 =	sand.u32 $0x78, s12  }
0x66: {  	s18 =	sshll.u32 s12, $0x3;
	s14 =	sshll.u32 s14, $0xF;
	s13 =	sshll.u32 s13, $0xC  }
0x67: {  	s29 =	sand.u32 $0xE00, s12;
	s15 =	sand.u32 $0x380, s15;
	s18 =	sand.u32 $0xC00, s18  }
.Ltmp5:
0x68: {  	s14 =	sadd.s32 s3, s14;
	s15 =	sor.u32 s15, s17;
	(pc) =	sbr.rel .LBB1_7-.Ltmp5, $4  }
0x69: {  	s30 =	sand.u32 $0x7, s12;
	s13 =	sadd.s32 s13, s14;
	s15 =	sor.u32 s18, s15  }
0x6a: {  	s12 =	sshll.u32 s30, $0x12;
	s13 =	sadd.s32 s29, s13;
	s31 =	sshrl.u32 s15, $0x3  }
0x6b: {  	s12 =	sor.u32 $0x800, s12;
	s13 =	sadd.s32 s31, s13  }
0x6c: {  	[hbm4b:s13+s12] =	stream.strided.scatter [tilespmem:s16], [sflag:$0x2], $0x4000, s6, s12, $0x38;
	[tilespmem:$0x10000] =	vst v63  }
.LBB1_8:
0x6d: {  	_ =	sfence.sel $0x180000  }
0x6e: {  	s2 =	simm.s32 $0x1;
	[bflag:$0x0] =	sbarrier.arrive $0xFFFF  }
0x6f: {  	s31 =	simm.s32 $0x2;
	[sflag:s2] =	ssyncpa.u1 $0x1  }
0x70: {  	[sflag:s31] =	ssyncpa.u1 $0x1  }
0x71: {  	p0 =	sne.s32 s1, $0x0;
	_ =	strace $0x9000004A  }
0x72: {  	s0 =	sadd.s32 @!p0 $0x100000, s0;
	[bflag:$0x2] =	sbarrier.arrive $0xFFFF  }
0x73: {  	[sflag:s0] =	ssyncadd.tile.s32 @!p0 $0x1;
	_ =	shalt  }
.Lfunc_end1:
_tile_overlayer_lowered:
.L_overlay_start_2:
0x74: {  	(tag) =	ssettag $0x2  }
0x75: {  	s0 =	rddreg [dreg:$0x0];
	s2 =	stileid.u32  }
0x76: {  	s1 =	rddreg [dreg:$0x1];
	p0 =	sne.s32 s2, $0x0  }
0x77: {  	s3 =	rddreg [dreg:$0x2];
	[bflag:$0x3] =	sbarrier.arrive $0xFFFF;
	s2 =	simm.s32 @!p0 $0x1C01  }
0x78: {  	[timem:s3], [sflag:s2] =	dma.local @!p0 [hbm:s0], s1  }
0x79: {  	s0 =	simm.s32 @!p0 $0x1  }
0x7a: {  	_ =	swait.ge @!p0 [sflag:s0], s1  }
0x7b: {  	s1 =	ssub.s32 @!p0 $0x0, s1;
	[sflag:s0] =	ssyncset.done @!p0 $0x0  }
0x7c: {  	[sflag:s0] =	ssyncadd.s32 @!p0 s1  }
0x7d: {  	[bflag:$0x3] =	sbarrier.arrive $0xFFFF  }
0x7e: {  	_ =	shalt  }

// kernel: sparse-core-data-format-call.cloned.1.call-start
scs
called_computation_lowered:
.L_overlay_start_0:
0x0: {  	s1 =	sld [smem:$0x3FD9]  }
0x1: {  	s2 =	sld [smem:$0x3FFE];
	_ =	sdelay $0x1  }
0x2: {  	s3 =	srdreg.scid  }
0x3: {  	s0 =	sand.u32 $0x1, s3  }
0x4: {  	s17 =	sshll.u32 s0, $0xA;
	s1 =	sadd.s32 s2, s1  }
0x5: {  	s1 =	sadd.s32 s1, s17  }
0x6: {  	[smem:$0x3FC6] =	sst s1  }
0x7: {  	_ = 	snop  }
0x8: {  	(tm) =	ssettm $0x1  }
0x9: {  	s18 =	sld [smem:$0x3FFB];
	_ =	sdelay $0x3  }
0xa: {  	_ =	strace s18  }
0xb: {  	s1 =	sld [smem:$0x3FFC];
	_ =	sdelay $0x3  }
0xc: {  	_ =	strace s1  }
0xd: {  	s1 =	sld [smem:$0x3FFD];
	_ =	sdelay $0x3  }
0xe: {  	_ =	strace s1  }
0xf: {  	_ =	strace $0x8FFFFFFF  }
0x10: {  	s19 =	sld [smem:$0x3FDB];
	_ =	sdelay $0x1  }
0x11: {  	s20 =	simm.s32 $_scs_section_size  }
0x12: {  	s4 =	simm.s32 $_size__tile_overlayer_lowered;
	s5 =	simm.s32 $_tile_overlayer_lowered  }
0x13: {  	s23 =	simm.s32 $0x1BFF;
	s22 =	sshll.u32 s5, $0x1;
	s1 =	sadd.s32 s20, s19  }
0x14: {  	s6 =	simm.s32 $0x0;
	s21 =	sshll.u32 s4, $0x1;
	s4 =	sadd.s32 s22, s1  }
0x15: {  	[timem:s6], [sflag:s23] =	dma.local [hbm:s4], s21  }
0x16: {  	_ =	swait.ge [sflag:s23], s21  }
0x17: {  	s2 =	ssub.s32 $0x0, s21;
	[sflag:s23] =	ssyncset.done $0x0  }
0x18: {  	[sflag:s23] =	ssyncadd.s32 s2;
	_ =	sdelay $0x1  }
0x19: {  	s24 =	simm.s32 $0x1B8B  }
0x1a: {  	_ =	swait.ge [sflag:s24], $0x1  }
0x1b: {  	[sflag:s24] =	ssyncset.done $0x0  }
0x1c: {  	s26 =	simm.s32 $0x1B8E;
	s25 =	sld [smem:$0x3FFE];
	[sflag:s24] =	ssyncadd.s32 $0xFFFFFFFF  }
0x1d: {  	s27 =	simm.s32 $execute0_lowered;
	[smem:$0x3FD2] =	sst s26  }
0x1e: {  	s4 =	sshll.u32 s27, $0x1;
	_ =	strace $0x8000004C;
	[dreg:$0x1] =	wrdreg $0xFFFFFFFF  }
0x1f: {  	s28 =	simm.s32 $_size_execute0_lowered;
	s1 =	sadd.s32 s1, s4;
	[dreg:$0x0] =	wrdreg $0x0  }
0x20: {  	s4 =	sshll.u32 s28, $0x1;
	[dreg:$0x2] =	wrdreg s1  }
0x21: {  	[dreg:$0x3] =	wrdreg s4  }
0x22: {  	[dreg:$0x4] =	wrdreg $0xC0  }
0x23: {  	_ =	task [dreg:s6], $0x5FFFF  }
0x24: {  	[dreg:$0x1] =	wrdreg $0xFFFFFFFF  }
0x25: {  	[dreg:$0x0] =	wrdreg $0x60  }
0x26: {  	[dreg:$0x2] =	wrdreg s25  }
0x27: {  	[dreg:$0x3] =	wrdreg $0x9  }
0x28: {  	_ =	task.clear_ibuf [dreg:s6], $0x4FFFF;
	_ =	strace $0x9000004C  }
0x29: {  	s29 =	simm.s32 $0x9;
	_ =	strace $0x8000004E  }
0x2a: {  	_ =	swait.ge [sflag:s29], $0x1  }
0x2b: {  	[sflag:s29] =	ssyncadd.s32 $0xFFFFFFFF  }
0x2c: {  	_ =	strace $0x9000004E  }
0x2d: {  	_ =	sfence  }
0x2e: {  	s30 =	sld [smem:$0x0];
	_ =	sdelay $0x2  }
0x2f: {  	s31 =	sshll.u32 s3, $0xD;
	s3 =	sshrl.u32 s3, $0x2  }
0x30: {  	s2 =	sand.u32 $0x4000, s31;
	s1 =	sadd.s32 s3, s30  }
0x31: {  	s0 =	sor.u32 s2, s0;
	s1 =	sshll.u32 s1, $0x11  }
0x32: {  	s0 =	sor.u32 s1, s0  }
0x33: {  	s0 =	sadd.s32 $0x8F2B, s0  }
0x34: {  	[sflag:s0] =	ssyncadd.remote.s32 $0x1  }
0x35: {  	_ =	sfence.sel $0xFFFF  }
0x36: {  	[dreg:$0x0] =	wrdreg $0xFFFFFFFF;
	(pc) =	sbr.abs _section_cstart, $3  }
0x37: {  	[dreg:$0x1] =	wrdreg $0xFFFFFFFF  }
0x38: {  	_ =	task.clear_ibuf [dreg:s6], $0x2FFFF;
	_ =	strace $0x9FFFFFFF  }
0x39: {  	(tm) =	ssettm $0x7FFFFFFF  }
tec
execute0_lowered:
.L_overlay_start_1:
0x0: {  	(tag) =	ssettag $0x1  }
0x1: {  	s1 =	rddreg [dreg:$0x0]  }
0x2: {  	s0 =	rddreg [dreg:$0x1]  }
0x3: {  	_ =	strace $0x8000004D;
	s4 =	srdreg.scid;
	s6 =	simm.s32 $0x2  }
0x4: {  	s12 =	simm.s32 $0x0;
	p0 =	por $0x0, $0x0;
	s10 =	simm.s32 $0x0  }
.Ltmp0:
0x5: {  	s11 =	simm.s32 $0x0;
	s7 =	simm.s32 $0x0;
	(pc) =	sbr.rel .LBB1_1-.Ltmp0, $4  }
0x6: {  	s2 =	sadd.s32 $0x400C00, s1;
	s3 =	sadd.s32 $0x600C00, s1;
	s5 =	sshll.u32 s4, $0x4  }
0x7: {  	s1 =	stileid.u32;
	s4 =	simm.s32 $0x1;
	s5 =	sand.u32 $0x10, s5  }
0x8: {  	s8 =	simm.s32 $0x0;
	[sflag:s4] =	ssyncpa.u1 $0x0;
	s5 =	sor.u32 s1, s5  }
0x9: {  	[sflag:s6] =	ssyncpa.u1 $0x0;
	s6 =	simm.s32 $0x0;
	s9 =	smov.u32 s5  }
.LBB1_5:
0xa: {  	s13 =	sadd.s32 $0x80, s7  }
0xb: {  	s10 =	sadd.s32 $0x80, s8;
	s14 =	smov.u32 s8;
	p2 =	sgt.s32 s13, $0xFFF  }
0xc: {  	s14 =	smov.u32 @p2 s10  }
0xd: {  	s16 =	smov.u32 s9;
	s10 =	sadd.s32 $0x20, s9;
	p3 =	sgt.s32 s14, $0x7F  }
0xe: {  	p1 =	slt.u32 s6, $0x2;
	s16 =	smov.u32 @p3 s10  }
0xf: {  	s6 =	sadd.s32 $0x1, s6;
	s13 =	simm.s32 @p2 $0x0;
	p2 =	sgt.s32 s16, $0x1F  }
0x10: {  	s16 =	smov.u32 @p2 s5;
	p2 =	sne.s32 s6, $0x22  }
.Ltmp1:
0x11: {  	s15 =	simm.s32 @!p1 $0x2;
	(pc) =	sbr.rel @!p2 .LBB1_6-.Ltmp1, $4  }
0x12: {  	s12 =	smov.u32 s7;
	_ =	swait.ge @!p1 [sflag:s15], $0x4000  }
0x13: {  	s11 =	smov.u32 s9;
	p0 =	por !p0, !p0;
	[sflag:s15] =	ssyncset.done @!p1 $0x0  }
0x14: {  	s7 =	smov.u32 s13;
	s14 =	simm.s32 @p3 $0x0;
	s10 =	smov.u32 s8  }
0x15: {  	[sflag:s15] =	ssyncadd.s32 @!p1 $0xFFFFC000;
	s8 =	smov.u32 s14;
	s9 =	smov.u32 s16  }
.LBB1_1:
0x16: {  	p1 =	sgt.u32 s6, $0x1F  }
0x17: {  	s13 =	sxor.u32 @!p1 $0xFFFFFFFF, s6;
	s14 =	sand.u32 @!p1 $0x78, s7;
	s15 =	sshll.u32 @!p1 s8, $0xC  }
0x18: {  	s16 =	sshll.u32 @!p1 s8, $0x7;
	s17 =	sshll.u32 @!p1 s7, $0x3;
	s13 =	sshll.u32 @!p1 s13, $0xE  }
0x19: {  	s15 =	sand.u32 @!p1 $0x78000, s15;
	s16 =	sand.u32 @!p1 $0x380, s16;
	s13 =	sand.u32 @!p1 $0x4000, s13  }
0x1a: {  	s15 =	sadd.s32 @!p1 s15, s17;
	s17 =	sand.u32 @!p1 $0xC00, s17;
	s14 =	sor.u32 @!p1 s16, s14  }
0x1b: {  	s16 =	sshll.u32 @!p1 s9, $0x10;
	s14 =	sor.u32 @!p1 s17, s14;
	s15 =	sshrl.u32 @!p1 s15, $0x3  }
0x1c: {  	s16 =	sadd.s32 @!p1 s2, s16;
	s17 =	sand.u32 @!p1 $0x7, s7;
	s15 =	sand.u32 @!p1 $0xFE00, s15  }
0x1d: {  	s14 =	sshrl.u32 @!p1 s14, $0x3;
	s15 =	sadd.s32 @!p1 s15, s16;
	s16 =	sshll.u32 @!p1 s17, $0x12  }
0x1e: {  	s14 =	sadd.s32 @!p1 s14, s15;
	s15 =	sor.u32 @!p1 $0x400, s16;
	s16 =	simm.s32 @!p1 $0x8000  }
0x1f: {  	[tilespmem:s13], [sflag:$0x1] =	stream.strided.gather @!p1 [hbm4b:s14+s15], $0x4000, s16, s15, $0x38;
	[tilespmem:$0x10100] =	vst v63  }
0x20: {  	p1 =	seq.s32 s6, $0x0  }
0x21: {  	p2 =	seq.s32 @!p1 s6, $0x21  }
0x22: {  	p1 =	por p1, p2  }
.Ltmp2:
0x23: {  	_ = 	snop;
	(pc) =	sbr.rel @p1 .LBB1_5-.Ltmp2, $1  }
0x24: {  	_ =	sdelay $0x3  }
0x25: {  	s13 =	simm.s32 $0x1  }
0x26: {  	_ =	swait.ge [sflag:s4], $0x4000;
	s13 =	simm.s32 @!p0 $0x0  }
0x27: {  	[sflag:s4] =	ssyncset.done $0x0;
	s14 =	sshll.u32 s13, $0xE  }
0x28: {  	[sflag:s4] =	ssyncadd.s32 $0xFFFFC000;
	s16 =	sor.u32 $0x40, s14  }
0x29: {  	s13 =	smul.u32 $0x10200, s13;
	v0 =	vld [tilespmem:s16+$0x30]  }
0x2a: {  	v3 =	vld [tilespmem:s16+$0xFFFFFFD0]  }
0x2b: {  	s13 =	sshrl.u32 s13, $0x2;
	v4 =	vld [tilespmem:s16+$0xFFFFFFE0]  }
0x2c: {  	v5 =	vld [tilespmem:s16+$0xFFFFFFF0];
	s14 =	sor.u32 $0x8000, s13  }
0x2d: {  	s31 =	sand.u32 $0x1, s6;
	v1 =	vld [tilespmem:s16+$0x0];
	s15 =	sadd.s32 $0x0, s14  }
0x2e: {  	v2 =	vld [tilespmem:s16+$0x10];
	s13 =	smul.u32 $0x10200, s31;
	[tilespmem:s15+$0x3870 ss:$0x81] =	vst.msk $0xffff, v0  }
0x2f: {  	[tilespmem:s15+$0x810 ss:$0x81] =	vst.msk $0xffff, v3;
	v3 =	vld [tilespmem:s16+$0x20]  }
0x30: {  	s13 =	sshrl.u32 s13, $0x2;
	v0 =	vld [tilespmem:s16+$0xFFFFFFC0];
	[tilespmem:s15+$0x1020 ss:$0x81] =	vst.msk $0xffff, v4;
	s16 =	sadd.s32 $0x80, s16  }
0x31: {  	s17 =	simm.s32 $0x4;
	s18 =	simm.s32 $0x8;
	s13 =	sor.u32 $0x8000, s13;
	[tilespmem:s15+$0x1830 ss:$0x81] =	vst.msk $0xffff, v5;
	v4 =	vld [tilespmem:s16+$0x30]  }
.LBB1_3:
0x32: {  	p1 =	sne.s32 s18, $0x1FC;
	v5 =	vld [tilespmem:s16+$0xFFFFFFD0];
	[tilespmem:s15+$0x2040 ss:$0x81] =	vst.msk $0xffff, v1  }
0x33: {  	v6 =	vld [tilespmem:s16+$0xFFFFFFE0];
	[tilespmem:s15+$0x2850 ss:$0x81] =	vst.msk $0xffff, v2  }
0x34: {  	s19 =	sshra.s32 s17, $0x2;
	s17 =	smov.u32 s18;
	v7 =	vld [tilespmem:s16+$0xFFFFFFF0];
	[tilespmem:s15+$0x3060 ss:$0x81] =	vst.msk $0xffff, v3  }
.Ltmp3:
0x35: {  	v1 =	vld [tilespmem:s16+$0x0];
	[tilespmem:s15+$0x0 ss:$0x81] =	vst.msk $0xffff, v0;
	s15 =	sadd.s32 s19, s14;
	(pc) =	sbr.rel @p1 .LBB1_3-.Ltmp3, $4  }
0x36: {  	v2 =	vld [tilespmem:s16+$0x10];
	[tilespmem:s15+$0x3870 ss:$0x81] =	vst.msk $0xffff, v4  }
0x37: {  	[tilespmem:s15+$0x810 ss:$0x81] =	vst.msk $0xffff, v5;
	v3 =	vld [tilespmem:s16+$0x20]  }
0x38: {  	v0 =	vld [tilespmem:s16+$0xFFFFFFC0];
	[tilespmem:s15+$0x1020 ss:$0x81] =	vst.msk $0xffff, v6;
	s16 =	sadd.s32 $0x80, s16  }
0x39: {  	s18 =	sadd.s32 $0x4, s18;
	v4 =	vld [tilespmem:s16+$0x30];
	[tilespmem:s15+$0x1830 ss:$0x81] =	vst.msk $0xffff, v7  }
0x3a: {  	v5 =	vld [tilespmem:s16+$0xFFFFFFD0];
	[tilespmem:s15+$0x2040 ss:$0x81] =	vst.msk $0xffff, v1  }
0x3b: {  	v58 =	vld [tilespmem:s16+$0xFFFFFFE0];
	[tilespmem:s15+$0x2850 ss:$0x81] =	vst.msk $0xffff, v2  }
0x3c: {  	s17 =	sshra.s32 s17, $0x2;
	v59 =	vld [tilespmem:s16+$0xFFFFFFF0];
	[tilespmem:s15+$0x3060 ss:$0x81] =	vst.msk $0xffff, v3  }
0x3d: {  	v60 =	vld [tilespmem:s16+$0x0];
	s14 =	sadd.s32 s17, s14;
	[tilespmem:s15+$0x0 ss:$0x81] =	vst.msk $0xffff, v0  }
0x3e: {  	v61 =	vld [tilespmem:s16+$0x10];
	[tilespmem:s14+$0x3870 ss:$0x81] =	vst.msk $0xffff, v4  }
0x3f: {  	v62 =	vld [tilespmem:s16+$0x20];
	s12 =	sshll.u32 s12, $0x7;
	s28 =	sshll.u32 s10, $0x3;
	[tilespmem:s14+$0x810 ss:$0x81] =	vst.msk $0xffff, v5  }
0x40: {  	v63 =	vld [tilespmem:s16+$0xFFFFFFC0];
	s29 =	sand.u32 $0x7FC00, s12;
	s15 =	sand.u32 $0x7FC00, s28;
	[tilespmem:s14+$0x1020 ss:$0x81] =	vst.msk $0xffff, v58  }
0x41: {  	s11 =	sshll.u32 s11, $0x10;
	s12 =	sand.u32 $0x380, s12;
	s15 =	sadd.s32 s15, s29;
	[tilespmem:s14+$0x1830 ss:$0x81] =	vst.msk $0xffff, v59  }
.Ltmp4:
0x42: {  	s30 =	sshrl.u32 s10, $0x3;
	[tilespmem:s14+$0x2040 ss:$0x81] =	vst.msk $0xffff, v60;
	s12 =	sor.u32 s12, s15;
	(pc) =	sbr.rel .LBB1_5-.Ltmp4, $4  }
0x43: {  	s11 =	sadd.s32 s3, s11;
	[tilespmem:s14+$0x2850 ss:$0x81] =	vst.msk $0xffff, v61;
	s15 =	sand.u32 $0xF, s30;
	s12 =	sshrl.u32 s12, $0x3  }
0x44: {  	[tilespmem:s14+$0x3060 ss:$0x81] =	vst.msk $0xffff, v62;
	s11 =	sadd.s32 s15, s11;
	s12 =	sand.u32 $0xFFF0, s12  }
0x45: {  	s31 =	sand.u32 $0x7, s10;
	[tilespmem:s14+$0x0 ss:$0x81] =	vst.msk $0xffff, v63;
	s11 =	sadd.s32 s12, s11  }
0x46: {  	[hbm4b:s11+s31] =	stream.linear.scatter [tilespmem:s13], [sflag:$0x2], $0x4000, $0x20;
	[tilespmem:$0x10100] =	vst v63  }
.LBB1_6:
0x47: {  	_ =	sfence.sel $0x180000  }
0x48: {  	s2 =	simm.s32 $0x1;
	[bflag:$0x0] =	sbarrier.arrive $0xFFFF  }
0x49: {  	s31 =	simm.s32 $0x2;
	[sflag:s2] =	ssyncpa.u1 $0x1  }
0x4a: {  	[sflag:s31] =	ssyncpa.u1 $0x1  }
0x4b: {  	p0 =	sne.s32 s1, $0x0;
	_ =	strace $0x9000004D  }
0x4c: {  	s0 =	sadd.s32 @!p0 $0x100000, s0;
	[bflag:$0x2] =	sbarrier.arrive $0xFFFF  }
0x4d: {  	[sflag:s0] =	ssyncadd.tile.s32 @!p0 $0x1;
	_ =	shalt  }
.Lfunc_end1:
_tile_overlayer_lowered:
.L_overlay_start_2:
0x4e: {  	(tag) =	ssettag $0x2  }
0x4f: {  	s0 =	rddreg [dreg:$0x0];
	s2 =	stileid.u32  }
0x50: {  	s1 =	rddreg [dreg:$0x1];
	p0 =	sne.s32 s2, $0x0  }
0x51: {  	s3 =	rddreg [dreg:$0x2];
	[bflag:$0x3] =	sbarrier.arrive $0xFFFF;
	s2 =	simm.s32 @!p0 $0x1C01  }
0x52: {  	[timem:s3], [sflag:s2] =	dma.local @!p0 [hbm:s0], s1  }
0x53: {  	s0 =	simm.s32 @!p0 $0x1  }
0x54: {  	_ =	swait.ge @!p0 [sflag:s0], s1  }
0x55: {  	s1 =	ssub.s32 @!p0 $0x0, s1;
	[sflag:s0] =	ssyncset.done @!p0 $0x0  }
0x56: {  	[sflag:s0] =	ssyncadd.s32 @!p0 s1  }
0x57: {  	[bflag:$0x3] =	sbarrier.arrive $0xFFFF  }
0x58: {  	_ =	shalt  }

</sc_bundles>
